<compile_context>
chip_gen: v7x
topology: tpu7x:2x2x1
jax: 0.10.2.dev20260603
libtpu: 0.0.44.dev20260713+nightly
codegen_flags: <defaults>
</compile_context>

<pallas_src>
import functools
import math

import jax
import jax.numpy as jnp
from jax import lax
from jax.experimental import pallas as pl
from jax.experimental.pallas import tpu as pltpu
from jax.experimental.pallas import tpu_sc as plsc

_N_ROWS = 128
_D = 32768
_NB = 1024
_BSHIFT = 22
_HSTRIDE = _NB + 1
_NB2 = 256
_B2SHIFT = 14
_H2STRIDE = _NB2 + 1
_C2ROWS = 512
_INT_MIN = -2147483648


def _sc_body(k, x_hbm, o_hbm, row_v0, row_v1, hist_v, red_v, hist2_v,
             red2_v, cbuf_v, cbuf2_v, sin, sout):
    wid = lax.axis_index("c") * 16 + lax.axis_index("s")
    rows_per_w = _N_ROWS // 32
    r0 = wid * rows_per_w
    lane = lax.iota(jnp.int32, 16)
    lane_off = lane * _HSTRIDE
    lane_off2 = lane * _H2STRIDE
    zeros16 = jnp.zeros((16,), jnp.int32)
    ones16 = jnp.ones((16,), jnp.int32)
    kv = jnp.full((16,), k, jnp.int32)

    def u_of(xv):
        xb = lax.bitcast_convert_type(xv, jnp.uint32)
        return xb ^ (lax.bitcast_convert_type(
            lax.shift_right_arithmetic(
                lax.bitcast_convert_type(xb, jnp.int32), 31),
            jnp.uint32) | jnp.uint32(0x80000000))

    def reduce_subhists(hist_ref, red_ref, nb, stride):
        @plsc.parallel_loop(0, nb, step=16, unroll=1)
        def _(j):
            acc = hist_ref[pl.ds(j, 16)]
            hist_ref[pl.ds(j, 16)] = zeros16
            for l in range(1, 16):
                acc = acc + hist_ref[pl.ds(l * stride + j, 16)]
                hist_ref[pl.ds(l * stride + j, 16)] = zeros16
            red_ref[pl.ds(j, 16)] = acc

    def scan_hist(red_ref, nb, rvec):
        def sstep(jj, sc):
            carry, ge_cnt, above = sc
            j = nb // 16 - 1 - jj
            v = red_ref[pl.ds(j * 16, 16)]
            rv = lax.rev(v, (0,))
            cs = plsc.cumsum(rv) + carry
            ge = cs >= rvec
            ge_cnt = ge_cnt + plsc.all_reduce_population_count(ge)
            above = above + jnp.where(ge, zeros16, rv)
            carry = jnp.broadcast_to(lax.rev(cs, (0,))[0], (16,))
            return carry, ge_cnt, above
        _, ge_cnt, above_v = lax.fori_loop(
            0, nb // 16, sstep, (zeros16, zeros16, zeros16))
        bkt = jnp.max(ge_cnt) - 1
        c_above = jnp.broadcast_to(jnp.sum(above_v), (16,))
        rank_v = rvec - c_above
        return bkt, rank_v

    def hist_pass(buf):
        @plsc.parallel_loop(0, _D, step=16, unroll=8)
        def _(j):
            u = u_of(buf[pl.ds(j, 16)])
            bucket = lax.bitcast_convert_type(
                lax.shift_right_logical(u, jnp.uint32(_BSHIFT)), jnp.int32)
            plsc.addupdate_scatter(hist_v, [bucket + lane_off], ones16)

    def select_and_mask(buf, bkt, rank_v):
        bkt_u = jnp.broadcast_to(
            lax.bitcast_convert_type(bkt, jnp.uint32), (16,))

        @plsc.parallel_loop(0, _D, step=16, unroll=8, carry=zeros16)
        def cnt_v(j, cnt):
            u = u_of(buf[pl.ds(j, 16)])
            m = lax.shift_right_logical(u, jnp.uint32(_BSHIFT)) == bkt_u
            pos = lax.shift_left(cnt, 4) + lane
            plsc.store_scatter(
                cbuf_v, [pos], lax.bitcast_convert_type(u, jnp.float32),
                mask=m)
            b2 = lax.bitcast_convert_type(
                lax.shift_right_logical(u, jnp.uint32(_B2SHIFT)),
                jnp.int32) & jnp.int32(_NB2 - 1)
            plsc.addupdate_scatter(hist2_v, [b2 + lane_off2], ones16, mask=m)
            return cnt + jnp.where(m, ones16, zeros16)
        nrows_c = jnp.max(cnt_v)

        reduce_subhists(hist2_v, red2_v, _NB2, _H2STRIDE)
        bkt2, rank2_v = scan_hist(red2_v, _NB2, rank_v)

        hi18 = jnp.broadcast_to(
            lax.shift_left(lax.bitcast_convert_type(bkt, jnp.uint32),
                           jnp.uint32(8))
            | lax.bitcast_convert_type(bkt2, jnp.uint32), (16,))

        @plsc.parallel_loop(0, nrows_c, step=1, unroll=4, carry=zeros16)
        def cnt2_v(c, cnt):
            v = lax.bitcast_convert_type(
                cbuf_v[pl.ds(c * 16, 16)], jnp.uint32)
            valid = cnt_v > jnp.broadcast_to(c, (16,))
            m = valid & (lax.shift_right_logical(
                v, jnp.uint32(_B2SHIFT)) == hi18)
            pos = lax.shift_left(jnp.minimum(cnt, _C2ROWS - 1), 4) + lane
            plsc.store_scatter(
                cbuf2_v, [pos], lax.bitcast_convert_type(v, jnp.float32),
                mask=m)
            return cnt + jnp.where(m, ones16, zeros16)
        nrows2 = jnp.minimum(jnp.max(cnt2_v), _C2ROWS)

        prefix0 = jnp.broadcast_to(
            lax.shift_left(lax.bitcast_convert_type(bkt, jnp.uint32),
                           jnp.uint32(_BSHIFT))
            | lax.shift_left(lax.bitcast_convert_type(bkt2, jnp.uint32),
                             jnp.uint32(_B2SHIFT)), (16,))

        def bstep(b, prefix_v):
            trial_v = prefix_v | lax.shift_left(
                jnp.uint32(1),
                jnp.uint32(_B2SHIFT - 1) - lax.convert_element_type(
                    b, jnp.uint32))

            @plsc.parallel_loop(0, nrows2, step=1, unroll=2, carry=zeros16)
            def cnt(c, acc):
                v = lax.bitcast_convert_type(
                    cbuf2_v[pl.ds(c * 16, 16)], jnp.uint32)
                valid = cnt2_v > jnp.broadcast_to(c, (16,))
                return acc + plsc.all_reduce_population_count(
                    (v >= trial_v) & valid)
            return jnp.where(cnt >= rank2_v, trial_v, prefix_v)
        thr_v = lax.fori_loop(0, _B2SHIFT, bstep, prefix0)

        thr_i = lax.bitcast_convert_type(thr_v, jnp.int32)
        thr_f = lax.bitcast_convert_type(
            jnp.where(thr_i < 0, thr_i ^ jnp.int32(_INT_MIN), ~thr_i),
            jnp.float32)

        @plsc.parallel_loop(0, _D, step=16, unroll=8)
        def _(j):
            xv = buf[pl.ds(j, 16)]
            cbuf_v[pl.ds(j, 16)] = jnp.where(
                xv >= thr_f, xv, jnp.float32(0.0))

    h_in0 = pltpu.async_copy(x_hbm.at[r0], row_v0, sin.at[0])
    h_in1 = pltpu.async_copy(x_hbm.at[r0 + 1], row_v1, sin.at[1])

    @plsc.parallel_loop(0, 16 * _HSTRIDE, step=16, unroll=8)
    def _(j):
        hist_v[pl.ds(j, 16)] = zeros16

    @plsc.parallel_loop(0, 16 * _H2STRIDE, step=16, unroll=8)
    def _(j):
        hist2_v[pl.ds(j, 16)] = zeros16

    h_in = [h_in0, h_in1]
    bufs = [row_v0, row_v1]
    h_out = None
    for i in range(rows_per_w):
        b = i % 2
        buf = bufs[b]
        h_in[b].wait()
        hist_pass(buf)
        reduce_subhists(hist_v, red_v, _NB, _HSTRIDE)
        bkt, rank_v = scan_hist(red_v, _NB, kv)
        if h_out is not None:
            h_out.wait()
        select_and_mask(buf, bkt, rank_v)
        h_out = pltpu.async_copy(cbuf_v, o_hbm.at[r0 + i], sout)
        if i + 2 < rows_per_w:
            h_in[b] = pltpu.async_copy(
                x_hbm.at[r0 + i + 2], bufs[b], sin.at[b])
    h_out.wait()


def kernel(x):
    n, d = x.shape
    k = max(1, int(math.ceil(0.1 * d)))
    mesh = plsc.VectorSubcoreMesh(core_axis_name="c", subcore_axis_name="s")
    f = functools.partial(
        pl.kernel,
        out_type=jax.ShapeDtypeStruct((n, d), x.dtype),
        mesh=mesh,
        compiler_params=pltpu.CompilerParams(needs_layout_passes=False),
        scratch_types=[
            pltpu.VMEM((_D,), jnp.float32),
            pltpu.VMEM((_D,), jnp.float32),
            pltpu.VMEM((16 * _HSTRIDE,), jnp.int32),
            pltpu.VMEM((_NB,), jnp.int32),
            pltpu.VMEM((16 * _H2STRIDE,), jnp.int32),
            pltpu.VMEM((_NB2,), jnp.int32),
            pltpu.VMEM((_D,), jnp.float32),
            pltpu.VMEM((16 * _C2ROWS,), jnp.float32),
            pltpu.SemaphoreType.DMA((2,)),
            pltpu.SemaphoreType.DMA,
        ],
    )(functools.partial(_sc_body, k))
    return f(x)

# --- scband reference (transcript-rebuilt; emitter-appended) ---
"""Pipeline reference for scband-top-kactivation-sparsifier-8392366096616 (READ-ONLY COPY).

The authoritative reference and input builder live on the scoring server;
editing this copy changes nothing except your own understanding.
"""

import math
import jax, jax.numpy as jnp
import numpy as np

KEEP_FRAC = 0.1

def setup_inputs(seed: int = 0) -> dict:
    key = jax.random.key(seed)
    x = jax.random.normal(key, (128, 32768), dtype=jnp.float32)
    return {"x": x}

def reference(x):
    d = int(x.shape[-1])
    if d <= 1:
        return x
    k = max(1, int(math.ceil(KEEP_FRAC * d)))
    if k >= d:
        return x
    # top-k along last dim
    _, topk_idx = jax.lax.top_k(x, k)
    # scatter ones into a zero mask along the last dim (faithful to torch scatter_)
    batch_idx = jnp.arange(x.shape[0])[:, None]
    src = jnp.ones(topk_idx.shape, dtype=x.dtype)
    mask = jnp.zeros_like(x).at[batch_idx, topk_idx].set(src)
    return x * mask

if __name__ == "__main__":
    import jax
    _d = setup_inputs()
    print(jax.jit(kernel)(*tuple(_d.values())))

</pallas_src>

<mosaic_0001>
#map = affine_map<(d0, d1) -> (0, 0)>
module attributes {stable_mosaic.version = 14 : i64} {
  func.func @_sc_body(%arg0: i32, %arg1: i32, %arg2: memref<128x32768xf32, #tpu.memory_space<hbm>>, %arg3: memref<128x32768xf32, #tpu.memory_space<hbm>>, %arg4: memref<32768xf32, #tpu.memory_space<vmem>>, %arg5: memref<32768xf32, #tpu.memory_space<vmem>>, %arg6: memref<16400xi32, #tpu.memory_space<vmem>>, %arg7: memref<1024xi32, #tpu.memory_space<vmem>>, %arg8: memref<4112xi32, #tpu.memory_space<vmem>>, %arg9: memref<256xi32, #tpu.memory_space<vmem>>, %arg10: memref<32768xf32, #tpu.memory_space<vmem>>, %arg11: memref<8192xf32, #tpu.memory_space<vmem>>, %arg12: memref<2x!tpu.dma_semaphore, #tpu.memory_space<semaphore_mem>>, %arg13: memref<!tpu.dma_semaphore, #tpu.memory_space<semaphore_mem>>) attributes {dimension_semantics = [#tpu.dimension_semantics<core_parallel>, #tpu.dimension_semantics<subcore_parallel>], iteration_bounds = array<i64: 2, 16>, scalar_prefetch = 0 : i64, scratch_operands = 10 : i64, tpu.core_type = #tpu.core_type<sc_vector_subcore>, window_params = [{transform_indices = #map}, {transform_indices = #map}]} {
    %mul3A = arith.constant 16 : i32
    %mul3A_0 = arith.muli %arg0, %mul3A : i32
    %add3A = arith.addi %mul3A_0, %arg1 : i32
    %mul3A_1 = arith.constant 4 : i32
    %mul3A_2 = arith.muli %add3A, %mul3A_1 : i32
    %iota3A = tpu.iota {dimensions = array<i32: 0>} : vector<16xi32>
    %mul3A_3 = arith.constant 1025 : i32
    %mul3A_4 = vector.broadcast %mul3A_3 : i32 to vector<16xi32>
    %mul3A_5 = arith.muli %iota3A, %mul3A_4 : vector<16xi32>
    %mul3A_6 = arith.constant 257 : i32
    %mul3A_7 = vector.broadcast %mul3A_6 : i32 to vector<16xi32>
    %mul3A_8 = arith.muli %iota3A, %mul3A_7 : vector<16xi32>
    %broadcast_in_dim3A = arith.constant 0 : i32
    %broadcast_in_dim3A_9 = vector.broadcast %broadcast_in_dim3A : i32 to vector<16xi32>
    %broadcast_in_dim3A_10 = arith.constant 1 : i32
    %broadcast_in_dim3A_11 = vector.broadcast %broadcast_in_dim3A_10 : i32 to vector<16xi32>
    %broadcast_in_dim3A_12 = arith.constant 3277 : i32
    %broadcast_in_dim3A_13 = vector.broadcast %broadcast_in_dim3A_12 : i32 to vector<16xi32>
    %dma_start3A = arith.constant 0 : i32
    %dma_start3A_14 = arith.constant 0 : i32
    %dma_start3A_15 = tpu.memref_slice %arg2[%mul3A_2, %dma_start3A_14] : memref<128x32768xf32, #tpu.memory_space<hbm>> -> memref<1x32768xf32, #tpu.memory_space<hbm>>
    %dma_start3A_16 = tpu.memref_squeeze %dma_start3A_15 : memref<1x32768xf32, #tpu.memory_space<hbm>> -> memref<32768xf32, #tpu.memory_space<hbm>>
    %dma_start3A_17 = tpu.memref_slice %arg12[%dma_start3A] : memref<2x!tpu.dma_semaphore, #tpu.memory_space<semaphore_mem>> -> memref<1x!tpu.dma_semaphore, #tpu.memory_space<semaphore_mem>>
    %dma_start3A_18 = tpu.memref_squeeze %dma_start3A_17 : memref<1x!tpu.dma_semaphore, #tpu.memory_space<semaphore_mem>> -> memref<!tpu.dma_semaphore, #tpu.memory_space<semaphore_mem>>
    %dma_start3A_19 = arith.constant 0 : i32
    %dma_start3A_20 = tpu.memref_slice %arg2[%mul3A_2, %dma_start3A_19] : memref<128x32768xf32, #tpu.memory_space<hbm>> -> memref<1x32768xf32, #tpu.memory_space<hbm>>
    %dma_start3A_21 = tpu.memref_squeeze %dma_start3A_20 : memref<1x32768xf32, #tpu.memory_space<hbm>> -> memref<32768xf32, #tpu.memory_space<hbm>>
    tpu.enqueue_dma source(%dma_start3A_21 : memref<32768xf32, #tpu.memory_space<hbm>>) target(%arg4 : memref<32768xf32, #tpu.memory_space<vmem>>) target_semaphore(%dma_start3A_18 : memref<!tpu.dma_semaphore, #tpu.memory_space<semaphore_mem>>)
    %add3A_22 = arith.constant 1 : i32
    %add3A_23 = arith.addi %mul3A_2, %add3A_22 : i32
    %dma_start3A_24 = arith.constant 1 : i32
    %dma_start3A_25 = arith.constant 0 : i32
    %dma_start3A_26 = tpu.memref_slice %arg2[%add3A_23, %dma_start3A_25] : memref<128x32768xf32, #tpu.memory_space<hbm>> -> memref<1x32768xf32, #tpu.memory_space<hbm>>
    %dma_start3A_27 = tpu.memref_squeeze %dma_start3A_26 : memref<1x32768xf32, #tpu.memory_space<hbm>> -> memref<32768xf32, #tpu.memory_space<hbm>>
    %dma_start3A_28 = tpu.memref_slice %arg12[%dma_start3A_24] : memref<2x!tpu.dma_semaphore, #tpu.memory_space<semaphore_mem>> -> memref<1x!tpu.dma_semaphore, #tpu.memory_space<semaphore_mem>>
    %dma_start3A_29 = tpu.memref_squeeze %dma_start3A_28 : memref<1x!tpu.dma_semaphore, #tpu.memory_space<semaphore_mem>> -> memref<!tpu.dma_semaphore, #tpu.memory_space<semaphore_mem>>
    %dma_start3A_30 = arith.constant 0 : i32
    %dma_start3A_31 = tpu.memref_slice %arg2[%add3A_23, %dma_start3A_30] : memref<128x32768xf32, #tpu.memory_space<hbm>> -> memref<1x32768xf32, #tpu.memory_space<hbm>>
    %dma_start3A_32 = tpu.memref_squeeze %dma_start3A_31 : memref<1x32768xf32, #tpu.memory_space<hbm>> -> memref<32768xf32, #tpu.memory_space<hbm>>
    tpu.enqueue_dma source(%dma_start3A_32 : memref<32768xf32, #tpu.memory_space<hbm>>) target(%arg5 : memref<32768xf32, #tpu.memory_space<vmem>>) target_semaphore(%dma_start3A_29 : memref<!tpu.dma_semaphore, #tpu.memory_space<semaphore_mem>>)
    %parallel_loop3A = arith.constant 0 : i32
    %parallel_loop3A_33 = arith.constant 16400 : i32
    %parallel_loop3A_34 = arith.constant 16 : i32
    scf.for %parallel_loop3A_599 = %parallel_loop3A to %parallel_loop3A_33 step %parallel_loop3A_34  : i32 {
      %parallel_loop3A_600 = arith.index_cast %parallel_loop3A_599 : i32 to index
      %parallel_loop3A_601 = tpu.vector_load %arg6[%parallel_loop3A_600] {strides = array<i32>} : memref<16400xi32, #tpu.memory_space<vmem>>, vector<16xi32>,
      tpu.vector_store %arg6[%parallel_loop3A_600], %broadcast_in_dim3A_9 {strides = array<i32>} : memref<16400xi32, #tpu.memory_space<vmem>>, vector<16xi32>,
    } {sc.loop_unroll_factor = 8 : i64, sc.parallel_access}
    %parallel_loop3A_35 = arith.constant 0 : i32
    %parallel_loop3A_36 = arith.constant 4112 : i32
    %parallel_loop3A_37 = arith.constant 16 : i32
    scf.for %parallel_loop3A_599 = %parallel_loop3A_35 to %parallel_loop3A_36 step %parallel_loop3A_37  : i32 {
      %parallel_loop3A_600 = arith.index_cast %parallel_loop3A_599 : i32 to index
      %parallel_loop3A_601 = tpu.vector_load %arg8[%parallel_loop3A_600] {strides = array<i32>} : memref<4112xi32, #tpu.memory_space<vmem>>, vector<16xi32>,
      tpu.vector_store %arg8[%parallel_loop3A_600], %broadcast_in_dim3A_9 {strides = array<i32>} : memref<4112xi32, #tpu.memory_space<vmem>>, vector<16xi32>,
    } {sc.loop_unroll_factor = 8 : i64, sc.parallel_access}
    %dma_wait3A = arith.constant 0 : i32
    %dma_wait3A_38 = arith.constant 0 : i32
    %dma_wait3A_39 = tpu.memref_slice %arg2[%mul3A_2, %dma_wait3A_38] : memref<128x32768xf32, #tpu.memory_space<hbm>> -> memref<1x32768xf32, #tpu.memory_space<hbm>>
    %dma_wait3A_40 = tpu.memref_squeeze %dma_wait3A_39 : memref<1x32768xf32, #tpu.memory_space<hbm>> -> memref<32768xf32, #tpu.memory_space<hbm>>
    %dma_wait3A_41 = tpu.memref_slice %arg12[%dma_wait3A] : memref<2x!tpu.dma_semaphore, #tpu.memory_space<semaphore_mem>> -> memref<1x!tpu.dma_semaphore, #tpu.memory_space<semaphore_mem>>
    %dma_wait3A_42 = tpu.memref_squeeze %dma_wait3A_41 : memref<1x!tpu.dma_semaphore, #tpu.memory_space<semaphore_mem>> -> memref<!tpu.dma_semaphore, #tpu.memory_space<semaphore_mem>>
    %dma_wait3A_43 = arith.constant 0 : i32
    %dma_wait3A_44 = tpu.memref_slice %arg2[%mul3A_2, %dma_wait3A_43] : memref<128x32768xf32, #tpu.memory_space<hbm>> -> memref<1x32768xf32, #tpu.memory_space<hbm>>
    %dma_wait3A_45 = tpu.memref_squeeze %dma_wait3A_44 : memref<1x32768xf32, #tpu.memory_space<hbm>> -> memref<32768xf32, #tpu.memory_space<hbm>>
    tpu.wait_dma2 semaphore(%dma_wait3A_42 : memref<!tpu.dma_semaphore, #tpu.memory_space<semaphore_mem>>) src(%dma_wait3A_45 : memref<32768xf32, #tpu.memory_space<hbm>>) dst(%arg4 : memref<32768xf32, #tpu.memory_space<vmem>>)
    %parallel_loop3A_46 = arith.constant 0 : i32
    %parallel_loop3A_47 = arith.constant 32768 : i32
    %parallel_loop3A_48 = arith.constant 16 : i32
    scf.for %parallel_loop3A_599 = %parallel_loop3A_46 to %parallel_loop3A_47 step %parallel_loop3A_48  : i32 {
      %parallel_loop3A_600 = arith.index_cast %parallel_loop3A_599 : i32 to index
      %parallel_loop3A_601 = tpu.vector_load %arg4[%parallel_loop3A_600] {strides = array<i32>} : memref<32768xf32, #tpu.memory_space<vmem>>, vector<16xf32>,
      %parallel_loop3A_602 = tpu.bitcast %parallel_loop3A_601 : vector<16xf32> -> vector<16xi32>
      %parallel_loop3A_603 = tpu.bitcast %parallel_loop3A_602 : vector<16xi32> -> vector<16xi32>
      %parallel_loop3A_604 = arith.constant 31 : i32
      %parallel_loop3A_605 = vector.broadcast %parallel_loop3A_604 : i32 to vector<16xi32>
      %parallel_loop3A_606 = arith.shrsi %parallel_loop3A_603, %parallel_loop3A_605 : vector<16xi32>
      %parallel_loop3A_607 = tpu.bitcast %parallel_loop3A_606 : vector<16xi32> -> vector<16xi32>
      %parallel_loop3A_608 = arith.constant -2147483648 : i32
      %parallel_loop3A_609 = vector.broadcast %parallel_loop3A_608 : i32 to vector<16xi32>
      %parallel_loop3A_610 = arith.ori %parallel_loop3A_607, %parallel_loop3A_609 : vector<16xi32>
      %parallel_loop3A_611 = arith.xori %parallel_loop3A_602, %parallel_loop3A_610 : vector<16xi32>
      %parallel_loop3A_612 = arith.constant 22 : i32
      %parallel_loop3A_613 = vector.broadcast %parallel_loop3A_612 : i32 to vector<16xi32>
      %parallel_loop3A_614 = arith.shrui %parallel_loop3A_611, %parallel_loop3A_613 : vector<16xi32>
      %parallel_loop3A_615 = tpu.bitcast %parallel_loop3A_614 : vector<16xi32> -> vector<16xi32>
      %parallel_loop3A_616 = arith.addi %parallel_loop3A_615, %mul3A_5 : vector<16xi32>
      tpu.vector_store_idx %arg6[%parallel_loop3A_616], %broadcast_in_dim3A_11 {add = true} : memref<16400xi32, #tpu.memory_space<vmem>>[vector<16xi32>], vector<16xi32>,
    } {sc.loop_unroll_factor = 8 : i64, sc.parallel_access}
    %parallel_loop3A_49 = arith.constant 0 : i32
    %parallel_loop3A_50 = arith.constant 1024 : i32
    %parallel_loop3A_51 = arith.constant 16 : i32
    scf.for %parallel_loop3A_599 = %parallel_loop3A_49 to %parallel_loop3A_50 step %parallel_loop3A_51  : i32 {
      %parallel_loop3A_600 = arith.index_cast %parallel_loop3A_599 : i32 to index
      %parallel_loop3A_601 = tpu.vector_load %arg6[%parallel_loop3A_600] {strides = array<i32>} : memref<16400xi32, #tpu.memory_space<vmem>>, vector<16xi32>,
      %parallel_loop3A_602 = arith.index_cast %parallel_loop3A_599 : i32 to index
      %parallel_loop3A_603 = tpu.vector_load %arg6[%parallel_loop3A_602] {strides = array<i32>} : memref<16400xi32, #tpu.memory_space<vmem>>, vector<16xi32>,
      tpu.vector_store %arg6[%parallel_loop3A_602], %broadcast_in_dim3A_9 {strides = array<i32>} : memref<16400xi32, #tpu.memory_space<vmem>>, vector<16xi32>,
      %parallel_loop3A_604 = arith.constant 1025 : i32
      %parallel_loop3A_605 = arith.addi %parallel_loop3A_604, %parallel_loop3A_599 : i32
      %parallel_loop3A_606 = arith.index_cast %parallel_loop3A_605 : i32 to index
      %parallel_loop3A_607 = tpu.vector_load %arg6[%parallel_loop3A_606] {strides = array<i32>} : memref<16400xi32, #tpu.memory_space<vmem>>, vector<16xi32>,
      %parallel_loop3A_608 = arith.addi %parallel_loop3A_601, %parallel_loop3A_607 : vector<16xi32>
      %parallel_loop3A_609 = arith.constant 1025 : i32
      %parallel_loop3A_610 = arith.addi %parallel_loop3A_609, %parallel_loop3A_599 : i32
      %parallel_loop3A_611 = arith.index_cast %parallel_loop3A_610 : i32 to index
      %parallel_loop3A_612 = tpu.vector_load %arg6[%parallel_loop3A_611] {strides = array<i32>} : memref<16400xi32, #tpu.memory_space<vmem>>, vector<16xi32>,
      tpu.vector_store %arg6[%parallel_loop3A_611], %broadcast_in_dim3A_9 {strides = array<i32>} : memref<16400xi32, #tpu.memory_space<vmem>>, vector<16xi32>,
      %parallel_loop3A_613 = arith.constant 2050 : i32
      %parallel_loop3A_614 = arith.addi %parallel_loop3A_613, %parallel_loop3A_599 : i32
      %parallel_loop3A_615 = arith.index_cast %parallel_loop3A_614 : i32 to index
      %parallel_loop3A_616 = tpu.vector_load %arg6[%parallel_loop3A_615] {strides = array<i32>} : memref<16400xi32, #tpu.memory_space<vmem>>, vector<16xi32>,
      %parallel_loop3A_617 = arith.addi %parallel_loop3A_608, %parallel_loop3A_616 : vector<16xi32>
      %parallel_loop3A_618 = arith.constant 2050 : i32
      %parallel_loop3A_619 = arith.addi %parallel_loop3A_618, %parallel_loop3A_599 : i32
      %parallel_loop3A_620 = arith.index_cast %parallel_loop3A_619 : i32 to index
      %parallel_loop3A_621 = tpu.vector_load %arg6[%parallel_loop3A_620] {strides = array<i32>} : memref<16400xi32, #tpu.memory_space<vmem>>, vector<16xi32>,
      tpu.vector_store %arg6[%parallel_loop3A_620], %broadcast_in_dim3A_9 {strides = array<i32>} : memref<16400xi32, #tpu.memory_space<vmem>>, vector<16xi32>,
      %parallel_loop3A_622 = arith.constant 3075 : i32
      %parallel_loop3A_623 = arith.addi %parallel_loop3A_622, %parallel_loop3A_599 : i32
      %parallel_loop3A_624 = arith.index_cast %parallel_loop3A_623 : i32 to index
      %parallel_loop3A_625 = tpu.vector_load %arg6[%parallel_loop3A_624] {strides = array<i32>} : memref<16400xi32, #tpu.memory_space<vmem>>, vector<16xi32>,
      %parallel_loop3A_626 = arith.addi %parallel_loop3A_617, %parallel_loop3A_625 : vector<16xi32>
      %parallel_loop3A_627 = arith.constant 3075 : i32
      %parallel_loop3A_628 = arith.addi %parallel_loop3A_627, %parallel_loop3A_599 : i32
      %parallel_loop3A_629 = arith.index_cast %parallel_loop3A_628 : i32 to index
      %parallel_loop3A_630 = tpu.vector_load %arg6[%parallel_loop3A_629] {strides = array<i32>} : memref<16400xi32, #tpu.memory_space<vmem>>, vector<16xi32>,
      tpu.vector_store %arg6[%parallel_loop3A_629], %broadcast_in_dim3A_9 {strides = array<i32>} : memref<16400xi32, #tpu.memory_space<vmem>>, vector<16xi32>,
      %parallel_loop3A_631 = arith.constant 4100 : i32
      %parallel_loop3A_632 = arith.addi %parallel_loop3A_631, %parallel_loop3A_599 : i32
      %parallel_loop3A_633 = arith.index_cast %parallel_loop3A_632 : i32 to index
      %parallel_loop3A_634 = tpu.vector_load %arg6[%parallel_loop3A_633] {strides = array<i32>} : memref<16400xi32, #tpu.memory_space<vmem>>, vector<16xi32>,
      %parallel_loop3A_635 = arith.addi %parallel_loop3A_626, %parallel_loop3A_634 : vector<16xi32>
      %parallel_loop3A_636 = arith.constant 4100 : i32
      %parallel_loop3A_637 = arith.addi %parallel_loop3A_636, %parallel_loop3A_599 : i32
      %parallel_loop3A_638 = arith.index_cast %parallel_loop3A_637 : i32 to index
      %parallel_loop3A_639 = tpu.vector_load %arg6[%parallel_loop3A_638] {strides = array<i32>} : memref<16400xi32, #tpu.memory_space<vmem>>, vector<16xi32>,
      tpu.vector_store %arg6[%parallel_loop3A_638], %broadcast_in_dim3A_9 {strides = array<i32>} : memref<16400xi32, #tpu.memory_space<vmem>>, vector<16xi32>,
      %parallel_loop3A_640 = arith.constant 5125 : i32
      %parallel_loop3A_641 = arith.addi %parallel_loop3A_640, %parallel_loop3A_599 : i32
      %parallel_loop3A_642 = arith.index_cast %parallel_loop3A_641 : i32 to index
      %parallel_loop3A_643 = tpu.vector_load %arg6[%parallel_loop3A_642] {strides = array<i32>} : memref<16400xi32, #tpu.memory_space<vmem>>, vector<16xi32>,
      %parallel_loop3A_644 = arith.addi %parallel_loop3A_635, %parallel_loop3A_643 : vector<16xi32>
      %parallel_loop3A_645 = arith.constant 5125 : i32
      %parallel_loop3A_646 = arith.addi %parallel_loop3A_645, %parallel_loop3A_599 : i32
      %parallel_loop3A_647 = arith.index_cast %parallel_loop3A_646 : i32 to index
      %parallel_loop3A_648 = tpu.vector_load %arg6[%parallel_loop3A_647] {strides = array<i32>} : memref<16400xi32, #tpu.memory_space<vmem>>, vector<16xi32>,
      tpu.vector_store %arg6[%parallel_loop3A_647], %broadcast_in_dim3A_9 {strides = array<i32>} : memref<16400xi32, #tpu.memory_space<vmem>>, vector<16xi32>,
      %parallel_loop3A_649 = arith.constant 6150 : i32
      %parallel_loop3A_650 = arith.addi %parallel_loop3A_649, %parallel_loop3A_599 : i32
      %parallel_loop3A_651 = arith.index_cast %parallel_loop3A_650 : i32 to index
      %parallel_loop3A_652 = tpu.vector_load %arg6[%parallel_loop3A_651] {strides = array<i32>} : memref<16400xi32, #tpu.memory_space<vmem>>, vector<16xi32>,
      %parallel_loop3A_653 = arith.addi %parallel_loop3A_644, %parallel_loop3A_652 : vector<16xi32>
      %parallel_loop3A_654 = arith.constant 6150 : i32
      %parallel_loop3A_655 = arith.addi %parallel_loop3A_654, %parallel_loop3A_599 : i32
      %parallel_loop3A_656 = arith.index_cast %parallel_loop3A_655 : i32 to index
      %parallel_loop3A_657 = tpu.vector_load %arg6[%parallel_loop3A_656] {strides = array<i32>} : memref<16400xi32, #tpu.memory_space<vmem>>, vector<16xi32>,
      tpu.vector_store %arg6[%parallel_loop3A_656], %broadcast_in_dim3A_9 {strides = array<i32>} : memref<16400xi32, #tpu.memory_space<vmem>>, vector<16xi32>,
      %parallel_loop3A_658 = arith.constant 7175 : i32
      %parallel_loop3A_659 = arith.addi %parallel_loop3A_658, %parallel_loop3A_599 : i32
      %parallel_loop3A_660 = arith.index_cast %parallel_loop3A_659 : i32 to index
      %parallel_loop3A_661 = tpu.vector_load %arg6[%parallel_loop3A_660] {strides = array<i32>} : memref<16400xi32, #tpu.memory_space<vmem>>, vector<16xi32>,
      %parallel_loop3A_662 = arith.addi %parallel_loop3A_653, %parallel_loop3A_661 : vector<16xi32>
      %parallel_loop3A_663 = arith.constant 7175 : i32
      %parallel_loop3A_664 = arith.addi %parallel_loop3A_663, %parallel_loop3A_599 : i32
      %parallel_loop3A_665 = arith.index_cast %parallel_loop3A_664 : i32 to index
      %parallel_loop3A_666 = tpu.vector_load %arg6[%parallel_loop3A_665] {strides = array<i32>} : memref<16400xi32, #tpu.memory_space<vmem>>, vector<16xi32>,
      tpu.vector_store %arg6[%parallel_loop3A_665], %broadcast_in_dim3A_9 {strides = array<i32>} : memref<16400xi32, #tpu.memory_space<vmem>>, vector<16xi32>,
      %parallel_loop3A_667 = arith.constant 8200 : i32
      %parallel_loop3A_668 = arith.addi %parallel_loop3A_667, %parallel_loop3A_599 : i32
      %parallel_loop3A_669 = arith.index_cast %parallel_loop3A_668 : i32 to index
      %parallel_loop3A_670 = tpu.vector_load %arg6[%parallel_loop3A_669] {strides = array<i32>} : memref<16400xi32, #tpu.memory_space<vmem>>, vector<16xi32>,
      %parallel_loop3A_671 = arith.addi %parallel_loop3A_662, %parallel_loop3A_670 : vector<16xi32>
      %parallel_loop3A_672 = arith.constant 8200 : i32
      %parallel_loop3A_673 = arith.addi %parallel_loop3A_672, %parallel_loop3A_599 : i32
      %parallel_loop3A_674 = arith.index_cast %parallel_loop3A_673 : i32 to index
      %parallel_loop3A_675 = tpu.vector_load %arg6[%parallel_loop3A_674] {strides = array<i32>} : memref<16400xi32, #tpu.memory_space<vmem>>, vector<16xi32>,
      tpu.vector_store %arg6[%parallel_loop3A_674], %broadcast_in_dim3A_9 {strides = array<i32>} : memref<16400xi32, #tpu.memory_space<vmem>>, vector<16xi32>,
      %parallel_loop3A_676 = arith.constant 9225 : i32
      %parallel_loop3A_677 = arith.addi %parallel_loop3A_676, %parallel_loop3A_599 : i32
      %parallel_loop3A_678 = arith.index_cast %parallel_loop3A_677 : i32 to index
      %parallel_loop3A_679 = tpu.vector_load %arg6[%parallel_loop3A_678] {strides = array<i32>} : memref<16400xi32, #tpu.memory_space<vmem>>, vector<16xi32>,
      %parallel_loop3A_680 = arith.addi %parallel_loop3A_671, %parallel_loop3A_679 : vector<16xi32>
      %parallel_loop3A_681 = arith.constant 9225 : i32
      %parallel_loop3A_682 = arith.addi %parallel_loop3A_681, %parallel_loop3A_599 : i32
      %parallel_loop3A_683 = arith.index_cast %parallel_loop3A_682 : i32 to index
      %parallel_loop3A_684 = tpu.vector_load %arg6[%parallel_loop3A_683] {strides = array<i32>} : memref<16400xi32, #tpu.memory_space<vmem>>, vector<16xi32>,
      tpu.vector_store %arg6[%parallel_loop3A_683], %broadcast_in_dim3A_9 {strides = array<i32>} : memref<16400xi32, #tpu.memory_space<vmem>>, vector<16xi32>,
      %parallel_loop3A_685 = arith.constant 10250 : i32
      %parallel_loop3A_686 = arith.addi %parallel_loop3A_685, %parallel_loop3A_599 : i32
      %parallel_loop3A_687 = arith.index_cast %parallel_loop3A_686 : i32 to index
      %parallel_loop3A_688 = tpu.vector_load %arg6[%parallel_loop3A_687] {strides = array<i32>} : memref<16400xi32, #tpu.memory_space<vmem>>, vector<16xi32>,
      %parallel_loop3A_689 = arith.addi %parallel_loop3A_680, %parallel_loop3A_688 : vector<16xi32>
      %parallel_loop3A_690 = arith.constant 10250 : i32
      %parallel_loop3A_691 = arith.addi %parallel_loop3A_690, %parallel_loop3A_599 : i32
      %parallel_loop3A_692 = arith.index_cast %parallel_loop3A_691 : i32 to index
      %parallel_loop3A_693 = tpu.vector_load %arg6[%parallel_loop3A_692] {strides = array<i32>} : memref<16400xi32, #tpu.memory_space<vmem>>, vector<16xi32>,
      tpu.vector_store %arg6[%parallel_loop3A_692], %broadcast_in_dim3A_9 {strides = array<i32>} : memref<16400xi32, #tpu.memory_space<vmem>>, vector<16xi32>,
      %parallel_loop3A_694 = arith.constant 11275 : i32
      %parallel_loop3A_695 = arith.addi %parallel_loop3A_694, %parallel_loop3A_599 : i32
      %parallel_loop3A_696 = arith.index_cast %parallel_loop3A_695 : i32 to index
      %parallel_loop3A_697 = tpu.vector_load %arg6[%parallel_loop3A_696] {strides = array<i32>} : memref<16400xi32, #tpu.memory_space<vmem>>, vector<16xi32>,
      %parallel_loop3A_698 = arith.addi %parallel_loop3A_689, %parallel_loop3A_697 : vector<16xi32>
      %parallel_loop3A_699 = arith.constant 11275 : i32
      %parallel_loop3A_700 = arith.addi %parallel_loop3A_699, %parallel_loop3A_599 : i32
      %parallel_loop3A_701 = arith.index_cast %parallel_loop3A_700 : i32 to index
      %parallel_loop3A_702 = tpu.vector_load %arg6[%parallel_loop3A_701] {strides = array<i32>} : memref<16400xi32, #tpu.memory_space<vmem>>, vector<16xi32>,
      tpu.vector_store %arg6[%parallel_loop3A_701], %broadcast_in_dim3A_9 {strides = array<i32>} : memref<16400xi32, #tpu.memory_space<vmem>>, vector<16xi32>,
      %parallel_loop3A_703 = arith.constant 12300 : i32
      %parallel_loop3A_704 = arith.addi %parallel_loop3A_703, %parallel_loop3A_599 : i32
      %parallel_loop3A_705 = arith.index_cast %parallel_loop3A_704 : i32 to index
      %parallel_loop3A_706 = tpu.vector_load %arg6[%parallel_loop3A_705] {strides = array<i32>} : memref<16400xi32, #tpu.memory_space<vmem>>, vector<16xi32>,
      %parallel_loop3A_707 = arith.addi %parallel_loop3A_698, %parallel_loop3A_706 : vector<16xi32>
      %parallel_loop3A_708 = arith.constant 12300 : i32
      %parallel_loop3A_709 = arith.addi %parallel_loop3A_708, %parallel_loop3A_599 : i32
      %parallel_loop3A_710 = arith.index_cast %parallel_loop3A_709 : i32 to index
      %parallel_loop3A_711 = tpu.vector_load %arg6[%parallel_loop3A_710] {strides = array<i32>} : memref<16400xi32, #tpu.memory_space<vmem>>, vector<16xi32>,
      tpu.vector_store %arg6[%parallel_loop3A_710], %broadcast_in_dim3A_9 {strides = array<i32>} : memref<16400xi32, #tpu.memory_space<vmem>>, vector<16xi32>,
      %parallel_loop3A_712 = arith.constant 13325 : i32
      %parallel_loop3A_713 = arith.addi %parallel_loop3A_712, %parallel_loop3A_599 : i32
      %parallel_loop3A_714 = arith.index_cast %parallel_loop3A_713 : i32 to index
      %parallel_loop3A_715 = tpu.vector_load %arg6[%parallel_loop3A_714] {strides = array<i32>} : memref<16400xi32, #tpu.memory_space<vmem>>, vector<16xi32>,
      %parallel_loop3A_716 = arith.addi %parallel_loop3A_707, %parallel_loop3A_715 : vector<16xi32>
      %parallel_loop3A_717 = arith.constant 13325 : i32
      %parallel_loop3A_718 = arith.addi %parallel_loop3A_717, %parallel_loop3A_599 : i32
      %parallel_loop3A_719 = arith.index_cast %parallel_loop3A_718 : i32 to index
      %parallel_loop3A_720 = tpu.vector_load %arg6[%parallel_loop3A_719] {strides = array<i32>} : memref<16400xi32, #tpu.memory_space<vmem>>, vector<16xi32>,
      tpu.vector_store %arg6[%parallel_loop3A_719], %broadcast_in_dim3A_9 {strides = array<i32>} : memref<16400xi32, #tpu.memory_space<vmem>>, vector<16xi32>,
      %parallel_loop3A_721 = arith.constant 14350 : i32
      %parallel_loop3A_722 = arith.addi %parallel_loop3A_721, %parallel_loop3A_599 : i32
      %parallel_loop3A_723 = arith.index_cast %parallel_loop3A_722 : i32 to index
      %parallel_loop3A_724 = tpu.vector_load %arg6[%parallel_loop3A_723] {strides = array<i32>} : memref<16400xi32, #tpu.memory_space<vmem>>, vector<16xi32>,
      %parallel_loop3A_725 = arith.addi %parallel_loop3A_716, %parallel_loop3A_724 : vector<16xi32>
      %parallel_loop3A_726 = arith.constant 14350 : i32
      %parallel_loop3A_727 = arith.addi %parallel_loop3A_726, %parallel_loop3A_599 : i32
      %parallel_loop3A_728 = arith.index_cast %parallel_loop3A_727 : i32 to index
      %parallel_loop3A_729 = tpu.vector_load %arg6[%parallel_loop3A_728] {strides = array<i32>} : memref<16400xi32, #tpu.memory_space<vmem>>, vector<16xi32>,
      tpu.vector_store %arg6[%parallel_loop3A_728], %broadcast_in_dim3A_9 {strides = array<i32>} : memref<16400xi32, #tpu.memory_space<vmem>>, vector<16xi32>,
      %parallel_loop3A_730 = arith.constant 15375 : i32
      %parallel_loop3A_731 = arith.addi %parallel_loop3A_730, %parallel_loop3A_599 : i32
      %parallel_loop3A_732 = arith.index_cast %parallel_loop3A_731 : i32 to index
      %parallel_loop3A_733 = tpu.vector_load %arg6[%parallel_loop3A_732] {strides = array<i32>} : memref<16400xi32, #tpu.memory_space<vmem>>, vector<16xi32>,
      %parallel_loop3A_734 = arith.addi %parallel_loop3A_725, %parallel_loop3A_733 : vector<16xi32>
      %parallel_loop3A_735 = arith.constant 15375 : i32
      %parallel_loop3A_736 = arith.addi %parallel_loop3A_735, %parallel_loop3A_599 : i32
      %parallel_loop3A_737 = arith.index_cast %parallel_loop3A_736 : i32 to index
      %parallel_loop3A_738 = tpu.vector_load %arg6[%parallel_loop3A_737] {strides = array<i32>} : memref<16400xi32, #tpu.memory_space<vmem>>, vector<16xi32>,
      tpu.vector_store %arg6[%parallel_loop3A_737], %broadcast_in_dim3A_9 {strides = array<i32>} : memref<16400xi32, #tpu.memory_space<vmem>>, vector<16xi32>,
      %parallel_loop3A_739 = arith.index_cast %parallel_loop3A_599 : i32 to index
      %parallel_loop3A_740 = tpu.vector_load %arg7[%parallel_loop3A_739] {strides = array<i32>} : memref<1024xi32, #tpu.memory_space<vmem>>, vector<16xi32>,
      tpu.vector_store %arg7[%parallel_loop3A_739], %parallel_loop3A_734 {strides = array<i32>} : memref<1024xi32, #tpu.memory_space<vmem>>, vector<16xi32>,
    } {sc.loop_unroll_factor = 1 : i64, sc.parallel_access}
    %scan3A = arith.constant 0 : i32
    %scan3A_52 = arith.constant 64 : i32
    %scan3A_53 = arith.addi %scan3A, %scan3A_52 : i32
    %scan3A_54 = arith.constant 1 : i32
    %scan3A_55:3 = scf.for %scan3A_599 = %scan3A to %scan3A_53 step %scan3A_54 iter_args(%scan3A_600 = %broadcast_in_dim3A_9, %scan3A_601 = %broadcast_in_dim3A_9, %scan3A_602 = %broadcast_in_dim3A_9) -> (vector<16xi32>, vector<16xi32>, vector<16xi32>)  : i32 {
      %sub3A_603 = arith.constant 63 : i32
      %sub3A_604 = arith.subi %sub3A_603, %scan3A_599 : i32
      %mul3A_605 = arith.constant 16 : i32
      %mul3A_606 = arith.muli %sub3A_604, %mul3A_605 : i32
      %get3A = arith.index_cast %mul3A_606 : i32 to index
      %get3A_607 = tpu.vector_load %arg7[%get3A] {strides = array<i32>} : memref<1024xi32, #tpu.memory_space<vmem>>, vector<16xi32>,
      %rev3A = arith.constant 15 : i32
      %rev3A_608 = vector.broadcast %rev3A : i32 to vector<16xi32>
      %rev3A_609 = tpu.iota {dimensions = array<i32: 0>} : vector<16xi32>
      %rev3A_610 = arith.subi %rev3A_608, %rev3A_609 : vector<16xi32>
      %rev3A_611 = tpu.dynamic_gather %get3A_607[%rev3A_610] in [0] : vector<16xi32>, vector<16xi32> -> vector<16xi32>
      %broadcast_in_dim3A_612 = arith.constant true
      %broadcast_in_dim3A_613 = vector.broadcast %broadcast_in_dim3A_612 : i1 to vector<16xi1>
      %masked_cumsum3A = tpu.scan <sum>, %rev3A_611 masked %broadcast_in_dim3A_613 : vector<16xi32>, vector<16xi1> -> vector<16xi32>
      %add3A_614 = arith.addi %masked_cumsum3A, %scan3A_600 : vector<16xi32>
      %ge3A = arith.cmpi sge, %add3A_614, %broadcast_in_dim3A_13 : vector<16xi32>
      %all_reduce_population_count3A = tpu.all_reduce %ge3A {dim = 0 : i64, kind = #tpu.reduction_kind<sum>} : vector<16xi1> -> vector<16xi32>
      %add3A_615 = arith.addi %scan3A_601, %all_reduce_population_count3A : vector<16xi32>
      %select_n3A_616 = arith.select %ge3A, %broadcast_in_dim3A_9, %rev3A_611 : vector<16xi1>, vector<16xi32>
      %add3A_617 = arith.addi %scan3A_602, %select_n3A_616 : vector<16xi32>
      %rev3A_618 = arith.constant 15 : i32
      %rev3A_619 = vector.broadcast %rev3A_618 : i32 to vector<16xi32>
      %rev3A_620 = tpu.iota {dimensions = array<i32: 0>} : vector<16xi32>
      %rev3A_621 = arith.subi %rev3A_619, %rev3A_620 : vector<16xi32>
      %rev3A_622 = tpu.dynamic_gather %add3A_614[%rev3A_621] in [0] : vector<16xi32>, vector<16xi32> -> vector<16xi32>
      %slice3A = vector.extract_strided_slice %rev3A_622 {offsets = [0], sizes = [1], strides = [1]} : vector<16xi32> to vector<1xi32>
      %squeeze3A = vector.extract %slice3A[0] : i32 from vector<1xi32>
      %broadcast_in_dim3A_623 = vector.broadcast %squeeze3A : i32 to vector<16xi32>
      scf.yield %broadcast_in_dim3A_623, %add3A_615, %add3A_617 : vector<16xi32>, vector<16xi32>, vector<16xi32>
    }
    %scan3A_56 = arith.constant 64 : i32
    %reduce_max3A = arith.constant true
    %reduce_max3A_57 = vector.broadcast %reduce_max3A : i1 to vector<16xi1>
    %reduce_max3A_58 = arith.constant -2147483648 : i32
    %reduce_max3A_59 = vector.broadcast %reduce_max3A_58 : i32 to vector<16xi32>
    %reduce_max3A_60 = arith.xori %scan3A_55#1, %reduce_max3A_59 : vector<16xi32>
    %reduce_max3A_61 = tpu.scan <max>, %reduce_max3A_60 masked %reduce_max3A_57 : vector<16xi32>, vector<16xi1> -> vector<16xi32>
    %reduce_max3A_62 = arith.xori %reduce_max3A_61, %reduce_max3A_59 : vector<16xi32>
    %reduce_max3A_63 = vector.extract %reduce_max3A_62[15] : i32 from vector<16xi32>
    %sub3A = arith.constant 1 : i32
    %sub3A_64 = arith.subi %reduce_max3A_63, %sub3A : i32
    %reduce_sum3A = arith.constant true
    %reduce_sum3A_65 = vector.broadcast %reduce_sum3A : i1 to vector<16xi1>
    %reduce_sum3A_66 = tpu.scan <sum>, %scan3A_55#2 masked %reduce_sum3A_65 : vector<16xi32>, vector<16xi1> -> vector<16xi32>
    %reduce_sum3A_67 = vector.extract %reduce_sum3A_66[15] : i32 from vector<16xi32>
    %broadcast_in_dim3A_68 = vector.broadcast %reduce_sum3A_67 : i32 to vector<16xi32>
    %sub3A_69 = arith.subi %broadcast_in_dim3A_13, %broadcast_in_dim3A_68 : vector<16xi32>
    %bitcast_convert_type3A = arith.bitcast %sub3A_64 : i32 to i32
    %broadcast_in_dim3A_70 = vector.broadcast %bitcast_convert_type3A : i32 to vector<16xi32>
    %parallel_loop3A_71 = arith.constant 0 : i32
    %parallel_loop3A_72 = arith.constant 32768 : i32
    %parallel_loop3A_73 = arith.constant 16 : i32
    %parallel_loop3A_74 = scf.for %parallel_loop3A_599 = %parallel_loop3A_71 to %parallel_loop3A_72 step %parallel_loop3A_73 iter_args(%parallel_loop3A_600 = %broadcast_in_dim3A_9) -> (vector<16xi32>)  : i32 {
      %parallel_loop3A_601 = arith.index_cast %parallel_loop3A_599 : i32 to index
      %parallel_loop3A_602 = tpu.vector_load %arg4[%parallel_loop3A_601] {strides = array<i32>} : memref<32768xf32, #tpu.memory_space<vmem>>, vector<16xf32>,
      %parallel_loop3A_603 = tpu.bitcast %parallel_loop3A_602 : vector<16xf32> -> vector<16xi32>
      %parallel_loop3A_604 = tpu.bitcast %parallel_loop3A_603 : vector<16xi32> -> vector<16xi32>
      %parallel_loop3A_605 = arith.constant 31 : i32
      %parallel_loop3A_606 = vector.broadcast %parallel_loop3A_605 : i32 to vector<16xi32>
      %parallel_loop3A_607 = arith.shrsi %parallel_loop3A_604, %parallel_loop3A_606 : vector<16xi32>
      %parallel_loop3A_608 = tpu.bitcast %parallel_loop3A_607 : vector<16xi32> -> vector<16xi32>
      %parallel_loop3A_609 = arith.constant -2147483648 : i32
      %parallel_loop3A_610 = vector.broadcast %parallel_loop3A_609 : i32 to vector<16xi32>
      %parallel_loop3A_611 = arith.ori %parallel_loop3A_608, %parallel_loop3A_610 : vector<16xi32>
      %parallel_loop3A_612 = arith.xori %parallel_loop3A_603, %parallel_loop3A_611 : vector<16xi32>
      %parallel_loop3A_613 = arith.constant 22 : i32
      %parallel_loop3A_614 = vector.broadcast %parallel_loop3A_613 : i32 to vector<16xi32>
      %parallel_loop3A_615 = arith.shrui %parallel_loop3A_612, %parallel_loop3A_614 : vector<16xi32>
      %parallel_loop3A_616 = arith.cmpi eq, %parallel_loop3A_615, %broadcast_in_dim3A_70 : vector<16xi32>
      %parallel_loop3A_617 = arith.constant 4 : i32
      %parallel_loop3A_618 = vector.broadcast %parallel_loop3A_617 : i32 to vector<16xi32>
      %parallel_loop3A_619 = arith.shli %parallel_loop3A_600, %parallel_loop3A_618 : vector<16xi32>
      %parallel_loop3A_620 = arith.addi %parallel_loop3A_619, %iota3A : vector<16xi32>
      %parallel_loop3A_621 = tpu.bitcast %parallel_loop3A_612 : vector<16xi32> -> vector<16xf32>
      tpu.vector_store_idx %arg10[%parallel_loop3A_620], %parallel_loop3A_621 masked %parallel_loop3A_616 : memref<32768xf32, #tpu.memory_space<vmem>>[vector<16xi32>], vector<16xf32>, vector<16xi1>
      %parallel_loop3A_622 = arith.constant 14 : i32
      %parallel_loop3A_623 = vector.broadcast %parallel_loop3A_622 : i32 to vector<16xi32>
      %parallel_loop3A_624 = arith.shrui %parallel_loop3A_612, %parallel_loop3A_623 : vector<16xi32>
      %parallel_loop3A_625 = tpu.bitcast %parallel_loop3A_624 : vector<16xi32> -> vector<16xi32>
      %parallel_loop3A_626 = arith.constant 255 : i32
      %parallel_loop3A_627 = vector.broadcast %parallel_loop3A_626 : i32 to vector<16xi32>
      %parallel_loop3A_628 = arith.andi %parallel_loop3A_625, %parallel_loop3A_627 : vector<16xi32>
      %parallel_loop3A_629 = arith.addi %parallel_loop3A_628, %mul3A_8 : vector<16xi32>
      tpu.vector_store_idx %arg8[%parallel_loop3A_629], %broadcast_in_dim3A_11 masked %parallel_loop3A_616 {add = true} : memref<4112xi32, #tpu.memory_space<vmem>>[vector<16xi32>], vector<16xi32>, vector<16xi1>
      %parallel_loop3A_630 = arith.select %parallel_loop3A_616, %broadcast_in_dim3A_11, %broadcast_in_dim3A_9 : vector<16xi1>, vector<16xi32>
      %parallel_loop3A_631 = arith.addi %parallel_loop3A_600, %parallel_loop3A_630 : vector<16xi32>
      scf.yield %parallel_loop3A_631 : vector<16xi32>
    } {sc.loop_unroll_factor = 8 : i64, sc.parallel_access}
    %reduce_max3A_75 = arith.constant true
    %reduce_max3A_76 = vector.broadcast %reduce_max3A_75 : i1 to vector<16xi1>
    %reduce_max3A_77 = arith.constant -2147483648 : i32
    %reduce_max3A_78 = vector.broadcast %reduce_max3A_77 : i32 to vector<16xi32>
    %reduce_max3A_79 = arith.xori %parallel_loop3A_74, %reduce_max3A_78 : vector<16xi32>
    %reduce_max3A_80 = tpu.scan <max>, %reduce_max3A_79 masked %reduce_max3A_76 : vector<16xi32>, vector<16xi1> -> vector<16xi32>
    %reduce_max3A_81 = arith.xori %reduce_max3A_80, %reduce_max3A_78 : vector<16xi32>
    %reduce_max3A_82 = vector.extract %reduce_max3A_81[15] : i32 from vector<16xi32>
    %parallel_loop3A_83 = arith.constant 0 : i32
    %parallel_loop3A_84 = arith.constant 256 : i32
    %parallel_loop3A_85 = arith.constant 16 : i32
    scf.for %parallel_loop3A_599 = %parallel_loop3A_83 to %parallel_loop3A_84 step %parallel_loop3A_85  : i32 {
      %parallel_loop3A_600 = arith.index_cast %parallel_loop3A_599 : i32 to index
      %parallel_loop3A_601 = tpu.vector_load %arg8[%parallel_loop3A_600] {strides = array<i32>} : memref<4112xi32, #tpu.memory_space<vmem>>, vector<16xi32>,
      %parallel_loop3A_602 = arith.index_cast %parallel_loop3A_599 : i32 to index
      %parallel_loop3A_603 = tpu.vector_load %arg8[%parallel_loop3A_602] {strides = array<i32>} : memref<4112xi32, #tpu.memory_space<vmem>>, vector<16xi32>,
      tpu.vector_store %arg8[%parallel_loop3A_602], %broadcast_in_dim3A_9 {strides = array<i32>} : memref<4112xi32, #tpu.memory_space<vmem>>, vector<16xi32>,
      %parallel_loop3A_604 = arith.constant 257 : i32
      %parallel_loop3A_605 = arith.addi %parallel_loop3A_604, %parallel_loop3A_599 : i32
      %parallel_loop3A_606 = arith.index_cast %parallel_loop3A_605 : i32 to index
      %parallel_loop3A_607 = tpu.vector_load %arg8[%parallel_loop3A_606] {strides = array<i32>} : memref<4112xi32, #tpu.memory_space<vmem>>, vector<16xi32>,
      %parallel_loop3A_608 = arith.addi %parallel_loop3A_601, %parallel_loop3A_607 : vector<16xi32>
      %parallel_loop3A_609 = arith.constant 257 : i32
      %parallel_loop3A_610 = arith.addi %parallel_loop3A_609, %parallel_loop3A_599 : i32
      %parallel_loop3A_611 = arith.index_cast %parallel_loop3A_610 : i32 to index
      %parallel_loop3A_612 = tpu.vector_load %arg8[%parallel_loop3A_611] {strides = array<i32>} : memref<4112xi32, #tpu.memory_space<vmem>>, vector<16xi32>,
      tpu.vector_store %arg8[%parallel_loop3A_611], %broadcast_in_dim3A_9 {strides = array<i32>} : memref<4112xi32, #tpu.memory_space<vmem>>, vector<16xi32>,
      %parallel_loop3A_613 = arith.constant 514 : i32
      %parallel_loop3A_614 = arith.addi %parallel_loop3A_613, %parallel_loop3A_599 : i32
      %parallel_loop3A_615 = arith.index_cast %parallel_loop3A_614 : i32 to index
      %parallel_loop3A_616 = tpu.vector_load %arg8[%parallel_loop3A_615] {strides = array<i32>} : memref<4112xi32, #tpu.memory_space<vmem>>, vector<16xi32>,
      %parallel_loop3A_617 = arith.addi %parallel_loop3A_608, %parallel_loop3A_616 : vector<16xi32>
      %parallel_loop3A_618 = arith.constant 514 : i32
      %parallel_loop3A_619 = arith.addi %parallel_loop3A_618, %parallel_loop3A_599 : i32
      %parallel_loop3A_620 = arith.index_cast %parallel_loop3A_619 : i32 to index
      %parallel_loop3A_621 = tpu.vector_load %arg8[%parallel_loop3A_620] {strides = array<i32>} : memref<4112xi32, #tpu.memory_space<vmem>>, vector<16xi32>,
      tpu.vector_store %arg8[%parallel_loop3A_620], %broadcast_in_dim3A_9 {strides = array<i32>} : memref<4112xi32, #tpu.memory_space<vmem>>, vector<16xi32>,
      %parallel_loop3A_622 = arith.constant 771 : i32
      %parallel_loop3A_623 = arith.addi %parallel_loop3A_622, %parallel_loop3A_599 : i32
      %parallel_loop3A_624 = arith.index_cast %parallel_loop3A_623 : i32 to index
      %parallel_loop3A_625 = tpu.vector_load %arg8[%parallel_loop3A_624] {strides = array<i32>} : memref<4112xi32, #tpu.memory_space<vmem>>, vector<16xi32>,
      %parallel_loop3A_626 = arith.addi %parallel_loop3A_617, %parallel_loop3A_625 : vector<16xi32>
      %parallel_loop3A_627 = arith.constant 771 : i32
      %parallel_loop3A_628 = arith.addi %parallel_loop3A_627, %parallel_loop3A_599 : i32
      %parallel_loop3A_629 = arith.index_cast %parallel_loop3A_628 : i32 to index
      %parallel_loop3A_630 = tpu.vector_load %arg8[%parallel_loop3A_629] {strides = array<i32>} : memref<4112xi32, #tpu.memory_space<vmem>>, vector<16xi32>,
      tpu.vector_store %arg8[%parallel_loop3A_629], %broadcast_in_dim3A_9 {strides = array<i32>} : memref<4112xi32, #tpu.memory_space<vmem>>, vector<16xi32>,
      %parallel_loop3A_631 = arith.constant 1028 : i32
      %parallel_loop3A_632 = arith.addi %parallel_loop3A_631, %parallel_loop3A_599 : i32
      %parallel_loop3A_633 = arith.index_cast %parallel_loop3A_632 : i32 to index
      %parallel_loop3A_634 = tpu.vector_load %arg8[%parallel_loop3A_633] {strides = array<i32>} : memref<4112xi32, #tpu.memory_space<vmem>>, vector<16xi32>,
      %parallel_loop3A_635 = arith.addi %parallel_loop3A_626, %parallel_loop3A_634 : vector<16xi32>
      %parallel_loop3A_636 = arith.constant 1028 : i32
      %parallel_loop3A_637 = arith.addi %parallel_loop3A_636, %parallel_loop3A_599 : i32
      %parallel_loop3A_638 = arith.index_cast %parallel_loop3A_637 : i32 to index
      %parallel_loop3A_639 = tpu.vector_load %arg8[%parallel_loop3A_638] {strides = array<i32>} : memref<4112xi32, #tpu.memory_space<vmem>>, vector<16xi32>,
      tpu.vector_store %arg8[%parallel_loop3A_638], %broadcast_in_dim3A_9 {strides = array<i32>} : memref<4112xi32, #tpu.memory_space<vmem>>, vector<16xi32>,
      %parallel_loop3A_640 = arith.constant 1285 : i32
      %parallel_loop3A_641 = arith.addi %parallel_loop3A_640, %parallel_loop3A_599 : i32
      %parallel_loop3A_642 = arith.index_cast %parallel_loop3A_641 : i32 to index
      %parallel_loop3A_643 = tpu.vector_load %arg8[%parallel_loop3A_642] {strides = array<i32>} : memref<4112xi32, #tpu.memory_space<vmem>>, vector<16xi32>,
      %parallel_loop3A_644 = arith.addi %parallel_loop3A_635, %parallel_loop3A_643 : vector<16xi32>
      %parallel_loop3A_645 = arith.constant 1285 : i32
      %parallel_loop3A_646 = arith.addi %parallel_loop3A_645, %parallel_loop3A_599 : i32
      %parallel_loop3A_647 = arith.index_cast %parallel_loop3A_646 : i32 to index
      %parallel_loop3A_648 = tpu.vector_load %arg8[%parallel_loop3A_647] {strides = array<i32>} : memref<4112xi32, #tpu.memory_space<vmem>>, vector<16xi32>,
      tpu.vector_store %arg8[%parallel_loop3A_647], %broadcast_in_dim3A_9 {strides = array<i32>} : memref<4112xi32, #tpu.memory_space<vmem>>, vector<16xi32>,
      %parallel_loop3A_649 = arith.constant 1542 : i32
      %parallel_loop3A_650 = arith.addi %parallel_loop3A_649, %parallel_loop3A_599 : i32
      %parallel_loop3A_651 = arith.index_cast %parallel_loop3A_650 : i32 to index
      %parallel_loop3A_652 = tpu.vector_load %arg8[%parallel_loop3A_651] {strides = array<i32>} : memref<4112xi32, #tpu.memory_space<vmem>>, vector<16xi32>,
      %parallel_loop3A_653 = arith.addi %parallel_loop3A_644, %parallel_loop3A_652 : vector<16xi32>
      %parallel_loop3A_654 = arith.constant 1542 : i32
      %parallel_loop3A_655 = arith.addi %parallel_loop3A_654, %parallel_loop3A_599 : i32
      %parallel_loop3A_656 = arith.index_cast %parallel_loop3A_655 : i32 to index
      %parallel_loop3A_657 = tpu.vector_load %arg8[%parallel_loop3A_656] {strides = array<i32>} : memref<4112xi32, #tpu.memory_space<vmem>>, vector<16xi32>,
      tpu.vector_store %arg8[%parallel_loop3A_656], %broadcast_in_dim3A_9 {strides = array<i32>} : memref<4112xi32, #tpu.memory_space<vmem>>, vector<16xi32>,
      %parallel_loop3A_658 = arith.constant 1799 : i32
      %parallel_loop3A_659 = arith.addi %parallel_loop3A_658, %parallel_loop3A_599 : i32
      %parallel_loop3A_660 = arith.index_cast %parallel_loop3A_659 : i32 to index
      %parallel_loop3A_661 = tpu.vector_load %arg8[%parallel_loop3A_660] {strides = array<i32>} : memref<4112xi32, #tpu.memory_space<vmem>>, vector<16xi32>,
      %parallel_loop3A_662 = arith.addi %parallel_loop3A_653, %parallel_loop3A_661 : vector<16xi32>
      %parallel_loop3A_663 = arith.constant 1799 : i32
      %parallel_loop3A_664 = arith.addi %parallel_loop3A_663, %parallel_loop3A_599 : i32
      %parallel_loop3A_665 = arith.index_cast %parallel_loop3A_664 : i32 to index
      %parallel_loop3A_666 = tpu.vector_load %arg8[%parallel_loop3A_665] {strides = array<i32>} : memref<4112xi32, #tpu.memory_space<vmem>>, vector<16xi32>,
      tpu.vector_store %arg8[%parallel_loop3A_665], %broadcast_in_dim3A_9 {strides = array<i32>} : memref<4112xi32, #tpu.memory_space<vmem>>, vector<16xi32>,
      %parallel_loop3A_667 = arith.constant 2056 : i32
      %parallel_loop3A_668 = arith.addi %parallel_loop3A_667, %parallel_loop3A_599 : i32
      %parallel_loop3A_669 = arith.index_cast %parallel_loop3A_668 : i32 to index
      %parallel_loop3A_670 = tpu.vector_load %arg8[%parallel_loop3A_669] {strides = array<i32>} : memref<4112xi32, #tpu.memory_space<vmem>>, vector<16xi32>,
      %parallel_loop3A_671 = arith.addi %parallel_loop3A_662, %parallel_loop3A_670 : vector<16xi32>
      %parallel_loop3A_672 = arith.constant 2056 : i32
      %parallel_loop3A_673 = arith.addi %parallel_loop3A_672, %parallel_loop3A_599 : i32
      %parallel_loop3A_674 = arith.index_cast %parallel_loop3A_673 : i32 to index
      %parallel_loop3A_675 = tpu.vector_load %arg8[%parallel_loop3A_674] {strides = array<i32>} : memref<4112xi32, #tpu.memory_space<vmem>>, vector<16xi32>,
      tpu.vector_store %arg8[%parallel_loop3A_674], %broadcast_in_dim3A_9 {strides = array<i32>} : memref<4112xi32, #tpu.memory_space<vmem>>, vector<16xi32>,
      %parallel_loop3A_676 = arith.constant 2313 : i32
      %parallel_loop3A_677 = arith.addi %parallel_loop3A_676, %parallel_loop3A_599 : i32
      %parallel_loop3A_678 = arith.index_cast %parallel_loop3A_677 : i32 to index
      %parallel_loop3A_679 = tpu.vector_load %arg8[%parallel_loop3A_678] {strides = array<i32>} : memref<4112xi32, #tpu.memory_space<vmem>>, vector<16xi32>,
      %parallel_loop3A_680 = arith.addi %parallel_loop3A_671, %parallel_loop3A_679 : vector<16xi32>
      %parallel_loop3A_681 = arith.constant 2313 : i32
      %parallel_loop3A_682 = arith.addi %parallel_loop3A_681, %parallel_loop3A_599 : i32
      %parallel_loop3A_683 = arith.index_cast %parallel_loop3A_682 : i32 to index
      %parallel_loop3A_684 = tpu.vector_load %arg8[%parallel_loop3A_683] {strides = array<i32>} : memref<4112xi32, #tpu.memory_space<vmem>>, vector<16xi32>,
      tpu.vector_store %arg8[%parallel_loop3A_683], %broadcast_in_dim3A_9 {strides = array<i32>} : memref<4112xi32, #tpu.memory_space<vmem>>, vector<16xi32>,
      %parallel_loop3A_685 = arith.constant 2570 : i32
      %parallel_loop3A_686 = arith.addi %parallel_loop3A_685, %parallel_loop3A_599 : i32
      %parallel_loop3A_687 = arith.index_cast %parallel_loop3A_686 : i32 to index
      %parallel_loop3A_688 = tpu.vector_load %arg8[%parallel_loop3A_687] {strides = array<i32>} : memref<4112xi32, #tpu.memory_space<vmem>>, vector<16xi32>,
      %parallel_loop3A_689 = arith.addi %parallel_loop3A_680, %parallel_loop3A_688 : vector<16xi32>
      %parallel_loop3A_690 = arith.constant 2570 : i32
      %parallel_loop3A_691 = arith.addi %parallel_loop3A_690, %parallel_loop3A_599 : i32
      %parallel_loop3A_692 = arith.index_cast %parallel_loop3A_691 : i32 to index
      %parallel_loop3A_693 = tpu.vector_load %arg8[%parallel_loop3A_692] {strides = array<i32>} : memref<4112xi32, #tpu.memory_space<vmem>>, vector<16xi32>,
      tpu.vector_store %arg8[%parallel_loop3A_692], %broadcast_in_dim3A_9 {strides = array<i32>} : memref<4112xi32, #tpu.memory_space<vmem>>, vector<16xi32>,
      %parallel_loop3A_694 = arith.constant 2827 : i32
      %parallel_loop3A_695 = arith.addi %parallel_loop3A_694, %parallel_loop3A_599 : i32
      %parallel_loop3A_696 = arith.index_cast %parallel_loop3A_695 : i32 to index
      %parallel_loop3A_697 = tpu.vector_load %arg8[%parallel_loop3A_696] {strides = array<i32>} : memref<4112xi32, #tpu.memory_space<vmem>>, vector<16xi32>,
      %parallel_loop3A_698 = arith.addi %parallel_loop3A_689, %parallel_loop3A_697 : vector<16xi32>
      %parallel_loop3A_699 = arith.constant 2827 : i32
      %parallel_loop3A_700 = arith.addi %parallel_loop3A_699, %parallel_loop3A_599 : i32
      %parallel_loop3A_701 = arith.index_cast %parallel_loop3A_700 : i32 to index
      %parallel_loop3A_702 = tpu.vector_load %arg8[%parallel_loop3A_701] {strides = array<i32>} : memref<4112xi32, #tpu.memory_space<vmem>>, vector<16xi32>,
      tpu.vector_store %arg8[%parallel_loop3A_701], %broadcast_in_dim3A_9 {strides = array<i32>} : memref<4112xi32, #tpu.memory_space<vmem>>, vector<16xi32>,
      %parallel_loop3A_703 = arith.constant 3084 : i32
      %parallel_loop3A_704 = arith.addi %parallel_loop3A_703, %parallel_loop3A_599 : i32
      %parallel_loop3A_705 = arith.index_cast %parallel_loop3A_704 : i32 to index
      %parallel_loop3A_706 = tpu.vector_load %arg8[%parallel_loop3A_705] {strides = array<i32>} : memref<4112xi32, #tpu.memory_space<vmem>>, vector<16xi32>,
      %parallel_loop3A_707 = arith.addi %parallel_loop3A_698, %parallel_loop3A_706 : vector<16xi32>
      %parallel_loop3A_708 = arith.constant 3084 : i32
      %parallel_loop3A_709 = arith.addi %parallel_loop3A_708, %parallel_loop3A_599 : i32
      %parallel_loop3A_710 = arith.index_cast %parallel_loop3A_709 : i32 to index
      %parallel_loop3A_711 = tpu.vector_load %arg8[%parallel_loop3A_710] {strides = array<i32>} : memref<4112xi32, #tpu.memory_space<vmem>>, vector<16xi32>,
      tpu.vector_store %arg8[%parallel_loop3A_710], %broadcast_in_dim3A_9 {strides = array<i32>} : memref<4112xi32, #tpu.memory_space<vmem>>, vector<16xi32>,
      %parallel_loop3A_712 = arith.constant 3341 : i32
      %parallel_loop3A_713 = arith.addi %parallel_loop3A_712, %parallel_loop3A_599 : i32
      %parallel_loop3A_714 = arith.index_cast %parallel_loop3A_713 : i32 to index
      %parallel_loop3A_715 = tpu.vector_load %arg8[%parallel_loop3A_714] {strides = array<i32>} : memref<4112xi32, #tpu.memory_space<vmem>>, vector<16xi32>,
      %parallel_loop3A_716 = arith.addi %parallel_loop3A_707, %parallel_loop3A_715 : vector<16xi32>
      %parallel_loop3A_717 = arith.constant 3341 : i32
      %parallel_loop3A_718 = arith.addi %parallel_loop3A_717, %parallel_loop3A_599 : i32
      %parallel_loop3A_719 = arith.index_cast %parallel_loop3A_718 : i32 to index
      %parallel_loop3A_720 = tpu.vector_load %arg8[%parallel_loop3A_719] {strides = array<i32>} : memref<4112xi32, #tpu.memory_space<vmem>>, vector<16xi32>,
      tpu.vector_store %arg8[%parallel_loop3A_719], %broadcast_in_dim3A_9 {strides = array<i32>} : memref<4112xi32, #tpu.memory_space<vmem>>, vector<16xi32>,
      %parallel_loop3A_721 = arith.constant 3598 : i32
      %parallel_loop3A_722 = arith.addi %parallel_loop3A_721, %parallel_loop3A_599 : i32
      %parallel_loop3A_723 = arith.index_cast %parallel_loop3A_722 : i32 to index
      %parallel_loop3A_724 = tpu.vector_load %arg8[%parallel_loop3A_723] {strides = array<i32>} : memref<4112xi32, #tpu.memory_space<vmem>>, vector<16xi32>,
      %parallel_loop3A_725 = arith.addi %parallel_loop3A_716, %parallel_loop3A_724 : vector<16xi32>
      %parallel_loop3A_726 = arith.constant 3598 : i32
      %parallel_loop3A_727 = arith.addi %parallel_loop3A_726, %parallel_loop3A_599 : i32
      %parallel_loop3A_728 = arith.index_cast %parallel_loop3A_727 : i32 to index
      %parallel_loop3A_729 = tpu.vector_load %arg8[%parallel_loop3A_728] {strides = array<i32>} : memref<4112xi32, #tpu.memory_space<vmem>>, vector<16xi32>,
      tpu.vector_store %arg8[%parallel_loop3A_728], %broadcast_in_dim3A_9 {strides = array<i32>} : memref<4112xi32, #tpu.memory_space<vmem>>, vector<16xi32>,
      %parallel_loop3A_730 = arith.constant 3855 : i32
      %parallel_loop3A_731 = arith.addi %parallel_loop3A_730, %parallel_loop3A_599 : i32
      %parallel_loop3A_732 = arith.index_cast %parallel_loop3A_731 : i32 to index
      %parallel_loop3A_733 = tpu.vector_load %arg8[%parallel_loop3A_732] {strides = array<i32>} : memref<4112xi32, #tpu.memory_space<vmem>>, vector<16xi32>,
      %parallel_loop3A_734 = arith.addi %parallel_loop3A_725, %parallel_loop3A_733 : vector<16xi32>
      %parallel_loop3A_735 = arith.constant 3855 : i32
      %parallel_loop3A_736 = arith.addi %parallel_loop3A_735, %parallel_loop3A_599 : i32
      %parallel_loop3A_737 = arith.index_cast %parallel_loop3A_736 : i32 to index
      %parallel_loop3A_738 = tpu.vector_load %arg8[%parallel_loop3A_737] {strides = array<i32>} : memref<4112xi32, #tpu.memory_space<vmem>>, vector<16xi32>,
      tpu.vector_store %arg8[%parallel_loop3A_737], %broadcast_in_dim3A_9 {strides = array<i32>} : memref<4112xi32, #tpu.memory_space<vmem>>, vector<16xi32>,
      %parallel_loop3A_739 = arith.index_cast %parallel_loop3A_599 : i32 to index
      %parallel_loop3A_740 = tpu.vector_load %arg9[%parallel_loop3A_739] {strides = array<i32>} : memref<256xi32, #tpu.memory_space<vmem>>, vector<16xi32>,
      tpu.vector_store %arg9[%parallel_loop3A_739], %parallel_loop3A_734 {strides = array<i32>} : memref<256xi32, #tpu.memory_space<vmem>>, vector<16xi32>,
    } {sc.loop_unroll_factor = 1 : i64, sc.parallel_access}
    %scan3A_86 = arith.constant 0 : i32
    %scan3A_87 = arith.constant 16 : i32
    %scan3A_88 = arith.addi %scan3A_86, %scan3A_87 : i32
    %scan3A_89 = arith.constant 1 : i32
    %scan3A_90:3 = scf.for %scan3A_599 = %scan3A_86 to %scan3A_88 step %scan3A_89 iter_args(%scan3A_600 = %broadcast_in_dim3A_9, %scan3A_601 = %broadcast_in_dim3A_9, %scan3A_602 = %broadcast_in_dim3A_9) -> (vector<16xi32>, vector<16xi32>, vector<16xi32>)  : i32 {
      %sub3A_603 = arith.constant 15 : i32
      %sub3A_604 = arith.subi %sub3A_603, %scan3A_599 : i32
      %mul3A_605 = arith.constant 16 : i32
      %mul3A_606 = arith.muli %sub3A_604, %mul3A_605 : i32
      %get3A = arith.index_cast %mul3A_606 : i32 to index
      %get3A_607 = tpu.vector_load %arg9[%get3A] {strides = array<i32>} : memref<256xi32, #tpu.memory_space<vmem>>, vector<16xi32>,
      %rev3A = arith.constant 15 : i32
      %rev3A_608 = vector.broadcast %rev3A : i32 to vector<16xi32>
      %rev3A_609 = tpu.iota {dimensions = array<i32: 0>} : vector<16xi32>
      %rev3A_610 = arith.subi %rev3A_608, %rev3A_609 : vector<16xi32>
      %rev3A_611 = tpu.dynamic_gather %get3A_607[%rev3A_610] in [0] : vector<16xi32>, vector<16xi32> -> vector<16xi32>
      %broadcast_in_dim3A_612 = arith.constant true
      %broadcast_in_dim3A_613 = vector.broadcast %broadcast_in_dim3A_612 : i1 to vector<16xi1>
      %masked_cumsum3A = tpu.scan <sum>, %rev3A_611 masked %broadcast_in_dim3A_613 : vector<16xi32>, vector<16xi1> -> vector<16xi32>
      %add3A_614 = arith.addi %masked_cumsum3A, %scan3A_600 : vector<16xi32>
      %ge3A = arith.cmpi sge, %add3A_614, %sub3A_69 : vector<16xi32>
      %all_reduce_population_count3A = tpu.all_reduce %ge3A {dim = 0 : i64, kind = #tpu.reduction_kind<sum>} : vector<16xi1> -> vector<16xi32>
      %add3A_615 = arith.addi %scan3A_601, %all_reduce_population_count3A : vector<16xi32>
      %select_n3A_616 = arith.select %ge3A, %broadcast_in_dim3A_9, %rev3A_611 : vector<16xi1>, vector<16xi32>
      %add3A_617 = arith.addi %scan3A_602, %select_n3A_616 : vector<16xi32>
      %rev3A_618 = arith.constant 15 : i32
      %rev3A_619 = vector.broadcast %rev3A_618 : i32 to vector<16xi32>
      %rev3A_620 = tpu.iota {dimensions = array<i32: 0>} : vector<16xi32>
      %rev3A_621 = arith.subi %rev3A_619, %rev3A_620 : vector<16xi32>
      %rev3A_622 = tpu.dynamic_gather %add3A_614[%rev3A_621] in [0] : vector<16xi32>, vector<16xi32> -> vector<16xi32>
      %slice3A = vector.extract_strided_slice %rev3A_622 {offsets = [0], sizes = [1], strides = [1]} : vector<16xi32> to vector<1xi32>
      %squeeze3A = vector.extract %slice3A[0] : i32 from vector<1xi32>
      %broadcast_in_dim3A_623 = vector.broadcast %squeeze3A : i32 to vector<16xi32>
      scf.yield %broadcast_in_dim3A_623, %add3A_615, %add3A_617 : vector<16xi32>, vector<16xi32>, vector<16xi32>
    }
    %scan3A_91 = arith.constant 16 : i32
    %reduce_max3A_92 = arith.constant true
    %reduce_max3A_93 = vector.broadcast %reduce_max3A_92 : i1 to vector<16xi1>
    %reduce_max3A_94 = arith.constant -2147483648 : i32
    %reduce_max3A_95 = vector.broadcast %reduce_max3A_94 : i32 to vector<16xi32>
    %reduce_max3A_96 = arith.xori %scan3A_90#1, %reduce_max3A_95 : vector<16xi32>
    %reduce_max3A_97 = tpu.scan <max>, %reduce_max3A_96 masked %reduce_max3A_93 : vector<16xi32>, vector<16xi1> -> vector<16xi32>
    %reduce_max3A_98 = arith.xori %reduce_max3A_97, %reduce_max3A_95 : vector<16xi32>
    %reduce_max3A_99 = vector.extract %reduce_max3A_98[15] : i32 from vector<16xi32>
    %sub3A_100 = arith.constant 1 : i32
    %sub3A_101 = arith.subi %reduce_max3A_99, %sub3A_100 : i32
    %reduce_sum3A_102 = arith.constant true
    %reduce_sum3A_103 = vector.broadcast %reduce_sum3A_102 : i1 to vector<16xi1>
    %reduce_sum3A_104 = tpu.scan <sum>, %scan3A_90#2 masked %reduce_sum3A_103 : vector<16xi32>, vector<16xi1> -> vector<16xi32>
    %reduce_sum3A_105 = vector.extract %reduce_sum3A_104[15] : i32 from vector<16xi32>
    %broadcast_in_dim3A_106 = vector.broadcast %reduce_sum3A_105 : i32 to vector<16xi32>
    %sub3A_107 = arith.subi %sub3A_69, %broadcast_in_dim3A_106 : vector<16xi32>
    %bitcast_convert_type3A_108 = arith.bitcast %sub3A_64 : i32 to i32
    %shift_left3A = arith.constant 8 : i32
    %shift_left3A_109 = arith.shli %bitcast_convert_type3A_108, %shift_left3A : i32
    %bitcast_convert_type3A_110 = arith.bitcast %sub3A_101 : i32 to i32
    %or3A = arith.ori %shift_left3A_109, %bitcast_convert_type3A_110 : i32
    %broadcast_in_dim3A_111 = vector.broadcast %or3A : i32 to vector<16xi32>
    %parallel_loop3A_112 = arith.constant 0 : i32
    %parallel_loop3A_113 = arith.constant 1 : i32
    %parallel_loop3A_114 = scf.for %parallel_loop3A_599 = %parallel_loop3A_112 to %reduce_max3A_82 step %parallel_loop3A_113 iter_args(%parallel_loop3A_600 = %broadcast_in_dim3A_9) -> (vector<16xi32>)  : i32 {
      %parallel_loop3A_601 = arith.constant 16 : i32
      %parallel_loop3A_602 = arith.muli %parallel_loop3A_599, %parallel_loop3A_601 : i32
      %parallel_loop3A_603 = arith.index_cast %parallel_loop3A_602 : i32 to index
      %parallel_loop3A_604 = tpu.vector_load %arg10[%parallel_loop3A_603] {strides = array<i32>} : memref<32768xf32, #tpu.memory_space<vmem>>, vector<16xf32>,
      %parallel_loop3A_605 = tpu.bitcast %parallel_loop3A_604 : vector<16xf32> -> vector<16xi32>
      %parallel_loop3A_606 = vector.broadcast %parallel_loop3A_599 : i32 to vector<16xi32>
      %parallel_loop3A_607 = arith.cmpi sgt, %parallel_loop3A_74, %parallel_loop3A_606 : vector<16xi32>
      %parallel_loop3A_608 = arith.constant 14 : i32
      %parallel_loop3A_609 = vector.broadcast %parallel_loop3A_608 : i32 to vector<16xi32>
      %parallel_loop3A_610 = arith.shrui %parallel_loop3A_605, %parallel_loop3A_609 : vector<16xi32>
      %parallel_loop3A_611 = arith.cmpi eq, %parallel_loop3A_610, %broadcast_in_dim3A_111 : vector<16xi32>
      %parallel_loop3A_612 = arith.andi %parallel_loop3A_607, %parallel_loop3A_611 : vector<16xi1>
      %parallel_loop3A_613 = arith.constant 511 : i32
      %parallel_loop3A_614 = vector.broadcast %parallel_loop3A_613 : i32 to vector<16xi32>
      %parallel_loop3A_615 = arith.minsi %parallel_loop3A_600, %parallel_loop3A_614 : vector<16xi32>
      %parallel_loop3A_616 = arith.constant 4 : i32
      %parallel_loop3A_617 = vector.broadcast %parallel_loop3A_616 : i32 to vector<16xi32>
      %parallel_loop3A_618 = arith.shli %parallel_loop3A_615, %parallel_loop3A_617 : vector<16xi32>
      %parallel_loop3A_619 = arith.addi %parallel_loop3A_618, %iota3A : vector<16xi32>
      %parallel_loop3A_620 = tpu.bitcast %parallel_loop3A_605 : vector<16xi32> -> vector<16xf32>
      tpu.vector_store_idx %arg11[%parallel_loop3A_619], %parallel_loop3A_620 masked %parallel_loop3A_612 : memref<8192xf32, #tpu.memory_space<vmem>>[vector<16xi32>], vector<16xf32>, vector<16xi1>
      %parallel_loop3A_621 = arith.select %parallel_loop3A_612, %broadcast_in_dim3A_11, %broadcast_in_dim3A_9 : vector<16xi1>, vector<16xi32>
      %parallel_loop3A_622 = arith.addi %parallel_loop3A_600, %parallel_loop3A_621 : vector<16xi32>
      scf.yield %parallel_loop3A_622 : vector<16xi32>
    } {sc.loop_unroll_factor = 4 : i64, sc.parallel_access}
    %reduce_max3A_115 = arith.constant true
    %reduce_max3A_116 = vector.broadcast %reduce_max3A_115 : i1 to vector<16xi1>
    %reduce_max3A_117 = arith.constant -2147483648 : i32
    %reduce_max3A_118 = vector.broadcast %reduce_max3A_117 : i32 to vector<16xi32>
    %reduce_max3A_119 = arith.xori %parallel_loop3A_114, %reduce_max3A_118 : vector<16xi32>
    %reduce_max3A_120 = tpu.scan <max>, %reduce_max3A_119 masked %reduce_max3A_116 : vector<16xi32>, vector<16xi1> -> vector<16xi32>
    %reduce_max3A_121 = arith.xori %reduce_max3A_120, %reduce_max3A_118 : vector<16xi32>
    %reduce_max3A_122 = vector.extract %reduce_max3A_121[15] : i32 from vector<16xi32>
    %min3A = arith.constant 512 : i32
    %min3A_123 = arith.minsi %reduce_max3A_122, %min3A : i32
    %bitcast_convert_type3A_124 = arith.bitcast %sub3A_64 : i32 to i32
    %shift_left3A_125 = arith.constant 22 : i32
    %shift_left3A_126 = arith.shli %bitcast_convert_type3A_124, %shift_left3A_125 : i32
    %bitcast_convert_type3A_127 = arith.bitcast %sub3A_101 : i32 to i32
    %shift_left3A_128 = arith.constant 14 : i32
    %shift_left3A_129 = arith.shli %bitcast_convert_type3A_127, %shift_left3A_128 : i32
    %or3A_130 = arith.ori %shift_left3A_126, %shift_left3A_129 : i32
    %broadcast_in_dim3A_131 = vector.broadcast %or3A_130 : i32 to vector<16xi32>
    %scan3A_132 = arith.constant 0 : i32
    %scan3A_133 = arith.constant 14 : i32
    %scan3A_134 = arith.addi %scan3A_132, %scan3A_133 : i32
    %scan3A_135 = arith.constant 1 : i32
    %scan3A_136 = scf.for %scan3A_599 = %scan3A_132 to %scan3A_134 step %scan3A_135 iter_args(%scan3A_600 = %broadcast_in_dim3A_131) -> (vector<16xi32>)  : i32 {
      %sub3A_601 = arith.constant 13 : i32
      %sub3A_602 = arith.subi %sub3A_601, %scan3A_599 : i32
      %shift_left3A_603 = arith.constant 1 : i32
      %shift_left3A_604 = arith.shli %shift_left3A_603, %sub3A_602 : i32
      %or3A_605 = vector.broadcast %shift_left3A_604 : i32 to vector<16xi32>
      %or3A_606 = arith.ori %scan3A_600, %or3A_605 : vector<16xi32>
      %parallel_loop3A_607 = arith.constant 0 : i32
      %parallel_loop3A_608 = arith.constant 1 : i32
      %parallel_loop3A_609 = scf.for %parallel_loop3A_611 = %parallel_loop3A_607 to %min3A_123 step %parallel_loop3A_608 iter_args(%parallel_loop3A_612 = %broadcast_in_dim3A_9) -> (vector<16xi32>)  : i32 {
        %parallel_loop3A_613 = arith.constant 16 : i32
        %parallel_loop3A_614 = arith.muli %parallel_loop3A_611, %parallel_loop3A_613 : i32
        %parallel_loop3A_615 = arith.index_cast %parallel_loop3A_614 : i32 to index
        %parallel_loop3A_616 = tpu.vector_load %arg11[%parallel_loop3A_615] {strides = array<i32>} : memref<8192xf32, #tpu.memory_space<vmem>>, vector<16xf32>,
        %parallel_loop3A_617 = tpu.bitcast %parallel_loop3A_616 : vector<16xf32> -> vector<16xi32>
        %parallel_loop3A_618 = vector.broadcast %parallel_loop3A_611 : i32 to vector<16xi32>
        %parallel_loop3A_619 = arith.cmpi sgt, %parallel_loop3A_114, %parallel_loop3A_618 : vector<16xi32>
        %parallel_loop3A_620 = arith.cmpi uge, %parallel_loop3A_617, %or3A_606 : vector<16xi32>
        %parallel_loop3A_621 = arith.andi %parallel_loop3A_620, %parallel_loop3A_619 : vector<16xi1>
        %parallel_loop3A_622 = tpu.all_reduce %parallel_loop3A_621 {dim = 0 : i64, kind = #tpu.reduction_kind<sum>} : vector<16xi1> -> vector<16xi32>
        %parallel_loop3A_623 = arith.addi %parallel_loop3A_612, %parallel_loop3A_622 : vector<16xi32>
        scf.yield %parallel_loop3A_623 : vector<16xi32>
      } {sc.loop_unroll_factor = 2 : i64, sc.parallel_access}
      %ge3A = arith.cmpi sge, %parallel_loop3A_609, %sub3A_107 : vector<16xi32>
      %select_n3A_610 = arith.select %ge3A, %or3A_606, %scan3A_600 : vector<16xi1>, vector<16xi32>
      scf.yield %select_n3A_610 : vector<16xi32>
    }
    %scan3A_137 = arith.constant 14 : i32
    %bitcast_convert_type3A_138 = tpu.bitcast %scan3A_136 : vector<16xi32> -> vector<16xi32>
    %lt3A = arith.constant 0 : i32
    %lt3A_139 = vector.broadcast %lt3A : i32 to vector<16xi32>
    %lt3A_140 = arith.cmpi slt, %bitcast_convert_type3A_138, %lt3A_139 : vector<16xi32>
    %xor3A = arith.constant -2147483648 : i32
    %xor3A_141 = vector.broadcast %xor3A : i32 to vector<16xi32>
    %xor3A_142 = arith.xori %bitcast_convert_type3A_138, %xor3A_141 : vector<16xi32>
    %not3A = arith.constant dense<-1> : vector<16xi32>
    %not3A_143 = arith.xori %bitcast_convert_type3A_138, %not3A : vector<16xi32>
    %select_n3A = arith.select %lt3A_140, %xor3A_142, %not3A_143 : vector<16xi1>, vector<16xi32>
    %bitcast_convert_type3A_144 = tpu.bitcast %select_n3A : vector<16xi32> -> vector<16xf32>
    %parallel_loop3A_145 = arith.constant 0 : i32
    %parallel_loop3A_146 = arith.constant 32768 : i32
    %parallel_loop3A_147 = arith.constant 16 : i32
    scf.for %parallel_loop3A_599 = %parallel_loop3A_145 to %parallel_loop3A_146 step %parallel_loop3A_147  : i32 {
      %parallel_loop3A_600 = arith.index_cast %parallel_loop3A_599 : i32 to index
      %parallel_loop3A_601 = tpu.vector_load %arg4[%parallel_loop3A_600] {strides = array<i32>} : memref<32768xf32, #tpu.memory_space<vmem>>, vector<16xf32>,
      %parallel_loop3A_602 = arith.cmpf oge, %parallel_loop3A_601, %bitcast_convert_type3A_144 : vector<16xf32>
      %parallel_loop3A_603 = arith.constant 0.000000e+00 : f32
      %parallel_loop3A_604 = vector.broadcast %parallel_loop3A_603 : f32 to vector<16xf32>
      %parallel_loop3A_605 = arith.select %parallel_loop3A_602, %parallel_loop3A_601, %parallel_loop3A_604 : vector<16xi1>, vector<16xf32>
      %parallel_loop3A_606 = arith.index_cast %parallel_loop3A_599 : i32 to index
      %parallel_loop3A_607 = tpu.vector_load %arg10[%parallel_loop3A_606] {strides = array<i32>} : memref<32768xf32, #tpu.memory_space<vmem>>, vector<16xf32>,
      tpu.vector_store %arg10[%parallel_loop3A_606], %parallel_loop3A_605 {strides = array<i32>} : memref<32768xf32, #tpu.memory_space<vmem>>, vector<16xf32>,
    } {sc.loop_unroll_factor = 8 : i64, sc.parallel_access}
    %add3A_148 = arith.constant 0 : i32
    %add3A_149 = arith.addi %mul3A_2, %add3A_148 : i32
    %dma_start3A_150 = arith.constant 0 : i32
    %dma_start3A_151 = tpu.memref_slice %arg3[%add3A_149, %dma_start3A_150] : memref<128x32768xf32, #tpu.memory_space<hbm>> -> memref<1x32768xf32, #tpu.memory_space<hbm>>
    %dma_start3A_152 = tpu.memref_squeeze %dma_start3A_151 : memref<1x32768xf32, #tpu.memory_space<hbm>> -> memref<32768xf32, #tpu.memory_space<hbm>>
    %dma_start3A_153 = arith.constant 0 : i32
    %dma_start3A_154 = tpu.memref_slice %arg3[%add3A_149, %dma_start3A_153] : memref<128x32768xf32, #tpu.memory_space<hbm>> -> memref<1x32768xf32, #tpu.memory_space<hbm>>
    %dma_start3A_155 = tpu.memref_squeeze %dma_start3A_154 : memref<1x32768xf32, #tpu.memory_space<hbm>> -> memref<32768xf32, #tpu.memory_space<hbm>>
    tpu.enqueue_dma source(%arg10 : memref<32768xf32, #tpu.memory_space<vmem>>) target(%dma_start3A_155 : memref<32768xf32, #tpu.memory_space<hbm>>) target_semaphore(%arg13 : memref<!tpu.dma_semaphore, #tpu.memory_space<semaphore_mem>>)
    %add3A_156 = arith.constant 0 : i32
    %add3A_157 = arith.addi %mul3A_2, %add3A_156 : i32
    %add3A_158 = arith.constant 2 : i32
    %add3A_159 = arith.addi %add3A_157, %add3A_158 : i32
    %dma_start3A_160 = arith.constant 0 : i32
    %dma_start3A_161 = arith.constant 0 : i32
    %dma_start3A_162 = tpu.memref_slice %arg2[%add3A_159, %dma_start3A_161] : memref<128x32768xf32, #tpu.memory_space<hbm>> -> memref<1x32768xf32, #tpu.memory_space<hbm>>
    %dma_start3A_163 = tpu.memref_squeeze %dma_start3A_162 : memref<1x32768xf32, #tpu.memory_space<hbm>> -> memref<32768xf32, #tpu.memory_space<hbm>>
    %dma_start3A_164 = tpu.memref_slice %arg12[%dma_start3A_160] : memref<2x!tpu.dma_semaphore, #tpu.memory_space<semaphore_mem>> -> memref<1x!tpu.dma_semaphore, #tpu.memory_space<semaphore_mem>>
    %dma_start3A_165 = tpu.memref_squeeze %dma_start3A_164 : memref<1x!tpu.dma_semaphore, #tpu.memory_space<semaphore_mem>> -> memref<!tpu.dma_semaphore, #tpu.memory_space<semaphore_mem>>
    %dma_start3A_166 = arith.constant 0 : i32
    %dma_start3A_167 = tpu.memref_slice %arg2[%add3A_159, %dma_start3A_166] : memref<128x32768xf32, #tpu.memory_space<hbm>> -> memref<1x32768xf32, #tpu.memory_space<hbm>>
    %dma_start3A_168 = tpu.memref_squeeze %dma_start3A_167 : memref<1x32768xf32, #tpu.memory_space<hbm>> -> memref<32768xf32, #tpu.memory_space<hbm>>
    tpu.enqueue_dma source(%dma_start3A_168 : memref<32768xf32, #tpu.memory_space<hbm>>) target(%arg4 : memref<32768xf32, #tpu.memory_space<vmem>>) target_semaphore(%dma_start3A_165 : memref<!tpu.dma_semaphore, #tpu.memory_space<semaphore_mem>>)
    %dma_wait3A_169 = arith.constant 1 : i32
    %dma_wait3A_170 = arith.constant 0 : i32
    %dma_wait3A_171 = tpu.memref_slice %arg2[%add3A_23, %dma_wait3A_170] : memref<128x32768xf32, #tpu.memory_space<hbm>> -> memref<1x32768xf32, #tpu.memory_space<hbm>>
    %dma_wait3A_172 = tpu.memref_squeeze %dma_wait3A_171 : memref<1x32768xf32, #tpu.memory_space<hbm>> -> memref<32768xf32, #tpu.memory_space<hbm>>
    %dma_wait3A_173 = tpu.memref_slice %arg12[%dma_wait3A_169] : memref<2x!tpu.dma_semaphore, #tpu.memory_space<semaphore_mem>> -> memref<1x!tpu.dma_semaphore, #tpu.memory_space<semaphore_mem>>
    %dma_wait3A_174 = tpu.memref_squeeze %dma_wait3A_173 : memref<1x!tpu.dma_semaphore, #tpu.memory_space<semaphore_mem>> -> memref<!tpu.dma_semaphore, #tpu.memory_space<semaphore_mem>>
    %dma_wait3A_175 = arith.constant 0 : i32
    %dma_wait3A_176 = tpu.memref_slice %arg2[%add3A_23, %dma_wait3A_175] : memref<128x32768xf32, #tpu.memory_space<hbm>> -> memref<1x32768xf32, #tpu.memory_space<hbm>>
    %dma_wait3A_177 = tpu.memref_squeeze %dma_wait3A_176 : memref<1x32768xf32, #tpu.memory_space<hbm>> -> memref<32768xf32, #tpu.memory_space<hbm>>
    tpu.wait_dma2 semaphore(%dma_wait3A_174 : memref<!tpu.dma_semaphore, #tpu.memory_space<semaphore_mem>>) src(%dma_wait3A_177 : memref<32768xf32, #tpu.memory_space<hbm>>) dst(%arg5 : memref<32768xf32, #tpu.memory_space<vmem>>)
    %parallel_loop3A_178 = arith.constant 0 : i32
    %parallel_loop3A_179 = arith.constant 32768 : i32
    %parallel_loop3A_180 = arith.constant 16 : i32
    scf.for %parallel_loop3A_599 = %parallel_loop3A_178 to %parallel_loop3A_179 step %parallel_loop3A_180  : i32 {
      %parallel_loop3A_600 = arith.index_cast %parallel_loop3A_599 : i32 to index
      %parallel_loop3A_601 = tpu.vector_load %arg5[%parallel_loop3A_600] {strides = array<i32>} : memref<32768xf32, #tpu.memory_space<vmem>>, vector<16xf32>,
      %parallel_loop3A_602 = tpu.bitcast %parallel_loop3A_601 : vector<16xf32> -> vector<16xi32>
      %parallel_loop3A_603 = tpu.bitcast %parallel_loop3A_602 : vector<16xi32> -> vector<16xi32>
      %parallel_loop3A_604 = arith.constant 31 : i32
      %parallel_loop3A_605 = vector.broadcast %parallel_loop3A_604 : i32 to vector<16xi32>
      %parallel_loop3A_606 = arith.shrsi %parallel_loop3A_603, %parallel_loop3A_605 : vector<16xi32>
      %parallel_loop3A_607 = tpu.bitcast %parallel_loop3A_606 : vector<16xi32> -> vector<16xi32>
      %parallel_loop3A_608 = arith.constant -2147483648 : i32
      %parallel_loop3A_609 = vector.broadcast %parallel_loop3A_608 : i32 to vector<16xi32>
      %parallel_loop3A_610 = arith.ori %parallel_loop3A_607, %parallel_loop3A_609 : vector<16xi32>
      %parallel_loop3A_611 = arith.xori %parallel_loop3A_602, %parallel_loop3A_610 : vector<16xi32>
      %parallel_loop3A_612 = arith.constant 22 : i32
      %parallel_loop3A_613 = vector.broadcast %parallel_loop3A_612 : i32 to vector<16xi32>
      %parallel_loop3A_614 = arith.shrui %parallel_loop3A_611, %parallel_loop3A_613 : vector<16xi32>
      %parallel_loop3A_615 = tpu.bitcast %parallel_loop3A_614 : vector<16xi32> -> vector<16xi32>
      %parallel_loop3A_616 = arith.addi %parallel_loop3A_615, %mul3A_5 : vector<16xi32>
      tpu.vector_store_idx %arg6[%parallel_loop3A_616], %broadcast_in_dim3A_11 {add = true} : memref<16400xi32, #tpu.memory_space<vmem>>[vector<16xi32>], vector<16xi32>,
    } {sc.loop_unroll_factor = 8 : i64, sc.parallel_access}
    %parallel_loop3A_181 = arith.constant 0 : i32
    %parallel_loop3A_182 = arith.constant 1024 : i32
    %parallel_loop3A_183 = arith.constant 16 : i32
    scf.for %parallel_loop3A_599 = %parallel_loop3A_181 to %parallel_loop3A_182 step %parallel_loop3A_183  : i32 {
      %parallel_loop3A_600 = arith.index_cast %parallel_loop3A_599 : i32 to index
      %parallel_loop3A_601 = tpu.vector_load %arg6[%parallel_loop3A_600] {strides = array<i32>} : memref<16400xi32, #tpu.memory_space<vmem>>, vector<16xi32>,
      %parallel_loop3A_602 = arith.index_cast %parallel_loop3A_599 : i32 to index
      %parallel_loop3A_603 = tpu.vector_load %arg6[%parallel_loop3A_602] {strides = array<i32>} : memref<16400xi32, #tpu.memory_space<vmem>>, vector<16xi32>,
      tpu.vector_store %arg6[%parallel_loop3A_602], %broadcast_in_dim3A_9 {strides = array<i32>} : memref<16400xi32, #tpu.memory_space<vmem>>, vector<16xi32>,
      %parallel_loop3A_604 = arith.constant 1025 : i32
      %parallel_loop3A_605 = arith.addi %parallel_loop3A_604, %parallel_loop3A_599 : i32
      %parallel_loop3A_606 = arith.index_cast %parallel_loop3A_605 : i32 to index
      %parallel_loop3A_607 = tpu.vector_load %arg6[%parallel_loop3A_606] {strides = array<i32>} : memref<16400xi32, #tpu.memory_space<vmem>>, vector<16xi32>,
      %parallel_loop3A_608 = arith.addi %parallel_loop3A_601, %parallel_loop3A_607 : vector<16xi32>
      %parallel_loop3A_609 = arith.constant 1025 : i32
      %parallel_loop3A_610 = arith.addi %parallel_loop3A_609, %parallel_loop3A_599 : i32
      %parallel_loop3A_611 = arith.index_cast %parallel_loop3A_610 : i32 to index
      %parallel_loop3A_612 = tpu.vector_load %arg6[%parallel_loop3A_611] {strides = array<i32>} : memref<16400xi32, #tpu.memory_space<vmem>>, vector<16xi32>,
      tpu.vector_store %arg6[%parallel_loop3A_611], %broadcast_in_dim3A_9 {strides = array<i32>} : memref<16400xi32, #tpu.memory_space<vmem>>, vector<16xi32>,
      %parallel_loop3A_613 = arith.constant 2050 : i32
      %parallel_loop3A_614 = arith.addi %parallel_loop3A_613, %parallel_loop3A_599 : i32
      %parallel_loop3A_615 = arith.index_cast %parallel_loop3A_614 : i32 to index
      %parallel_loop3A_616 = tpu.vector_load %arg6[%parallel_loop3A_615] {strides = array<i32>} : memref<16400xi32, #tpu.memory_space<vmem>>, vector<16xi32>,
      %parallel_loop3A_617 = arith.addi %parallel_loop3A_608, %parallel_loop3A_616 : vector<16xi32>
      %parallel_loop3A_618 = arith.constant 2050 : i32
      %parallel_loop3A_619 = arith.addi %parallel_loop3A_618, %parallel_loop3A_599 : i32
      %parallel_loop3A_620 = arith.index_cast %parallel_loop3A_619 : i32 to index
      %parallel_loop3A_621 = tpu.vector_load %arg6[%parallel_loop3A_620] {strides = array<i32>} : memref<16400xi32, #tpu.memory_space<vmem>>, vector<16xi32>,
      tpu.vector_store %arg6[%parallel_loop3A_620], %broadcast_in_dim3A_9 {strides = array<i32>} : memref<16400xi32, #tpu.memory_space<vmem>>, vector<16xi32>,
      %parallel_loop3A_622 = arith.constant 3075 : i32
      %parallel_loop3A_623 = arith.addi %parallel_loop3A_622, %parallel_loop3A_599 : i32
      %parallel_loop3A_624 = arith.index_cast %parallel_loop3A_623 : i32 to index
      %parallel_loop3A_625 = tpu.vector_load %arg6[%parallel_loop3A_624] {strides = array<i32>} : memref<16400xi32, #tpu.memory_space<vmem>>, vector<16xi32>,
      %parallel_loop3A_626 = arith.addi %parallel_loop3A_617, %parallel_loop3A_625 : vector<16xi32>
      %parallel_loop3A_627 = arith.constant 3075 : i32
      %parallel_loop3A_628 = arith.addi %parallel_loop3A_627, %parallel_loop3A_599 : i32
      %parallel_loop3A_629 = arith.index_cast %parallel_loop3A_628 : i32 to index
      %parallel_loop3A_630 = tpu.vector_load %arg6[%parallel_loop3A_629] {strides = array<i32>} : memref<16400xi32, #tpu.memory_space<vmem>>, vector<16xi32>,
      tpu.vector_store %arg6[%parallel_loop3A_629], %broadcast_in_dim3A_9 {strides = array<i32>} : memref<16400xi32, #tpu.memory_space<vmem>>, vector<16xi32>,
      %parallel_loop3A_631 = arith.constant 4100 : i32
      %parallel_loop3A_632 = arith.addi %parallel_loop3A_631, %parallel_loop3A_599 : i32
      %parallel_loop3A_633 = arith.index_cast %parallel_loop3A_632 : i32 to index
      %parallel_loop3A_634 = tpu.vector_load %arg6[%parallel_loop3A_633] {strides = array<i32>} : memref<16400xi32, #tpu.memory_space<vmem>>, vector<16xi32>,
      %parallel_loop3A_635 = arith.addi %parallel_loop3A_626, %parallel_loop3A_634 : vector<16xi32>
      %parallel_loop3A_636 = arith.constant 4100 : i32
      %parallel_loop3A_637 = arith.addi %parallel_loop3A_636, %parallel_loop3A_599 : i32
      %parallel_loop3A_638 = arith.index_cast %parallel_loop3A_637 : i32 to index
      %parallel_loop3A_639 = tpu.vector_load %arg6[%parallel_loop3A_638] {strides = array<i32>} : memref<16400xi32, #tpu.memory_space<vmem>>, vector<16xi32>,
      tpu.vector_store %arg6[%parallel_loop3A_638], %broadcast_in_dim3A_9 {strides = array<i32>} : memref<16400xi32, #tpu.memory_space<vmem>>, vector<16xi32>,
      %parallel_loop3A_640 = arith.constant 5125 : i32
      %parallel_loop3A_641 = arith.addi %parallel_loop3A_640, %parallel_loop3A_599 : i32
      %parallel_loop3A_642 = arith.index_cast %parallel_loop3A_641 : i32 to index
      %parallel_loop3A_643 = tpu.vector_load %arg6[%parallel_loop3A_642] {strides = array<i32>} : memref<16400xi32, #tpu.memory_space<vmem>>, vector<16xi32>,
      %parallel_loop3A_644 = arith.addi %parallel_loop3A_635, %parallel_loop3A_643 : vector<16xi32>
      %parallel_loop3A_645 = arith.constant 5125 : i32
      %parallel_loop3A_646 = arith.addi %parallel_loop3A_645, %parallel_loop3A_599 : i32
      %parallel_loop3A_647 = arith.index_cast %parallel_loop3A_646 : i32 to index
      %parallel_loop3A_648 = tpu.vector_load %arg6[%parallel_loop3A_647] {strides = array<i32>} : memref<16400xi32, #tpu.memory_space<vmem>>, vector<16xi32>,
      tpu.vector_store %arg6[%parallel_loop3A_647], %broadcast_in_dim3A_9 {strides = array<i32>} : memref<16400xi32, #tpu.memory_space<vmem>>, vector<16xi32>,
      %parallel_loop3A_649 = arith.constant 6150 : i32
      %parallel_loop3A_650 = arith.addi %parallel_loop3A_649, %parallel_loop3A_599 : i32
      %parallel_loop3A_651 = arith.index_cast %parallel_loop3A_650 : i32 to index
      %parallel_loop3A_652 = tpu.vector_load %arg6[%parallel_loop3A_651] {strides = array<i32>} : memref<16400xi32, #tpu.memory_space<vmem>>, vector<16xi32>,
      %parallel_loop3A_653 = arith.addi %parallel_loop3A_644, %parallel_loop3A_652 : vector<16xi32>
      %parallel_loop3A_654 = arith.constant 6150 : i32
      %parallel_loop3A_655 = arith.addi %parallel_loop3A_654, %parallel_loop3A_599 : i32
      %parallel_loop3A_656 = arith.index_cast %parallel_loop3A_655 : i32 to index
      %parallel_loop3A_657 = tpu.vector_load %arg6[%parallel_loop3A_656] {strides = array<i32>} : memref<16400xi32, #tpu.memory_space<vmem>>, vector<16xi32>,
      tpu.vector_store %arg6[%parallel_loop3A_656], %broadcast_in_dim3A_9 {strides = array<i32>} : memref<16400xi32, #tpu.memory_space<vmem>>, vector<16xi32>,
      %parallel_loop3A_658 = arith.constant 7175 : i32
      %parallel_loop3A_659 = arith.addi %parallel_loop3A_658, %parallel_loop3A_599 : i32
      %parallel_loop3A_660 = arith.index_cast %parallel_loop3A_659 : i32 to index
      %parallel_loop3A_661 = tpu.vector_load %arg6[%parallel_loop3A_660] {strides = array<i32>} : memref<16400xi32, #tpu.memory_space<vmem>>, vector<16xi32>,
      %parallel_loop3A_662 = arith.addi %parallel_loop3A_653, %parallel_loop3A_661 : vector<16xi32>
      %parallel_loop3A_663 = arith.constant 7175 : i32
      %parallel_loop3A_664 = arith.addi %parallel_loop3A_663, %parallel_loop3A_599 : i32
      %parallel_loop3A_665 = arith.index_cast %parallel_loop3A_664 : i32 to index
      %parallel_loop3A_666 = tpu.vector_load %arg6[%parallel_loop3A_665] {strides = array<i32>} : memref<16400xi32, #tpu.memory_space<vmem>>, vector<16xi32>,
      tpu.vector_store %arg6[%parallel_loop3A_665], %broadcast_in_dim3A_9 {strides = array<i32>} : memref<16400xi32, #tpu.memory_space<vmem>>, vector<16xi32>,
      %parallel_loop3A_667 = arith.constant 8200 : i32
      %parallel_loop3A_668 = arith.addi %parallel_loop3A_667, %parallel_loop3A_599 : i32
      %parallel_loop3A_669 = arith.index_cast %parallel_loop3A_668 : i32 to index
      %parallel_loop3A_670 = tpu.vector_load %arg6[%parallel_loop3A_669] {strides = array<i32>} : memref<16400xi32, #tpu.memory_space<vmem>>, vector<16xi32>,
      %parallel_loop3A_671 = arith.addi %parallel_loop3A_662, %parallel_loop3A_670 : vector<16xi32>
      %parallel_loop3A_672 = arith.constant 8200 : i32
      %parallel_loop3A_673 = arith.addi %parallel_loop3A_672, %parallel_loop3A_599 : i32
      %parallel_loop3A_674 = arith.index_cast %parallel_loop3A_673 : i32 to index
      %parallel_loop3A_675 = tpu.vector_load %arg6[%parallel_loop3A_674] {strides = array<i32>} : memref<16400xi32, #tpu.memory_space<vmem>>, vector<16xi32>,
      tpu.vector_store %arg6[%parallel_loop3A_674], %broadcast_in_dim3A_9 {strides = array<i32>} : memref<16400xi32, #tpu.memory_space<vmem>>, vector<16xi32>,
      %parallel_loop3A_676 = arith.constant 9225 : i32
      %parallel_loop3A_677 = arith.addi %parallel_loop3A_676, %parallel_loop3A_599 : i32
      %parallel_loop3A_678 = arith.index_cast %parallel_loop3A_677 : i32 to index
      %parallel_loop3A_679 = tpu.vector_load %arg6[%parallel_loop3A_678] {strides = array<i32>} : memref<16400xi32, #tpu.memory_space<vmem>>, vector<16xi32>,
      %parallel_loop3A_680 = arith.addi %parallel_loop3A_671, %parallel_loop3A_679 : vector<16xi32>
      %parallel_loop3A_681 = arith.constant 9225 : i32
      %parallel_loop3A_682 = arith.addi %parallel_loop3A_681, %parallel_loop3A_599 : i32
      %parallel_loop3A_683 = arith.index_cast %parallel_loop3A_682 : i32 to index
      %parallel_loop3A_684 = tpu.vector_load %arg6[%parallel_loop3A_683] {strides = array<i32>} : memref<16400xi32, #tpu.memory_space<vmem>>, vector<16xi32>,
      tpu.vector_store %arg6[%parallel_loop3A_683], %broadcast_in_dim3A_9 {strides = array<i32>} : memref<16400xi32, #tpu.memory_space<vmem>>, vector<16xi32>,
      %parallel_loop3A_685 = arith.constant 10250 : i32
      %parallel_loop3A_686 = arith.addi %parallel_loop3A_685, %parallel_loop3A_599 : i32
      %parallel_loop3A_687 = arith.index_cast %parallel_loop3A_686 : i32 to index
      %parallel_loop3A_688 = tpu.vector_load %arg6[%parallel_loop3A_687] {strides = array<i32>} : memref<16400xi32, #tpu.memory_space<vmem>>, vector<16xi32>,
      %parallel_loop3A_689 = arith.addi %parallel_loop3A_680, %parallel_loop3A_688 : vector<16xi32>
      %parallel_loop3A_690 = arith.constant 10250 : i32
      %parallel_loop3A_691 = arith.addi %parallel_loop3A_690, %parallel_loop3A_599 : i32
      %parallel_loop3A_692 = arith.index_cast %parallel_loop3A_691 : i32 to index
      %parallel_loop3A_693 = tpu.vector_load %arg6[%parallel_loop3A_692] {strides = array<i32>} : memref<16400xi32, #tpu.memory_space<vmem>>, vector<16xi32>,
      tpu.vector_store %arg6[%parallel_loop3A_692], %broadcast_in_dim3A_9 {strides = array<i32>} : memref<16400xi32, #tpu.memory_space<vmem>>, vector<16xi32>,
      %parallel_loop3A_694 = arith.constant 11275 : i32
      %parallel_loop3A_695 = arith.addi %parallel_loop3A_694, %parallel_loop3A_599 : i32
      %parallel_loop3A_696 = arith.index_cast %parallel_loop3A_695 : i32 to index
      %parallel_loop3A_697 = tpu.vector_load %arg6[%parallel_loop3A_696] {strides = array<i32>} : memref<16400xi32, #tpu.memory_space<vmem>>, vector<16xi32>,
      %parallel_loop3A_698 = arith.addi %parallel_loop3A_689, %parallel_loop3A_697 : vector<16xi32>
      %parallel_loop3A_699 = arith.constant 11275 : i32
      %parallel_loop3A_700 = arith.addi %parallel_loop3A_699, %parallel_loop3A_599 : i32
      %parallel_loop3A_701 = arith.index_cast %parallel_loop3A_700 : i32 to index
      %parallel_loop3A_702 = tpu.vector_load %arg6[%parallel_loop3A_701] {strides = array<i32>} : memref<16400xi32, #tpu.memory_space<vmem>>, vector<16xi32>,
      tpu.vector_store %arg6[%parallel_loop3A_701], %broadcast_in_dim3A_9 {strides = array<i32>} : memref<16400xi32, #tpu.memory_space<vmem>>, vector<16xi32>,
      %parallel_loop3A_703 = arith.constant 12300 : i32
      %parallel_loop3A_704 = arith.addi %parallel_loop3A_703, %parallel_loop3A_599 : i32
      %parallel_loop3A_705 = arith.index_cast %parallel_loop3A_704 : i32 to index
      %parallel_loop3A_706 = tpu.vector_load %arg6[%parallel_loop3A_705] {strides = array<i32>} : memref<16400xi32, #tpu.memory_space<vmem>>, vector<16xi32>,
      %parallel_loop3A_707 = arith.addi %parallel_loop3A_698, %parallel_loop3A_706 : vector<16xi32>
      %parallel_loop3A_708 = arith.constant 12300 : i32
      %parallel_loop3A_709 = arith.addi %parallel_loop3A_708, %parallel_loop3A_599 : i32
      %parallel_loop3A_710 = arith.index_cast %parallel_loop3A_709 : i32 to index
      %parallel_loop3A_711 = tpu.vector_load %arg6[%parallel_loop3A_710] {strides = array<i32>} : memref<16400xi32, #tpu.memory_space<vmem>>, vector<16xi32>,
      tpu.vector_store %arg6[%parallel_loop3A_710], %broadcast_in_dim3A_9 {strides = array<i32>} : memref<16400xi32, #tpu.memory_space<vmem>>, vector<16xi32>,
      %parallel_loop3A_712 = arith.constant 13325 : i32
      %parallel_loop3A_713 = arith.addi %parallel_loop3A_712, %parallel_loop3A_599 : i32
      %parallel_loop3A_714 = arith.index_cast %parallel_loop3A_713 : i32 to index
      %parallel_loop3A_715 = tpu.vector_load %arg6[%parallel_loop3A_714] {strides = array<i32>} : memref<16400xi32, #tpu.memory_space<vmem>>, vector<16xi32>,
      %parallel_loop3A_716 = arith.addi %parallel_loop3A_707, %parallel_loop3A_715 : vector<16xi32>
      %parallel_loop3A_717 = arith.constant 13325 : i32
      %parallel_loop3A_718 = arith.addi %parallel_loop3A_717, %parallel_loop3A_599 : i32
      %parallel_loop3A_719 = arith.index_cast %parallel_loop3A_718 : i32 to index
      %parallel_loop3A_720 = tpu.vector_load %arg6[%parallel_loop3A_719] {strides = array<i32>} : memref<16400xi32, #tpu.memory_space<vmem>>, vector<16xi32>,
      tpu.vector_store %arg6[%parallel_loop3A_719], %broadcast_in_dim3A_9 {strides = array<i32>} : memref<16400xi32, #tpu.memory_space<vmem>>, vector<16xi32>,
      %parallel_loop3A_721 = arith.constant 14350 : i32
      %parallel_loop3A_722 = arith.addi %parallel_loop3A_721, %parallel_loop3A_599 : i32
      %parallel_loop3A_723 = arith.index_cast %parallel_loop3A_722 : i32 to index
      %parallel_loop3A_724 = tpu.vector_load %arg6[%parallel_loop3A_723] {strides = array<i32>} : memref<16400xi32, #tpu.memory_space<vmem>>, vector<16xi32>,
      %parallel_loop3A_725 = arith.addi %parallel_loop3A_716, %parallel_loop3A_724 : vector<16xi32>
      %parallel_loop3A_726 = arith.constant 14350 : i32
      %parallel_loop3A_727 = arith.addi %parallel_loop3A_726, %parallel_loop3A_599 : i32
      %parallel_loop3A_728 = arith.index_cast %parallel_loop3A_727 : i32 to index
      %parallel_loop3A_729 = tpu.vector_load %arg6[%parallel_loop3A_728] {strides = array<i32>} : memref<16400xi32, #tpu.memory_space<vmem>>, vector<16xi32>,
      tpu.vector_store %arg6[%parallel_loop3A_728], %broadcast_in_dim3A_9 {strides = array<i32>} : memref<16400xi32, #tpu.memory_space<vmem>>, vector<16xi32>,
      %parallel_loop3A_730 = arith.constant 15375 : i32
      %parallel_loop3A_731 = arith.addi %parallel_loop3A_730, %parallel_loop3A_599 : i32
      %parallel_loop3A_732 = arith.index_cast %parallel_loop3A_731 : i32 to index
      %parallel_loop3A_733 = tpu.vector_load %arg6[%parallel_loop3A_732] {strides = array<i32>} : memref<16400xi32, #tpu.memory_space<vmem>>, vector<16xi32>,
      %parallel_loop3A_734 = arith.addi %parallel_loop3A_725, %parallel_loop3A_733 : vector<16xi32>
      %parallel_loop3A_735 = arith.constant 15375 : i32
      %parallel_loop3A_736 = arith.addi %parallel_loop3A_735, %parallel_loop3A_599 : i32
      %parallel_loop3A_737 = arith.index_cast %parallel_loop3A_736 : i32 to index
      %parallel_loop3A_738 = tpu.vector_load %arg6[%parallel_loop3A_737] {strides = array<i32>} : memref<16400xi32, #tpu.memory_space<vmem>>, vector<16xi32>,
      tpu.vector_store %arg6[%parallel_loop3A_737], %broadcast_in_dim3A_9 {strides = array<i32>} : memref<16400xi32, #tpu.memory_space<vmem>>, vector<16xi32>,
      %parallel_loop3A_739 = arith.index_cast %parallel_loop3A_599 : i32 to index
      %parallel_loop3A_740 = tpu.vector_load %arg7[%parallel_loop3A_739] {strides = array<i32>} : memref<1024xi32, #tpu.memory_space<vmem>>, vector<16xi32>,
      tpu.vector_store %arg7[%parallel_loop3A_739], %parallel_loop3A_734 {strides = array<i32>} : memref<1024xi32, #tpu.memory_space<vmem>>, vector<16xi32>,
    } {sc.loop_unroll_factor = 1 : i64, sc.parallel_access}
    %scan3A_184 = arith.constant 0 : i32
    %scan3A_185 = arith.constant 64 : i32
    %scan3A_186 = arith.addi %scan3A_184, %scan3A_185 : i32
    %scan3A_187 = arith.constant 1 : i32
    %scan3A_188:3 = scf.for %scan3A_599 = %scan3A_184 to %scan3A_186 step %scan3A_187 iter_args(%scan3A_600 = %broadcast_in_dim3A_9, %scan3A_601 = %broadcast_in_dim3A_9, %scan3A_602 = %broadcast_in_dim3A_9) -> (vector<16xi32>, vector<16xi32>, vector<16xi32>)  : i32 {
      %sub3A_603 = arith.constant 63 : i32
      %sub3A_604 = arith.subi %sub3A_603, %scan3A_599 : i32
      %mul3A_605 = arith.constant 16 : i32
      %mul3A_606 = arith.muli %sub3A_604, %mul3A_605 : i32
      %get3A = arith.index_cast %mul3A_606 : i32 to index
      %get3A_607 = tpu.vector_load %arg7[%get3A] {strides = array<i32>} : memref<1024xi32, #tpu.memory_space<vmem>>, vector<16xi32>,
      %rev3A = arith.constant 15 : i32
      %rev3A_608 = vector.broadcast %rev3A : i32 to vector<16xi32>
      %rev3A_609 = tpu.iota {dimensions = array<i32: 0>} : vector<16xi32>
      %rev3A_610 = arith.subi %rev3A_608, %rev3A_609 : vector<16xi32>
      %rev3A_611 = tpu.dynamic_gather %get3A_607[%rev3A_610] in [0] : vector<16xi32>, vector<16xi32> -> vector<16xi32>
      %broadcast_in_dim3A_612 = arith.constant true
      %broadcast_in_dim3A_613 = vector.broadcast %broadcast_in_dim3A_612 : i1 to vector<16xi1>
      %masked_cumsum3A = tpu.scan <sum>, %rev3A_611 masked %broadcast_in_dim3A_613 : vector<16xi32>, vector<16xi1> -> vector<16xi32>
      %add3A_614 = arith.addi %masked_cumsum3A, %scan3A_600 : vector<16xi32>
      %ge3A = arith.cmpi sge, %add3A_614, %broadcast_in_dim3A_13 : vector<16xi32>
      %all_reduce_population_count3A = tpu.all_reduce %ge3A {dim = 0 : i64, kind = #tpu.reduction_kind<sum>} : vector<16xi1> -> vector<16xi32>
      %add3A_615 = arith.addi %scan3A_601, %all_reduce_population_count3A : vector<16xi32>
      %select_n3A_616 = arith.select %ge3A, %broadcast_in_dim3A_9, %rev3A_611 : vector<16xi1>, vector<16xi32>
      %add3A_617 = arith.addi %scan3A_602, %select_n3A_616 : vector<16xi32>
      %rev3A_618 = arith.constant 15 : i32
      %rev3A_619 = vector.broadcast %rev3A_618 : i32 to vector<16xi32>
      %rev3A_620 = tpu.iota {dimensions = array<i32: 0>} : vector<16xi32>
      %rev3A_621 = arith.subi %rev3A_619, %rev3A_620 : vector<16xi32>
      %rev3A_622 = tpu.dynamic_gather %add3A_614[%rev3A_621] in [0] : vector<16xi32>, vector<16xi32> -> vector<16xi32>
      %slice3A = vector.extract_strided_slice %rev3A_622 {offsets = [0], sizes = [1], strides = [1]} : vector<16xi32> to vector<1xi32>
      %squeeze3A = vector.extract %slice3A[0] : i32 from vector<1xi32>
      %broadcast_in_dim3A_623 = vector.broadcast %squeeze3A : i32 to vector<16xi32>
      scf.yield %broadcast_in_dim3A_623, %add3A_615, %add3A_617 : vector<16xi32>, vector<16xi32>, vector<16xi32>
    }
    %scan3A_189 = arith.constant 64 : i32
    %reduce_max3A_190 = arith.constant true
    %reduce_max3A_191 = vector.broadcast %reduce_max3A_190 : i1 to vector<16xi1>
    %reduce_max3A_192 = arith.constant -2147483648 : i32
    %reduce_max3A_193 = vector.broadcast %reduce_max3A_192 : i32 to vector<16xi32>
    %reduce_max3A_194 = arith.xori %scan3A_188#1, %reduce_max3A_193 : vector<16xi32>
    %reduce_max3A_195 = tpu.scan <max>, %reduce_max3A_194 masked %reduce_max3A_191 : vector<16xi32>, vector<16xi1> -> vector<16xi32>
    %reduce_max3A_196 = arith.xori %reduce_max3A_195, %reduce_max3A_193 : vector<16xi32>
    %reduce_max3A_197 = vector.extract %reduce_max3A_196[15] : i32 from vector<16xi32>
    %sub3A_198 = arith.constant 1 : i32
    %sub3A_199 = arith.subi %reduce_max3A_197, %sub3A_198 : i32
    %reduce_sum3A_200 = arith.constant true
    %reduce_sum3A_201 = vector.broadcast %reduce_sum3A_200 : i1 to vector<16xi1>
    %reduce_sum3A_202 = tpu.scan <sum>, %scan3A_188#2 masked %reduce_sum3A_201 : vector<16xi32>, vector<16xi1> -> vector<16xi32>
    %reduce_sum3A_203 = vector.extract %reduce_sum3A_202[15] : i32 from vector<16xi32>
    %broadcast_in_dim3A_204 = vector.broadcast %reduce_sum3A_203 : i32 to vector<16xi32>
    %sub3A_205 = arith.subi %broadcast_in_dim3A_13, %broadcast_in_dim3A_204 : vector<16xi32>
    %dma_wait3A_206 = arith.constant 0 : i32
    %dma_wait3A_207 = tpu.memref_slice %arg3[%add3A_149, %dma_wait3A_206] : memref<128x32768xf32, #tpu.memory_space<hbm>> -> memref<1x32768xf32, #tpu.memory_space<hbm>>
    %dma_wait3A_208 = tpu.memref_squeeze %dma_wait3A_207 : memref<1x32768xf32, #tpu.memory_space<hbm>> -> memref<32768xf32, #tpu.memory_space<hbm>>
    %dma_wait3A_209 = arith.constant 0 : i32
    %dma_wait3A_210 = tpu.memref_slice %arg3[%add3A_149, %dma_wait3A_209] : memref<128x32768xf32, #tpu.memory_space<hbm>> -> memref<1x32768xf32, #tpu.memory_space<hbm>>
    %dma_wait3A_211 = tpu.memref_squeeze %dma_wait3A_210 : memref<1x32768xf32, #tpu.memory_space<hbm>> -> memref<32768xf32, #tpu.memory_space<hbm>>
    tpu.wait_dma2 semaphore(%arg13 : memref<!tpu.dma_semaphore, #tpu.memory_space<semaphore_mem>>) src(%arg10 : memref<32768xf32, #tpu.memory_space<vmem>>) dst(%dma_wait3A_211 : memref<32768xf32, #tpu.memory_space<hbm>>)
    %bitcast_convert_type3A_212 = arith.bitcast %sub3A_199 : i32 to i32
    %broadcast_in_dim3A_213 = vector.broadcast %bitcast_convert_type3A_212 : i32 to vector<16xi32>
    %parallel_loop3A_214 = arith.constant 0 : i32
    %parallel_loop3A_215 = arith.constant 32768 : i32
    %parallel_loop3A_216 = arith.constant 16 : i32
    %parallel_loop3A_217 = scf.for %parallel_loop3A_599 = %parallel_loop3A_214 to %parallel_loop3A_215 step %parallel_loop3A_216 iter_args(%parallel_loop3A_600 = %broadcast_in_dim3A_9) -> (vector<16xi32>)  : i32 {
      %parallel_loop3A_601 = arith.index_cast %parallel_loop3A_599 : i32 to index
      %parallel_loop3A_602 = tpu.vector_load %arg5[%parallel_loop3A_601] {strides = array<i32>} : memref<32768xf32, #tpu.memory_space<vmem>>, vector<16xf32>,
      %parallel_loop3A_603 = tpu.bitcast %parallel_loop3A_602 : vector<16xf32> -> vector<16xi32>
      %parallel_loop3A_604 = tpu.bitcast %parallel_loop3A_603 : vector<16xi32> -> vector<16xi32>
      %parallel_loop3A_605 = arith.constant 31 : i32
      %parallel_loop3A_606 = vector.broadcast %parallel_loop3A_605 : i32 to vector<16xi32>
      %parallel_loop3A_607 = arith.shrsi %parallel_loop3A_604, %parallel_loop3A_606 : vector<16xi32>
      %parallel_loop3A_608 = tpu.bitcast %parallel_loop3A_607 : vector<16xi32> -> vector<16xi32>
      %parallel_loop3A_609 = arith.constant -2147483648 : i32
      %parallel_loop3A_610 = vector.broadcast %parallel_loop3A_609 : i32 to vector<16xi32>
      %parallel_loop3A_611 = arith.ori %parallel_loop3A_608, %parallel_loop3A_610 : vector<16xi32>
      %parallel_loop3A_612 = arith.xori %parallel_loop3A_603, %parallel_loop3A_611 : vector<16xi32>
      %parallel_loop3A_613 = arith.constant 22 : i32
      %parallel_loop3A_614 = vector.broadcast %parallel_loop3A_613 : i32 to vector<16xi32>
      %parallel_loop3A_615 = arith.shrui %parallel_loop3A_612, %parallel_loop3A_614 : vector<16xi32>
      %parallel_loop3A_616 = arith.cmpi eq, %parallel_loop3A_615, %broadcast_in_dim3A_213 : vector<16xi32>
      %parallel_loop3A_617 = arith.constant 4 : i32
      %parallel_loop3A_618 = vector.broadcast %parallel_loop3A_617 : i32 to vector<16xi32>
      %parallel_loop3A_619 = arith.shli %parallel_loop3A_600, %parallel_loop3A_618 : vector<16xi32>
      %parallel_loop3A_620 = arith.addi %parallel_loop3A_619, %iota3A : vector<16xi32>
      %parallel_loop3A_621 = tpu.bitcast %parallel_loop3A_612 : vector<16xi32> -> vector<16xf32>
      tpu.vector_store_idx %arg10[%parallel_loop3A_620], %parallel_loop3A_621 masked %parallel_loop3A_616 : memref<32768xf32, #tpu.memory_space<vmem>>[vector<16xi32>], vector<16xf32>, vector<16xi1>
      %parallel_loop3A_622 = arith.constant 14 : i32
      %parallel_loop3A_623 = vector.broadcast %parallel_loop3A_622 : i32 to vector<16xi32>
      %parallel_loop3A_624 = arith.shrui %parallel_loop3A_612, %parallel_loop3A_623 : vector<16xi32>
      %parallel_loop3A_625 = tpu.bitcast %parallel_loop3A_624 : vector<16xi32> -> vector<16xi32>
      %parallel_loop3A_626 = arith.constant 255 : i32
      %parallel_loop3A_627 = vector.broadcast %parallel_loop3A_626 : i32 to vector<16xi32>
      %parallel_loop3A_628 = arith.andi %parallel_loop3A_625, %parallel_loop3A_627 : vector<16xi32>
      %parallel_loop3A_629 = arith.addi %parallel_loop3A_628, %mul3A_8 : vector<16xi32>
      tpu.vector_store_idx %arg8[%parallel_loop3A_629], %broadcast_in_dim3A_11 masked %parallel_loop3A_616 {add = true} : memref<4112xi32, #tpu.memory_space<vmem>>[vector<16xi32>], vector<16xi32>, vector<16xi1>
      %parallel_loop3A_630 = arith.select %parallel_loop3A_616, %broadcast_in_dim3A_11, %broadcast_in_dim3A_9 : vector<16xi1>, vector<16xi32>
      %parallel_loop3A_631 = arith.addi %parallel_loop3A_600, %parallel_loop3A_630 : vector<16xi32>
      scf.yield %parallel_loop3A_631 : vector<16xi32>
    } {sc.loop_unroll_factor = 8 : i64, sc.parallel_access}
    %reduce_max3A_218 = arith.constant true
    %reduce_max3A_219 = vector.broadcast %reduce_max3A_218 : i1 to vector<16xi1>
    %reduce_max3A_220 = arith.constant -2147483648 : i32
    %reduce_max3A_221 = vector.broadcast %reduce_max3A_220 : i32 to vector<16xi32>
    %reduce_max3A_222 = arith.xori %parallel_loop3A_217, %reduce_max3A_221 : vector<16xi32>
    %reduce_max3A_223 = tpu.scan <max>, %reduce_max3A_222 masked %reduce_max3A_219 : vector<16xi32>, vector<16xi1> -> vector<16xi32>
    %reduce_max3A_224 = arith.xori %reduce_max3A_223, %reduce_max3A_221 : vector<16xi32>
    %reduce_max3A_225 = vector.extract %reduce_max3A_224[15] : i32 from vector<16xi32>
    %parallel_loop3A_226 = arith.constant 0 : i32
    %parallel_loop3A_227 = arith.constant 256 : i32
    %parallel_loop3A_228 = arith.constant 16 : i32
    scf.for %parallel_loop3A_599 = %parallel_loop3A_226 to %parallel_loop3A_227 step %parallel_loop3A_228  : i32 {
      %parallel_loop3A_600 = arith.index_cast %parallel_loop3A_599 : i32 to index
      %parallel_loop3A_601 = tpu.vector_load %arg8[%parallel_loop3A_600] {strides = array<i32>} : memref<4112xi32, #tpu.memory_space<vmem>>, vector<16xi32>,
      %parallel_loop3A_602 = arith.index_cast %parallel_loop3A_599 : i32 to index
      %parallel_loop3A_603 = tpu.vector_load %arg8[%parallel_loop3A_602] {strides = array<i32>} : memref<4112xi32, #tpu.memory_space<vmem>>, vector<16xi32>,
      tpu.vector_store %arg8[%parallel_loop3A_602], %broadcast_in_dim3A_9 {strides = array<i32>} : memref<4112xi32, #tpu.memory_space<vmem>>, vector<16xi32>,
      %parallel_loop3A_604 = arith.constant 257 : i32
      %parallel_loop3A_605 = arith.addi %parallel_loop3A_604, %parallel_loop3A_599 : i32
      %parallel_loop3A_606 = arith.index_cast %parallel_loop3A_605 : i32 to index
      %parallel_loop3A_607 = tpu.vector_load %arg8[%parallel_loop3A_606] {strides = array<i32>} : memref<4112xi32, #tpu.memory_space<vmem>>, vector<16xi32>,
      %parallel_loop3A_608 = arith.addi %parallel_loop3A_601, %parallel_loop3A_607 : vector<16xi32>
      %parallel_loop3A_609 = arith.constant 257 : i32
      %parallel_loop3A_610 = arith.addi %parallel_loop3A_609, %parallel_loop3A_599 : i32
      %parallel_loop3A_611 = arith.index_cast %parallel_loop3A_610 : i32 to index
      %parallel_loop3A_612 = tpu.vector_load %arg8[%parallel_loop3A_611] {strides = array<i32>} : memref<4112xi32, #tpu.memory_space<vmem>>, vector<16xi32>,
      tpu.vector_store %arg8[%parallel_loop3A_611], %broadcast_in_dim3A_9 {strides = array<i32>} : memref<4112xi32, #tpu.memory_space<vmem>>, vector<16xi32>,
      %parallel_loop3A_613 = arith.constant 514 : i32
      %parallel_loop3A_614 = arith.addi %parallel_loop3A_613, %parallel_loop3A_599 : i32
      %parallel_loop3A_615 = arith.index_cast %parallel_loop3A_614 : i32 to index
      %parallel_loop3A_616 = tpu.vector_load %arg8[%parallel_loop3A_615] {strides = array<i32>} : memref<4112xi32, #tpu.memory_space<vmem>>, vector<16xi32>,
      %parallel_loop3A_617 = arith.addi %parallel_loop3A_608, %parallel_loop3A_616 : vector<16xi32>
      %parallel_loop3A_618 = arith.constant 514 : i32
      %parallel_loop3A_619 = arith.addi %parallel_loop3A_618, %parallel_loop3A_599 : i32
      %parallel_loop3A_620 = arith.index_cast %parallel_loop3A_619 : i32 to index
      %parallel_loop3A_621 = tpu.vector_load %arg8[%parallel_loop3A_620] {strides = array<i32>} : memref<4112xi32, #tpu.memory_space<vmem>>, vector<16xi32>,
      tpu.vector_store %arg8[%parallel_loop3A_620], %broadcast_in_dim3A_9 {strides = array<i32>} : memref<4112xi32, #tpu.memory_space<vmem>>, vector<16xi32>,
      %parallel_loop3A_622 = arith.constant 771 : i32
      %parallel_loop3A_623 = arith.addi %parallel_loop3A_622, %parallel_loop3A_599 : i32
      %parallel_loop3A_624 = arith.index_cast %parallel_loop3A_623 : i32 to index
      %parallel_loop3A_625 = tpu.vector_load %arg8[%parallel_loop3A_624] {strides = array<i32>} : memref<4112xi32, #tpu.memory_space<vmem>>, vector<16xi32>,
      %parallel_loop3A_626 = arith.addi %parallel_loop3A_617, %parallel_loop3A_625 : vector<16xi32>
      %parallel_loop3A_627 = arith.constant 771 : i32
      %parallel_loop3A_628 = arith.addi %parallel_loop3A_627, %parallel_loop3A_599 : i32
      %parallel_loop3A_629 = arith.index_cast %parallel_loop3A_628 : i32 to index
      %parallel_loop3A_630 = tpu.vector_load %arg8[%parallel_loop3A_629] {strides = array<i32>} : memref<4112xi32, #tpu.memory_space<vmem>>, vector<16xi32>,
      tpu.vector_store %arg8[%parallel_loop3A_629], %broadcast_in_dim3A_9 {strides = array<i32>} : memref<4112xi32, #tpu.memory_space<vmem>>, vector<16xi32>,
      %parallel_loop3A_631 = arith.constant 1028 : i32
      %parallel_loop3A_632 = arith.addi %parallel_loop3A_631, %parallel_loop3A_599 : i32
      %parallel_loop3A_633 = arith.index_cast %parallel_loop3A_632 : i32 to index
      %parallel_loop3A_634 = tpu.vector_load %arg8[%parallel_loop3A_633] {strides = array<i32>} : memref<4112xi32, #tpu.memory_space<vmem>>, vector<16xi32>,
      %parallel_loop3A_635 = arith.addi %parallel_loop3A_626, %parallel_loop3A_634 : vector<16xi32>
      %parallel_loop3A_636 = arith.constant 1028 : i32
      %parallel_loop3A_637 = arith.addi %parallel_loop3A_636, %parallel_loop3A_599 : i32
      %parallel_loop3A_638 = arith.index_cast %parallel_loop3A_637 : i32 to index
      %parallel_loop3A_639 = tpu.vector_load %arg8[%parallel_loop3A_638] {strides = array<i32>} : memref<4112xi32, #tpu.memory_space<vmem>>, vector<16xi32>,
      tpu.vector_store %arg8[%parallel_loop3A_638], %broadcast_in_dim3A_9 {strides = array<i32>} : memref<4112xi32, #tpu.memory_space<vmem>>, vector<16xi32>,
      %parallel_loop3A_640 = arith.constant 1285 : i32
      %parallel_loop3A_641 = arith.addi %parallel_loop3A_640, %parallel_loop3A_599 : i32
      %parallel_loop3A_642 = arith.index_cast %parallel_loop3A_641 : i32 to index
      %parallel_loop3A_643 = tpu.vector_load %arg8[%parallel_loop3A_642] {strides = array<i32>} : memref<4112xi32, #tpu.memory_space<vmem>>, vector<16xi32>,
      %parallel_loop3A_644 = arith.addi %parallel_loop3A_635, %parallel_loop3A_643 : vector<16xi32>
      %parallel_loop3A_645 = arith.constant 1285 : i32
      %parallel_loop3A_646 = arith.addi %parallel_loop3A_645, %parallel_loop3A_599 : i32
      %parallel_loop3A_647 = arith.index_cast %parallel_loop3A_646 : i32 to index
      %parallel_loop3A_648 = tpu.vector_load %arg8[%parallel_loop3A_647] {strides = array<i32>} : memref<4112xi32, #tpu.memory_space<vmem>>, vector<16xi32>,
      tpu.vector_store %arg8[%parallel_loop3A_647], %broadcast_in_dim3A_9 {strides = array<i32>} : memref<4112xi32, #tpu.memory_space<vmem>>, vector<16xi32>,
      %parallel_loop3A_649 = arith.constant 1542 : i32
      %parallel_loop3A_650 = arith.addi %parallel_loop3A_649, %parallel_loop3A_599 : i32
      %parallel_loop3A_651 = arith.index_cast %parallel_loop3A_650 : i32 to index
      %parallel_loop3A_652 = tpu.vector_load %arg8[%parallel_loop3A_651] {strides = array<i32>} : memref<4112xi32, #tpu.memory_space<vmem>>, vector<16xi32>,
      %parallel_loop3A_653 = arith.addi %parallel_loop3A_644, %parallel_loop3A_652 : vector<16xi32>
      %parallel_loop3A_654 = arith.constant 1542 : i32
      %parallel_loop3A_655 = arith.addi %parallel_loop3A_654, %parallel_loop3A_599 : i32
      %parallel_loop3A_656 = arith.index_cast %parallel_loop3A_655 : i32 to index
      %parallel_loop3A_657 = tpu.vector_load %arg8[%parallel_loop3A_656] {strides = array<i32>} : memref<4112xi32, #tpu.memory_space<vmem>>, vector<16xi32>,
      tpu.vector_store %arg8[%parallel_loop3A_656], %broadcast_in_dim3A_9 {strides = array<i32>} : memref<4112xi32, #tpu.memory_space<vmem>>, vector<16xi32>,
      %parallel_loop3A_658 = arith.constant 1799 : i32
      %parallel_loop3A_659 = arith.addi %parallel_loop3A_658, %parallel_loop3A_599 : i32
      %parallel_loop3A_660 = arith.index_cast %parallel_loop3A_659 : i32 to index
      %parallel_loop3A_661 = tpu.vector_load %arg8[%parallel_loop3A_660] {strides = array<i32>} : memref<4112xi32, #tpu.memory_space<vmem>>, vector<16xi32>,
      %parallel_loop3A_662 = arith.addi %parallel_loop3A_653, %parallel_loop3A_661 : vector<16xi32>
      %parallel_loop3A_663 = arith.constant 1799 : i32
      %parallel_loop3A_664 = arith.addi %parallel_loop3A_663, %parallel_loop3A_599 : i32
      %parallel_loop3A_665 = arith.index_cast %parallel_loop3A_664 : i32 to index
      %parallel_loop3A_666 = tpu.vector_load %arg8[%parallel_loop3A_665] {strides = array<i32>} : memref<4112xi32, #tpu.memory_space<vmem>>, vector<16xi32>,
      tpu.vector_store %arg8[%parallel_loop3A_665], %broadcast_in_dim3A_9 {strides = array<i32>} : memref<4112xi32, #tpu.memory_space<vmem>>, vector<16xi32>,
      %parallel_loop3A_667 = arith.constant 2056 : i32
      %parallel_loop3A_668 = arith.addi %parallel_loop3A_667, %parallel_loop3A_599 : i32
      %parallel_loop3A_669 = arith.index_cast %parallel_loop3A_668 : i32 to index
      %parallel_loop3A_670 = tpu.vector_load %arg8[%parallel_loop3A_669] {strides = array<i32>} : memref<4112xi32, #tpu.memory_space<vmem>>, vector<16xi32>,
      %parallel_loop3A_671 = arith.addi %parallel_loop3A_662, %parallel_loop3A_670 : vector<16xi32>
      %parallel_loop3A_672 = arith.constant 2056 : i32
      %parallel_loop3A_673 = arith.addi %parallel_loop3A_672, %parallel_loop3A_599 : i32
      %parallel_loop3A_674 = arith.index_cast %parallel_loop3A_673 : i32 to index
      %parallel_loop3A_675 = tpu.vector_load %arg8[%parallel_loop3A_674] {strides = array<i32>} : memref<4112xi32, #tpu.memory_space<vmem>>, vector<16xi32>,
      tpu.vector_store %arg8[%parallel_loop3A_674], %broadcast_in_dim3A_9 {strides = array<i32>} : memref<4112xi32, #tpu.memory_space<vmem>>, vector<16xi32>,
      %parallel_loop3A_676 = arith.constant 2313 : i32
      %parallel_loop3A_677 = arith.addi %parallel_loop3A_676, %parallel_loop3A_599 : i32
      %parallel_loop3A_678 = arith.index_cast %parallel_loop3A_677 : i32 to index
      %parallel_loop3A_679 = tpu.vector_load %arg8[%parallel_loop3A_678] {strides = array<i32>} : memref<4112xi32, #tpu.memory_space<vmem>>, vector<16xi32>,
      %parallel_loop3A_680 = arith.addi %parallel_loop3A_671, %parallel_loop3A_679 : vector<16xi32>
      %parallel_loop3A_681 = arith.constant 2313 : i32
      %parallel_loop3A_682 = arith.addi %parallel_loop3A_681, %parallel_loop3A_599 : i32
      %parallel_loop3A_683 = arith.index_cast %parallel_loop3A_682 : i32 to index
      %parallel_loop3A_684 = tpu.vector_load %arg8[%parallel_loop3A_683] {strides = array<i32>} : memref<4112xi32, #tpu.memory_space<vmem>>, vector<16xi32>,
      tpu.vector_store %arg8[%parallel_loop3A_683], %broadcast_in_dim3A_9 {strides = array<i32>} : memref<4112xi32, #tpu.memory_space<vmem>>, vector<16xi32>,
      %parallel_loop3A_685 = arith.constant 2570 : i32
      %parallel_loop3A_686 = arith.addi %parallel_loop3A_685, %parallel_loop3A_599 : i32
      %parallel_loop3A_687 = arith.index_cast %parallel_loop3A_686 : i32 to index
      %parallel_loop3A_688 = tpu.vector_load %arg8[%parallel_loop3A_687] {strides = array<i32>} : memref<4112xi32, #tpu.memory_space<vmem>>, vector<16xi32>,
      %parallel_loop3A_689 = arith.addi %parallel_loop3A_680, %parallel_loop3A_688 : vector<16xi32>
      %parallel_loop3A_690 = arith.constant 2570 : i32
      %parallel_loop3A_691 = arith.addi %parallel_loop3A_690, %parallel_loop3A_599 : i32
      %parallel_loop3A_692 = arith.index_cast %parallel_loop3A_691 : i32 to index
      %parallel_loop3A_693 = tpu.vector_load %arg8[%parallel_loop3A_692] {strides = array<i32>} : memref<4112xi32, #tpu.memory_space<vmem>>, vector<16xi32>,
      tpu.vector_store %arg8[%parallel_loop3A_692], %broadcast_in_dim3A_9 {strides = array<i32>} : memref<4112xi32, #tpu.memory_space<vmem>>, vector<16xi32>,
      %parallel_loop3A_694 = arith.constant 2827 : i32
      %parallel_loop3A_695 = arith.addi %parallel_loop3A_694, %parallel_loop3A_599 : i32
      %parallel_loop3A_696 = arith.index_cast %parallel_loop3A_695 : i32 to index
      %parallel_loop3A_697 = tpu.vector_load %arg8[%parallel_loop3A_696] {strides = array<i32>} : memref<4112xi32, #tpu.memory_space<vmem>>, vector<16xi32>,
      %parallel_loop3A_698 = arith.addi %parallel_loop3A_689, %parallel_loop3A_697 : vector<16xi32>
      %parallel_loop3A_699 = arith.constant 2827 : i32
      %parallel_loop3A_700 = arith.addi %parallel_loop3A_699, %parallel_loop3A_599 : i32
      %parallel_loop3A_701 = arith.index_cast %parallel_loop3A_700 : i32 to index
      %parallel_loop3A_702 = tpu.vector_load %arg8[%parallel_loop3A_701] {strides = array<i32>} : memref<4112xi32, #tpu.memory_space<vmem>>, vector<16xi32>,
      tpu.vector_store %arg8[%parallel_loop3A_701], %broadcast_in_dim3A_9 {strides = array<i32>} : memref<4112xi32, #tpu.memory_space<vmem>>, vector<16xi32>,
      %parallel_loop3A_703 = arith.constant 3084 : i32
      %parallel_loop3A_704 = arith.addi %parallel_loop3A_703, %parallel_loop3A_599 : i32
      %parallel_loop3A_705 = arith.index_cast %parallel_loop3A_704 : i32 to index
      %parallel_loop3A_706 = tpu.vector_load %arg8[%parallel_loop3A_705] {strides = array<i32>} : memref<4112xi32, #tpu.memory_space<vmem>>, vector<16xi32>,
      %parallel_loop3A_707 = arith.addi %parallel_loop3A_698, %parallel_loop3A_706 : vector<16xi32>
      %parallel_loop3A_708 = arith.constant 3084 : i32
      %parallel_loop3A_709 = arith.addi %parallel_loop3A_708, %parallel_loop3A_599 : i32
      %parallel_loop3A_710 = arith.index_cast %parallel_loop3A_709 : i32 to index
      %parallel_loop3A_711 = tpu.vector_load %arg8[%parallel_loop3A_710] {strides = array<i32>} : memref<4112xi32, #tpu.memory_space<vmem>>, vector<16xi32>,
      tpu.vector_store %arg8[%parallel_loop3A_710], %broadcast_in_dim3A_9 {strides = array<i32>} : memref<4112xi32, #tpu.memory_space<vmem>>, vector<16xi32>,
      %parallel_loop3A_712 = arith.constant 3341 : i32
      %parallel_loop3A_713 = arith.addi %parallel_loop3A_712, %parallel_loop3A_599 : i32
      %parallel_loop3A_714 = arith.index_cast %parallel_loop3A_713 : i32 to index
      %parallel_loop3A_715 = tpu.vector_load %arg8[%parallel_loop3A_714] {strides = array<i32>} : memref<4112xi32, #tpu.memory_space<vmem>>, vector<16xi32>,
      %parallel_loop3A_716 = arith.addi %parallel_loop3A_707, %parallel_loop3A_715 : vector<16xi32>
      %parallel_loop3A_717 = arith.constant 3341 : i32
      %parallel_loop3A_718 = arith.addi %parallel_loop3A_717, %parallel_loop3A_599 : i32
      %parallel_loop3A_719 = arith.index_cast %parallel_loop3A_718 : i32 to index
      %parallel_loop3A_720 = tpu.vector_load %arg8[%parallel_loop3A_719] {strides = array<i32>} : memref<4112xi32, #tpu.memory_space<vmem>>, vector<16xi32>,
      tpu.vector_store %arg8[%parallel_loop3A_719], %broadcast_in_dim3A_9 {strides = array<i32>} : memref<4112xi32, #tpu.memory_space<vmem>>, vector<16xi32>,
      %parallel_loop3A_721 = arith.constant 3598 : i32
      %parallel_loop3A_722 = arith.addi %parallel_loop3A_721, %parallel_loop3A_599 : i32
      %parallel_loop3A_723 = arith.index_cast %parallel_loop3A_722 : i32 to index
      %parallel_loop3A_724 = tpu.vector_load %arg8[%parallel_loop3A_723] {strides = array<i32>} : memref<4112xi32, #tpu.memory_space<vmem>>, vector<16xi32>,
      %parallel_loop3A_725 = arith.addi %parallel_loop3A_716, %parallel_loop3A_724 : vector<16xi32>
      %parallel_loop3A_726 = arith.constant 3598 : i32
      %parallel_loop3A_727 = arith.addi %parallel_loop3A_726, %parallel_loop3A_599 : i32
      %parallel_loop3A_728 = arith.index_cast %parallel_loop3A_727 : i32 to index
      %parallel_loop3A_729 = tpu.vector_load %arg8[%parallel_loop3A_728] {strides = array<i32>} : memref<4112xi32, #tpu.memory_space<vmem>>, vector<16xi32>,
      tpu.vector_store %arg8[%parallel_loop3A_728], %broadcast_in_dim3A_9 {strides = array<i32>} : memref<4112xi32, #tpu.memory_space<vmem>>, vector<16xi32>,
      %parallel_loop3A_730 = arith.constant 3855 : i32
      %parallel_loop3A_731 = arith.addi %parallel_loop3A_730, %parallel_loop3A_599 : i32
      %parallel_loop3A_732 = arith.index_cast %parallel_loop3A_731 : i32 to index
      %parallel_loop3A_733 = tpu.vector_load %arg8[%parallel_loop3A_732] {strides = array<i32>} : memref<4112xi32, #tpu.memory_space<vmem>>, vector<16xi32>,
      %parallel_loop3A_734 = arith.addi %parallel_loop3A_725, %parallel_loop3A_733 : vector<16xi32>
      %parallel_loop3A_735 = arith.constant 3855 : i32
      %parallel_loop3A_736 = arith.addi %parallel_loop3A_735, %parallel_loop3A_599 : i32
      %parallel_loop3A_737 = arith.index_cast %parallel_loop3A_736 : i32 to index
      %parallel_loop3A_738 = tpu.vector_load %arg8[%parallel_loop3A_737] {strides = array<i32>} : memref<4112xi32, #tpu.memory_space<vmem>>, vector<16xi32>,
      tpu.vector_store %arg8[%parallel_loop3A_737], %broadcast_in_dim3A_9 {strides = array<i32>} : memref<4112xi32, #tpu.memory_space<vmem>>, vector<16xi32>,
      %parallel_loop3A_739 = arith.index_cast %parallel_loop3A_599 : i32 to index
      %parallel_loop3A_740 = tpu.vector_load %arg9[%parallel_loop3A_739] {strides = array<i32>} : memref<256xi32, #tpu.memory_space<vmem>>, vector<16xi32>,
      tpu.vector_store %arg9[%parallel_loop3A_739], %parallel_loop3A_734 {strides = array<i32>} : memref<256xi32, #tpu.memory_space<vmem>>, vector<16xi32>,
    } {sc.loop_unroll_factor = 1 : i64, sc.parallel_access}
    %scan3A_229 = arith.constant 0 : i32
    %scan3A_230 = arith.constant 16 : i32
    %scan3A_231 = arith.addi %scan3A_229, %scan3A_230 : i32
    %scan3A_232 = arith.constant 1 : i32
    %scan3A_233:3 = scf.for %scan3A_599 = %scan3A_229 to %scan3A_231 step %scan3A_232 iter_args(%scan3A_600 = %broadcast_in_dim3A_9, %scan3A_601 = %broadcast_in_dim3A_9, %scan3A_602 = %broadcast_in_dim3A_9) -> (vector<16xi32>, vector<16xi32>, vector<16xi32>)  : i32 {
      %sub3A_603 = arith.constant 15 : i32
      %sub3A_604 = arith.subi %sub3A_603, %scan3A_599 : i32
      %mul3A_605 = arith.constant 16 : i32
      %mul3A_606 = arith.muli %sub3A_604, %mul3A_605 : i32
      %get3A = arith.index_cast %mul3A_606 : i32 to index
      %get3A_607 = tpu.vector_load %arg9[%get3A] {strides = array<i32>} : memref<256xi32, #tpu.memory_space<vmem>>, vector<16xi32>,
      %rev3A = arith.constant 15 : i32
      %rev3A_608 = vector.broadcast %rev3A : i32 to vector<16xi32>
      %rev3A_609 = tpu.iota {dimensions = array<i32: 0>} : vector<16xi32>
      %rev3A_610 = arith.subi %rev3A_608, %rev3A_609 : vector<16xi32>
      %rev3A_611 = tpu.dynamic_gather %get3A_607[%rev3A_610] in [0] : vector<16xi32>, vector<16xi32> -> vector<16xi32>
      %broadcast_in_dim3A_612 = arith.constant true
      %broadcast_in_dim3A_613 = vector.broadcast %broadcast_in_dim3A_612 : i1 to vector<16xi1>
      %masked_cumsum3A = tpu.scan <sum>, %rev3A_611 masked %broadcast_in_dim3A_613 : vector<16xi32>, vector<16xi1> -> vector<16xi32>
      %add3A_614 = arith.addi %masked_cumsum3A, %scan3A_600 : vector<16xi32>
      %ge3A = arith.cmpi sge, %add3A_614, %sub3A_205 : vector<16xi32>
      %all_reduce_population_count3A = tpu.all_reduce %ge3A {dim = 0 : i64, kind = #tpu.reduction_kind<sum>} : vector<16xi1> -> vector<16xi32>
      %add3A_615 = arith.addi %scan3A_601, %all_reduce_population_count3A : vector<16xi32>
      %select_n3A_616 = arith.select %ge3A, %broadcast_in_dim3A_9, %rev3A_611 : vector<16xi1>, vector<16xi32>
      %add3A_617 = arith.addi %scan3A_602, %select_n3A_616 : vector<16xi32>
      %rev3A_618 = arith.constant 15 : i32
      %rev3A_619 = vector.broadcast %rev3A_618 : i32 to vector<16xi32>
      %rev3A_620 = tpu.iota {dimensions = array<i32: 0>} : vector<16xi32>
      %rev3A_621 = arith.subi %rev3A_619, %rev3A_620 : vector<16xi32>
      %rev3A_622 = tpu.dynamic_gather %add3A_614[%rev3A_621] in [0] : vector<16xi32>, vector<16xi32> -> vector<16xi32>
      %slice3A = vector.extract_strided_slice %rev3A_622 {offsets = [0], sizes = [1], strides = [1]} : vector<16xi32> to vector<1xi32>
      %squeeze3A = vector.extract %slice3A[0] : i32 from vector<1xi32>
      %broadcast_in_dim3A_623 = vector.broadcast %squeeze3A : i32 to vector<16xi32>
      scf.yield %broadcast_in_dim3A_623, %add3A_615, %add3A_617 : vector<16xi32>, vector<16xi32>, vector<16xi32>
    }
    %scan3A_234 = arith.constant 16 : i32
    %reduce_max3A_235 = arith.constant true
    %reduce_max3A_236 = vector.broadcast %reduce_max3A_235 : i1 to vector<16xi1>
    %reduce_max3A_237 = arith.constant -2147483648 : i32
    %reduce_max3A_238 = vector.broadcast %reduce_max3A_237 : i32 to vector<16xi32>
    %reduce_max3A_239 = arith.xori %scan3A_233#1, %reduce_max3A_238 : vector<16xi32>
    %reduce_max3A_240 = tpu.scan <max>, %reduce_max3A_239 masked %reduce_max3A_236 : vector<16xi32>, vector<16xi1> -> vector<16xi32>
    %reduce_max3A_241 = arith.xori %reduce_max3A_240, %reduce_max3A_238 : vector<16xi32>
    %reduce_max3A_242 = vector.extract %reduce_max3A_241[15] : i32 from vector<16xi32>
    %sub3A_243 = arith.constant 1 : i32
    %sub3A_244 = arith.subi %reduce_max3A_242, %sub3A_243 : i32
    %reduce_sum3A_245 = arith.constant true
    %reduce_sum3A_246 = vector.broadcast %reduce_sum3A_245 : i1 to vector<16xi1>
    %reduce_sum3A_247 = tpu.scan <sum>, %scan3A_233#2 masked %reduce_sum3A_246 : vector<16xi32>, vector<16xi1> -> vector<16xi32>
    %reduce_sum3A_248 = vector.extract %reduce_sum3A_247[15] : i32 from vector<16xi32>
    %broadcast_in_dim3A_249 = vector.broadcast %reduce_sum3A_248 : i32 to vector<16xi32>
    %sub3A_250 = arith.subi %sub3A_205, %broadcast_in_dim3A_249 : vector<16xi32>
    %bitcast_convert_type3A_251 = arith.bitcast %sub3A_199 : i32 to i32
    %shift_left3A_252 = arith.constant 8 : i32
    %shift_left3A_253 = arith.shli %bitcast_convert_type3A_251, %shift_left3A_252 : i32
    %bitcast_convert_type3A_254 = arith.bitcast %sub3A_244 : i32 to i32
    %or3A_255 = arith.ori %shift_left3A_253, %bitcast_convert_type3A_254 : i32
    %broadcast_in_dim3A_256 = vector.broadcast %or3A_255 : i32 to vector<16xi32>
    %parallel_loop3A_257 = arith.constant 0 : i32
    %parallel_loop3A_258 = arith.constant 1 : i32
    %parallel_loop3A_259 = scf.for %parallel_loop3A_599 = %parallel_loop3A_257 to %reduce_max3A_225 step %parallel_loop3A_258 iter_args(%parallel_loop3A_600 = %broadcast_in_dim3A_9) -> (vector<16xi32>)  : i32 {
      %parallel_loop3A_601 = arith.constant 16 : i32
      %parallel_loop3A_602 = arith.muli %parallel_loop3A_599, %parallel_loop3A_601 : i32
      %parallel_loop3A_603 = arith.index_cast %parallel_loop3A_602 : i32 to index
      %parallel_loop3A_604 = tpu.vector_load %arg10[%parallel_loop3A_603] {strides = array<i32>} : memref<32768xf32, #tpu.memory_space<vmem>>, vector<16xf32>,
      %parallel_loop3A_605 = tpu.bitcast %parallel_loop3A_604 : vector<16xf32> -> vector<16xi32>
      %parallel_loop3A_606 = vector.broadcast %parallel_loop3A_599 : i32 to vector<16xi32>
      %parallel_loop3A_607 = arith.cmpi sgt, %parallel_loop3A_217, %parallel_loop3A_606 : vector<16xi32>
      %parallel_loop3A_608 = arith.constant 14 : i32
      %parallel_loop3A_609 = vector.broadcast %parallel_loop3A_608 : i32 to vector<16xi32>
      %parallel_loop3A_610 = arith.shrui %parallel_loop3A_605, %parallel_loop3A_609 : vector<16xi32>
      %parallel_loop3A_611 = arith.cmpi eq, %parallel_loop3A_610, %broadcast_in_dim3A_256 : vector<16xi32>
      %parallel_loop3A_612 = arith.andi %parallel_loop3A_607, %parallel_loop3A_611 : vector<16xi1>
      %parallel_loop3A_613 = arith.constant 511 : i32
      %parallel_loop3A_614 = vector.broadcast %parallel_loop3A_613 : i32 to vector<16xi32>
      %parallel_loop3A_615 = arith.minsi %parallel_loop3A_600, %parallel_loop3A_614 : vector<16xi32>
      %parallel_loop3A_616 = arith.constant 4 : i32
      %parallel_loop3A_617 = vector.broadcast %parallel_loop3A_616 : i32 to vector<16xi32>
      %parallel_loop3A_618 = arith.shli %parallel_loop3A_615, %parallel_loop3A_617 : vector<16xi32>
      %parallel_loop3A_619 = arith.addi %parallel_loop3A_618, %iota3A : vector<16xi32>
      %parallel_loop3A_620 = tpu.bitcast %parallel_loop3A_605 : vector<16xi32> -> vector<16xf32>
      tpu.vector_store_idx %arg11[%parallel_loop3A_619], %parallel_loop3A_620 masked %parallel_loop3A_612 : memref<8192xf32, #tpu.memory_space<vmem>>[vector<16xi32>], vector<16xf32>, vector<16xi1>
      %parallel_loop3A_621 = arith.select %parallel_loop3A_612, %broadcast_in_dim3A_11, %broadcast_in_dim3A_9 : vector<16xi1>, vector<16xi32>
      %parallel_loop3A_622 = arith.addi %parallel_loop3A_600, %parallel_loop3A_621 : vector<16xi32>
      scf.yield %parallel_loop3A_622 : vector<16xi32>
    } {sc.loop_unroll_factor = 4 : i64, sc.parallel_access}
    %reduce_max3A_260 = arith.constant true
    %reduce_max3A_261 = vector.broadcast %reduce_max3A_260 : i1 to vector<16xi1>
    %reduce_max3A_262 = arith.constant -2147483648 : i32
    %reduce_max3A_263 = vector.broadcast %reduce_max3A_262 : i32 to vector<16xi32>
    %reduce_max3A_264 = arith.xori %parallel_loop3A_259, %reduce_max3A_263 : vector<16xi32>
    %reduce_max3A_265 = tpu.scan <max>, %reduce_max3A_264 masked %reduce_max3A_261 : vector<16xi32>, vector<16xi1> -> vector<16xi32>
    %reduce_max3A_266 = arith.xori %reduce_max3A_265, %reduce_max3A_263 : vector<16xi32>
    %reduce_max3A_267 = vector.extract %reduce_max3A_266[15] : i32 from vector<16xi32>
    %min3A_268 = arith.constant 512 : i32
    %min3A_269 = arith.minsi %reduce_max3A_267, %min3A_268 : i32
    %bitcast_convert_type3A_270 = arith.bitcast %sub3A_199 : i32 to i32
    %shift_left3A_271 = arith.constant 22 : i32
    %shift_left3A_272 = arith.shli %bitcast_convert_type3A_270, %shift_left3A_271 : i32
    %bitcast_convert_type3A_273 = arith.bitcast %sub3A_244 : i32 to i32
    %shift_left3A_274 = arith.constant 14 : i32
    %shift_left3A_275 = arith.shli %bitcast_convert_type3A_273, %shift_left3A_274 : i32
    %or3A_276 = arith.ori %shift_left3A_272, %shift_left3A_275 : i32
    %broadcast_in_dim3A_277 = vector.broadcast %or3A_276 : i32 to vector<16xi32>
    %scan3A_278 = arith.constant 0 : i32
    %scan3A_279 = arith.constant 14 : i32
    %scan3A_280 = arith.addi %scan3A_278, %scan3A_279 : i32
    %scan3A_281 = arith.constant 1 : i32
    %scan3A_282 = scf.for %scan3A_599 = %scan3A_278 to %scan3A_280 step %scan3A_281 iter_args(%scan3A_600 = %broadcast_in_dim3A_277) -> (vector<16xi32>)  : i32 {
      %sub3A_601 = arith.constant 13 : i32
      %sub3A_602 = arith.subi %sub3A_601, %scan3A_599 : i32
      %shift_left3A_603 = arith.constant 1 : i32
      %shift_left3A_604 = arith.shli %shift_left3A_603, %sub3A_602 : i32
      %or3A_605 = vector.broadcast %shift_left3A_604 : i32 to vector<16xi32>
      %or3A_606 = arith.ori %scan3A_600, %or3A_605 : vector<16xi32>
      %parallel_loop3A_607 = arith.constant 0 : i32
      %parallel_loop3A_608 = arith.constant 1 : i32
      %parallel_loop3A_609 = scf.for %parallel_loop3A_611 = %parallel_loop3A_607 to %min3A_269 step %parallel_loop3A_608 iter_args(%parallel_loop3A_612 = %broadcast_in_dim3A_9) -> (vector<16xi32>)  : i32 {
        %parallel_loop3A_613 = arith.constant 16 : i32
        %parallel_loop3A_614 = arith.muli %parallel_loop3A_611, %parallel_loop3A_613 : i32
        %parallel_loop3A_615 = arith.index_cast %parallel_loop3A_614 : i32 to index
        %parallel_loop3A_616 = tpu.vector_load %arg11[%parallel_loop3A_615] {strides = array<i32>} : memref<8192xf32, #tpu.memory_space<vmem>>, vector<16xf32>,
        %parallel_loop3A_617 = tpu.bitcast %parallel_loop3A_616 : vector<16xf32> -> vector<16xi32>
        %parallel_loop3A_618 = vector.broadcast %parallel_loop3A_611 : i32 to vector<16xi32>
        %parallel_loop3A_619 = arith.cmpi sgt, %parallel_loop3A_259, %parallel_loop3A_618 : vector<16xi32>
        %parallel_loop3A_620 = arith.cmpi uge, %parallel_loop3A_617, %or3A_606 : vector<16xi32>
        %parallel_loop3A_621 = arith.andi %parallel_loop3A_620, %parallel_loop3A_619 : vector<16xi1>
        %parallel_loop3A_622 = tpu.all_reduce %parallel_loop3A_621 {dim = 0 : i64, kind = #tpu.reduction_kind<sum>} : vector<16xi1> -> vector<16xi32>
        %parallel_loop3A_623 = arith.addi %parallel_loop3A_612, %parallel_loop3A_622 : vector<16xi32>
        scf.yield %parallel_loop3A_623 : vector<16xi32>
      } {sc.loop_unroll_factor = 2 : i64, sc.parallel_access}
      %ge3A = arith.cmpi sge, %parallel_loop3A_609, %sub3A_250 : vector<16xi32>
      %select_n3A_610 = arith.select %ge3A, %or3A_606, %scan3A_600 : vector<16xi1>, vector<16xi32>
      scf.yield %select_n3A_610 : vector<16xi32>
    }
    %scan3A_283 = arith.constant 14 : i32
    %bitcast_convert_type3A_284 = tpu.bitcast %scan3A_282 : vector<16xi32> -> vector<16xi32>
    %lt3A_285 = arith.constant 0 : i32
    %lt3A_286 = vector.broadcast %lt3A_285 : i32 to vector<16xi32>
    %lt3A_287 = arith.cmpi slt, %bitcast_convert_type3A_284, %lt3A_286 : vector<16xi32>
    %xor3A_288 = arith.constant -2147483648 : i32
    %xor3A_289 = vector.broadcast %xor3A_288 : i32 to vector<16xi32>
    %xor3A_290 = arith.xori %bitcast_convert_type3A_284, %xor3A_289 : vector<16xi32>
    %not3A_291 = arith.constant dense<-1> : vector<16xi32>
    %not3A_292 = arith.xori %bitcast_convert_type3A_284, %not3A_291 : vector<16xi32>
    %select_n3A_293 = arith.select %lt3A_287, %xor3A_290, %not3A_292 : vector<16xi1>, vector<16xi32>
    %bitcast_convert_type3A_294 = tpu.bitcast %select_n3A_293 : vector<16xi32> -> vector<16xf32>
    %parallel_loop3A_295 = arith.constant 0 : i32
    %parallel_loop3A_296 = arith.constant 32768 : i32
    %parallel_loop3A_297 = arith.constant 16 : i32
    scf.for %parallel_loop3A_599 = %parallel_loop3A_295 to %parallel_loop3A_296 step %parallel_loop3A_297  : i32 {
      %parallel_loop3A_600 = arith.index_cast %parallel_loop3A_599 : i32 to index
      %parallel_loop3A_601 = tpu.vector_load %arg5[%parallel_loop3A_600] {strides = array<i32>} : memref<32768xf32, #tpu.memory_space<vmem>>, vector<16xf32>,
      %parallel_loop3A_602 = arith.cmpf oge, %parallel_loop3A_601, %bitcast_convert_type3A_294 : vector<16xf32>
      %parallel_loop3A_603 = arith.constant 0.000000e+00 : f32
      %parallel_loop3A_604 = vector.broadcast %parallel_loop3A_603 : f32 to vector<16xf32>
      %parallel_loop3A_605 = arith.select %parallel_loop3A_602, %parallel_loop3A_601, %parallel_loop3A_604 : vector<16xi1>, vector<16xf32>
      %parallel_loop3A_606 = arith.index_cast %parallel_loop3A_599 : i32 to index
      %parallel_loop3A_607 = tpu.vector_load %arg10[%parallel_loop3A_606] {strides = array<i32>} : memref<32768xf32, #tpu.memory_space<vmem>>, vector<16xf32>,
      tpu.vector_store %arg10[%parallel_loop3A_606], %parallel_loop3A_605 {strides = array<i32>} : memref<32768xf32, #tpu.memory_space<vmem>>, vector<16xf32>,
    } {sc.loop_unroll_factor = 8 : i64, sc.parallel_access}
    %add3A_298 = arith.constant 1 : i32
    %add3A_299 = arith.addi %mul3A_2, %add3A_298 : i32
    %dma_start3A_300 = arith.constant 0 : i32
    %dma_start3A_301 = tpu.memref_slice %arg3[%add3A_299, %dma_start3A_300] : memref<128x32768xf32, #tpu.memory_space<hbm>> -> memref<1x32768xf32, #tpu.memory_space<hbm>>
    %dma_start3A_302 = tpu.memref_squeeze %dma_start3A_301 : memref<1x32768xf32, #tpu.memory_space<hbm>> -> memref<32768xf32, #tpu.memory_space<hbm>>
    %dma_start3A_303 = arith.constant 0 : i32
    %dma_start3A_304 = tpu.memref_slice %arg3[%add3A_299, %dma_start3A_303] : memref<128x32768xf32, #tpu.memory_space<hbm>> -> memref<1x32768xf32, #tpu.memory_space<hbm>>
    %dma_start3A_305 = tpu.memref_squeeze %dma_start3A_304 : memref<1x32768xf32, #tpu.memory_space<hbm>> -> memref<32768xf32, #tpu.memory_space<hbm>>
    tpu.enqueue_dma source(%arg10 : memref<32768xf32, #tpu.memory_space<vmem>>) target(%dma_start3A_305 : memref<32768xf32, #tpu.memory_space<hbm>>) target_semaphore(%arg13 : memref<!tpu.dma_semaphore, #tpu.memory_space<semaphore_mem>>)
    %add3A_306 = arith.constant 1 : i32
    %add3A_307 = arith.addi %mul3A_2, %add3A_306 : i32
    %add3A_308 = arith.constant 2 : i32
    %add3A_309 = arith.addi %add3A_307, %add3A_308 : i32
    %dma_start3A_310 = arith.constant 1 : i32
    %dma_start3A_311 = arith.constant 0 : i32
    %dma_start3A_312 = tpu.memref_slice %arg2[%add3A_309, %dma_start3A_311] : memref<128x32768xf32, #tpu.memory_space<hbm>> -> memref<1x32768xf32, #tpu.memory_space<hbm>>
    %dma_start3A_313 = tpu.memref_squeeze %dma_start3A_312 : memref<1x32768xf32, #tpu.memory_space<hbm>> -> memref<32768xf32, #tpu.memory_space<hbm>>
    %dma_start3A_314 = tpu.memref_slice %arg12[%dma_start3A_310] : memref<2x!tpu.dma_semaphore, #tpu.memory_space<semaphore_mem>> -> memref<1x!tpu.dma_semaphore, #tpu.memory_space<semaphore_mem>>
    %dma_start3A_315 = tpu.memref_squeeze %dma_start3A_314 : memref<1x!tpu.dma_semaphore, #tpu.memory_space<semaphore_mem>> -> memref<!tpu.dma_semaphore, #tpu.memory_space<semaphore_mem>>
    %dma_start3A_316 = arith.constant 0 : i32
    %dma_start3A_317 = tpu.memref_slice %arg2[%add3A_309, %dma_start3A_316] : memref<128x32768xf32, #tpu.memory_space<hbm>> -> memref<1x32768xf32, #tpu.memory_space<hbm>>
    %dma_start3A_318 = tpu.memref_squeeze %dma_start3A_317 : memref<1x32768xf32, #tpu.memory_space<hbm>> -> memref<32768xf32, #tpu.memory_space<hbm>>
    tpu.enqueue_dma source(%dma_start3A_318 : memref<32768xf32, #tpu.memory_space<hbm>>) target(%arg5 : memref<32768xf32, #tpu.memory_space<vmem>>) target_semaphore(%dma_start3A_315 : memref<!tpu.dma_semaphore, #tpu.memory_space<semaphore_mem>>)
    %dma_wait3A_319 = arith.constant 0 : i32
    %dma_wait3A_320 = arith.constant 0 : i32
    %dma_wait3A_321 = tpu.memref_slice %arg2[%add3A_159, %dma_wait3A_320] : memref<128x32768xf32, #tpu.memory_space<hbm>> -> memref<1x32768xf32, #tpu.memory_space<hbm>>
    %dma_wait3A_322 = tpu.memref_squeeze %dma_wait3A_321 : memref<1x32768xf32, #tpu.memory_space<hbm>> -> memref<32768xf32, #tpu.memory_space<hbm>>
    %dma_wait3A_323 = tpu.memref_slice %arg12[%dma_wait3A_319] : memref<2x!tpu.dma_semaphore, #tpu.memory_space<semaphore_mem>> -> memref<1x!tpu.dma_semaphore, #tpu.memory_space<semaphore_mem>>
    %dma_wait3A_324 = tpu.memref_squeeze %dma_wait3A_323 : memref<1x!tpu.dma_semaphore, #tpu.memory_space<semaphore_mem>> -> memref<!tpu.dma_semaphore, #tpu.memory_space<semaphore_mem>>
    %dma_wait3A_325 = arith.constant 0 : i32
    %dma_wait3A_326 = tpu.memref_slice %arg2[%add3A_159, %dma_wait3A_325] : memref<128x32768xf32, #tpu.memory_space<hbm>> -> memref<1x32768xf32, #tpu.memory_space<hbm>>
    %dma_wait3A_327 = tpu.memref_squeeze %dma_wait3A_326 : memref<1x32768xf32, #tpu.memory_space<hbm>> -> memref<32768xf32, #tpu.memory_space<hbm>>
    tpu.wait_dma2 semaphore(%dma_wait3A_324 : memref<!tpu.dma_semaphore, #tpu.memory_space<semaphore_mem>>) src(%dma_wait3A_327 : memref<32768xf32, #tpu.memory_space<hbm>>) dst(%arg4 : memref<32768xf32, #tpu.memory_space<vmem>>)
    %parallel_loop3A_328 = arith.constant 0 : i32
    %parallel_loop3A_329 = arith.constant 32768 : i32
    %parallel_loop3A_330 = arith.constant 16 : i32
    scf.for %parallel_loop3A_599 = %parallel_loop3A_328 to %parallel_loop3A_329 step %parallel_loop3A_330  : i32 {
      %parallel_loop3A_600 = arith.index_cast %parallel_loop3A_599 : i32 to index
      %parallel_loop3A_601 = tpu.vector_load %arg4[%parallel_loop3A_600] {strides = array<i32>} : memref<32768xf32, #tpu.memory_space<vmem>>, vector<16xf32>,
      %parallel_loop3A_602 = tpu.bitcast %parallel_loop3A_601 : vector<16xf32> -> vector<16xi32>
      %parallel_loop3A_603 = tpu.bitcast %parallel_loop3A_602 : vector<16xi32> -> vector<16xi32>
      %parallel_loop3A_604 = arith.constant 31 : i32
      %parallel_loop3A_605 = vector.broadcast %parallel_loop3A_604 : i32 to vector<16xi32>
      %parallel_loop3A_606 = arith.shrsi %parallel_loop3A_603, %parallel_loop3A_605 : vector<16xi32>
      %parallel_loop3A_607 = tpu.bitcast %parallel_loop3A_606 : vector<16xi32> -> vector<16xi32>
      %parallel_loop3A_608 = arith.constant -2147483648 : i32
      %parallel_loop3A_609 = vector.broadcast %parallel_loop3A_608 : i32 to vector<16xi32>
      %parallel_loop3A_610 = arith.ori %parallel_loop3A_607, %parallel_loop3A_609 : vector<16xi32>
      %parallel_loop3A_611 = arith.xori %parallel_loop3A_602, %parallel_loop3A_610 : vector<16xi32>
      %parallel_loop3A_612 = arith.constant 22 : i32
      %parallel_loop3A_613 = vector.broadcast %parallel_loop3A_612 : i32 to vector<16xi32>
      %parallel_loop3A_614 = arith.shrui %parallel_loop3A_611, %parallel_loop3A_613 : vector<16xi32>
      %parallel_loop3A_615 = tpu.bitcast %parallel_loop3A_614 : vector<16xi32> -> vector<16xi32>
      %parallel_loop3A_616 = arith.addi %parallel_loop3A_615, %mul3A_5 : vector<16xi32>
      tpu.vector_store_idx %arg6[%parallel_loop3A_616], %broadcast_in_dim3A_11 {add = true} : memref<16400xi32, #tpu.memory_space<vmem>>[vector<16xi32>], vector<16xi32>,
    } {sc.loop_unroll_factor = 8 : i64, sc.parallel_access}
    %parallel_loop3A_331 = arith.constant 0 : i32
    %parallel_loop3A_332 = arith.constant 1024 : i32
    %parallel_loop3A_333 = arith.constant 16 : i32
    scf.for %parallel_loop3A_599 = %parallel_loop3A_331 to %parallel_loop3A_332 step %parallel_loop3A_333  : i32 {
      %parallel_loop3A_600 = arith.index_cast %parallel_loop3A_599 : i32 to index
      %parallel_loop3A_601 = tpu.vector_load %arg6[%parallel_loop3A_600] {strides = array<i32>} : memref<16400xi32, #tpu.memory_space<vmem>>, vector<16xi32>,
      %parallel_loop3A_602 = arith.index_cast %parallel_loop3A_599 : i32 to index
      %parallel_loop3A_603 = tpu.vector_load %arg6[%parallel_loop3A_602] {strides = array<i32>} : memref<16400xi32, #tpu.memory_space<vmem>>, vector<16xi32>,
      tpu.vector_store %arg6[%parallel_loop3A_602], %broadcast_in_dim3A_9 {strides = array<i32>} : memref<16400xi32, #tpu.memory_space<vmem>>, vector<16xi32>,
      %parallel_loop3A_604 = arith.constant 1025 : i32
      %parallel_loop3A_605 = arith.addi %parallel_loop3A_604, %parallel_loop3A_599 : i32
      %parallel_loop3A_606 = arith.index_cast %parallel_loop3A_605 : i32 to index
      %parallel_loop3A_607 = tpu.vector_load %arg6[%parallel_loop3A_606] {strides = array<i32>} : memref<16400xi32, #tpu.memory_space<vmem>>, vector<16xi32>,
      %parallel_loop3A_608 = arith.addi %parallel_loop3A_601, %parallel_loop3A_607 : vector<16xi32>
      %parallel_loop3A_609 = arith.constant 1025 : i32
      %parallel_loop3A_610 = arith.addi %parallel_loop3A_609, %parallel_loop3A_599 : i32
      %parallel_loop3A_611 = arith.index_cast %parallel_loop3A_610 : i32 to index
      %parallel_loop3A_612 = tpu.vector_load %arg6[%parallel_loop3A_611] {strides = array<i32>} : memref<16400xi32, #tpu.memory_space<vmem>>, vector<16xi32>,
      tpu.vector_store %arg6[%parallel_loop3A_611], %broadcast_in_dim3A_9 {strides = array<i32>} : memref<16400xi32, #tpu.memory_space<vmem>>, vector<16xi32>,
      %parallel_loop3A_613 = arith.constant 2050 : i32
      %parallel_loop3A_614 = arith.addi %parallel_loop3A_613, %parallel_loop3A_599 : i32
      %parallel_loop3A_615 = arith.index_cast %parallel_loop3A_614 : i32 to index
      %parallel_loop3A_616 = tpu.vector_load %arg6[%parallel_loop3A_615] {strides = array<i32>} : memref<16400xi32, #tpu.memory_space<vmem>>, vector<16xi32>,
      %parallel_loop3A_617 = arith.addi %parallel_loop3A_608, %parallel_loop3A_616 : vector<16xi32>
      %parallel_loop3A_618 = arith.constant 2050 : i32
      %parallel_loop3A_619 = arith.addi %parallel_loop3A_618, %parallel_loop3A_599 : i32
      %parallel_loop3A_620 = arith.index_cast %parallel_loop3A_619 : i32 to index
      %parallel_loop3A_621 = tpu.vector_load %arg6[%parallel_loop3A_620] {strides = array<i32>} : memref<16400xi32, #tpu.memory_space<vmem>>, vector<16xi32>,
      tpu.vector_store %arg6[%parallel_loop3A_620], %broadcast_in_dim3A_9 {strides = array<i32>} : memref<16400xi32, #tpu.memory_space<vmem>>, vector<16xi32>,
      %parallel_loop3A_622 = arith.constant 3075 : i32
      %parallel_loop3A_623 = arith.addi %parallel_loop3A_622, %parallel_loop3A_599 : i32
      %parallel_loop3A_624 = arith.index_cast %parallel_loop3A_623 : i32 to index
      %parallel_loop3A_625 = tpu.vector_load %arg6[%parallel_loop3A_624] {strides = array<i32>} : memref<16400xi32, #tpu.memory_space<vmem>>, vector<16xi32>,
      %parallel_loop3A_626 = arith.addi %parallel_loop3A_617, %parallel_loop3A_625 : vector<16xi32>
      %parallel_loop3A_627 = arith.constant 3075 : i32
      %parallel_loop3A_628 = arith.addi %parallel_loop3A_627, %parallel_loop3A_599 : i32
      %parallel_loop3A_629 = arith.index_cast %parallel_loop3A_628 : i32 to index
      %parallel_loop3A_630 = tpu.vector_load %arg6[%parallel_loop3A_629] {strides = array<i32>} : memref<16400xi32, #tpu.memory_space<vmem>>, vector<16xi32>,
      tpu.vector_store %arg6[%parallel_loop3A_629], %broadcast_in_dim3A_9 {strides = array<i32>} : memref<16400xi32, #tpu.memory_space<vmem>>, vector<16xi32>,
      %parallel_loop3A_631 = arith.constant 4100 : i32
      %parallel_loop3A_632 = arith.addi %parallel_loop3A_631, %parallel_loop3A_599 : i32
      %parallel_loop3A_633 = arith.index_cast %parallel_loop3A_632 : i32 to index
      %parallel_loop3A_634 = tpu.vector_load %arg6[%parallel_loop3A_633] {strides = array<i32>} : memref<16400xi32, #tpu.memory_space<vmem>>, vector<16xi32>,
      %parallel_loop3A_635 = arith.addi %parallel_loop3A_626, %parallel_loop3A_634 : vector<16xi32>
      %parallel_loop3A_636 = arith.constant 4100 : i32
      %parallel_loop3A_637 = arith.addi %parallel_loop3A_636, %parallel_loop3A_599 : i32
      %parallel_loop3A_638 = arith.index_cast %parallel_loop3A_637 : i32 to index
      %parallel_loop3A_639 = tpu.vector_load %arg6[%parallel_loop3A_638] {strides = array<i32>} : memref<16400xi32, #tpu.memory_space<vmem>>, vector<16xi32>,
      tpu.vector_store %arg6[%parallel_loop3A_638], %broadcast_in_dim3A_9 {strides = array<i32>} : memref<16400xi32, #tpu.memory_space<vmem>>, vector<16xi32>,
      %parallel_loop3A_640 = arith.constant 5125 : i32
      %parallel_loop3A_641 = arith.addi %parallel_loop3A_640, %parallel_loop3A_599 : i32
      %parallel_loop3A_642 = arith.index_cast %parallel_loop3A_641 : i32 to index
      %parallel_loop3A_643 = tpu.vector_load %arg6[%parallel_loop3A_642] {strides = array<i32>} : memref<16400xi32, #tpu.memory_space<vmem>>, vector<16xi32>,
      %parallel_loop3A_644 = arith.addi %parallel_loop3A_635, %parallel_loop3A_643 : vector<16xi32>
      %parallel_loop3A_645 = arith.constant 5125 : i32
      %parallel_loop3A_646 = arith.addi %parallel_loop3A_645, %parallel_loop3A_599 : i32
      %parallel_loop3A_647 = arith.index_cast %parallel_loop3A_646 : i32 to index
      %parallel_loop3A_648 = tpu.vector_load %arg6[%parallel_loop3A_647] {strides = array<i32>} : memref<16400xi32, #tpu.memory_space<vmem>>, vector<16xi32>,
      tpu.vector_store %arg6[%parallel_loop3A_647], %broadcast_in_dim3A_9 {strides = array<i32>} : memref<16400xi32, #tpu.memory_space<vmem>>, vector<16xi32>,
      %parallel_loop3A_649 = arith.constant 6150 : i32
      %parallel_loop3A_650 = arith.addi %parallel_loop3A_649, %parallel_loop3A_599 : i32
      %parallel_loop3A_651 = arith.index_cast %parallel_loop3A_650 : i32 to index
      %parallel_loop3A_652 = tpu.vector_load %arg6[%parallel_loop3A_651] {strides = array<i32>} : memref<16400xi32, #tpu.memory_space<vmem>>, vector<16xi32>,
      %parallel_loop3A_653 = arith.addi %parallel_loop3A_644, %parallel_loop3A_652 : vector<16xi32>
      %parallel_loop3A_654 = arith.constant 6150 : i32
      %parallel_loop3A_655 = arith.addi %parallel_loop3A_654, %parallel_loop3A_599 : i32
      %parallel_loop3A_656 = arith.index_cast %parallel_loop3A_655 : i32 to index
      %parallel_loop3A_657 = tpu.vector_load %arg6[%parallel_loop3A_656] {strides = array<i32>} : memref<16400xi32, #tpu.memory_space<vmem>>, vector<16xi32>,
      tpu.vector_store %arg6[%parallel_loop3A_656], %broadcast_in_dim3A_9 {strides = array<i32>} : memref<16400xi32, #tpu.memory_space<vmem>>, vector<16xi32>,
      %parallel_loop3A_658 = arith.constant 7175 : i32
      %parallel_loop3A_659 = arith.addi %parallel_loop3A_658, %parallel_loop3A_599 : i32
      %parallel_loop3A_660 = arith.index_cast %parallel_loop3A_659 : i32 to index
      %parallel_loop3A_661 = tpu.vector_load %arg6[%parallel_loop3A_660] {strides = array<i32>} : memref<16400xi32, #tpu.memory_space<vmem>>, vector<16xi32>,
      %parallel_loop3A_662 = arith.addi %parallel_loop3A_653, %parallel_loop3A_661 : vector<16xi32>
      %parallel_loop3A_663 = arith.constant 7175 : i32
      %parallel_loop3A_664 = arith.addi %parallel_loop3A_663, %parallel_loop3A_599 : i32
      %parallel_loop3A_665 = arith.index_cast %parallel_loop3A_664 : i32 to index
      %parallel_loop3A_666 = tpu.vector_load %arg6[%parallel_loop3A_665] {strides = array<i32>} : memref<16400xi32, #tpu.memory_space<vmem>>, vector<16xi32>,
      tpu.vector_store %arg6[%parallel_loop3A_665], %broadcast_in_dim3A_9 {strides = array<i32>} : memref<16400xi32, #tpu.memory_space<vmem>>, vector<16xi32>,
      %parallel_loop3A_667 = arith.constant 8200 : i32
      %parallel_loop3A_668 = arith.addi %parallel_loop3A_667, %parallel_loop3A_599 : i32
      %parallel_loop3A_669 = arith.index_cast %parallel_loop3A_668 : i32 to index
      %parallel_loop3A_670 = tpu.vector_load %arg6[%parallel_loop3A_669] {strides = array<i32>} : memref<16400xi32, #tpu.memory_space<vmem>>, vector<16xi32>,
      %parallel_loop3A_671 = arith.addi %parallel_loop3A_662, %parallel_loop3A_670 : vector<16xi32>
      %parallel_loop3A_672 = arith.constant 8200 : i32
      %parallel_loop3A_673 = arith.addi %parallel_loop3A_672, %parallel_loop3A_599 : i32
      %parallel_loop3A_674 = arith.index_cast %parallel_loop3A_673 : i32 to index
      %parallel_loop3A_675 = tpu.vector_load %arg6[%parallel_loop3A_674] {strides = array<i32>} : memref<16400xi32, #tpu.memory_space<vmem>>, vector<16xi32>,
      tpu.vector_store %arg6[%parallel_loop3A_674], %broadcast_in_dim3A_9 {strides = array<i32>} : memref<16400xi32, #tpu.memory_space<vmem>>, vector<16xi32>,
      %parallel_loop3A_676 = arith.constant 9225 : i32
      %parallel_loop3A_677 = arith.addi %parallel_loop3A_676, %parallel_loop3A_599 : i32
      %parallel_loop3A_678 = arith.index_cast %parallel_loop3A_677 : i32 to index
      %parallel_loop3A_679 = tpu.vector_load %arg6[%parallel_loop3A_678] {strides = array<i32>} : memref<16400xi32, #tpu.memory_space<vmem>>, vector<16xi32>,
      %parallel_loop3A_680 = arith.addi %parallel_loop3A_671, %parallel_loop3A_679 : vector<16xi32>
      %parallel_loop3A_681 = arith.constant 9225 : i32
      %parallel_loop3A_682 = arith.addi %parallel_loop3A_681, %parallel_loop3A_599 : i32
      %parallel_loop3A_683 = arith.index_cast %parallel_loop3A_682 : i32 to index
      %parallel_loop3A_684 = tpu.vector_load %arg6[%parallel_loop3A_683] {strides = array<i32>} : memref<16400xi32, #tpu.memory_space<vmem>>, vector<16xi32>,
      tpu.vector_store %arg6[%parallel_loop3A_683], %broadcast_in_dim3A_9 {strides = array<i32>} : memref<16400xi32, #tpu.memory_space<vmem>>, vector<16xi32>,
      %parallel_loop3A_685 = arith.constant 10250 : i32
      %parallel_loop3A_686 = arith.addi %parallel_loop3A_685, %parallel_loop3A_599 : i32
      %parallel_loop3A_687 = arith.index_cast %parallel_loop3A_686 : i32 to index
      %parallel_loop3A_688 = tpu.vector_load %arg6[%parallel_loop3A_687] {strides = array<i32>} : memref<16400xi32, #tpu.memory_space<vmem>>, vector<16xi32>,
      %parallel_loop3A_689 = arith.addi %parallel_loop3A_680, %parallel_loop3A_688 : vector<16xi32>
      %parallel_loop3A_690 = arith.constant 10250 : i32
      %parallel_loop3A_691 = arith.addi %parallel_loop3A_690, %parallel_loop3A_599 : i32
      %parallel_loop3A_692 = arith.index_cast %parallel_loop3A_691 : i32 to index
      %parallel_loop3A_693 = tpu.vector_load %arg6[%parallel_loop3A_692] {strides = array<i32>} : memref<16400xi32, #tpu.memory_space<vmem>>, vector<16xi32>,
      tpu.vector_store %arg6[%parallel_loop3A_692], %broadcast_in_dim3A_9 {strides = array<i32>} : memref<16400xi32, #tpu.memory_space<vmem>>, vector<16xi32>,
      %parallel_loop3A_694 = arith.constant 11275 : i32
      %parallel_loop3A_695 = arith.addi %parallel_loop3A_694, %parallel_loop3A_599 : i32
      %parallel_loop3A_696 = arith.index_cast %parallel_loop3A_695 : i32 to index
      %parallel_loop3A_697 = tpu.vector_load %arg6[%parallel_loop3A_696] {strides = array<i32>} : memref<16400xi32, #tpu.memory_space<vmem>>, vector<16xi32>,
      %parallel_loop3A_698 = arith.addi %parallel_loop3A_689, %parallel_loop3A_697 : vector<16xi32>
      %parallel_loop3A_699 = arith.constant 11275 : i32
      %parallel_loop3A_700 = arith.addi %parallel_loop3A_699, %parallel_loop3A_599 : i32
      %parallel_loop3A_701 = arith.index_cast %parallel_loop3A_700 : i32 to index
      %parallel_loop3A_702 = tpu.vector_load %arg6[%parallel_loop3A_701] {strides = array<i32>} : memref<16400xi32, #tpu.memory_space<vmem>>, vector<16xi32>,
      tpu.vector_store %arg6[%parallel_loop3A_701], %broadcast_in_dim3A_9 {strides = array<i32>} : memref<16400xi32, #tpu.memory_space<vmem>>, vector<16xi32>,
      %parallel_loop3A_703 = arith.constant 12300 : i32
      %parallel_loop3A_704 = arith.addi %parallel_loop3A_703, %parallel_loop3A_599 : i32
      %parallel_loop3A_705 = arith.index_cast %parallel_loop3A_704 : i32 to index
      %parallel_loop3A_706 = tpu.vector_load %arg6[%parallel_loop3A_705] {strides = array<i32>} : memref<16400xi32, #tpu.memory_space<vmem>>, vector<16xi32>,
      %parallel_loop3A_707 = arith.addi %parallel_loop3A_698, %parallel_loop3A_706 : vector<16xi32>
      %parallel_loop3A_708 = arith.constant 12300 : i32
      %parallel_loop3A_709 = arith.addi %parallel_loop3A_708, %parallel_loop3A_599 : i32
      %parallel_loop3A_710 = arith.index_cast %parallel_loop3A_709 : i32 to index
      %parallel_loop3A_711 = tpu.vector_load %arg6[%parallel_loop3A_710] {strides = array<i32>} : memref<16400xi32, #tpu.memory_space<vmem>>, vector<16xi32>,
      tpu.vector_store %arg6[%parallel_loop3A_710], %broadcast_in_dim3A_9 {strides = array<i32>} : memref<16400xi32, #tpu.memory_space<vmem>>, vector<16xi32>,
      %parallel_loop3A_712 = arith.constant 13325 : i32
      %parallel_loop3A_713 = arith.addi %parallel_loop3A_712, %parallel_loop3A_599 : i32
      %parallel_loop3A_714 = arith.index_cast %parallel_loop3A_713 : i32 to index
      %parallel_loop3A_715 = tpu.vector_load %arg6[%parallel_loop3A_714] {strides = array<i32>} : memref<16400xi32, #tpu.memory_space<vmem>>, vector<16xi32>,
      %parallel_loop3A_716 = arith.addi %parallel_loop3A_707, %parallel_loop3A_715 : vector<16xi32>
      %parallel_loop3A_717 = arith.constant 13325 : i32
      %parallel_loop3A_718 = arith.addi %parallel_loop3A_717, %parallel_loop3A_599 : i32
      %parallel_loop3A_719 = arith.index_cast %parallel_loop3A_718 : i32 to index
      %parallel_loop3A_720 = tpu.vector_load %arg6[%parallel_loop3A_719] {strides = array<i32>} : memref<16400xi32, #tpu.memory_space<vmem>>, vector<16xi32>,
      tpu.vector_store %arg6[%parallel_loop3A_719], %broadcast_in_dim3A_9 {strides = array<i32>} : memref<16400xi32, #tpu.memory_space<vmem>>, vector<16xi32>,
      %parallel_loop3A_721 = arith.constant 14350 : i32
      %parallel_loop3A_722 = arith.addi %parallel_loop3A_721, %parallel_loop3A_599 : i32
      %parallel_loop3A_723 = arith.index_cast %parallel_loop3A_722 : i32 to index
      %parallel_loop3A_724 = tpu.vector_load %arg6[%parallel_loop3A_723] {strides = array<i32>} : memref<16400xi32, #tpu.memory_space<vmem>>, vector<16xi32>,
      %parallel_loop3A_725 = arith.addi %parallel_loop3A_716, %parallel_loop3A_724 : vector<16xi32>
      %parallel_loop3A_726 = arith.constant 14350 : i32
      %parallel_loop3A_727 = arith.addi %parallel_loop3A_726, %parallel_loop3A_599 : i32
      %parallel_loop3A_728 = arith.index_cast %parallel_loop3A_727 : i32 to index
      %parallel_loop3A_729 = tpu.vector_load %arg6[%parallel_loop3A_728] {strides = array<i32>} : memref<16400xi32, #tpu.memory_space<vmem>>, vector<16xi32>,
      tpu.vector_store %arg6[%parallel_loop3A_728], %broadcast_in_dim3A_9 {strides = array<i32>} : memref<16400xi32, #tpu.memory_space<vmem>>, vector<16xi32>,
      %parallel_loop3A_730 = arith.constant 15375 : i32
      %parallel_loop3A_731 = arith.addi %parallel_loop3A_730, %parallel_loop3A_599 : i32
      %parallel_loop3A_732 = arith.index_cast %parallel_loop3A_731 : i32 to index
      %parallel_loop3A_733 = tpu.vector_load %arg6[%parallel_loop3A_732] {strides = array<i32>} : memref<16400xi32, #tpu.memory_space<vmem>>, vector<16xi32>,
      %parallel_loop3A_734 = arith.addi %parallel_loop3A_725, %parallel_loop3A_733 : vector<16xi32>
      %parallel_loop3A_735 = arith.constant 15375 : i32
      %parallel_loop3A_736 = arith.addi %parallel_loop3A_735, %parallel_loop3A_599 : i32
      %parallel_loop3A_737 = arith.index_cast %parallel_loop3A_736 : i32 to index
      %parallel_loop3A_738 = tpu.vector_load %arg6[%parallel_loop3A_737] {strides = array<i32>} : memref<16400xi32, #tpu.memory_space<vmem>>, vector<16xi32>,
      tpu.vector_store %arg6[%parallel_loop3A_737], %broadcast_in_dim3A_9 {strides = array<i32>} : memref<16400xi32, #tpu.memory_space<vmem>>, vector<16xi32>,
      %parallel_loop3A_739 = arith.index_cast %parallel_loop3A_599 : i32 to index
      %parallel_loop3A_740 = tpu.vector_load %arg7[%parallel_loop3A_739] {strides = array<i32>} : memref<1024xi32, #tpu.memory_space<vmem>>, vector<16xi32>,
      tpu.vector_store %arg7[%parallel_loop3A_739], %parallel_loop3A_734 {strides = array<i32>} : memref<1024xi32, #tpu.memory_space<vmem>>, vector<16xi32>,
    } {sc.loop_unroll_factor = 1 : i64, sc.parallel_access}
    %scan3A_334 = arith.constant 0 : i32
    %scan3A_335 = arith.constant 64 : i32
    %scan3A_336 = arith.addi %scan3A_334, %scan3A_335 : i32
    %scan3A_337 = arith.constant 1 : i32
    %scan3A_338:3 = scf.for %scan3A_599 = %scan3A_334 to %scan3A_336 step %scan3A_337 iter_args(%scan3A_600 = %broadcast_in_dim3A_9, %scan3A_601 = %broadcast_in_dim3A_9, %scan3A_602 = %broadcast_in_dim3A_9) -> (vector<16xi32>, vector<16xi32>, vector<16xi32>)  : i32 {
      %sub3A_603 = arith.constant 63 : i32
      %sub3A_604 = arith.subi %sub3A_603, %scan3A_599 : i32
      %mul3A_605 = arith.constant 16 : i32
      %mul3A_606 = arith.muli %sub3A_604, %mul3A_605 : i32
      %get3A = arith.index_cast %mul3A_606 : i32 to index
      %get3A_607 = tpu.vector_load %arg7[%get3A] {strides = array<i32>} : memref<1024xi32, #tpu.memory_space<vmem>>, vector<16xi32>,
      %rev3A = arith.constant 15 : i32
      %rev3A_608 = vector.broadcast %rev3A : i32 to vector<16xi32>
      %rev3A_609 = tpu.iota {dimensions = array<i32: 0>} : vector<16xi32>
      %rev3A_610 = arith.subi %rev3A_608, %rev3A_609 : vector<16xi32>
      %rev3A_611 = tpu.dynamic_gather %get3A_607[%rev3A_610] in [0] : vector<16xi32>, vector<16xi32> -> vector<16xi32>
      %broadcast_in_dim3A_612 = arith.constant true
      %broadcast_in_dim3A_613 = vector.broadcast %broadcast_in_dim3A_612 : i1 to vector<16xi1>
      %masked_cumsum3A = tpu.scan <sum>, %rev3A_611 masked %broadcast_in_dim3A_613 : vector<16xi32>, vector<16xi1> -> vector<16xi32>
      %add3A_614 = arith.addi %masked_cumsum3A, %scan3A_600 : vector<16xi32>
      %ge3A = arith.cmpi sge, %add3A_614, %broadcast_in_dim3A_13 : vector<16xi32>
      %all_reduce_population_count3A = tpu.all_reduce %ge3A {dim = 0 : i64, kind = #tpu.reduction_kind<sum>} : vector<16xi1> -> vector<16xi32>
      %add3A_615 = arith.addi %scan3A_601, %all_reduce_population_count3A : vector<16xi32>
      %select_n3A_616 = arith.select %ge3A, %broadcast_in_dim3A_9, %rev3A_611 : vector<16xi1>, vector<16xi32>
      %add3A_617 = arith.addi %scan3A_602, %select_n3A_616 : vector<16xi32>
      %rev3A_618 = arith.constant 15 : i32
      %rev3A_619 = vector.broadcast %rev3A_618 : i32 to vector<16xi32>
      %rev3A_620 = tpu.iota {dimensions = array<i32: 0>} : vector<16xi32>
      %rev3A_621 = arith.subi %rev3A_619, %rev3A_620 : vector<16xi32>
      %rev3A_622 = tpu.dynamic_gather %add3A_614[%rev3A_621] in [0] : vector<16xi32>, vector<16xi32> -> vector<16xi32>
      %slice3A = vector.extract_strided_slice %rev3A_622 {offsets = [0], sizes = [1], strides = [1]} : vector<16xi32> to vector<1xi32>
      %squeeze3A = vector.extract %slice3A[0] : i32 from vector<1xi32>
      %broadcast_in_dim3A_623 = vector.broadcast %squeeze3A : i32 to vector<16xi32>
      scf.yield %broadcast_in_dim3A_623, %add3A_615, %add3A_617 : vector<16xi32>, vector<16xi32>, vector<16xi32>
    }
    %scan3A_339 = arith.constant 64 : i32
    %reduce_max3A_340 = arith.constant true
    %reduce_max3A_341 = vector.broadcast %reduce_max3A_340 : i1 to vector<16xi1>
    %reduce_max3A_342 = arith.constant -2147483648 : i32
    %reduce_max3A_343 = vector.broadcast %reduce_max3A_342 : i32 to vector<16xi32>
    %reduce_max3A_344 = arith.xori %scan3A_338#1, %reduce_max3A_343 : vector<16xi32>
    %reduce_max3A_345 = tpu.scan <max>, %reduce_max3A_344 masked %reduce_max3A_341 : vector<16xi32>, vector<16xi1> -> vector<16xi32>
    %reduce_max3A_346 = arith.xori %reduce_max3A_345, %reduce_max3A_343 : vector<16xi32>
    %reduce_max3A_347 = vector.extract %reduce_max3A_346[15] : i32 from vector<16xi32>
    %sub3A_348 = arith.constant 1 : i32
    %sub3A_349 = arith.subi %reduce_max3A_347, %sub3A_348 : i32
    %reduce_sum3A_350 = arith.constant true
    %reduce_sum3A_351 = vector.broadcast %reduce_sum3A_350 : i1 to vector<16xi1>
    %reduce_sum3A_352 = tpu.scan <sum>, %scan3A_338#2 masked %reduce_sum3A_351 : vector<16xi32>, vector<16xi1> -> vector<16xi32>
    %reduce_sum3A_353 = vector.extract %reduce_sum3A_352[15] : i32 from vector<16xi32>
    %broadcast_in_dim3A_354 = vector.broadcast %reduce_sum3A_353 : i32 to vector<16xi32>
    %sub3A_355 = arith.subi %broadcast_in_dim3A_13, %broadcast_in_dim3A_354 : vector<16xi32>
    %dma_wait3A_356 = arith.constant 0 : i32
    %dma_wait3A_357 = tpu.memref_slice %arg3[%add3A_299, %dma_wait3A_356] : memref<128x32768xf32, #tpu.memory_space<hbm>> -> memref<1x32768xf32, #tpu.memory_space<hbm>>
    %dma_wait3A_358 = tpu.memref_squeeze %dma_wait3A_357 : memref<1x32768xf32, #tpu.memory_space<hbm>> -> memref<32768xf32, #tpu.memory_space<hbm>>
    %dma_wait3A_359 = arith.constant 0 : i32
    %dma_wait3A_360 = tpu.memref_slice %arg3[%add3A_299, %dma_wait3A_359] : memref<128x32768xf32, #tpu.memory_space<hbm>> -> memref<1x32768xf32, #tpu.memory_space<hbm>>
    %dma_wait3A_361 = tpu.memref_squeeze %dma_wait3A_360 : memref<1x32768xf32, #tpu.memory_space<hbm>> -> memref<32768xf32, #tpu.memory_space<hbm>>
    tpu.wait_dma2 semaphore(%arg13 : memref<!tpu.dma_semaphore, #tpu.memory_space<semaphore_mem>>) src(%arg10 : memref<32768xf32, #tpu.memory_space<vmem>>) dst(%dma_wait3A_361 : memref<32768xf32, #tpu.memory_space<hbm>>)
    %bitcast_convert_type3A_362 = arith.bitcast %sub3A_349 : i32 to i32
    %broadcast_in_dim3A_363 = vector.broadcast %bitcast_convert_type3A_362 : i32 to vector<16xi32>
    %parallel_loop3A_364 = arith.constant 0 : i32
    %parallel_loop3A_365 = arith.constant 32768 : i32
    %parallel_loop3A_366 = arith.constant 16 : i32
    %parallel_loop3A_367 = scf.for %parallel_loop3A_599 = %parallel_loop3A_364 to %parallel_loop3A_365 step %parallel_loop3A_366 iter_args(%parallel_loop3A_600 = %broadcast_in_dim3A_9) -> (vector<16xi32>)  : i32 {
      %parallel_loop3A_601 = arith.index_cast %parallel_loop3A_599 : i32 to index
      %parallel_loop3A_602 = tpu.vector_load %arg4[%parallel_loop3A_601] {strides = array<i32>} : memref<32768xf32, #tpu.memory_space<vmem>>, vector<16xf32>,
      %parallel_loop3A_603 = tpu.bitcast %parallel_loop3A_602 : vector<16xf32> -> vector<16xi32>
      %parallel_loop3A_604 = tpu.bitcast %parallel_loop3A_603 : vector<16xi32> -> vector<16xi32>
      %parallel_loop3A_605 = arith.constant 31 : i32
      %parallel_loop3A_606 = vector.broadcast %parallel_loop3A_605 : i32 to vector<16xi32>
      %parallel_loop3A_607 = arith.shrsi %parallel_loop3A_604, %parallel_loop3A_606 : vector<16xi32>
      %parallel_loop3A_608 = tpu.bitcast %parallel_loop3A_607 : vector<16xi32> -> vector<16xi32>
      %parallel_loop3A_609 = arith.constant -2147483648 : i32
      %parallel_loop3A_610 = vector.broadcast %parallel_loop3A_609 : i32 to vector<16xi32>
      %parallel_loop3A_611 = arith.ori %parallel_loop3A_608, %parallel_loop3A_610 : vector<16xi32>
      %parallel_loop3A_612 = arith.xori %parallel_loop3A_603, %parallel_loop3A_611 : vector<16xi32>
      %parallel_loop3A_613 = arith.constant 22 : i32
      %parallel_loop3A_614 = vector.broadcast %parallel_loop3A_613 : i32 to vector<16xi32>
      %parallel_loop3A_615 = arith.shrui %parallel_loop3A_612, %parallel_loop3A_614 : vector<16xi32>
      %parallel_loop3A_616 = arith.cmpi eq, %parallel_loop3A_615, %broadcast_in_dim3A_363 : vector<16xi32>
      %parallel_loop3A_617 = arith.constant 4 : i32
      %parallel_loop3A_618 = vector.broadcast %parallel_loop3A_617 : i32 to vector<16xi32>
      %parallel_loop3A_619 = arith.shli %parallel_loop3A_600, %parallel_loop3A_618 : vector<16xi32>
      %parallel_loop3A_620 = arith.addi %parallel_loop3A_619, %iota3A : vector<16xi32>
      %parallel_loop3A_621 = tpu.bitcast %parallel_loop3A_612 : vector<16xi32> -> vector<16xf32>
      tpu.vector_store_idx %arg10[%parallel_loop3A_620], %parallel_loop3A_621 masked %parallel_loop3A_616 : memref<32768xf32, #tpu.memory_space<vmem>>[vector<16xi32>], vector<16xf32>, vector<16xi1>
      %parallel_loop3A_622 = arith.constant 14 : i32
      %parallel_loop3A_623 = vector.broadcast %parallel_loop3A_622 : i32 to vector<16xi32>
      %parallel_loop3A_624 = arith.shrui %parallel_loop3A_612, %parallel_loop3A_623 : vector<16xi32>
      %parallel_loop3A_625 = tpu.bitcast %parallel_loop3A_624 : vector<16xi32> -> vector<16xi32>
      %parallel_loop3A_626 = arith.constant 255 : i32
      %parallel_loop3A_627 = vector.broadcast %parallel_loop3A_626 : i32 to vector<16xi32>
      %parallel_loop3A_628 = arith.andi %parallel_loop3A_625, %parallel_loop3A_627 : vector<16xi32>
      %parallel_loop3A_629 = arith.addi %parallel_loop3A_628, %mul3A_8 : vector<16xi32>
      tpu.vector_store_idx %arg8[%parallel_loop3A_629], %broadcast_in_dim3A_11 masked %parallel_loop3A_616 {add = true} : memref<4112xi32, #tpu.memory_space<vmem>>[vector<16xi32>], vector<16xi32>, vector<16xi1>
      %parallel_loop3A_630 = arith.select %parallel_loop3A_616, %broadcast_in_dim3A_11, %broadcast_in_dim3A_9 : vector<16xi1>, vector<16xi32>
      %parallel_loop3A_631 = arith.addi %parallel_loop3A_600, %parallel_loop3A_630 : vector<16xi32>
      scf.yield %parallel_loop3A_631 : vector<16xi32>
    } {sc.loop_unroll_factor = 8 : i64, sc.parallel_access}
    %reduce_max3A_368 = arith.constant true
    %reduce_max3A_369 = vector.broadcast %reduce_max3A_368 : i1 to vector<16xi1>
    %reduce_max3A_370 = arith.constant -2147483648 : i32
    %reduce_max3A_371 = vector.broadcast %reduce_max3A_370 : i32 to vector<16xi32>
    %reduce_max3A_372 = arith.xori %parallel_loop3A_367, %reduce_max3A_371 : vector<16xi32>
    %reduce_max3A_373 = tpu.scan <max>, %reduce_max3A_372 masked %reduce_max3A_369 : vector<16xi32>, vector<16xi1> -> vector<16xi32>
    %reduce_max3A_374 = arith.xori %reduce_max3A_373, %reduce_max3A_371 : vector<16xi32>
    %reduce_max3A_375 = vector.extract %reduce_max3A_374[15] : i32 from vector<16xi32>
    %parallel_loop3A_376 = arith.constant 0 : i32
    %parallel_loop3A_377 = arith.constant 256 : i32
    %parallel_loop3A_378 = arith.constant 16 : i32
    scf.for %parallel_loop3A_599 = %parallel_loop3A_376 to %parallel_loop3A_377 step %parallel_loop3A_378  : i32 {
      %parallel_loop3A_600 = arith.index_cast %parallel_loop3A_599 : i32 to index
      %parallel_loop3A_601 = tpu.vector_load %arg8[%parallel_loop3A_600] {strides = array<i32>} : memref<4112xi32, #tpu.memory_space<vmem>>, vector<16xi32>,
      %parallel_loop3A_602 = arith.index_cast %parallel_loop3A_599 : i32 to index
      %parallel_loop3A_603 = tpu.vector_load %arg8[%parallel_loop3A_602] {strides = array<i32>} : memref<4112xi32, #tpu.memory_space<vmem>>, vector<16xi32>,
      tpu.vector_store %arg8[%parallel_loop3A_602], %broadcast_in_dim3A_9 {strides = array<i32>} : memref<4112xi32, #tpu.memory_space<vmem>>, vector<16xi32>,
      %parallel_loop3A_604 = arith.constant 257 : i32
      %parallel_loop3A_605 = arith.addi %parallel_loop3A_604, %parallel_loop3A_599 : i32
      %parallel_loop3A_606 = arith.index_cast %parallel_loop3A_605 : i32 to index
      %parallel_loop3A_607 = tpu.vector_load %arg8[%parallel_loop3A_606] {strides = array<i32>} : memref<4112xi32, #tpu.memory_space<vmem>>, vector<16xi32>,
      %parallel_loop3A_608 = arith.addi %parallel_loop3A_601, %parallel_loop3A_607 : vector<16xi32>
      %parallel_loop3A_609 = arith.constant 257 : i32
      %parallel_loop3A_610 = arith.addi %parallel_loop3A_609, %parallel_loop3A_599 : i32
      %parallel_loop3A_611 = arith.index_cast %parallel_loop3A_610 : i32 to index
      %parallel_loop3A_612 = tpu.vector_load %arg8[%parallel_loop3A_611] {strides = array<i32>} : memref<4112xi32, #tpu.memory_space<vmem>>, vector<16xi32>,
      tpu.vector_store %arg8[%parallel_loop3A_611], %broadcast_in_dim3A_9 {strides = array<i32>} : memref<4112xi32, #tpu.memory_space<vmem>>, vector<16xi32>,
      %parallel_loop3A_613 = arith.constant 514 : i32
      %parallel_loop3A_614 = arith.addi %parallel_loop3A_613, %parallel_loop3A_599 : i32
      %parallel_loop3A_615 = arith.index_cast %parallel_loop3A_614 : i32 to index
      %parallel_loop3A_616 = tpu.vector_load %arg8[%parallel_loop3A_615] {strides = array<i32>} : memref<4112xi32, #tpu.memory_space<vmem>>, vector<16xi32>,
      %parallel_loop3A_617 = arith.addi %parallel_loop3A_608, %parallel_loop3A_616 : vector<16xi32>
      %parallel_loop3A_618 = arith.constant 514 : i32
      %parallel_loop3A_619 = arith.addi %parallel_loop3A_618, %parallel_loop3A_599 : i32
      %parallel_loop3A_620 = arith.index_cast %parallel_loop3A_619 : i32 to index
      %parallel_loop3A_621 = tpu.vector_load %arg8[%parallel_loop3A_620] {strides = array<i32>} : memref<4112xi32, #tpu.memory_space<vmem>>, vector<16xi32>,
      tpu.vector_store %arg8[%parallel_loop3A_620], %broadcast_in_dim3A_9 {strides = array<i32>} : memref<4112xi32, #tpu.memory_space<vmem>>, vector<16xi32>,
      %parallel_loop3A_622 = arith.constant 771 : i32
      %parallel_loop3A_623 = arith.addi %parallel_loop3A_622, %parallel_loop3A_599 : i32
      %parallel_loop3A_624 = arith.index_cast %parallel_loop3A_623 : i32 to index
      %parallel_loop3A_625 = tpu.vector_load %arg8[%parallel_loop3A_624] {strides = array<i32>} : memref<4112xi32, #tpu.memory_space<vmem>>, vector<16xi32>,
      %parallel_loop3A_626 = arith.addi %parallel_loop3A_617, %parallel_loop3A_625 : vector<16xi32>
      %parallel_loop3A_627 = arith.constant 771 : i32
      %parallel_loop3A_628 = arith.addi %parallel_loop3A_627, %parallel_loop3A_599 : i32
      %parallel_loop3A_629 = arith.index_cast %parallel_loop3A_628 : i32 to index
      %parallel_loop3A_630 = tpu.vector_load %arg8[%parallel_loop3A_629] {strides = array<i32>} : memref<4112xi32, #tpu.memory_space<vmem>>, vector<16xi32>,
      tpu.vector_store %arg8[%parallel_loop3A_629], %broadcast_in_dim3A_9 {strides = array<i32>} : memref<4112xi32, #tpu.memory_space<vmem>>, vector<16xi32>,
      %parallel_loop3A_631 = arith.constant 1028 : i32
      %parallel_loop3A_632 = arith.addi %parallel_loop3A_631, %parallel_loop3A_599 : i32
      %parallel_loop3A_633 = arith.index_cast %parallel_loop3A_632 : i32 to index
      %parallel_loop3A_634 = tpu.vector_load %arg8[%parallel_loop3A_633] {strides = array<i32>} : memref<4112xi32, #tpu.memory_space<vmem>>, vector<16xi32>,
      %parallel_loop3A_635 = arith.addi %parallel_loop3A_626, %parallel_loop3A_634 : vector<16xi32>
      %parallel_loop3A_636 = arith.constant 1028 : i32
      %parallel_loop3A_637 = arith.addi %parallel_loop3A_636, %parallel_loop3A_599 : i32
      %parallel_loop3A_638 = arith.index_cast %parallel_loop3A_637 : i32 to index
      %parallel_loop3A_639 = tpu.vector_load %arg8[%parallel_loop3A_638] {strides = array<i32>} : memref<4112xi32, #tpu.memory_space<vmem>>, vector<16xi32>,
      tpu.vector_store %arg8[%parallel_loop3A_638], %broadcast_in_dim3A_9 {strides = array<i32>} : memref<4112xi32, #tpu.memory_space<vmem>>, vector<16xi32>,
      %parallel_loop3A_640 = arith.constant 1285 : i32
      %parallel_loop3A_641 = arith.addi %parallel_loop3A_640, %parallel_loop3A_599 : i32
      %parallel_loop3A_642 = arith.index_cast %parallel_loop3A_641 : i32 to index
      %parallel_loop3A_643 = tpu.vector_load %arg8[%parallel_loop3A_642] {strides = array<i32>} : memref<4112xi32, #tpu.memory_space<vmem>>, vector<16xi32>,
      %parallel_loop3A_644 = arith.addi %parallel_loop3A_635, %parallel_loop3A_643 : vector<16xi32>
      %parallel_loop3A_645 = arith.constant 1285 : i32
      %parallel_loop3A_646 = arith.addi %parallel_loop3A_645, %parallel_loop3A_599 : i32
      %parallel_loop3A_647 = arith.index_cast %parallel_loop3A_646 : i32 to index
      %parallel_loop3A_648 = tpu.vector_load %arg8[%parallel_loop3A_647] {strides = array<i32>} : memref<4112xi32, #tpu.memory_space<vmem>>, vector<16xi32>,
      tpu.vector_store %arg8[%parallel_loop3A_647], %broadcast_in_dim3A_9 {strides = array<i32>} : memref<4112xi32, #tpu.memory_space<vmem>>, vector<16xi32>,
      %parallel_loop3A_649 = arith.constant 1542 : i32
      %parallel_loop3A_650 = arith.addi %parallel_loop3A_649, %parallel_loop3A_599 : i32
      %parallel_loop3A_651 = arith.index_cast %parallel_loop3A_650 : i32 to index
      %parallel_loop3A_652 = tpu.vector_load %arg8[%parallel_loop3A_651] {strides = array<i32>} : memref<4112xi32, #tpu.memory_space<vmem>>, vector<16xi32>,
      %parallel_loop3A_653 = arith.addi %parallel_loop3A_644, %parallel_loop3A_652 : vector<16xi32>
      %parallel_loop3A_654 = arith.constant 1542 : i32
      %parallel_loop3A_655 = arith.addi %parallel_loop3A_654, %parallel_loop3A_599 : i32
      %parallel_loop3A_656 = arith.index_cast %parallel_loop3A_655 : i32 to index
      %parallel_loop3A_657 = tpu.vector_load %arg8[%parallel_loop3A_656] {strides = array<i32>} : memref<4112xi32, #tpu.memory_space<vmem>>, vector<16xi32>,
      tpu.vector_store %arg8[%parallel_loop3A_656], %broadcast_in_dim3A_9 {strides = array<i32>} : memref<4112xi32, #tpu.memory_space<vmem>>, vector<16xi32>,
      %parallel_loop3A_658 = arith.constant 1799 : i32
      %parallel_loop3A_659 = arith.addi %parallel_loop3A_658, %parallel_loop3A_599 : i32
      %parallel_loop3A_660 = arith.index_cast %parallel_loop3A_659 : i32 to index
      %parallel_loop3A_661 = tpu.vector_load %arg8[%parallel_loop3A_660] {strides = array<i32>} : memref<4112xi32, #tpu.memory_space<vmem>>, vector<16xi32>,
      %parallel_loop3A_662 = arith.addi %parallel_loop3A_653, %parallel_loop3A_661 : vector<16xi32>
      %parallel_loop3A_663 = arith.constant 1799 : i32
      %parallel_loop3A_664 = arith.addi %parallel_loop3A_663, %parallel_loop3A_599 : i32
      %parallel_loop3A_665 = arith.index_cast %parallel_loop3A_664 : i32 to index
      %parallel_loop3A_666 = tpu.vector_load %arg8[%parallel_loop3A_665] {strides = array<i32>} : memref<4112xi32, #tpu.memory_space<vmem>>, vector<16xi32>,
      tpu.vector_store %arg8[%parallel_loop3A_665], %broadcast_in_dim3A_9 {strides = array<i32>} : memref<4112xi32, #tpu.memory_space<vmem>>, vector<16xi32>,
      %parallel_loop3A_667 = arith.constant 2056 : i32
      %parallel_loop3A_668 = arith.addi %parallel_loop3A_667, %parallel_loop3A_599 : i32
      %parallel_loop3A_669 = arith.index_cast %parallel_loop3A_668 : i32 to index
      %parallel_loop3A_670 = tpu.vector_load %arg8[%parallel_loop3A_669] {strides = array<i32>} : memref<4112xi32, #tpu.memory_space<vmem>>, vector<16xi32>,
      %parallel_loop3A_671 = arith.addi %parallel_loop3A_662, %parallel_loop3A_670 : vector<16xi32>
      %parallel_loop3A_672 = arith.constant 2056 : i32
      %parallel_loop3A_673 = arith.addi %parallel_loop3A_672, %parallel_loop3A_599 : i32
      %parallel_loop3A_674 = arith.index_cast %parallel_loop3A_673 : i32 to index
      %parallel_loop3A_675 = tpu.vector_load %arg8[%parallel_loop3A_674] {strides = array<i32>} : memref<4112xi32, #tpu.memory_space<vmem>>, vector<16xi32>,
      tpu.vector_store %arg8[%parallel_loop3A_674], %broadcast_in_dim3A_9 {strides = array<i32>} : memref<4112xi32, #tpu.memory_space<vmem>>, vector<16xi32>,
      %parallel_loop3A_676 = arith.constant 2313 : i32
      %parallel_loop3A_677 = arith.addi %parallel_loop3A_676, %parallel_loop3A_599 : i32
      %parallel_loop3A_678 = arith.index_cast %parallel_loop3A_677 : i32 to index
      %parallel_loop3A_679 = tpu.vector_load %arg8[%parallel_loop3A_678] {strides = array<i32>} : memref<4112xi32, #tpu.memory_space<vmem>>, vector<16xi32>,
      %parallel_loop3A_680 = arith.addi %parallel_loop3A_671, %parallel_loop3A_679 : vector<16xi32>
      %parallel_loop3A_681 = arith.constant 2313 : i32
      %parallel_loop3A_682 = arith.addi %parallel_loop3A_681, %parallel_loop3A_599 : i32
      %parallel_loop3A_683 = arith.index_cast %parallel_loop3A_682 : i32 to index
      %parallel_loop3A_684 = tpu.vector_load %arg8[%parallel_loop3A_683] {strides = array<i32>} : memref<4112xi32, #tpu.memory_space<vmem>>, vector<16xi32>,
      tpu.vector_store %arg8[%parallel_loop3A_683], %broadcast_in_dim3A_9 {strides = array<i32>} : memref<4112xi32, #tpu.memory_space<vmem>>, vector<16xi32>,
      %parallel_loop3A_685 = arith.constant 2570 : i32
      %parallel_loop3A_686 = arith.addi %parallel_loop3A_685, %parallel_loop3A_599 : i32
      %parallel_loop3A_687 = arith.index_cast %parallel_loop3A_686 : i32 to index
      %parallel_loop3A_688 = tpu.vector_load %arg8[%parallel_loop3A_687] {strides = array<i32>} : memref<4112xi32, #tpu.memory_space<vmem>>, vector<16xi32>,
      %parallel_loop3A_689 = arith.addi %parallel_loop3A_680, %parallel_loop3A_688 : vector<16xi32>
      %parallel_loop3A_690 = arith.constant 2570 : i32
      %parallel_loop3A_691 = arith.addi %parallel_loop3A_690, %parallel_loop3A_599 : i32
      %parallel_loop3A_692 = arith.index_cast %parallel_loop3A_691 : i32 to index
      %parallel_loop3A_693 = tpu.vector_load %arg8[%parallel_loop3A_692] {strides = array<i32>} : memref<4112xi32, #tpu.memory_space<vmem>>, vector<16xi32>,
      tpu.vector_store %arg8[%parallel_loop3A_692], %broadcast_in_dim3A_9 {strides = array<i32>} : memref<4112xi32, #tpu.memory_space<vmem>>, vector<16xi32>,
      %parallel_loop3A_694 = arith.constant 2827 : i32
      %parallel_loop3A_695 = arith.addi %parallel_loop3A_694, %parallel_loop3A_599 : i32
      %parallel_loop3A_696 = arith.index_cast %parallel_loop3A_695 : i32 to index
      %parallel_loop3A_697 = tpu.vector_load %arg8[%parallel_loop3A_696] {strides = array<i32>} : memref<4112xi32, #tpu.memory_space<vmem>>, vector<16xi32>,
      %parallel_loop3A_698 = arith.addi %parallel_loop3A_689, %parallel_loop3A_697 : vector<16xi32>
      %parallel_loop3A_699 = arith.constant 2827 : i32
      %parallel_loop3A_700 = arith.addi %parallel_loop3A_699, %parallel_loop3A_599 : i32
      %parallel_loop3A_701 = arith.index_cast %parallel_loop3A_700 : i32 to index
      %parallel_loop3A_702 = tpu.vector_load %arg8[%parallel_loop3A_701] {strides = array<i32>} : memref<4112xi32, #tpu.memory_space<vmem>>, vector<16xi32>,
      tpu.vector_store %arg8[%parallel_loop3A_701], %broadcast_in_dim3A_9 {strides = array<i32>} : memref<4112xi32, #tpu.memory_space<vmem>>, vector<16xi32>,
      %parallel_loop3A_703 = arith.constant 3084 : i32
      %parallel_loop3A_704 = arith.addi %parallel_loop3A_703, %parallel_loop3A_599 : i32
      %parallel_loop3A_705 = arith.index_cast %parallel_loop3A_704 : i32 to index
      %parallel_loop3A_706 = tpu.vector_load %arg8[%parallel_loop3A_705] {strides = array<i32>} : memref<4112xi32, #tpu.memory_space<vmem>>, vector<16xi32>,
      %parallel_loop3A_707 = arith.addi %parallel_loop3A_698, %parallel_loop3A_706 : vector<16xi32>
      %parallel_loop3A_708 = arith.constant 3084 : i32
      %parallel_loop3A_709 = arith.addi %parallel_loop3A_708, %parallel_loop3A_599 : i32
      %parallel_loop3A_710 = arith.index_cast %parallel_loop3A_709 : i32 to index
      %parallel_loop3A_711 = tpu.vector_load %arg8[%parallel_loop3A_710] {strides = array<i32>} : memref<4112xi32, #tpu.memory_space<vmem>>, vector<16xi32>,
      tpu.vector_store %arg8[%parallel_loop3A_710], %broadcast_in_dim3A_9 {strides = array<i32>} : memref<4112xi32, #tpu.memory_space<vmem>>, vector<16xi32>,
      %parallel_loop3A_712 = arith.constant 3341 : i32
      %parallel_loop3A_713 = arith.addi %parallel_loop3A_712, %parallel_loop3A_599 : i32
      %parallel_loop3A_714 = arith.index_cast %parallel_loop3A_713 : i32 to index
      %parallel_loop3A_715 = tpu.vector_load %arg8[%parallel_loop3A_714] {strides = array<i32>} : memref<4112xi32, #tpu.memory_space<vmem>>, vector<16xi32>,
      %parallel_loop3A_716 = arith.addi %parallel_loop3A_707, %parallel_loop3A_715 : vector<16xi32>
      %parallel_loop3A_717 = arith.constant 3341 : i32
      %parallel_loop3A_718 = arith.addi %parallel_loop3A_717, %parallel_loop3A_599 : i32
      %parallel_loop3A_719 = arith.index_cast %parallel_loop3A_718 : i32 to index
      %parallel_loop3A_720 = tpu.vector_load %arg8[%parallel_loop3A_719] {strides = array<i32>} : memref<4112xi32, #tpu.memory_space<vmem>>, vector<16xi32>,
      tpu.vector_store %arg8[%parallel_loop3A_719], %broadcast_in_dim3A_9 {strides = array<i32>} : memref<4112xi32, #tpu.memory_space<vmem>>, vector<16xi32>,
      %parallel_loop3A_721 = arith.constant 3598 : i32
      %parallel_loop3A_722 = arith.addi %parallel_loop3A_721, %parallel_loop3A_599 : i32
      %parallel_loop3A_723 = arith.index_cast %parallel_loop3A_722 : i32 to index
      %parallel_loop3A_724 = tpu.vector_load %arg8[%parallel_loop3A_723] {strides = array<i32>} : memref<4112xi32, #tpu.memory_space<vmem>>, vector<16xi32>,
      %parallel_loop3A_725 = arith.addi %parallel_loop3A_716, %parallel_loop3A_724 : vector<16xi32>
      %parallel_loop3A_726 = arith.constant 3598 : i32
      %parallel_loop3A_727 = arith.addi %parallel_loop3A_726, %parallel_loop3A_599 : i32
      %parallel_loop3A_728 = arith.index_cast %parallel_loop3A_727 : i32 to index
      %parallel_loop3A_729 = tpu.vector_load %arg8[%parallel_loop3A_728] {strides = array<i32>} : memref<4112xi32, #tpu.memory_space<vmem>>, vector<16xi32>,
      tpu.vector_store %arg8[%parallel_loop3A_728], %broadcast_in_dim3A_9 {strides = array<i32>} : memref<4112xi32, #tpu.memory_space<vmem>>, vector<16xi32>,
      %parallel_loop3A_730 = arith.constant 3855 : i32
      %parallel_loop3A_731 = arith.addi %parallel_loop3A_730, %parallel_loop3A_599 : i32
      %parallel_loop3A_732 = arith.index_cast %parallel_loop3A_731 : i32 to index
      %parallel_loop3A_733 = tpu.vector_load %arg8[%parallel_loop3A_732] {strides = array<i32>} : memref<4112xi32, #tpu.memory_space<vmem>>, vector<16xi32>,
      %parallel_loop3A_734 = arith.addi %parallel_loop3A_725, %parallel_loop3A_733 : vector<16xi32>
      %parallel_loop3A_735 = arith.constant 3855 : i32
      %parallel_loop3A_736 = arith.addi %parallel_loop3A_735, %parallel_loop3A_599 : i32
      %parallel_loop3A_737 = arith.index_cast %parallel_loop3A_736 : i32 to index
      %parallel_loop3A_738 = tpu.vector_load %arg8[%parallel_loop3A_737] {strides = array<i32>} : memref<4112xi32, #tpu.memory_space<vmem>>, vector<16xi32>,
      tpu.vector_store %arg8[%parallel_loop3A_737], %broadcast_in_dim3A_9 {strides = array<i32>} : memref<4112xi32, #tpu.memory_space<vmem>>, vector<16xi32>,
      %parallel_loop3A_739 = arith.index_cast %parallel_loop3A_599 : i32 to index
      %parallel_loop3A_740 = tpu.vector_load %arg9[%parallel_loop3A_739] {strides = array<i32>} : memref<256xi32, #tpu.memory_space<vmem>>, vector<16xi32>,
      tpu.vector_store %arg9[%parallel_loop3A_739], %parallel_loop3A_734 {strides = array<i32>} : memref<256xi32, #tpu.memory_space<vmem>>, vector<16xi32>,
    } {sc.loop_unroll_factor = 1 : i64, sc.parallel_access}
    %scan3A_379 = arith.constant 0 : i32
    %scan3A_380 = arith.constant 16 : i32
    %scan3A_381 = arith.addi %scan3A_379, %scan3A_380 : i32
    %scan3A_382 = arith.constant 1 : i32
    %scan3A_383:3 = scf.for %scan3A_599 = %scan3A_379 to %scan3A_381 step %scan3A_382 iter_args(%scan3A_600 = %broadcast_in_dim3A_9, %scan3A_601 = %broadcast_in_dim3A_9, %scan3A_602 = %broadcast_in_dim3A_9) -> (vector<16xi32>, vector<16xi32>, vector<16xi32>)  : i32 {
      %sub3A_603 = arith.constant 15 : i32
      %sub3A_604 = arith.subi %sub3A_603, %scan3A_599 : i32
      %mul3A_605 = arith.constant 16 : i32
      %mul3A_606 = arith.muli %sub3A_604, %mul3A_605 : i32
      %get3A = arith.index_cast %mul3A_606 : i32 to index
      %get3A_607 = tpu.vector_load %arg9[%get3A] {strides = array<i32>} : memref<256xi32, #tpu.memory_space<vmem>>, vector<16xi32>,
      %rev3A = arith.constant 15 : i32
      %rev3A_608 = vector.broadcast %rev3A : i32 to vector<16xi32>
      %rev3A_609 = tpu.iota {dimensions = array<i32: 0>} : vector<16xi32>
      %rev3A_610 = arith.subi %rev3A_608, %rev3A_609 : vector<16xi32>
      %rev3A_611 = tpu.dynamic_gather %get3A_607[%rev3A_610] in [0] : vector<16xi32>, vector<16xi32> -> vector<16xi32>
      %broadcast_in_dim3A_612 = arith.constant true
      %broadcast_in_dim3A_613 = vector.broadcast %broadcast_in_dim3A_612 : i1 to vector<16xi1>
      %masked_cumsum3A = tpu.scan <sum>, %rev3A_611 masked %broadcast_in_dim3A_613 : vector<16xi32>, vector<16xi1> -> vector<16xi32>
      %add3A_614 = arith.addi %masked_cumsum3A, %scan3A_600 : vector<16xi32>
      %ge3A = arith.cmpi sge, %add3A_614, %sub3A_355 : vector<16xi32>
      %all_reduce_population_count3A = tpu.all_reduce %ge3A {dim = 0 : i64, kind = #tpu.reduction_kind<sum>} : vector<16xi1> -> vector<16xi32>
      %add3A_615 = arith.addi %scan3A_601, %all_reduce_population_count3A : vector<16xi32>
      %select_n3A_616 = arith.select %ge3A, %broadcast_in_dim3A_9, %rev3A_611 : vector<16xi1>, vector<16xi32>
      %add3A_617 = arith.addi %scan3A_602, %select_n3A_616 : vector<16xi32>
      %rev3A_618 = arith.constant 15 : i32
      %rev3A_619 = vector.broadcast %rev3A_618 : i32 to vector<16xi32>
      %rev3A_620 = tpu.iota {dimensions = array<i32: 0>} : vector<16xi32>
      %rev3A_621 = arith.subi %rev3A_619, %rev3A_620 : vector<16xi32>
      %rev3A_622 = tpu.dynamic_gather %add3A_614[%rev3A_621] in [0] : vector<16xi32>, vector<16xi32> -> vector<16xi32>
      %slice3A = vector.extract_strided_slice %rev3A_622 {offsets = [0], sizes = [1], strides = [1]} : vector<16xi32> to vector<1xi32>
      %squeeze3A = vector.extract %slice3A[0] : i32 from vector<1xi32>
      %broadcast_in_dim3A_623 = vector.broadcast %squeeze3A : i32 to vector<16xi32>
      scf.yield %broadcast_in_dim3A_623, %add3A_615, %add3A_617 : vector<16xi32>, vector<16xi32>, vector<16xi32>
    }
    %scan3A_384 = arith.constant 16 : i32
    %reduce_max3A_385 = arith.constant true
    %reduce_max3A_386 = vector.broadcast %reduce_max3A_385 : i1 to vector<16xi1>
    %reduce_max3A_387 = arith.constant -2147483648 : i32
    %reduce_max3A_388 = vector.broadcast %reduce_max3A_387 : i32 to vector<16xi32>
    %reduce_max3A_389 = arith.xori %scan3A_383#1, %reduce_max3A_388 : vector<16xi32>
    %reduce_max3A_390 = tpu.scan <max>, %reduce_max3A_389 masked %reduce_max3A_386 : vector<16xi32>, vector<16xi1> -> vector<16xi32>
    %reduce_max3A_391 = arith.xori %reduce_max3A_390, %reduce_max3A_388 : vector<16xi32>
    %reduce_max3A_392 = vector.extract %reduce_max3A_391[15] : i32 from vector<16xi32>
    %sub3A_393 = arith.constant 1 : i32
    %sub3A_394 = arith.subi %reduce_max3A_392, %sub3A_393 : i32
    %reduce_sum3A_395 = arith.constant true
    %reduce_sum3A_396 = vector.broadcast %reduce_sum3A_395 : i1 to vector<16xi1>
    %reduce_sum3A_397 = tpu.scan <sum>, %scan3A_383#2 masked %reduce_sum3A_396 : vector<16xi32>, vector<16xi1> -> vector<16xi32>
    %reduce_sum3A_398 = vector.extract %reduce_sum3A_397[15] : i32 from vector<16xi32>
    %broadcast_in_dim3A_399 = vector.broadcast %reduce_sum3A_398 : i32 to vector<16xi32>
    %sub3A_400 = arith.subi %sub3A_355, %broadcast_in_dim3A_399 : vector<16xi32>
    %bitcast_convert_type3A_401 = arith.bitcast %sub3A_349 : i32 to i32
    %shift_left3A_402 = arith.constant 8 : i32
    %shift_left3A_403 = arith.shli %bitcast_convert_type3A_401, %shift_left3A_402 : i32
    %bitcast_convert_type3A_404 = arith.bitcast %sub3A_394 : i32 to i32
    %or3A_405 = arith.ori %shift_left3A_403, %bitcast_convert_type3A_404 : i32
    %broadcast_in_dim3A_406 = vector.broadcast %or3A_405 : i32 to vector<16xi32>
    %parallel_loop3A_407 = arith.constant 0 : i32
    %parallel_loop3A_408 = arith.constant 1 : i32
    %parallel_loop3A_409 = scf.for %parallel_loop3A_599 = %parallel_loop3A_407 to %reduce_max3A_375 step %parallel_loop3A_408 iter_args(%parallel_loop3A_600 = %broadcast_in_dim3A_9) -> (vector<16xi32>)  : i32 {
      %parallel_loop3A_601 = arith.constant 16 : i32
      %parallel_loop3A_602 = arith.muli %parallel_loop3A_599, %parallel_loop3A_601 : i32
      %parallel_loop3A_603 = arith.index_cast %parallel_loop3A_602 : i32 to index
      %parallel_loop3A_604 = tpu.vector_load %arg10[%parallel_loop3A_603] {strides = array<i32>} : memref<32768xf32, #tpu.memory_space<vmem>>, vector<16xf32>,
      %parallel_loop3A_605 = tpu.bitcast %parallel_loop3A_604 : vector<16xf32> -> vector<16xi32>
      %parallel_loop3A_606 = vector.broadcast %parallel_loop3A_599 : i32 to vector<16xi32>
      %parallel_loop3A_607 = arith.cmpi sgt, %parallel_loop3A_367, %parallel_loop3A_606 : vector<16xi32>
      %parallel_loop3A_608 = arith.constant 14 : i32
      %parallel_loop3A_609 = vector.broadcast %parallel_loop3A_608 : i32 to vector<16xi32>
      %parallel_loop3A_610 = arith.shrui %parallel_loop3A_605, %parallel_loop3A_609 : vector<16xi32>
      %parallel_loop3A_611 = arith.cmpi eq, %parallel_loop3A_610, %broadcast_in_dim3A_406 : vector<16xi32>
      %parallel_loop3A_612 = arith.andi %parallel_loop3A_607, %parallel_loop3A_611 : vector<16xi1>
      %parallel_loop3A_613 = arith.constant 511 : i32
      %parallel_loop3A_614 = vector.broadcast %parallel_loop3A_613 : i32 to vector<16xi32>
      %parallel_loop3A_615 = arith.minsi %parallel_loop3A_600, %parallel_loop3A_614 : vector<16xi32>
      %parallel_loop3A_616 = arith.constant 4 : i32
      %parallel_loop3A_617 = vector.broadcast %parallel_loop3A_616 : i32 to vector<16xi32>
      %parallel_loop3A_618 = arith.shli %parallel_loop3A_615, %parallel_loop3A_617 : vector<16xi32>
      %parallel_loop3A_619 = arith.addi %parallel_loop3A_618, %iota3A : vector<16xi32>
      %parallel_loop3A_620 = tpu.bitcast %parallel_loop3A_605 : vector<16xi32> -> vector<16xf32>
      tpu.vector_store_idx %arg11[%parallel_loop3A_619], %parallel_loop3A_620 masked %parallel_loop3A_612 : memref<8192xf32, #tpu.memory_space<vmem>>[vector<16xi32>], vector<16xf32>, vector<16xi1>
      %parallel_loop3A_621 = arith.select %parallel_loop3A_612, %broadcast_in_dim3A_11, %broadcast_in_dim3A_9 : vector<16xi1>, vector<16xi32>
      %parallel_loop3A_622 = arith.addi %parallel_loop3A_600, %parallel_loop3A_621 : vector<16xi32>
      scf.yield %parallel_loop3A_622 : vector<16xi32>
    } {sc.loop_unroll_factor = 4 : i64, sc.parallel_access}
    %reduce_max3A_410 = arith.constant true
    %reduce_max3A_411 = vector.broadcast %reduce_max3A_410 : i1 to vector<16xi1>
    %reduce_max3A_412 = arith.constant -2147483648 : i32
    %reduce_max3A_413 = vector.broadcast %reduce_max3A_412 : i32 to vector<16xi32>
    %reduce_max3A_414 = arith.xori %parallel_loop3A_409, %reduce_max3A_413 : vector<16xi32>
    %reduce_max3A_415 = tpu.scan <max>, %reduce_max3A_414 masked %reduce_max3A_411 : vector<16xi32>, vector<16xi1> -> vector<16xi32>
    %reduce_max3A_416 = arith.xori %reduce_max3A_415, %reduce_max3A_413 : vector<16xi32>
    %reduce_max3A_417 = vector.extract %reduce_max3A_416[15] : i32 from vector<16xi32>
    %min3A_418 = arith.constant 512 : i32
    %min3A_419 = arith.minsi %reduce_max3A_417, %min3A_418 : i32
    %bitcast_convert_type3A_420 = arith.bitcast %sub3A_349 : i32 to i32
    %shift_left3A_421 = arith.constant 22 : i32
    %shift_left3A_422 = arith.shli %bitcast_convert_type3A_420, %shift_left3A_421 : i32
    %bitcast_convert_type3A_423 = arith.bitcast %sub3A_394 : i32 to i32
    %shift_left3A_424 = arith.constant 14 : i32
    %shift_left3A_425 = arith.shli %bitcast_convert_type3A_423, %shift_left3A_424 : i32
    %or3A_426 = arith.ori %shift_left3A_422, %shift_left3A_425 : i32
    %broadcast_in_dim3A_427 = vector.broadcast %or3A_426 : i32 to vector<16xi32>
    %scan3A_428 = arith.constant 0 : i32
    %scan3A_429 = arith.constant 14 : i32
    %scan3A_430 = arith.addi %scan3A_428, %scan3A_429 : i32
    %scan3A_431 = arith.constant 1 : i32
    %scan3A_432 = scf.for %scan3A_599 = %scan3A_428 to %scan3A_430 step %scan3A_431 iter_args(%scan3A_600 = %broadcast_in_dim3A_427) -> (vector<16xi32>)  : i32 {
      %sub3A_601 = arith.constant 13 : i32
      %sub3A_602 = arith.subi %sub3A_601, %scan3A_599 : i32
      %shift_left3A_603 = arith.constant 1 : i32
      %shift_left3A_604 = arith.shli %shift_left3A_603, %sub3A_602 : i32
      %or3A_605 = vector.broadcast %shift_left3A_604 : i32 to vector<16xi32>
      %or3A_606 = arith.ori %scan3A_600, %or3A_605 : vector<16xi32>
      %parallel_loop3A_607 = arith.constant 0 : i32
      %parallel_loop3A_608 = arith.constant 1 : i32
      %parallel_loop3A_609 = scf.for %parallel_loop3A_611 = %parallel_loop3A_607 to %min3A_419 step %parallel_loop3A_608 iter_args(%parallel_loop3A_612 = %broadcast_in_dim3A_9) -> (vector<16xi32>)  : i32 {
        %parallel_loop3A_613 = arith.constant 16 : i32
        %parallel_loop3A_614 = arith.muli %parallel_loop3A_611, %parallel_loop3A_613 : i32
        %parallel_loop3A_615 = arith.index_cast %parallel_loop3A_614 : i32 to index
        %parallel_loop3A_616 = tpu.vector_load %arg11[%parallel_loop3A_615] {strides = array<i32>} : memref<8192xf32, #tpu.memory_space<vmem>>, vector<16xf32>,
        %parallel_loop3A_617 = tpu.bitcast %parallel_loop3A_616 : vector<16xf32> -> vector<16xi32>
        %parallel_loop3A_618 = vector.broadcast %parallel_loop3A_611 : i32 to vector<16xi32>
        %parallel_loop3A_619 = arith.cmpi sgt, %parallel_loop3A_409, %parallel_loop3A_618 : vector<16xi32>
        %parallel_loop3A_620 = arith.cmpi uge, %parallel_loop3A_617, %or3A_606 : vector<16xi32>
        %parallel_loop3A_621 = arith.andi %parallel_loop3A_620, %parallel_loop3A_619 : vector<16xi1>
        %parallel_loop3A_622 = tpu.all_reduce %parallel_loop3A_621 {dim = 0 : i64, kind = #tpu.reduction_kind<sum>} : vector<16xi1> -> vector<16xi32>
        %parallel_loop3A_623 = arith.addi %parallel_loop3A_612, %parallel_loop3A_622 : vector<16xi32>
        scf.yield %parallel_loop3A_623 : vector<16xi32>
      } {sc.loop_unroll_factor = 2 : i64, sc.parallel_access}
      %ge3A = arith.cmpi sge, %parallel_loop3A_609, %sub3A_400 : vector<16xi32>
      %select_n3A_610 = arith.select %ge3A, %or3A_606, %scan3A_600 : vector<16xi1>, vector<16xi32>
      scf.yield %select_n3A_610 : vector<16xi32>
    }
    %scan3A_433 = arith.constant 14 : i32
    %bitcast_convert_type3A_434 = tpu.bitcast %scan3A_432 : vector<16xi32> -> vector<16xi32>
    %lt3A_435 = arith.constant 0 : i32
    %lt3A_436 = vector.broadcast %lt3A_435 : i32 to vector<16xi32>
    %lt3A_437 = arith.cmpi slt, %bitcast_convert_type3A_434, %lt3A_436 : vector<16xi32>
    %xor3A_438 = arith.constant -2147483648 : i32
    %xor3A_439 = vector.broadcast %xor3A_438 : i32 to vector<16xi32>
    %xor3A_440 = arith.xori %bitcast_convert_type3A_434, %xor3A_439 : vector<16xi32>
    %not3A_441 = arith.constant dense<-1> : vector<16xi32>
    %not3A_442 = arith.xori %bitcast_convert_type3A_434, %not3A_441 : vector<16xi32>
    %select_n3A_443 = arith.select %lt3A_437, %xor3A_440, %not3A_442 : vector<16xi1>, vector<16xi32>
    %bitcast_convert_type3A_444 = tpu.bitcast %select_n3A_443 : vector<16xi32> -> vector<16xf32>
    %parallel_loop3A_445 = arith.constant 0 : i32
    %parallel_loop3A_446 = arith.constant 32768 : i32
    %parallel_loop3A_447 = arith.constant 16 : i32
    scf.for %parallel_loop3A_599 = %parallel_loop3A_445 to %parallel_loop3A_446 step %parallel_loop3A_447  : i32 {
      %parallel_loop3A_600 = arith.index_cast %parallel_loop3A_599 : i32 to index
      %parallel_loop3A_601 = tpu.vector_load %arg4[%parallel_loop3A_600] {strides = array<i32>} : memref<32768xf32, #tpu.memory_space<vmem>>, vector<16xf32>,
      %parallel_loop3A_602 = arith.cmpf oge, %parallel_loop3A_601, %bitcast_convert_type3A_444 : vector<16xf32>
      %parallel_loop3A_603 = arith.constant 0.000000e+00 : f32
      %parallel_loop3A_604 = vector.broadcast %parallel_loop3A_603 : f32 to vector<16xf32>
      %parallel_loop3A_605 = arith.select %parallel_loop3A_602, %parallel_loop3A_601, %parallel_loop3A_604 : vector<16xi1>, vector<16xf32>
      %parallel_loop3A_606 = arith.index_cast %parallel_loop3A_599 : i32 to index
      %parallel_loop3A_607 = tpu.vector_load %arg10[%parallel_loop3A_606] {strides = array<i32>} : memref<32768xf32, #tpu.memory_space<vmem>>, vector<16xf32>,
      tpu.vector_store %arg10[%parallel_loop3A_606], %parallel_loop3A_605 {strides = array<i32>} : memref<32768xf32, #tpu.memory_space<vmem>>, vector<16xf32>,
    } {sc.loop_unroll_factor = 8 : i64, sc.parallel_access}
    %add3A_448 = arith.constant 2 : i32
    %add3A_449 = arith.addi %mul3A_2, %add3A_448 : i32
    %dma_start3A_450 = arith.constant 0 : i32
    %dma_start3A_451 = tpu.memref_slice %arg3[%add3A_449, %dma_start3A_450] : memref<128x32768xf32, #tpu.memory_space<hbm>> -> memref<1x32768xf32, #tpu.memory_space<hbm>>
    %dma_start3A_452 = tpu.memref_squeeze %dma_start3A_451 : memref<1x32768xf32, #tpu.memory_space<hbm>> -> memref<32768xf32, #tpu.memory_space<hbm>>
    %dma_start3A_453 = arith.constant 0 : i32
    %dma_start3A_454 = tpu.memref_slice %arg3[%add3A_449, %dma_start3A_453] : memref<128x32768xf32, #tpu.memory_space<hbm>> -> memref<1x32768xf32, #tpu.memory_space<hbm>>
    %dma_start3A_455 = tpu.memref_squeeze %dma_start3A_454 : memref<1x32768xf32, #tpu.memory_space<hbm>> -> memref<32768xf32, #tpu.memory_space<hbm>>
    tpu.enqueue_dma source(%arg10 : memref<32768xf32, #tpu.memory_space<vmem>>) target(%dma_start3A_455 : memref<32768xf32, #tpu.memory_space<hbm>>) target_semaphore(%arg13 : memref<!tpu.dma_semaphore, #tpu.memory_space<semaphore_mem>>)
    %dma_wait3A_456 = arith.constant 1 : i32
    %dma_wait3A_457 = arith.constant 0 : i32
    %dma_wait3A_458 = tpu.memref_slice %arg2[%add3A_309, %dma_wait3A_457] : memref<128x32768xf32, #tpu.memory_space<hbm>> -> memref<1x32768xf32, #tpu.memory_space<hbm>>
    %dma_wait3A_459 = tpu.memref_squeeze %dma_wait3A_458 : memref<1x32768xf32, #tpu.memory_space<hbm>> -> memref<32768xf32, #tpu.memory_space<hbm>>
    %dma_wait3A_460 = tpu.memref_slice %arg12[%dma_wait3A_456] : memref<2x!tpu.dma_semaphore, #tpu.memory_space<semaphore_mem>> -> memref<1x!tpu.dma_semaphore, #tpu.memory_space<semaphore_mem>>
    %dma_wait3A_461 = tpu.memref_squeeze %dma_wait3A_460 : memref<1x!tpu.dma_semaphore, #tpu.memory_space<semaphore_mem>> -> memref<!tpu.dma_semaphore, #tpu.memory_space<semaphore_mem>>
    %dma_wait3A_462 = arith.constant 0 : i32
    %dma_wait3A_463 = tpu.memref_slice %arg2[%add3A_309, %dma_wait3A_462] : memref<128x32768xf32, #tpu.memory_space<hbm>> -> memref<1x32768xf32, #tpu.memory_space<hbm>>
    %dma_wait3A_464 = tpu.memref_squeeze %dma_wait3A_463 : memref<1x32768xf32, #tpu.memory_space<hbm>> -> memref<32768xf32, #tpu.memory_space<hbm>>
    tpu.wait_dma2 semaphore(%dma_wait3A_461 : memref<!tpu.dma_semaphore, #tpu.memory_space<semaphore_mem>>) src(%dma_wait3A_464 : memref<32768xf32, #tpu.memory_space<hbm>>) dst(%arg5 : memref<32768xf32, #tpu.memory_space<vmem>>)
    %parallel_loop3A_465 = arith.constant 0 : i32
    %parallel_loop3A_466 = arith.constant 32768 : i32
    %parallel_loop3A_467 = arith.constant 16 : i32
    scf.for %parallel_loop3A_599 = %parallel_loop3A_465 to %parallel_loop3A_466 step %parallel_loop3A_467  : i32 {
      %parallel_loop3A_600 = arith.index_cast %parallel_loop3A_599 : i32 to index
      %parallel_loop3A_601 = tpu.vector_load %arg5[%parallel_loop3A_600] {strides = array<i32>} : memref<32768xf32, #tpu.memory_space<vmem>>, vector<16xf32>,
      %parallel_loop3A_602 = tpu.bitcast %parallel_loop3A_601 : vector<16xf32> -> vector<16xi32>
      %parallel_loop3A_603 = tpu.bitcast %parallel_loop3A_602 : vector<16xi32> -> vector<16xi32>
      %parallel_loop3A_604 = arith.constant 31 : i32
      %parallel_loop3A_605 = vector.broadcast %parallel_loop3A_604 : i32 to vector<16xi32>
      %parallel_loop3A_606 = arith.shrsi %parallel_loop3A_603, %parallel_loop3A_605 : vector<16xi32>
      %parallel_loop3A_607 = tpu.bitcast %parallel_loop3A_606 : vector<16xi32> -> vector<16xi32>
      %parallel_loop3A_608 = arith.constant -2147483648 : i32
      %parallel_loop3A_609 = vector.broadcast %parallel_loop3A_608 : i32 to vector<16xi32>
      %parallel_loop3A_610 = arith.ori %parallel_loop3A_607, %parallel_loop3A_609 : vector<16xi32>
      %parallel_loop3A_611 = arith.xori %parallel_loop3A_602, %parallel_loop3A_610 : vector<16xi32>
      %parallel_loop3A_612 = arith.constant 22 : i32
      %parallel_loop3A_613 = vector.broadcast %parallel_loop3A_612 : i32 to vector<16xi32>
      %parallel_loop3A_614 = arith.shrui %parallel_loop3A_611, %parallel_loop3A_613 : vector<16xi32>
      %parallel_loop3A_615 = tpu.bitcast %parallel_loop3A_614 : vector<16xi32> -> vector<16xi32>
      %parallel_loop3A_616 = arith.addi %parallel_loop3A_615, %mul3A_5 : vector<16xi32>
      tpu.vector_store_idx %arg6[%parallel_loop3A_616], %broadcast_in_dim3A_11 {add = true} : memref<16400xi32, #tpu.memory_space<vmem>>[vector<16xi32>], vector<16xi32>,
    } {sc.loop_unroll_factor = 8 : i64, sc.parallel_access}
    %parallel_loop3A_468 = arith.constant 0 : i32
    %parallel_loop3A_469 = arith.constant 1024 : i32
    %parallel_loop3A_470 = arith.constant 16 : i32
    scf.for %parallel_loop3A_599 = %parallel_loop3A_468 to %parallel_loop3A_469 step %parallel_loop3A_470  : i32 {
      %parallel_loop3A_600 = arith.index_cast %parallel_loop3A_599 : i32 to index
      %parallel_loop3A_601 = tpu.vector_load %arg6[%parallel_loop3A_600] {strides = array<i32>} : memref<16400xi32, #tpu.memory_space<vmem>>, vector<16xi32>,
      %parallel_loop3A_602 = arith.index_cast %parallel_loop3A_599 : i32 to index
      %parallel_loop3A_603 = tpu.vector_load %arg6[%parallel_loop3A_602] {strides = array<i32>} : memref<16400xi32, #tpu.memory_space<vmem>>, vector<16xi32>,
      tpu.vector_store %arg6[%parallel_loop3A_602], %broadcast_in_dim3A_9 {strides = array<i32>} : memref<16400xi32, #tpu.memory_space<vmem>>, vector<16xi32>,
      %parallel_loop3A_604 = arith.constant 1025 : i32
      %parallel_loop3A_605 = arith.addi %parallel_loop3A_604, %parallel_loop3A_599 : i32
      %parallel_loop3A_606 = arith.index_cast %parallel_loop3A_605 : i32 to index
      %parallel_loop3A_607 = tpu.vector_load %arg6[%parallel_loop3A_606] {strides = array<i32>} : memref<16400xi32, #tpu.memory_space<vmem>>, vector<16xi32>,
      %parallel_loop3A_608 = arith.addi %parallel_loop3A_601, %parallel_loop3A_607 : vector<16xi32>
      %parallel_loop3A_609 = arith.constant 1025 : i32
      %parallel_loop3A_610 = arith.addi %parallel_loop3A_609, %parallel_loop3A_599 : i32
      %parallel_loop3A_611 = arith.index_cast %parallel_loop3A_610 : i32 to index
      %parallel_loop3A_612 = tpu.vector_load %arg6[%parallel_loop3A_611] {strides = array<i32>} : memref<16400xi32, #tpu.memory_space<vmem>>, vector<16xi32>,
      tpu.vector_store %arg6[%parallel_loop3A_611], %broadcast_in_dim3A_9 {strides = array<i32>} : memref<16400xi32, #tpu.memory_space<vmem>>, vector<16xi32>,
      %parallel_loop3A_613 = arith.constant 2050 : i32
      %parallel_loop3A_614 = arith.addi %parallel_loop3A_613, %parallel_loop3A_599 : i32
      %parallel_loop3A_615 = arith.index_cast %parallel_loop3A_614 : i32 to index
      %parallel_loop3A_616 = tpu.vector_load %arg6[%parallel_loop3A_615] {strides = array<i32>} : memref<16400xi32, #tpu.memory_space<vmem>>, vector<16xi32>,
      %parallel_loop3A_617 = arith.addi %parallel_loop3A_608, %parallel_loop3A_616 : vector<16xi32>
      %parallel_loop3A_618 = arith.constant 2050 : i32
      %parallel_loop3A_619 = arith.addi %parallel_loop3A_618, %parallel_loop3A_599 : i32
      %parallel_loop3A_620 = arith.index_cast %parallel_loop3A_619 : i32 to index
      %parallel_loop3A_621 = tpu.vector_load %arg6[%parallel_loop3A_620] {strides = array<i32>} : memref<16400xi32, #tpu.memory_space<vmem>>, vector<16xi32>,
      tpu.vector_store %arg6[%parallel_loop3A_620], %broadcast_in_dim3A_9 {strides = array<i32>} : memref<16400xi32, #tpu.memory_space<vmem>>, vector<16xi32>,
      %parallel_loop3A_622 = arith.constant 3075 : i32
      %parallel_loop3A_623 = arith.addi %parallel_loop3A_622, %parallel_loop3A_599 : i32
      %parallel_loop3A_624 = arith.index_cast %parallel_loop3A_623 : i32 to index
      %parallel_loop3A_625 = tpu.vector_load %arg6[%parallel_loop3A_624] {strides = array<i32>} : memref<16400xi32, #tpu.memory_space<vmem>>, vector<16xi32>,
      %parallel_loop3A_626 = arith.addi %parallel_loop3A_617, %parallel_loop3A_625 : vector<16xi32>
      %parallel_loop3A_627 = arith.constant 3075 : i32
      %parallel_loop3A_628 = arith.addi %parallel_loop3A_627, %parallel_loop3A_599 : i32
      %parallel_loop3A_629 = arith.index_cast %parallel_loop3A_628 : i32 to index
      %parallel_loop3A_630 = tpu.vector_load %arg6[%parallel_loop3A_629] {strides = array<i32>} : memref<16400xi32, #tpu.memory_space<vmem>>, vector<16xi32>,
      tpu.vector_store %arg6[%parallel_loop3A_629], %broadcast_in_dim3A_9 {strides = array<i32>} : memref<16400xi32, #tpu.memory_space<vmem>>, vector<16xi32>,
      %parallel_loop3A_631 = arith.constant 4100 : i32
      %parallel_loop3A_632 = arith.addi %parallel_loop3A_631, %parallel_loop3A_599 : i32
      %parallel_loop3A_633 = arith.index_cast %parallel_loop3A_632 : i32 to index
      %parallel_loop3A_634 = tpu.vector_load %arg6[%parallel_loop3A_633] {strides = array<i32>} : memref<16400xi32, #tpu.memory_space<vmem>>, vector<16xi32>,
      %parallel_loop3A_635 = arith.addi %parallel_loop3A_626, %parallel_loop3A_634 : vector<16xi32>
      %parallel_loop3A_636 = arith.constant 4100 : i32
      %parallel_loop3A_637 = arith.addi %parallel_loop3A_636, %parallel_loop3A_599 : i32
      %parallel_loop3A_638 = arith.index_cast %parallel_loop3A_637 : i32 to index
      %parallel_loop3A_639 = tpu.vector_load %arg6[%parallel_loop3A_638] {strides = array<i32>} : memref<16400xi32, #tpu.memory_space<vmem>>, vector<16xi32>,
      tpu.vector_store %arg6[%parallel_loop3A_638], %broadcast_in_dim3A_9 {strides = array<i32>} : memref<16400xi32, #tpu.memory_space<vmem>>, vector<16xi32>,
      %parallel_loop3A_640 = arith.constant 5125 : i32
      %parallel_loop3A_641 = arith.addi %parallel_loop3A_640, %parallel_loop3A_599 : i32
      %parallel_loop3A_642 = arith.index_cast %parallel_loop3A_641 : i32 to index
      %parallel_loop3A_643 = tpu.vector_load %arg6[%parallel_loop3A_642] {strides = array<i32>} : memref<16400xi32, #tpu.memory_space<vmem>>, vector<16xi32>,
      %parallel_loop3A_644 = arith.addi %parallel_loop3A_635, %parallel_loop3A_643 : vector<16xi32>
      %parallel_loop3A_645 = arith.constant 5125 : i32
      %parallel_loop3A_646 = arith.addi %parallel_loop3A_645, %parallel_loop3A_599 : i32
      %parallel_loop3A_647 = arith.index_cast %parallel_loop3A_646 : i32 to index
      %parallel_loop3A_648 = tpu.vector_load %arg6[%parallel_loop3A_647] {strides = array<i32>} : memref<16400xi32, #tpu.memory_space<vmem>>, vector<16xi32>,
      tpu.vector_store %arg6[%parallel_loop3A_647], %broadcast_in_dim3A_9 {strides = array<i32>} : memref<16400xi32, #tpu.memory_space<vmem>>, vector<16xi32>,
      %parallel_loop3A_649 = arith.constant 6150 : i32
      %parallel_loop3A_650 = arith.addi %parallel_loop3A_649, %parallel_loop3A_599 : i32
      %parallel_loop3A_651 = arith.index_cast %parallel_loop3A_650 : i32 to index
      %parallel_loop3A_652 = tpu.vector_load %arg6[%parallel_loop3A_651] {strides = array<i32>} : memref<16400xi32, #tpu.memory_space<vmem>>, vector<16xi32>,
      %parallel_loop3A_653 = arith.addi %parallel_loop3A_644, %parallel_loop3A_652 : vector<16xi32>
      %parallel_loop3A_654 = arith.constant 6150 : i32
      %parallel_loop3A_655 = arith.addi %parallel_loop3A_654, %parallel_loop3A_599 : i32
      %parallel_loop3A_656 = arith.index_cast %parallel_loop3A_655 : i32 to index
      %parallel_loop3A_657 = tpu.vector_load %arg6[%parallel_loop3A_656] {strides = array<i32>} : memref<16400xi32, #tpu.memory_space<vmem>>, vector<16xi32>,
      tpu.vector_store %arg6[%parallel_loop3A_656], %broadcast_in_dim3A_9 {strides = array<i32>} : memref<16400xi32, #tpu.memory_space<vmem>>, vector<16xi32>,
      %parallel_loop3A_658 = arith.constant 7175 : i32
      %parallel_loop3A_659 = arith.addi %parallel_loop3A_658, %parallel_loop3A_599 : i32
      %parallel_loop3A_660 = arith.index_cast %parallel_loop3A_659 : i32 to index
      %parallel_loop3A_661 = tpu.vector_load %arg6[%parallel_loop3A_660] {strides = array<i32>} : memref<16400xi32, #tpu.memory_space<vmem>>, vector<16xi32>,
      %parallel_loop3A_662 = arith.addi %parallel_loop3A_653, %parallel_loop3A_661 : vector<16xi32>
      %parallel_loop3A_663 = arith.constant 7175 : i32
      %parallel_loop3A_664 = arith.addi %parallel_loop3A_663, %parallel_loop3A_599 : i32
      %parallel_loop3A_665 = arith.index_cast %parallel_loop3A_664 : i32 to index
      %parallel_loop3A_666 = tpu.vector_load %arg6[%parallel_loop3A_665] {strides = array<i32>} : memref<16400xi32, #tpu.memory_space<vmem>>, vector<16xi32>,
      tpu.vector_store %arg6[%parallel_loop3A_665], %broadcast_in_dim3A_9 {strides = array<i32>} : memref<16400xi32, #tpu.memory_space<vmem>>, vector<16xi32>,
      %parallel_loop3A_667 = arith.constant 8200 : i32
      %parallel_loop3A_668 = arith.addi %parallel_loop3A_667, %parallel_loop3A_599 : i32
      %parallel_loop3A_669 = arith.index_cast %parallel_loop3A_668 : i32 to index
      %parallel_loop3A_670 = tpu.vector_load %arg6[%parallel_loop3A_669] {strides = array<i32>} : memref<16400xi32, #tpu.memory_space<vmem>>, vector<16xi32>,
      %parallel_loop3A_671 = arith.addi %parallel_loop3A_662, %parallel_loop3A_670 : vector<16xi32>
      %parallel_loop3A_672 = arith.constant 8200 : i32
      %parallel_loop3A_673 = arith.addi %parallel_loop3A_672, %parallel_loop3A_599 : i32
      %parallel_loop3A_674 = arith.index_cast %parallel_loop3A_673 : i32 to index
      %parallel_loop3A_675 = tpu.vector_load %arg6[%parallel_loop3A_674] {strides = array<i32>} : memref<16400xi32, #tpu.memory_space<vmem>>, vector<16xi32>,
      tpu.vector_store %arg6[%parallel_loop3A_674], %broadcast_in_dim3A_9 {strides = array<i32>} : memref<16400xi32, #tpu.memory_space<vmem>>, vector<16xi32>,
      %parallel_loop3A_676 = arith.constant 9225 : i32
      %parallel_loop3A_677 = arith.addi %parallel_loop3A_676, %parallel_loop3A_599 : i32
      %parallel_loop3A_678 = arith.index_cast %parallel_loop3A_677 : i32 to index
      %parallel_loop3A_679 = tpu.vector_load %arg6[%parallel_loop3A_678] {strides = array<i32>} : memref<16400xi32, #tpu.memory_space<vmem>>, vector<16xi32>,
      %parallel_loop3A_680 = arith.addi %parallel_loop3A_671, %parallel_loop3A_679 : vector<16xi32>
      %parallel_loop3A_681 = arith.constant 9225 : i32
      %parallel_loop3A_682 = arith.addi %parallel_loop3A_681, %parallel_loop3A_599 : i32
      %parallel_loop3A_683 = arith.index_cast %parallel_loop3A_682 : i32 to index
      %parallel_loop3A_684 = tpu.vector_load %arg6[%parallel_loop3A_683] {strides = array<i32>} : memref<16400xi32, #tpu.memory_space<vmem>>, vector<16xi32>,
      tpu.vector_store %arg6[%parallel_loop3A_683], %broadcast_in_dim3A_9 {strides = array<i32>} : memref<16400xi32, #tpu.memory_space<vmem>>, vector<16xi32>,
      %parallel_loop3A_685 = arith.constant 10250 : i32
      %parallel_loop3A_686 = arith.addi %parallel_loop3A_685, %parallel_loop3A_599 : i32
      %parallel_loop3A_687 = arith.index_cast %parallel_loop3A_686 : i32 to index
      %parallel_loop3A_688 = tpu.vector_load %arg6[%parallel_loop3A_687] {strides = array<i32>} : memref<16400xi32, #tpu.memory_space<vmem>>, vector<16xi32>,
      %parallel_loop3A_689 = arith.addi %parallel_loop3A_680, %parallel_loop3A_688 : vector<16xi32>
      %parallel_loop3A_690 = arith.constant 10250 : i32
      %parallel_loop3A_691 = arith.addi %parallel_loop3A_690, %parallel_loop3A_599 : i32
      %parallel_loop3A_692 = arith.index_cast %parallel_loop3A_691 : i32 to index
      %parallel_loop3A_693 = tpu.vector_load %arg6[%parallel_loop3A_692] {strides = array<i32>} : memref<16400xi32, #tpu.memory_space<vmem>>, vector<16xi32>,
      tpu.vector_store %arg6[%parallel_loop3A_692], %broadcast_in_dim3A_9 {strides = array<i32>} : memref<16400xi32, #tpu.memory_space<vmem>>, vector<16xi32>,
      %parallel_loop3A_694 = arith.constant 11275 : i32
      %parallel_loop3A_695 = arith.addi %parallel_loop3A_694, %parallel_loop3A_599 : i32
      %parallel_loop3A_696 = arith.index_cast %parallel_loop3A_695 : i32 to index
      %parallel_loop3A_697 = tpu.vector_load %arg6[%parallel_loop3A_696] {strides = array<i32>} : memref<16400xi32, #tpu.memory_space<vmem>>, vector<16xi32>,
      %parallel_loop3A_698 = arith.addi %parallel_loop3A_689, %parallel_loop3A_697 : vector<16xi32>
      %parallel_loop3A_699 = arith.constant 11275 : i32
      %parallel_loop3A_700 = arith.addi %parallel_loop3A_699, %parallel_loop3A_599 : i32
      %parallel_loop3A_701 = arith.index_cast %parallel_loop3A_700 : i32 to index
      %parallel_loop3A_702 = tpu.vector_load %arg6[%parallel_loop3A_701] {strides = array<i32>} : memref<16400xi32, #tpu.memory_space<vmem>>, vector<16xi32>,
      tpu.vector_store %arg6[%parallel_loop3A_701], %broadcast_in_dim3A_9 {strides = array<i32>} : memref<16400xi32, #tpu.memory_space<vmem>>, vector<16xi32>,
      %parallel_loop3A_703 = arith.constant 12300 : i32
      %parallel_loop3A_704 = arith.addi %parallel_loop3A_703, %parallel_loop3A_599 : i32
      %parallel_loop3A_705 = arith.index_cast %parallel_loop3A_704 : i32 to index
      %parallel_loop3A_706 = tpu.vector_load %arg6[%parallel_loop3A_705] {strides = array<i32>} : memref<16400xi32, #tpu.memory_space<vmem>>, vector<16xi32>,
      %parallel_loop3A_707 = arith.addi %parallel_loop3A_698, %parallel_loop3A_706 : vector<16xi32>
      %parallel_loop3A_708 = arith.constant 12300 : i32
      %parallel_loop3A_709 = arith.addi %parallel_loop3A_708, %parallel_loop3A_599 : i32
      %parallel_loop3A_710 = arith.index_cast %parallel_loop3A_709 : i32 to index
      %parallel_loop3A_711 = tpu.vector_load %arg6[%parallel_loop3A_710] {strides = array<i32>} : memref<16400xi32, #tpu.memory_space<vmem>>, vector<16xi32>,
      tpu.vector_store %arg6[%parallel_loop3A_710], %broadcast_in_dim3A_9 {strides = array<i32>} : memref<16400xi32, #tpu.memory_space<vmem>>, vector<16xi32>,
      %parallel_loop3A_712 = arith.constant 13325 : i32
      %parallel_loop3A_713 = arith.addi %parallel_loop3A_712, %parallel_loop3A_599 : i32
      %parallel_loop3A_714 = arith.index_cast %parallel_loop3A_713 : i32 to index
      %parallel_loop3A_715 = tpu.vector_load %arg6[%parallel_loop3A_714] {strides = array<i32>} : memref<16400xi32, #tpu.memory_space<vmem>>, vector<16xi32>,
      %parallel_loop3A_716 = arith.addi %parallel_loop3A_707, %parallel_loop3A_715 : vector<16xi32>
      %parallel_loop3A_717 = arith.constant 13325 : i32
      %parallel_loop3A_718 = arith.addi %parallel_loop3A_717, %parallel_loop3A_599 : i32
      %parallel_loop3A_719 = arith.index_cast %parallel_loop3A_718 : i32 to index
      %parallel_loop3A_720 = tpu.vector_load %arg6[%parallel_loop3A_719] {strides = array<i32>} : memref<16400xi32, #tpu.memory_space<vmem>>, vector<16xi32>,
      tpu.vector_store %arg6[%parallel_loop3A_719], %broadcast_in_dim3A_9 {strides = array<i32>} : memref<16400xi32, #tpu.memory_space<vmem>>, vector<16xi32>,
      %parallel_loop3A_721 = arith.constant 14350 : i32
      %parallel_loop3A_722 = arith.addi %parallel_loop3A_721, %parallel_loop3A_599 : i32
      %parallel_loop3A_723 = arith.index_cast %parallel_loop3A_722 : i32 to index
      %parallel_loop3A_724 = tpu.vector_load %arg6[%parallel_loop3A_723] {strides = array<i32>} : memref<16400xi32, #tpu.memory_space<vmem>>, vector<16xi32>,
      %parallel_loop3A_725 = arith.addi %parallel_loop3A_716, %parallel_loop3A_724 : vector<16xi32>
      %parallel_loop3A_726 = arith.constant 14350 : i32
      %parallel_loop3A_727 = arith.addi %parallel_loop3A_726, %parallel_loop3A_599 : i32
      %parallel_loop3A_728 = arith.index_cast %parallel_loop3A_727 : i32 to index
      %parallel_loop3A_729 = tpu.vector_load %arg6[%parallel_loop3A_728] {strides = array<i32>} : memref<16400xi32, #tpu.memory_space<vmem>>, vector<16xi32>,
      tpu.vector_store %arg6[%parallel_loop3A_728], %broadcast_in_dim3A_9 {strides = array<i32>} : memref<16400xi32, #tpu.memory_space<vmem>>, vector<16xi32>,
      %parallel_loop3A_730 = arith.constant 15375 : i32
      %parallel_loop3A_731 = arith.addi %parallel_loop3A_730, %parallel_loop3A_599 : i32
      %parallel_loop3A_732 = arith.index_cast %parallel_loop3A_731 : i32 to index
      %parallel_loop3A_733 = tpu.vector_load %arg6[%parallel_loop3A_732] {strides = array<i32>} : memref<16400xi32, #tpu.memory_space<vmem>>, vector<16xi32>,
      %parallel_loop3A_734 = arith.addi %parallel_loop3A_725, %parallel_loop3A_733 : vector<16xi32>
      %parallel_loop3A_735 = arith.constant 15375 : i32
      %parallel_loop3A_736 = arith.addi %parallel_loop3A_735, %parallel_loop3A_599 : i32
      %parallel_loop3A_737 = arith.index_cast %parallel_loop3A_736 : i32 to index
      %parallel_loop3A_738 = tpu.vector_load %arg6[%parallel_loop3A_737] {strides = array<i32>} : memref<16400xi32, #tpu.memory_space<vmem>>, vector<16xi32>,
      tpu.vector_store %arg6[%parallel_loop3A_737], %broadcast_in_dim3A_9 {strides = array<i32>} : memref<16400xi32, #tpu.memory_space<vmem>>, vector<16xi32>,
      %parallel_loop3A_739 = arith.index_cast %parallel_loop3A_599 : i32 to index
      %parallel_loop3A_740 = tpu.vector_load %arg7[%parallel_loop3A_739] {strides = array<i32>} : memref<1024xi32, #tpu.memory_space<vmem>>, vector<16xi32>,
      tpu.vector_store %arg7[%parallel_loop3A_739], %parallel_loop3A_734 {strides = array<i32>} : memref<1024xi32, #tpu.memory_space<vmem>>, vector<16xi32>,
    } {sc.loop_unroll_factor = 1 : i64, sc.parallel_access}
    %scan3A_471 = arith.constant 0 : i32
    %scan3A_472 = arith.constant 64 : i32
    %scan3A_473 = arith.addi %scan3A_471, %scan3A_472 : i32
    %scan3A_474 = arith.constant 1 : i32
    %scan3A_475:3 = scf.for %scan3A_599 = %scan3A_471 to %scan3A_473 step %scan3A_474 iter_args(%scan3A_600 = %broadcast_in_dim3A_9, %scan3A_601 = %broadcast_in_dim3A_9, %scan3A_602 = %broadcast_in_dim3A_9) -> (vector<16xi32>, vector<16xi32>, vector<16xi32>)  : i32 {
      %sub3A_603 = arith.constant 63 : i32
      %sub3A_604 = arith.subi %sub3A_603, %scan3A_599 : i32
      %mul3A_605 = arith.constant 16 : i32
      %mul3A_606 = arith.muli %sub3A_604, %mul3A_605 : i32
      %get3A = arith.index_cast %mul3A_606 : i32 to index
      %get3A_607 = tpu.vector_load %arg7[%get3A] {strides = array<i32>} : memref<1024xi32, #tpu.memory_space<vmem>>, vector<16xi32>,
      %rev3A = arith.constant 15 : i32
      %rev3A_608 = vector.broadcast %rev3A : i32 to vector<16xi32>
      %rev3A_609 = tpu.iota {dimensions = array<i32: 0>} : vector<16xi32>
      %rev3A_610 = arith.subi %rev3A_608, %rev3A_609 : vector<16xi32>
      %rev3A_611 = tpu.dynamic_gather %get3A_607[%rev3A_610] in [0] : vector<16xi32>, vector<16xi32> -> vector<16xi32>
      %broadcast_in_dim3A_612 = arith.constant true
      %broadcast_in_dim3A_613 = vector.broadcast %broadcast_in_dim3A_612 : i1 to vector<16xi1>
      %masked_cumsum3A = tpu.scan <sum>, %rev3A_611 masked %broadcast_in_dim3A_613 : vector<16xi32>, vector<16xi1> -> vector<16xi32>
      %add3A_614 = arith.addi %masked_cumsum3A, %scan3A_600 : vector<16xi32>
      %ge3A = arith.cmpi sge, %add3A_614, %broadcast_in_dim3A_13 : vector<16xi32>
      %all_reduce_population_count3A = tpu.all_reduce %ge3A {dim = 0 : i64, kind = #tpu.reduction_kind<sum>} : vector<16xi1> -> vector<16xi32>
      %add3A_615 = arith.addi %scan3A_601, %all_reduce_population_count3A : vector<16xi32>
      %select_n3A_616 = arith.select %ge3A, %broadcast_in_dim3A_9, %rev3A_611 : vector<16xi1>, vector<16xi32>
      %add3A_617 = arith.addi %scan3A_602, %select_n3A_616 : vector<16xi32>
      %rev3A_618 = arith.constant 15 : i32
      %rev3A_619 = vector.broadcast %rev3A_618 : i32 to vector<16xi32>
      %rev3A_620 = tpu.iota {dimensions = array<i32: 0>} : vector<16xi32>
      %rev3A_621 = arith.subi %rev3A_619, %rev3A_620 : vector<16xi32>
      %rev3A_622 = tpu.dynamic_gather %add3A_614[%rev3A_621] in [0] : vector<16xi32>, vector<16xi32> -> vector<16xi32>
      %slice3A = vector.extract_strided_slice %rev3A_622 {offsets = [0], sizes = [1], strides = [1]} : vector<16xi32> to vector<1xi32>
      %squeeze3A = vector.extract %slice3A[0] : i32 from vector<1xi32>
      %broadcast_in_dim3A_623 = vector.broadcast %squeeze3A : i32 to vector<16xi32>
      scf.yield %broadcast_in_dim3A_623, %add3A_615, %add3A_617 : vector<16xi32>, vector<16xi32>, vector<16xi32>
    }
    %scan3A_476 = arith.constant 64 : i32
    %reduce_max3A_477 = arith.constant true
    %reduce_max3A_478 = vector.broadcast %reduce_max3A_477 : i1 to vector<16xi1>
    %reduce_max3A_479 = arith.constant -2147483648 : i32
    %reduce_max3A_480 = vector.broadcast %reduce_max3A_479 : i32 to vector<16xi32>
    %reduce_max3A_481 = arith.xori %scan3A_475#1, %reduce_max3A_480 : vector<16xi32>
    %reduce_max3A_482 = tpu.scan <max>, %reduce_max3A_481 masked %reduce_max3A_478 : vector<16xi32>, vector<16xi1> -> vector<16xi32>
    %reduce_max3A_483 = arith.xori %reduce_max3A_482, %reduce_max3A_480 : vector<16xi32>
    %reduce_max3A_484 = vector.extract %reduce_max3A_483[15] : i32 from vector<16xi32>
    %sub3A_485 = arith.constant 1 : i32
    %sub3A_486 = arith.subi %reduce_max3A_484, %sub3A_485 : i32
    %reduce_sum3A_487 = arith.constant true
    %reduce_sum3A_488 = vector.broadcast %reduce_sum3A_487 : i1 to vector<16xi1>
    %reduce_sum3A_489 = tpu.scan <sum>, %scan3A_475#2 masked %reduce_sum3A_488 : vector<16xi32>, vector<16xi1> -> vector<16xi32>
    %reduce_sum3A_490 = vector.extract %reduce_sum3A_489[15] : i32 from vector<16xi32>
    %broadcast_in_dim3A_491 = vector.broadcast %reduce_sum3A_490 : i32 to vector<16xi32>
    %sub3A_492 = arith.subi %broadcast_in_dim3A_13, %broadcast_in_dim3A_491 : vector<16xi32>
    %dma_wait3A_493 = arith.constant 0 : i32
    %dma_wait3A_494 = tpu.memref_slice %arg3[%add3A_449, %dma_wait3A_493] : memref<128x32768xf32, #tpu.memory_space<hbm>> -> memref<1x32768xf32, #tpu.memory_space<hbm>>
    %dma_wait3A_495 = tpu.memref_squeeze %dma_wait3A_494 : memref<1x32768xf32, #tpu.memory_space<hbm>> -> memref<32768xf32, #tpu.memory_space<hbm>>
    %dma_wait3A_496 = arith.constant 0 : i32
    %dma_wait3A_497 = tpu.memref_slice %arg3[%add3A_449, %dma_wait3A_496] : memref<128x32768xf32, #tpu.memory_space<hbm>> -> memref<1x32768xf32, #tpu.memory_space<hbm>>
    %dma_wait3A_498 = tpu.memref_squeeze %dma_wait3A_497 : memref<1x32768xf32, #tpu.memory_space<hbm>> -> memref<32768xf32, #tpu.memory_space<hbm>>
    tpu.wait_dma2 semaphore(%arg13 : memref<!tpu.dma_semaphore, #tpu.memory_space<semaphore_mem>>) src(%arg10 : memref<32768xf32, #tpu.memory_space<vmem>>) dst(%dma_wait3A_498 : memref<32768xf32, #tpu.memory_space<hbm>>)
    %bitcast_convert_type3A_499 = arith.bitcast %sub3A_486 : i32 to i32
    %broadcast_in_dim3A_500 = vector.broadcast %bitcast_convert_type3A_499 : i32 to vector<16xi32>
    %parallel_loop3A_501 = arith.constant 0 : i32
    %parallel_loop3A_502 = arith.constant 32768 : i32
    %parallel_loop3A_503 = arith.constant 16 : i32
    %parallel_loop3A_504 = scf.for %parallel_loop3A_599 = %parallel_loop3A_501 to %parallel_loop3A_502 step %parallel_loop3A_503 iter_args(%parallel_loop3A_600 = %broadcast_in_dim3A_9) -> (vector<16xi32>)  : i32 {
      %parallel_loop3A_601 = arith.index_cast %parallel_loop3A_599 : i32 to index
      %parallel_loop3A_602 = tpu.vector_load %arg5[%parallel_loop3A_601] {strides = array<i32>} : memref<32768xf32, #tpu.memory_space<vmem>>, vector<16xf32>,
      %parallel_loop3A_603 = tpu.bitcast %parallel_loop3A_602 : vector<16xf32> -> vector<16xi32>
      %parallel_loop3A_604 = tpu.bitcast %parallel_loop3A_603 : vector<16xi32> -> vector<16xi32>
      %parallel_loop3A_605 = arith.constant 31 : i32
      %parallel_loop3A_606 = vector.broadcast %parallel_loop3A_605 : i32 to vector<16xi32>
      %parallel_loop3A_607 = arith.shrsi %parallel_loop3A_604, %parallel_loop3A_606 : vector<16xi32>
      %parallel_loop3A_608 = tpu.bitcast %parallel_loop3A_607 : vector<16xi32> -> vector<16xi32>
      %parallel_loop3A_609 = arith.constant -2147483648 : i32
      %parallel_loop3A_610 = vector.broadcast %parallel_loop3A_609 : i32 to vector<16xi32>
      %parallel_loop3A_611 = arith.ori %parallel_loop3A_608, %parallel_loop3A_610 : vector<16xi32>
      %parallel_loop3A_612 = arith.xori %parallel_loop3A_603, %parallel_loop3A_611 : vector<16xi32>
      %parallel_loop3A_613 = arith.constant 22 : i32
      %parallel_loop3A_614 = vector.broadcast %parallel_loop3A_613 : i32 to vector<16xi32>
      %parallel_loop3A_615 = arith.shrui %parallel_loop3A_612, %parallel_loop3A_614 : vector<16xi32>
      %parallel_loop3A_616 = arith.cmpi eq, %parallel_loop3A_615, %broadcast_in_dim3A_500 : vector<16xi32>
      %parallel_loop3A_617 = arith.constant 4 : i32
      %parallel_loop3A_618 = vector.broadcast %parallel_loop3A_617 : i32 to vector<16xi32>
      %parallel_loop3A_619 = arith.shli %parallel_loop3A_600, %parallel_loop3A_618 : vector<16xi32>
      %parallel_loop3A_620 = arith.addi %parallel_loop3A_619, %iota3A : vector<16xi32>
      %parallel_loop3A_621 = tpu.bitcast %parallel_loop3A_612 : vector<16xi32> -> vector<16xf32>
      tpu.vector_store_idx %arg10[%parallel_loop3A_620], %parallel_loop3A_621 masked %parallel_loop3A_616 : memref<32768xf32, #tpu.memory_space<vmem>>[vector<16xi32>], vector<16xf32>, vector<16xi1>
      %parallel_loop3A_622 = arith.constant 14 : i32
      %parallel_loop3A_623 = vector.broadcast %parallel_loop3A_622 : i32 to vector<16xi32>
      %parallel_loop3A_624 = arith.shrui %parallel_loop3A_612, %parallel_loop3A_623 : vector<16xi32>
      %parallel_loop3A_625 = tpu.bitcast %parallel_loop3A_624 : vector<16xi32> -> vector<16xi32>
      %parallel_loop3A_626 = arith.constant 255 : i32
      %parallel_loop3A_627 = vector.broadcast %parallel_loop3A_626 : i32 to vector<16xi32>
      %parallel_loop3A_628 = arith.andi %parallel_loop3A_625, %parallel_loop3A_627 : vector<16xi32>
      %parallel_loop3A_629 = arith.addi %parallel_loop3A_628, %mul3A_8 : vector<16xi32>
      tpu.vector_store_idx %arg8[%parallel_loop3A_629], %broadcast_in_dim3A_11 masked %parallel_loop3A_616 {add = true} : memref<4112xi32, #tpu.memory_space<vmem>>[vector<16xi32>], vector<16xi32>, vector<16xi1>
      %parallel_loop3A_630 = arith.select %parallel_loop3A_616, %broadcast_in_dim3A_11, %broadcast_in_dim3A_9 : vector<16xi1>, vector<16xi32>
      %parallel_loop3A_631 = arith.addi %parallel_loop3A_600, %parallel_loop3A_630 : vector<16xi32>
      scf.yield %parallel_loop3A_631 : vector<16xi32>
    } {sc.loop_unroll_factor = 8 : i64, sc.parallel_access}
    %reduce_max3A_505 = arith.constant true
    %reduce_max3A_506 = vector.broadcast %reduce_max3A_505 : i1 to vector<16xi1>
    %reduce_max3A_507 = arith.constant -2147483648 : i32
    %reduce_max3A_508 = vector.broadcast %reduce_max3A_507 : i32 to vector<16xi32>
    %reduce_max3A_509 = arith.xori %parallel_loop3A_504, %reduce_max3A_508 : vector<16xi32>
    %reduce_max3A_510 = tpu.scan <max>, %reduce_max3A_509 masked %reduce_max3A_506 : vector<16xi32>, vector<16xi1> -> vector<16xi32>
    %reduce_max3A_511 = arith.xori %reduce_max3A_510, %reduce_max3A_508 : vector<16xi32>
    %reduce_max3A_512 = vector.extract %reduce_max3A_511[15] : i32 from vector<16xi32>
    %parallel_loop3A_513 = arith.constant 0 : i32
    %parallel_loop3A_514 = arith.constant 256 : i32
    %parallel_loop3A_515 = arith.constant 16 : i32
    scf.for %parallel_loop3A_599 = %parallel_loop3A_513 to %parallel_loop3A_514 step %parallel_loop3A_515  : i32 {
      %parallel_loop3A_600 = arith.index_cast %parallel_loop3A_599 : i32 to index
      %parallel_loop3A_601 = tpu.vector_load %arg8[%parallel_loop3A_600] {strides = array<i32>} : memref<4112xi32, #tpu.memory_space<vmem>>, vector<16xi32>,
      %parallel_loop3A_602 = arith.index_cast %parallel_loop3A_599 : i32 to index
      %parallel_loop3A_603 = tpu.vector_load %arg8[%parallel_loop3A_602] {strides = array<i32>} : memref<4112xi32, #tpu.memory_space<vmem>>, vector<16xi32>,
      tpu.vector_store %arg8[%parallel_loop3A_602], %broadcast_in_dim3A_9 {strides = array<i32>} : memref<4112xi32, #tpu.memory_space<vmem>>, vector<16xi32>,
      %parallel_loop3A_604 = arith.constant 257 : i32
      %parallel_loop3A_605 = arith.addi %parallel_loop3A_604, %parallel_loop3A_599 : i32
      %parallel_loop3A_606 = arith.index_cast %parallel_loop3A_605 : i32 to index
      %parallel_loop3A_607 = tpu.vector_load %arg8[%parallel_loop3A_606] {strides = array<i32>} : memref<4112xi32, #tpu.memory_space<vmem>>, vector<16xi32>,
      %parallel_loop3A_608 = arith.addi %parallel_loop3A_601, %parallel_loop3A_607 : vector<16xi32>
      %parallel_loop3A_609 = arith.constant 257 : i32
      %parallel_loop3A_610 = arith.addi %parallel_loop3A_609, %parallel_loop3A_599 : i32
      %parallel_loop3A_611 = arith.index_cast %parallel_loop3A_610 : i32 to index
      %parallel_loop3A_612 = tpu.vector_load %arg8[%parallel_loop3A_611] {strides = array<i32>} : memref<4112xi32, #tpu.memory_space<vmem>>, vector<16xi32>,
      tpu.vector_store %arg8[%parallel_loop3A_611], %broadcast_in_dim3A_9 {strides = array<i32>} : memref<4112xi32, #tpu.memory_space<vmem>>, vector<16xi32>,
      %parallel_loop3A_613 = arith.constant 514 : i32
      %parallel_loop3A_614 = arith.addi %parallel_loop3A_613, %parallel_loop3A_599 : i32
      %parallel_loop3A_615 = arith.index_cast %parallel_loop3A_614 : i32 to index
      %parallel_loop3A_616 = tpu.vector_load %arg8[%parallel_loop3A_615] {strides = array<i32>} : memref<4112xi32, #tpu.memory_space<vmem>>, vector<16xi32>,
      %parallel_loop3A_617 = arith.addi %parallel_loop3A_608, %parallel_loop3A_616 : vector<16xi32>
      %parallel_loop3A_618 = arith.constant 514 : i32
      %parallel_loop3A_619 = arith.addi %parallel_loop3A_618, %parallel_loop3A_599 : i32
      %parallel_loop3A_620 = arith.index_cast %parallel_loop3A_619 : i32 to index
      %parallel_loop3A_621 = tpu.vector_load %arg8[%parallel_loop3A_620] {strides = array<i32>} : memref<4112xi32, #tpu.memory_space<vmem>>, vector<16xi32>,
      tpu.vector_store %arg8[%parallel_loop3A_620], %broadcast_in_dim3A_9 {strides = array<i32>} : memref<4112xi32, #tpu.memory_space<vmem>>, vector<16xi32>,
      %parallel_loop3A_622 = arith.constant 771 : i32
      %parallel_loop3A_623 = arith.addi %parallel_loop3A_622, %parallel_loop3A_599 : i32
      %parallel_loop3A_624 = arith.index_cast %parallel_loop3A_623 : i32 to index
      %parallel_loop3A_625 = tpu.vector_load %arg8[%parallel_loop3A_624] {strides = array<i32>} : memref<4112xi32, #tpu.memory_space<vmem>>, vector<16xi32>,
      %parallel_loop3A_626 = arith.addi %parallel_loop3A_617, %parallel_loop3A_625 : vector<16xi32>
      %parallel_loop3A_627 = arith.constant 771 : i32
      %parallel_loop3A_628 = arith.addi %parallel_loop3A_627, %parallel_loop3A_599 : i32
      %parallel_loop3A_629 = arith.index_cast %parallel_loop3A_628 : i32 to index
      %parallel_loop3A_630 = tpu.vector_load %arg8[%parallel_loop3A_629] {strides = array<i32>} : memref<4112xi32, #tpu.memory_space<vmem>>, vector<16xi32>,
      tpu.vector_store %arg8[%parallel_loop3A_629], %broadcast_in_dim3A_9 {strides = array<i32>} : memref<4112xi32, #tpu.memory_space<vmem>>, vector<16xi32>,
      %parallel_loop3A_631 = arith.constant 1028 : i32
      %parallel_loop3A_632 = arith.addi %parallel_loop3A_631, %parallel_loop3A_599 : i32
      %parallel_loop3A_633 = arith.index_cast %parallel_loop3A_632 : i32 to index
      %parallel_loop3A_634 = tpu.vector_load %arg8[%parallel_loop3A_633] {strides = array<i32>} : memref<4112xi32, #tpu.memory_space<vmem>>, vector<16xi32>,
      %parallel_loop3A_635 = arith.addi %parallel_loop3A_626, %parallel_loop3A_634 : vector<16xi32>
      %parallel_loop3A_636 = arith.constant 1028 : i32
      %parallel_loop3A_637 = arith.addi %parallel_loop3A_636, %parallel_loop3A_599 : i32
      %parallel_loop3A_638 = arith.index_cast %parallel_loop3A_637 : i32 to index
      %parallel_loop3A_639 = tpu.vector_load %arg8[%parallel_loop3A_638] {strides = array<i32>} : memref<4112xi32, #tpu.memory_space<vmem>>, vector<16xi32>,
      tpu.vector_store %arg8[%parallel_loop3A_638], %broadcast_in_dim3A_9 {strides = array<i32>} : memref<4112xi32, #tpu.memory_space<vmem>>, vector<16xi32>,
      %parallel_loop3A_640 = arith.constant 1285 : i32
      %parallel_loop3A_641 = arith.addi %parallel_loop3A_640, %parallel_loop3A_599 : i32
      %parallel_loop3A_642 = arith.index_cast %parallel_loop3A_641 : i32 to index
      %parallel_loop3A_643 = tpu.vector_load %arg8[%parallel_loop3A_642] {strides = array<i32>} : memref<4112xi32, #tpu.memory_space<vmem>>, vector<16xi32>,
      %parallel_loop3A_644 = arith.addi %parallel_loop3A_635, %parallel_loop3A_643 : vector<16xi32>
      %parallel_loop3A_645 = arith.constant 1285 : i32
      %parallel_loop3A_646 = arith.addi %parallel_loop3A_645, %parallel_loop3A_599 : i32
      %parallel_loop3A_647 = arith.index_cast %parallel_loop3A_646 : i32 to index
      %parallel_loop3A_648 = tpu.vector_load %arg8[%parallel_loop3A_647] {strides = array<i32>} : memref<4112xi32, #tpu.memory_space<vmem>>, vector<16xi32>,
      tpu.vector_store %arg8[%parallel_loop3A_647], %broadcast_in_dim3A_9 {strides = array<i32>} : memref<4112xi32, #tpu.memory_space<vmem>>, vector<16xi32>,
      %parallel_loop3A_649 = arith.constant 1542 : i32
      %parallel_loop3A_650 = arith.addi %parallel_loop3A_649, %parallel_loop3A_599 : i32
      %parallel_loop3A_651 = arith.index_cast %parallel_loop3A_650 : i32 to index
      %parallel_loop3A_652 = tpu.vector_load %arg8[%parallel_loop3A_651] {strides = array<i32>} : memref<4112xi32, #tpu.memory_space<vmem>>, vector<16xi32>,
      %parallel_loop3A_653 = arith.addi %parallel_loop3A_644, %parallel_loop3A_652 : vector<16xi32>
      %parallel_loop3A_654 = arith.constant 1542 : i32
      %parallel_loop3A_655 = arith.addi %parallel_loop3A_654, %parallel_loop3A_599 : i32
      %parallel_loop3A_656 = arith.index_cast %parallel_loop3A_655 : i32 to index
      %parallel_loop3A_657 = tpu.vector_load %arg8[%parallel_loop3A_656] {strides = array<i32>} : memref<4112xi32, #tpu.memory_space<vmem>>, vector<16xi32>,
      tpu.vector_store %arg8[%parallel_loop3A_656], %broadcast_in_dim3A_9 {strides = array<i32>} : memref<4112xi32, #tpu.memory_space<vmem>>, vector<16xi32>,
      %parallel_loop3A_658 = arith.constant 1799 : i32
      %parallel_loop3A_659 = arith.addi %parallel_loop3A_658, %parallel_loop3A_599 : i32
      %parallel_loop3A_660 = arith.index_cast %parallel_loop3A_659 : i32 to index
      %parallel_loop3A_661 = tpu.vector_load %arg8[%parallel_loop3A_660] {strides = array<i32>} : memref<4112xi32, #tpu.memory_space<vmem>>, vector<16xi32>,
      %parallel_loop3A_662 = arith.addi %parallel_loop3A_653, %parallel_loop3A_661 : vector<16xi32>
      %parallel_loop3A_663 = arith.constant 1799 : i32
      %parallel_loop3A_664 = arith.addi %parallel_loop3A_663, %parallel_loop3A_599 : i32
      %parallel_loop3A_665 = arith.index_cast %parallel_loop3A_664 : i32 to index
      %parallel_loop3A_666 = tpu.vector_load %arg8[%parallel_loop3A_665] {strides = array<i32>} : memref<4112xi32, #tpu.memory_space<vmem>>, vector<16xi32>,
      tpu.vector_store %arg8[%parallel_loop3A_665], %broadcast_in_dim3A_9 {strides = array<i32>} : memref<4112xi32, #tpu.memory_space<vmem>>, vector<16xi32>,
      %parallel_loop3A_667 = arith.constant 2056 : i32
      %parallel_loop3A_668 = arith.addi %parallel_loop3A_667, %parallel_loop3A_599 : i32
      %parallel_loop3A_669 = arith.index_cast %parallel_loop3A_668 : i32 to index
      %parallel_loop3A_670 = tpu.vector_load %arg8[%parallel_loop3A_669] {strides = array<i32>} : memref<4112xi32, #tpu.memory_space<vmem>>, vector<16xi32>,
      %parallel_loop3A_671 = arith.addi %parallel_loop3A_662, %parallel_loop3A_670 : vector<16xi32>
      %parallel_loop3A_672 = arith.constant 2056 : i32
      %parallel_loop3A_673 = arith.addi %parallel_loop3A_672, %parallel_loop3A_599 : i32
      %parallel_loop3A_674 = arith.index_cast %parallel_loop3A_673 : i32 to index
      %parallel_loop3A_675 = tpu.vector_load %arg8[%parallel_loop3A_674] {strides = array<i32>} : memref<4112xi32, #tpu.memory_space<vmem>>, vector<16xi32>,
      tpu.vector_store %arg8[%parallel_loop3A_674], %broadcast_in_dim3A_9 {strides = array<i32>} : memref<4112xi32, #tpu.memory_space<vmem>>, vector<16xi32>,
      %parallel_loop3A_676 = arith.constant 2313 : i32
      %parallel_loop3A_677 = arith.addi %parallel_loop3A_676, %parallel_loop3A_599 : i32
      %parallel_loop3A_678 = arith.index_cast %parallel_loop3A_677 : i32 to index
      %parallel_loop3A_679 = tpu.vector_load %arg8[%parallel_loop3A_678] {strides = array<i32>} : memref<4112xi32, #tpu.memory_space<vmem>>, vector<16xi32>,
      %parallel_loop3A_680 = arith.addi %parallel_loop3A_671, %parallel_loop3A_679 : vector<16xi32>
      %parallel_loop3A_681 = arith.constant 2313 : i32
      %parallel_loop3A_682 = arith.addi %parallel_loop3A_681, %parallel_loop3A_599 : i32
      %parallel_loop3A_683 = arith.index_cast %parallel_loop3A_682 : i32 to index
      %parallel_loop3A_684 = tpu.vector_load %arg8[%parallel_loop3A_683] {strides = array<i32>} : memref<4112xi32, #tpu.memory_space<vmem>>, vector<16xi32>,
      tpu.vector_store %arg8[%parallel_loop3A_683], %broadcast_in_dim3A_9 {strides = array<i32>} : memref<4112xi32, #tpu.memory_space<vmem>>, vector<16xi32>,
      %parallel_loop3A_685 = arith.constant 2570 : i32
      %parallel_loop3A_686 = arith.addi %parallel_loop3A_685, %parallel_loop3A_599 : i32
      %parallel_loop3A_687 = arith.index_cast %parallel_loop3A_686 : i32 to index
      %parallel_loop3A_688 = tpu.vector_load %arg8[%parallel_loop3A_687] {strides = array<i32>} : memref<4112xi32, #tpu.memory_space<vmem>>, vector<16xi32>,
      %parallel_loop3A_689 = arith.addi %parallel_loop3A_680, %parallel_loop3A_688 : vector<16xi32>
      %parallel_loop3A_690 = arith.constant 2570 : i32
      %parallel_loop3A_691 = arith.addi %parallel_loop3A_690, %parallel_loop3A_599 : i32
      %parallel_loop3A_692 = arith.index_cast %parallel_loop3A_691 : i32 to index
      %parallel_loop3A_693 = tpu.vector_load %arg8[%parallel_loop3A_692] {strides = array<i32>} : memref<4112xi32, #tpu.memory_space<vmem>>, vector<16xi32>,
      tpu.vector_store %arg8[%parallel_loop3A_692], %broadcast_in_dim3A_9 {strides = array<i32>} : memref<4112xi32, #tpu.memory_space<vmem>>, vector<16xi32>,
      %parallel_loop3A_694 = arith.constant 2827 : i32
      %parallel_loop3A_695 = arith.addi %parallel_loop3A_694, %parallel_loop3A_599 : i32
      %parallel_loop3A_696 = arith.index_cast %parallel_loop3A_695 : i32 to index
      %parallel_loop3A_697 = tpu.vector_load %arg8[%parallel_loop3A_696] {strides = array<i32>} : memref<4112xi32, #tpu.memory_space<vmem>>, vector<16xi32>,
      %parallel_loop3A_698 = arith.addi %parallel_loop3A_689, %parallel_loop3A_697 : vector<16xi32>
      %parallel_loop3A_699 = arith.constant 2827 : i32
      %parallel_loop3A_700 = arith.addi %parallel_loop3A_699, %parallel_loop3A_599 : i32
      %parallel_loop3A_701 = arith.index_cast %parallel_loop3A_700 : i32 to index
      %parallel_loop3A_702 = tpu.vector_load %arg8[%parallel_loop3A_701] {strides = array<i32>} : memref<4112xi32, #tpu.memory_space<vmem>>, vector<16xi32>,
      tpu.vector_store %arg8[%parallel_loop3A_701], %broadcast_in_dim3A_9 {strides = array<i32>} : memref<4112xi32, #tpu.memory_space<vmem>>, vector<16xi32>,
      %parallel_loop3A_703 = arith.constant 3084 : i32
      %parallel_loop3A_704 = arith.addi %parallel_loop3A_703, %parallel_loop3A_599 : i32
      %parallel_loop3A_705 = arith.index_cast %parallel_loop3A_704 : i32 to index
      %parallel_loop3A_706 = tpu.vector_load %arg8[%parallel_loop3A_705] {strides = array<i32>} : memref<4112xi32, #tpu.memory_space<vmem>>, vector<16xi32>,
      %parallel_loop3A_707 = arith.addi %parallel_loop3A_698, %parallel_loop3A_706 : vector<16xi32>
      %parallel_loop3A_708 = arith.constant 3084 : i32
      %parallel_loop3A_709 = arith.addi %parallel_loop3A_708, %parallel_loop3A_599 : i32
      %parallel_loop3A_710 = arith.index_cast %parallel_loop3A_709 : i32 to index
      %parallel_loop3A_711 = tpu.vector_load %arg8[%parallel_loop3A_710] {strides = array<i32>} : memref<4112xi32, #tpu.memory_space<vmem>>, vector<16xi32>,
      tpu.vector_store %arg8[%parallel_loop3A_710], %broadcast_in_dim3A_9 {strides = array<i32>} : memref<4112xi32, #tpu.memory_space<vmem>>, vector<16xi32>,
      %parallel_loop3A_712 = arith.constant 3341 : i32
      %parallel_loop3A_713 = arith.addi %parallel_loop3A_712, %parallel_loop3A_599 : i32
      %parallel_loop3A_714 = arith.index_cast %parallel_loop3A_713 : i32 to index
      %parallel_loop3A_715 = tpu.vector_load %arg8[%parallel_loop3A_714] {strides = array<i32>} : memref<4112xi32, #tpu.memory_space<vmem>>, vector<16xi32>,
      %parallel_loop3A_716 = arith.addi %parallel_loop3A_707, %parallel_loop3A_715 : vector<16xi32>
      %parallel_loop3A_717 = arith.constant 3341 : i32
      %parallel_loop3A_718 = arith.addi %parallel_loop3A_717, %parallel_loop3A_599 : i32
      %parallel_loop3A_719 = arith.index_cast %parallel_loop3A_718 : i32 to index
      %parallel_loop3A_720 = tpu.vector_load %arg8[%parallel_loop3A_719] {strides = array<i32>} : memref<4112xi32, #tpu.memory_space<vmem>>, vector<16xi32>,
      tpu.vector_store %arg8[%parallel_loop3A_719], %broadcast_in_dim3A_9 {strides = array<i32>} : memref<4112xi32, #tpu.memory_space<vmem>>, vector<16xi32>,
      %parallel_loop3A_721 = arith.constant 3598 : i32
      %parallel_loop3A_722 = arith.addi %parallel_loop3A_721, %parallel_loop3A_599 : i32
      %parallel_loop3A_723 = arith.index_cast %parallel_loop3A_722 : i32 to index
      %parallel_loop3A_724 = tpu.vector_load %arg8[%parallel_loop3A_723] {strides = array<i32>} : memref<4112xi32, #tpu.memory_space<vmem>>, vector<16xi32>,
      %parallel_loop3A_725 = arith.addi %parallel_loop3A_716, %parallel_loop3A_724 : vector<16xi32>
      %parallel_loop3A_726 = arith.constant 3598 : i32
      %parallel_loop3A_727 = arith.addi %parallel_loop3A_726, %parallel_loop3A_599 : i32
      %parallel_loop3A_728 = arith.index_cast %parallel_loop3A_727 : i32 to index
      %parallel_loop3A_729 = tpu.vector_load %arg8[%parallel_loop3A_728] {strides = array<i32>} : memref<4112xi32, #tpu.memory_space<vmem>>, vector<16xi32>,
      tpu.vector_store %arg8[%parallel_loop3A_728], %broadcast_in_dim3A_9 {strides = array<i32>} : memref<4112xi32, #tpu.memory_space<vmem>>, vector<16xi32>,
      %parallel_loop3A_730 = arith.constant 3855 : i32
      %parallel_loop3A_731 = arith.addi %parallel_loop3A_730, %parallel_loop3A_599 : i32
      %parallel_loop3A_732 = arith.index_cast %parallel_loop3A_731 : i32 to index
      %parallel_loop3A_733 = tpu.vector_load %arg8[%parallel_loop3A_732] {strides = array<i32>} : memref<4112xi32, #tpu.memory_space<vmem>>, vector<16xi32>,
      %parallel_loop3A_734 = arith.addi %parallel_loop3A_725, %parallel_loop3A_733 : vector<16xi32>
      %parallel_loop3A_735 = arith.constant 3855 : i32
      %parallel_loop3A_736 = arith.addi %parallel_loop3A_735, %parallel_loop3A_599 : i32
      %parallel_loop3A_737 = arith.index_cast %parallel_loop3A_736 : i32 to index
      %parallel_loop3A_738 = tpu.vector_load %arg8[%parallel_loop3A_737] {strides = array<i32>} : memref<4112xi32, #tpu.memory_space<vmem>>, vector<16xi32>,
      tpu.vector_store %arg8[%parallel_loop3A_737], %broadcast_in_dim3A_9 {strides = array<i32>} : memref<4112xi32, #tpu.memory_space<vmem>>, vector<16xi32>,
      %parallel_loop3A_739 = arith.index_cast %parallel_loop3A_599 : i32 to index
      %parallel_loop3A_740 = tpu.vector_load %arg9[%parallel_loop3A_739] {strides = array<i32>} : memref<256xi32, #tpu.memory_space<vmem>>, vector<16xi32>,
      tpu.vector_store %arg9[%parallel_loop3A_739], %parallel_loop3A_734 {strides = array<i32>} : memref<256xi32, #tpu.memory_space<vmem>>, vector<16xi32>,
    } {sc.loop_unroll_factor = 1 : i64, sc.parallel_access}
    %scan3A_516 = arith.constant 0 : i32
    %scan3A_517 = arith.constant 16 : i32
    %scan3A_518 = arith.addi %scan3A_516, %scan3A_517 : i32
    %scan3A_519 = arith.constant 1 : i32
    %scan3A_520:3 = scf.for %scan3A_599 = %scan3A_516 to %scan3A_518 step %scan3A_519 iter_args(%scan3A_600 = %broadcast_in_dim3A_9, %scan3A_601 = %broadcast_in_dim3A_9, %scan3A_602 = %broadcast_in_dim3A_9) -> (vector<16xi32>, vector<16xi32>, vector<16xi32>)  : i32 {
      %sub3A_603 = arith.constant 15 : i32
      %sub3A_604 = arith.subi %sub3A_603, %scan3A_599 : i32
      %mul3A_605 = arith.constant 16 : i32
      %mul3A_606 = arith.muli %sub3A_604, %mul3A_605 : i32
      %get3A = arith.index_cast %mul3A_606 : i32 to index
      %get3A_607 = tpu.vector_load %arg9[%get3A] {strides = array<i32>} : memref<256xi32, #tpu.memory_space<vmem>>, vector<16xi32>,
      %rev3A = arith.constant 15 : i32
      %rev3A_608 = vector.broadcast %rev3A : i32 to vector<16xi32>
      %rev3A_609 = tpu.iota {dimensions = array<i32: 0>} : vector<16xi32>
      %rev3A_610 = arith.subi %rev3A_608, %rev3A_609 : vector<16xi32>
      %rev3A_611 = tpu.dynamic_gather %get3A_607[%rev3A_610] in [0] : vector<16xi32>, vector<16xi32> -> vector<16xi32>
      %broadcast_in_dim3A_612 = arith.constant true
      %broadcast_in_dim3A_613 = vector.broadcast %broadcast_in_dim3A_612 : i1 to vector<16xi1>
      %masked_cumsum3A = tpu.scan <sum>, %rev3A_611 masked %broadcast_in_dim3A_613 : vector<16xi32>, vector<16xi1> -> vector<16xi32>
      %add3A_614 = arith.addi %masked_cumsum3A, %scan3A_600 : vector<16xi32>
      %ge3A = arith.cmpi sge, %add3A_614, %sub3A_492 : vector<16xi32>
      %all_reduce_population_count3A = tpu.all_reduce %ge3A {dim = 0 : i64, kind = #tpu.reduction_kind<sum>} : vector<16xi1> -> vector<16xi32>
      %add3A_615 = arith.addi %scan3A_601, %all_reduce_population_count3A : vector<16xi32>
      %select_n3A_616 = arith.select %ge3A, %broadcast_in_dim3A_9, %rev3A_611 : vector<16xi1>, vector<16xi32>
      %add3A_617 = arith.addi %scan3A_602, %select_n3A_616 : vector<16xi32>
      %rev3A_618 = arith.constant 15 : i32
      %rev3A_619 = vector.broadcast %rev3A_618 : i32 to vector<16xi32>
      %rev3A_620 = tpu.iota {dimensions = array<i32: 0>} : vector<16xi32>
      %rev3A_621 = arith.subi %rev3A_619, %rev3A_620 : vector<16xi32>
      %rev3A_622 = tpu.dynamic_gather %add3A_614[%rev3A_621] in [0] : vector<16xi32>, vector<16xi32> -> vector<16xi32>
      %slice3A = vector.extract_strided_slice %rev3A_622 {offsets = [0], sizes = [1], strides = [1]} : vector<16xi32> to vector<1xi32>
      %squeeze3A = vector.extract %slice3A[0] : i32 from vector<1xi32>
      %broadcast_in_dim3A_623 = vector.broadcast %squeeze3A : i32 to vector<16xi32>
      scf.yield %broadcast_in_dim3A_623, %add3A_615, %add3A_617 : vector<16xi32>, vector<16xi32>, vector<16xi32>
    }
    %scan3A_521 = arith.constant 16 : i32
    %reduce_max3A_522 = arith.constant true
    %reduce_max3A_523 = vector.broadcast %reduce_max3A_522 : i1 to vector<16xi1>
    %reduce_max3A_524 = arith.constant -2147483648 : i32
    %reduce_max3A_525 = vector.broadcast %reduce_max3A_524 : i32 to vector<16xi32>
    %reduce_max3A_526 = arith.xori %scan3A_520#1, %reduce_max3A_525 : vector<16xi32>
    %reduce_max3A_527 = tpu.scan <max>, %reduce_max3A_526 masked %reduce_max3A_523 : vector<16xi32>, vector<16xi1> -> vector<16xi32>
    %reduce_max3A_528 = arith.xori %reduce_max3A_527, %reduce_max3A_525 : vector<16xi32>
    %reduce_max3A_529 = vector.extract %reduce_max3A_528[15] : i32 from vector<16xi32>
    %sub3A_530 = arith.constant 1 : i32
    %sub3A_531 = arith.subi %reduce_max3A_529, %sub3A_530 : i32
    %reduce_sum3A_532 = arith.constant true
    %reduce_sum3A_533 = vector.broadcast %reduce_sum3A_532 : i1 to vector<16xi1>
    %reduce_sum3A_534 = tpu.scan <sum>, %scan3A_520#2 masked %reduce_sum3A_533 : vector<16xi32>, vector<16xi1> -> vector<16xi32>
    %reduce_sum3A_535 = vector.extract %reduce_sum3A_534[15] : i32 from vector<16xi32>
    %broadcast_in_dim3A_536 = vector.broadcast %reduce_sum3A_535 : i32 to vector<16xi32>
    %sub3A_537 = arith.subi %sub3A_492, %broadcast_in_dim3A_536 : vector<16xi32>
    %bitcast_convert_type3A_538 = arith.bitcast %sub3A_486 : i32 to i32
    %shift_left3A_539 = arith.constant 8 : i32
    %shift_left3A_540 = arith.shli %bitcast_convert_type3A_538, %shift_left3A_539 : i32
    %bitcast_convert_type3A_541 = arith.bitcast %sub3A_531 : i32 to i32
    %or3A_542 = arith.ori %shift_left3A_540, %bitcast_convert_type3A_541 : i32
    %broadcast_in_dim3A_543 = vector.broadcast %or3A_542 : i32 to vector<16xi32>
    %parallel_loop3A_544 = arith.constant 0 : i32
    %parallel_loop3A_545 = arith.constant 1 : i32
    %parallel_loop3A_546 = scf.for %parallel_loop3A_599 = %parallel_loop3A_544 to %reduce_max3A_512 step %parallel_loop3A_545 iter_args(%parallel_loop3A_600 = %broadcast_in_dim3A_9) -> (vector<16xi32>)  : i32 {
      %parallel_loop3A_601 = arith.constant 16 : i32
      %parallel_loop3A_602 = arith.muli %parallel_loop3A_599, %parallel_loop3A_601 : i32
      %parallel_loop3A_603 = arith.index_cast %parallel_loop3A_602 : i32 to index
      %parallel_loop3A_604 = tpu.vector_load %arg10[%parallel_loop3A_603] {strides = array<i32>} : memref<32768xf32, #tpu.memory_space<vmem>>, vector<16xf32>,
      %parallel_loop3A_605 = tpu.bitcast %parallel_loop3A_604 : vector<16xf32> -> vector<16xi32>
      %parallel_loop3A_606 = vector.broadcast %parallel_loop3A_599 : i32 to vector<16xi32>
      %parallel_loop3A_607 = arith.cmpi sgt, %parallel_loop3A_504, %parallel_loop3A_606 : vector<16xi32>
      %parallel_loop3A_608 = arith.constant 14 : i32
      %parallel_loop3A_609 = vector.broadcast %parallel_loop3A_608 : i32 to vector<16xi32>
      %parallel_loop3A_610 = arith.shrui %parallel_loop3A_605, %parallel_loop3A_609 : vector<16xi32>
      %parallel_loop3A_611 = arith.cmpi eq, %parallel_loop3A_610, %broadcast_in_dim3A_543 : vector<16xi32>
      %parallel_loop3A_612 = arith.andi %parallel_loop3A_607, %parallel_loop3A_611 : vector<16xi1>
      %parallel_loop3A_613 = arith.constant 511 : i32
      %parallel_loop3A_614 = vector.broadcast %parallel_loop3A_613 : i32 to vector<16xi32>
      %parallel_loop3A_615 = arith.minsi %parallel_loop3A_600, %parallel_loop3A_614 : vector<16xi32>
      %parallel_loop3A_616 = arith.constant 4 : i32
      %parallel_loop3A_617 = vector.broadcast %parallel_loop3A_616 : i32 to vector<16xi32>
      %parallel_loop3A_618 = arith.shli %parallel_loop3A_615, %parallel_loop3A_617 : vector<16xi32>
      %parallel_loop3A_619 = arith.addi %parallel_loop3A_618, %iota3A : vector<16xi32>
      %parallel_loop3A_620 = tpu.bitcast %parallel_loop3A_605 : vector<16xi32> -> vector<16xf32>
      tpu.vector_store_idx %arg11[%parallel_loop3A_619], %parallel_loop3A_620 masked %parallel_loop3A_612 : memref<8192xf32, #tpu.memory_space<vmem>>[vector<16xi32>], vector<16xf32>, vector<16xi1>
      %parallel_loop3A_621 = arith.select %parallel_loop3A_612, %broadcast_in_dim3A_11, %broadcast_in_dim3A_9 : vector<16xi1>, vector<16xi32>
      %parallel_loop3A_622 = arith.addi %parallel_loop3A_600, %parallel_loop3A_621 : vector<16xi32>
      scf.yield %parallel_loop3A_622 : vector<16xi32>
    } {sc.loop_unroll_factor = 4 : i64, sc.parallel_access}
    %reduce_max3A_547 = arith.constant true
    %reduce_max3A_548 = vector.broadcast %reduce_max3A_547 : i1 to vector<16xi1>
    %reduce_max3A_549 = arith.constant -2147483648 : i32
    %reduce_max3A_550 = vector.broadcast %reduce_max3A_549 : i32 to vector<16xi32>
    %reduce_max3A_551 = arith.xori %parallel_loop3A_546, %reduce_max3A_550 : vector<16xi32>
    %reduce_max3A_552 = tpu.scan <max>, %reduce_max3A_551 masked %reduce_max3A_548 : vector<16xi32>, vector<16xi1> -> vector<16xi32>
    %reduce_max3A_553 = arith.xori %reduce_max3A_552, %reduce_max3A_550 : vector<16xi32>
    %reduce_max3A_554 = vector.extract %reduce_max3A_553[15] : i32 from vector<16xi32>
    %min3A_555 = arith.constant 512 : i32
    %min3A_556 = arith.minsi %reduce_max3A_554, %min3A_555 : i32
    %bitcast_convert_type3A_557 = arith.bitcast %sub3A_486 : i32 to i32
    %shift_left3A_558 = arith.constant 22 : i32
    %shift_left3A_559 = arith.shli %bitcast_convert_type3A_557, %shift_left3A_558 : i32
    %bitcast_convert_type3A_560 = arith.bitcast %sub3A_531 : i32 to i32
    %shift_left3A_561 = arith.constant 14 : i32
    %shift_left3A_562 = arith.shli %bitcast_convert_type3A_560, %shift_left3A_561 : i32
    %or3A_563 = arith.ori %shift_left3A_559, %shift_left3A_562 : i32
    %broadcast_in_dim3A_564 = vector.broadcast %or3A_563 : i32 to vector<16xi32>
    %scan3A_565 = arith.constant 0 : i32
    %scan3A_566 = arith.constant 14 : i32
    %scan3A_567 = arith.addi %scan3A_565, %scan3A_566 : i32
    %scan3A_568 = arith.constant 1 : i32
    %scan3A_569 = scf.for %scan3A_599 = %scan3A_565 to %scan3A_567 step %scan3A_568 iter_args(%scan3A_600 = %broadcast_in_dim3A_564) -> (vector<16xi32>)  : i32 {
      %sub3A_601 = arith.constant 13 : i32
      %sub3A_602 = arith.subi %sub3A_601, %scan3A_599 : i32
      %shift_left3A_603 = arith.constant 1 : i32
      %shift_left3A_604 = arith.shli %shift_left3A_603, %sub3A_602 : i32
      %or3A_605 = vector.broadcast %shift_left3A_604 : i32 to vector<16xi32>
      %or3A_606 = arith.ori %scan3A_600, %or3A_605 : vector<16xi32>
      %parallel_loop3A_607 = arith.constant 0 : i32
      %parallel_loop3A_608 = arith.constant 1 : i32
      %parallel_loop3A_609 = scf.for %parallel_loop3A_611 = %parallel_loop3A_607 to %min3A_556 step %parallel_loop3A_608 iter_args(%parallel_loop3A_612 = %broadcast_in_dim3A_9) -> (vector<16xi32>)  : i32 {
        %parallel_loop3A_613 = arith.constant 16 : i32
        %parallel_loop3A_614 = arith.muli %parallel_loop3A_611, %parallel_loop3A_613 : i32
        %parallel_loop3A_615 = arith.index_cast %parallel_loop3A_614 : i32 to index
        %parallel_loop3A_616 = tpu.vector_load %arg11[%parallel_loop3A_615] {strides = array<i32>} : memref<8192xf32, #tpu.memory_space<vmem>>, vector<16xf32>,
        %parallel_loop3A_617 = tpu.bitcast %parallel_loop3A_616 : vector<16xf32> -> vector<16xi32>
        %parallel_loop3A_618 = vector.broadcast %parallel_loop3A_611 : i32 to vector<16xi32>
        %parallel_loop3A_619 = arith.cmpi sgt, %parallel_loop3A_546, %parallel_loop3A_618 : vector<16xi32>
        %parallel_loop3A_620 = arith.cmpi uge, %parallel_loop3A_617, %or3A_606 : vector<16xi32>
        %parallel_loop3A_621 = arith.andi %parallel_loop3A_620, %parallel_loop3A_619 : vector<16xi1>
        %parallel_loop3A_622 = tpu.all_reduce %parallel_loop3A_621 {dim = 0 : i64, kind = #tpu.reduction_kind<sum>} : vector<16xi1> -> vector<16xi32>
        %parallel_loop3A_623 = arith.addi %parallel_loop3A_612, %parallel_loop3A_622 : vector<16xi32>
        scf.yield %parallel_loop3A_623 : vector<16xi32>
      } {sc.loop_unroll_factor = 2 : i64, sc.parallel_access}
      %ge3A = arith.cmpi sge, %parallel_loop3A_609, %sub3A_537 : vector<16xi32>
      %select_n3A_610 = arith.select %ge3A, %or3A_606, %scan3A_600 : vector<16xi1>, vector<16xi32>
      scf.yield %select_n3A_610 : vector<16xi32>
    }
    %scan3A_570 = arith.constant 14 : i32
    %bitcast_convert_type3A_571 = tpu.bitcast %scan3A_569 : vector<16xi32> -> vector<16xi32>
    %lt3A_572 = arith.constant 0 : i32
    %lt3A_573 = vector.broadcast %lt3A_572 : i32 to vector<16xi32>
    %lt3A_574 = arith.cmpi slt, %bitcast_convert_type3A_571, %lt3A_573 : vector<16xi32>
    %xor3A_575 = arith.constant -2147483648 : i32
    %xor3A_576 = vector.broadcast %xor3A_575 : i32 to vector<16xi32>
    %xor3A_577 = arith.xori %bitcast_convert_type3A_571, %xor3A_576 : vector<16xi32>
    %not3A_578 = arith.constant dense<-1> : vector<16xi32>
    %not3A_579 = arith.xori %bitcast_convert_type3A_571, %not3A_578 : vector<16xi32>
    %select_n3A_580 = arith.select %lt3A_574, %xor3A_577, %not3A_579 : vector<16xi1>, vector<16xi32>
    %bitcast_convert_type3A_581 = tpu.bitcast %select_n3A_580 : vector<16xi32> -> vector<16xf32>
    %parallel_loop3A_582 = arith.constant 0 : i32
    %parallel_loop3A_583 = arith.constant 32768 : i32
    %parallel_loop3A_584 = arith.constant 16 : i32
    scf.for %parallel_loop3A_599 = %parallel_loop3A_582 to %parallel_loop3A_583 step %parallel_loop3A_584  : i32 {
      %parallel_loop3A_600 = arith.index_cast %parallel_loop3A_599 : i32 to index
      %parallel_loop3A_601 = tpu.vector_load %arg5[%parallel_loop3A_600] {strides = array<i32>} : memref<32768xf32, #tpu.memory_space<vmem>>, vector<16xf32>,
      %parallel_loop3A_602 = arith.cmpf oge, %parallel_loop3A_601, %bitcast_convert_type3A_581 : vector<16xf32>
      %parallel_loop3A_603 = arith.constant 0.000000e+00 : f32
      %parallel_loop3A_604 = vector.broadcast %parallel_loop3A_603 : f32 to vector<16xf32>
      %parallel_loop3A_605 = arith.select %parallel_loop3A_602, %parallel_loop3A_601, %parallel_loop3A_604 : vector<16xi1>, vector<16xf32>
      %parallel_loop3A_606 = arith.index_cast %parallel_loop3A_599 : i32 to index
      %parallel_loop3A_607 = tpu.vector_load %arg10[%parallel_loop3A_606] {strides = array<i32>} : memref<32768xf32, #tpu.memory_space<vmem>>, vector<16xf32>,
      tpu.vector_store %arg10[%parallel_loop3A_606], %parallel_loop3A_605 {strides = array<i32>} : memref<32768xf32, #tpu.memory_space<vmem>>, vector<16xf32>,
    } {sc.loop_unroll_factor = 8 : i64, sc.parallel_access}
    %add3A_585 = arith.constant 3 : i32
    %add3A_586 = arith.addi %mul3A_2, %add3A_585 : i32
    %dma_start3A_587 = arith.constant 0 : i32
    %dma_start3A_588 = tpu.memref_slice %arg3[%add3A_586, %dma_start3A_587] : memref<128x32768xf32, #tpu.memory_space<hbm>> -> memref<1x32768xf32, #tpu.memory_space<hbm>>
    %dma_start3A_589 = tpu.memref_squeeze %dma_start3A_588 : memref<1x32768xf32, #tpu.memory_space<hbm>> -> memref<32768xf32, #tpu.memory_space<hbm>>
    %dma_start3A_590 = arith.constant 0 : i32
    %dma_start3A_591 = tpu.memref_slice %arg3[%add3A_586, %dma_start3A_590] : memref<128x32768xf32, #tpu.memory_space<hbm>> -> memref<1x32768xf32, #tpu.memory_space<hbm>>
    %dma_start3A_592 = tpu.memref_squeeze %dma_start3A_591 : memref<1x32768xf32, #tpu.memory_space<hbm>> -> memref<32768xf32, #tpu.memory_space<hbm>>
    tpu.enqueue_dma source(%arg10 : memref<32768xf32, #tpu.memory_space<vmem>>) target(%dma_start3A_592 : memref<32768xf32, #tpu.memory_space<hbm>>) target_semaphore(%arg13 : memref<!tpu.dma_semaphore, #tpu.memory_space<semaphore_mem>>)
    %dma_wait3A_593 = arith.constant 0 : i32
    %dma_wait3A_594 = tpu.memref_slice %arg3[%add3A_586, %dma_wait3A_593] : memref<128x32768xf32, #tpu.memory_space<hbm>> -> memref<1x32768xf32, #tpu.memory_space<hbm>>
    %dma_wait3A_595 = tpu.memref_squeeze %dma_wait3A_594 : memref<1x32768xf32, #tpu.memory_space<hbm>> -> memref<32768xf32, #tpu.memory_space<hbm>>
    %dma_wait3A_596 = arith.constant 0 : i32
    %dma_wait3A_597 = tpu.memref_slice %arg3[%add3A_586, %dma_wait3A_596] : memref<128x32768xf32, #tpu.memory_space<hbm>> -> memref<1x32768xf32, #tpu.memory_space<hbm>>
    %dma_wait3A_598 = tpu.memref_squeeze %dma_wait3A_597 : memref<1x32768xf32, #tpu.memory_space<hbm>> -> memref<32768xf32, #tpu.memory_space<hbm>>
    tpu.wait_dma2 semaphore(%arg13 : memref<!tpu.dma_semaphore, #tpu.memory_space<semaphore_mem>>) src(%arg10 : memref<32768xf32, #tpu.memory_space<vmem>>) dst(%dma_wait3A_598 : memref<32768xf32, #tpu.memory_space<hbm>>)
    return
  }
}

</mosaic_0001>

<sc_bundles>
// kernel: kernel.3.cloned.1.call-start
scs
__scs_entry_jumppad:
0x0: {  	(pc) =	sbr.rel $0x88, $3  }
0x1: {  	(tag) =	ssettag $0x0;
	lr =	simm.s32 $0x1  }
0x2: {  	[smem:$0x3FA0] =	sst lr;
	_ =	strace $0xD0000000  }
0x3: {  	_ = 	snop  }
0x4: {  	_ = 	snop  }
0x5: {  	_ = 	snop  }
0x6: {  	_ = 	snop  }
0x7: {  	_ = 	snop  }
__scs_overlays_trampoline_lowered:
0x8: {  	[smem:$0x3FAF] =	sst s0  }
0x9: {  	[smem:$0x3FB0] =	sst s1  }
0xa: {  	[smem:$0x3FB1] =	sst s2  }
0xb: {  	[smem:$0x3FB2] =	sst s3  }
0xc: {  	[smem:$0x3FB3] =	sst s4  }
0xd: {  	[smem:$0x3FB4] =	sst s5  }
0xe: {  	[smem:$0x3FB5] =	sst s6  }
0xf: {  	[smem:$0x3FB6] =	sst s7  }
0x10: {  	[smem:$0x3FB7] =	sst s8  }
0x11: {  	[smem:$0x3FB8] =	sst s9;
	s0 =	simm.s32 @!p0 $0x0  }
0x12: {  	s1 =	sld [smem:$0x3F9E];
	s0 =	simm.s32 @p0 $0x1  }
0x13: {  	[smem:$0x3FB9] =	sst s0;
	s0 =	simm.s32 @!p1 $0x0  }
0x14: {  	s2 =	sld [smem:$0x3F9D];
	s0 =	simm.s32 @p1 $0x1  }
0x15: {  	[smem:$0x3FBA] =	sst s0;
	s0 =	simm.s32 @!p2 $0x0  }
0x16: {  	s3 =	sld [smem:$0x3FDB];
	s0 =	simm.s32 @p2 $0x1  }
0x17: {  	s4 =	simm.s32 $0x1BF5;
	[smem:$0x3FBC] =	sst s0  }
0x18: {  	s0 =	sld [smem:$0x3F9F];
	_ =	swait.ge [sflag:s4], $0x0  }
0x19: {  	s7 =	sld [smem:$0x3FA0]  }
0x1a: {  	s8 =	sadd.s32 $0xFFFFE003, lr  }
0x1b: {  	s9 =	sadd.s32 $0xFFFFFEF7, lr;
	s5 =	simm.s32 $0xFFFFFFFF;
	p2 =	slt.u32 s8, $0xFFFFF086  }
0x1c: {  	p1 =	slt.u32 s9, $0xF7A;
	s5 =	simm.s32 @!p2 $0x0  }
0x1d: {  	s5 =	simm.s32 @p1 $0x1;
	p0 =	seq.s32 s7, s2  }
0x1e: {  	s7 =	smul.u32 @!p0 $0xF7A, s2;
	p2 =	seq.s32 @!p0 s5, $0x0  }
0x1f: {  	s9 =	smul.u32 $0xF7A, s1;
	s8 =	simm.s32 @!p0 $0x1BF5;
	p2 =	por !p2, p0  }
0x20: {  	[sflag:s8] =	ssyncset.s32 @!p0 $0xFFFFF086;
	s6 =	sadd.s32 @!p0 s3, s7;
	s7 =	simm.s32 @!p0 $0x108  }
0x21: {  	s3 =	sadd.s32 s3, s9;
	s6 =	sadd.s32 @!p0 $0x88, s6;
	s7 =	simm.s32 @p2 $0x1082  }
0x22: {  	[simem:s7], [sflag:s8] =	dma.local @!p0 [hbm:s6], $0xF7A  }
0x23: {  	s9 =	sor.u32 $0xD0000000, s2;
	s6 =	simm.s32 $0x108;
	_ =	swait.ge @!p0 [sflag:s8], $0x0  }
0x24: {  	s3 =	sadd.s32 $0x88, s3;
	s6 =	simm.s32 @!p1 $0x1082;
	[sflag:s4] =	ssyncset.s32 $0xFFFFF086  }
0x25: {  	[simem:s6], [sflag:s4] =	dma.local [hbm:s3], $0xF7A  }
0x26: {  	[smem:$0x3FA0] =	sst s1;
	(tag) =	ssettag s2;
	_ =	strace s9  }
0x27: {  	s1 =	sld [smem:$0x3FB0]  }
0x28: {  	s2 =	sld [smem:$0x3FB1]  }
0x29: {  	s4 =	sld [smem:$0x3FB3]  }
0x2a: {  	p0 =	seq.s32 s5, $0x0;
	s5 =	sld [smem:$0x3FB4]  }
0x2b: {  	s6 =	sld [smem:$0x3FB5]  }
0x2c: {  	s7 =	sld [smem:$0x3FB6]  }
0x2d: {  	s3 =	simm.s32 $0x108;
	s8 =	sld [smem:$0x3FB7]  }
0x2e: {  	s3 =	simm.s32 @!p0 $0x1082;
	s9 =	sld [smem:$0x3FB8]  }
0x2f: {  	lr =	sadd.s32 s0, s3;
	s0 =	sld [smem:$0x3FAF]  }
0x30: {  	s3 =	sld [smem:$0x3FB2]  }
0x31: {  	[smem:$0x3FBB] =	sst s10  }
0x32: {  	s10 =	sld [smem:$0x3FB9];
	_ =	sdelay $0x3  }
0x33: {  	p0 =	seq.s32 s10, $0x1;
	s10 =	sld [smem:$0x3FBB];
	_ =	sdelay $0x3  }
0x34: {  	[smem:$0x3FBB] =	sst s10  }
0x35: {  	s10 =	sld [smem:$0x3FBA];
	_ =	sdelay $0x3  }
0x36: {  	p1 =	seq.s32 s10, $0x1;
	s10 =	sld [smem:$0x3FBB];
	_ =	sdelay $0x3  }
0x37: {  	[smem:$0x3FBB] =	sst s10  }
0x38: {  	s10 =	sld [smem:$0x3FBC]  }
0x39: {  	_ = 	snop;
	(pc) =	sbr.ind lr, $3  }
0x3a: {  	_ = 	snop  }
0x3b: {  	_ = 	snop  }
0x3c: {  	p2 =	seq.s32 s10, $0x1;
	s10 =	sld [smem:$0x3FBB]  }
0x3d: {  	_ =	shalt  }
0x3e: {  	_ =	shalt  }
0x3f: {  	_ =	shalt  }
0x40: {  	_ =	shalt  }
0x41: {  	_ =	shalt  }
0x42: {  	_ =	shalt  }
0x43: {  	_ =	shalt  }
0x44: {  	_ =	shalt  }
0x45: {  	_ =	shalt  }
0x46: {  	_ =	shalt  }
0x47: {  	_ =	shalt  }
0x48: {  	_ =	shalt  }
0x49: {  	_ =	shalt  }
0x4a: {  	_ =	shalt  }
0x4b: {  	_ =	shalt  }
0x4c: {  	_ =	shalt  }
0x4d: {  	_ =	shalt  }
0x4e: {  	_ =	shalt  }
0x4f: {  	_ =	shalt  }
0x50: {  	_ =	shalt  }
0x51: {  	_ =	shalt  }
0x52: {  	_ =	shalt  }
0x53: {  	_ =	shalt  }
0x54: {  	_ =	shalt  }
0x55: {  	_ =	shalt  }
0x56: {  	_ =	shalt  }
0x57: {  	_ =	shalt  }
0x58: {  	_ =	shalt  }
0x59: {  	_ =	shalt  }
0x5a: {  	_ =	shalt  }
0x5b: {  	_ =	shalt  }
0x5c: {  	_ =	shalt  }
0x5d: {  	_ =	shalt  }
0x5e: {  	_ =	shalt  }
0x5f: {  	_ =	shalt  }
0x60: {  	_ =	shalt  }
0x61: {  	_ =	shalt  }
0x62: {  	_ =	shalt  }
0x63: {  	_ =	shalt  }
0x64: {  	_ =	shalt  }
0x65: {  	_ =	shalt  }
0x66: {  	_ =	shalt  }
0x67: {  	_ =	shalt  }
0x68: {  	_ =	shalt  }
0x69: {  	_ =	shalt  }
0x6a: {  	_ =	shalt  }
0x6b: {  	_ =	shalt  }
0x6c: {  	_ =	shalt  }
0x6d: {  	_ =	shalt  }
0x6e: {  	_ =	shalt  }
0x6f: {  	_ =	shalt  }
0x70: {  	_ =	shalt  }
0x71: {  	_ =	shalt  }
0x72: {  	_ =	shalt  }
0x73: {  	_ =	shalt  }
0x74: {  	_ =	shalt  }
0x75: {  	_ =	shalt  }
0x76: {  	_ =	shalt  }
0x77: {  	_ =	shalt  }
0x78: {  	_ =	shalt  }
0x79: {  	_ =	shalt  }
0x7a: {  	_ =	shalt  }
0x7b: {  	_ =	shalt  }
0x7c: {  	_ =	shalt  }
0x7d: {  	_ =	shalt  }
0x7e: {  	_ =	shalt  }
0x7f: {  	_ =	shalt  }
0x80: {  	_ =	shalt  }
0x81: {  	_ =	shalt  }
0x82: {  	_ =	shalt  }
0x83: {  	_ =	shalt  }
0x84: {  	_ =	shalt  }
0x85: {  	_ =	shalt  }
0x86: {  	_ =	shalt  }
0x87: {  	_ =	shalt  }
.Lfunc_end0:
.L_simem_size_0:
called_computation_lowered:
.L_overlay_start_0:
0x88: {  	s2 =	sld [smem:$0x3FD9]  }
0x89: {  	s3 =	sld [smem:$0x3FFE];
	_ =	sdelay $0x1  }
0x8a: {  	s1 =	srdreg.scid  }
0x8b: {  	s0 =	sand.u32 $0x1, s1  }
0x8c: {  	s18 =	sshll.u32 s0, $0xA;
	s2 =	sadd.s32 s3, s2  }
0x8d: {  	s2 =	sadd.s32 s2, s18  }
0x8e: {  	[smem:$0x3FC7] =	sst s2  }
0x8f: {  	_ = 	snop  }
0x90: {  	s2 =	sld [smem:$0x3FC9]  }
0x91: {  	s19 =	sld [smem:$0x3FD0];
	(tm) =	ssettm $0x1  }
0x92: {  	s4 =	sld [smem:$0x3FFB];
	_ =	sdelay $0x3  }
0x93: {  	_ =	strace s4  }
0x94: {  	s4 =	sld [smem:$0x3FFC];
	_ =	sdelay $0x3  }
0x95: {  	_ =	strace s4  }
0x96: {  	s4 =	sld [smem:$0x3FFD];
	_ =	sdelay $0x3  }
0x97: {  	_ =	strace s4  }
0x98: {  	_ =	strace $0x8FFFFFFF  }
0x99: {  	s20 =	sld [smem:$0x3FDB];
	_ =	sdelay $0x1  }
0x9a: {  	s5 =	simm.s32 $_scs_section_size  }
0x9b: {  	s6 =	simm.s32 $_size__tile_overlayer_lowered;
	s7 =	simm.s32 $_tile_overlayer_lowered  }
0x9c: {  	s23 =	simm.s32 $0x1BFF;
	s22 =	sshll.u32 s7, $0x1;
	s4 =	sadd.s32 s5, s20  }
0x9d: {  	s8 =	simm.s32 $0x0;
	s21 =	sshll.u32 s6, $0x1;
	s6 =	sadd.s32 s22, s4  }
0x9e: {  	[timem:s8], [sflag:s23] =	dma.local [hbm:s6], s21  }
0x9f: {  	_ =	swait.ge [sflag:s23], s21  }
0xa0: {  	s5 =	ssub.s32 $0x0, s21;
	[sflag:s23] =	ssyncset.done $0x0  }
0xa1: {  	[sflag:s23] =	ssyncadd.s32 s5;
	_ =	sdelay $0x1  }
0xa2: {  	s24 =	simm.s32 $0x1B8B  }
0xa3: {  	_ =	swait.ge [sflag:s24], $0x1  }
0xa4: {  	[sflag:s24] =	ssyncset.done $0x0  }
0xa5: {  	s25 =	simm.s32 $0x1B8E;
	[sflag:s24] =	ssyncadd.s32 $0xFFFFFFFF  }
0xa6: {  	s26 =	simm.s32 $execute0_lowered;
	[smem:$0x3FD2] =	sst s25  }
0xa7: {  	s5 =	sshll.u32 s26, $0x1;
	_ =	strace $0x80000046;
	[dreg:$0x1] =	wrdreg $0xFFFFFFFF  }
0xa8: {  	s28 =	simm.s32 $_size_execute0_lowered;
	s4 =	sadd.s32 s4, s5;
	[dreg:$0x0] =	wrdreg $0x0  }
0xa9: {  	s5 =	sshll.u32 s28, $0x1;
	[dreg:$0x2] =	wrdreg s4  }
0xaa: {  	[dreg:$0x3] =	wrdreg s5  }
0xab: {  	[dreg:$0x4] =	wrdreg $0xC0  }
0xac: {  	_ =	task [dreg:s8], $0x5FFFF  }
0xad: {  	[dreg:$0x1] =	wrdreg $0xFFFFFFFF  }
0xae: {  	[dreg:$0x0] =	wrdreg $0x60  }
0xaf: {  	[dreg:$0x2] =	wrdreg s2  }
0xb0: {  	[dreg:$0x3] =	wrdreg s19  }
0xb1: {  	[dreg:$0x4] =	wrdreg $0x9  }
0xb2: {  	_ =	task.clear_ibuf [dreg:s8], $0x5FFFF;
	_ =	strace $0x90000046  }
0xb3: {  	s29 =	simm.s32 $0x9;
	_ =	strace $0x80000048  }
0xb4: {  	_ =	swait.ge [sflag:s29], $0x1  }
0xb5: {  	[sflag:s29] =	ssyncadd.s32 $0xFFFFFFFF  }
0xb6: {  	_ =	strace $0x90000048  }
0xb7: {  	_ =	sfence  }
0xb8: {  	s30 =	sld [smem:$0x0];
	_ =	sdelay $0x2  }
0xb9: {  	s31 =	sshll.u32 s1, $0xD;
	s1 =	sshrl.u32 s1, $0x2  }
0xba: {  	s3 =	sand.u32 $0x4000, s31;
	s1 =	sadd.s32 s1, s30  }
0xbb: {  	s0 =	sor.u32 s3, s0;
	s1 =	sshll.u32 s1, $0x11  }
0xbc: {  	s0 =	sor.u32 s1, s0  }
0xbd: {  	s0 =	sadd.s32 $0x8F2B, s0  }
0xbe: {  	[sflag:s0] =	ssyncadd.remote.s32 $0x1  }
0xbf: {  	_ =	sfence.sel $0xFFFF  }
0xc0: {  	[dreg:$0x0] =	wrdreg $0xFFFFFFFF;
	(pc) =	sbr.abs _section_cstart, $3  }
0xc1: {  	[dreg:$0x1] =	wrdreg $0xFFFFFFFF  }
0xc2: {  	_ =	task.clear_ibuf [dreg:s8], $0x2FFFF;
	_ =	strace $0x9FFFFFFF  }
0xc3: {  	(tm) =	ssettm $0x7FFFFFFF  }
tec
execute0_lowered:
.L_overlay_start_1:
0x0: {  	(tag) =	ssettag $0x1  }
0x1: {  	s0 =	rddreg [dreg:$0x0]  }
0x2: {  	s10 =	rddreg [dreg:$0x1]  }
0x3: {  	s2 =	srdreg.scid;
	s1 =	stileid.u32;
	s13 =	simm.s32 $0x400  }
0x4: {  	s15 =	simm.s32 $0x1;
	s16 =	simm.s32 $0x10000;
	s17 =	simm.s32 $0x15600  }
0x5: {  	s18 =	simm.s32 $0x14480;
	s19 =	simm.s32 $0x1D600;
	s20 =	simm.s32 $0x2000  }
0x6: {  	s21 =	simm.s32 $0x2;
	s22 =	simm.s32 $0x3;
	s23 =	simm.s32 $0x0  }
0x7: {  	s3 =	sand.u32 $0x1, s2;
	s29 =	sshll.u32 s1, $0xE;
	s6 =	sshll.u32 s1, $0x6  }
0x8: {  	s2 =	simm.s32 $0x0;
	s4 =	sshll.u32 s3, $0x12;
	s5 =	sand.u32 $0x38000, s29  }
0x9: {  	s30 =	sand.u32 $0x40, s6;
	s3 =	ssub.s32 $0x2, s3;
	s4 =	sor.u32 s4, s5  }
0xa: {  	[smem:$0x7FF] =	sst s2;
	s31 =	sshrl.u32 s3, $0x1;
	s6 =	sor.u32 s30, s4  }
0xb: {  	_ =	strace $0x80000047;
	s11 =	ssub.s32 s3, s31;
	s7 =	sor.u32 $0x10, s6  }
0xc: {  	v0 =	vlaneseq.u32;
	s3 =	sadd.s32 s0, s6;
	s5 =	sadd.s32 s10, s6;
	s9 =	sor.u32 $0x20, s6  }
0xd: {  	v4 =	vmul.u32 $0xFFFFFFFF, v0;
	s12 =	sor.u32 $0x30, s6;
	s11 =	smax.u32 s11, $0x1;
	s4 =	sadd.s32 s0, s7  }
0xe: {  	v1 =	vimm.s32 $0x0;
	v3 =	vimm.s32 $0x1;
	v6 =	vimm.s32 $0x80000000;
	s6 =	sadd.s32 s0, s9;
	s7 =	sadd.s32 s10, s7;
	s8 =	sadd.s32 s0, s12  }
0xf: {  	v2 =	vmul.u32 $0x401, v0;
	v5 =	vmul.u32 $0x101, v0;
	v4 =	vadd.s32 $0xF, v4;
	s9 =	sadd.s32 s10, s9;
	s10 =	sadd.s32 s10, s12;
	s12 =	simm.s32 $0x80  }
.LBB2_1:
0x10: {  	[tilespmem:s2], [sflag:$0x1] =	stream.strided.gather [hbm4b:s3+s12], $0x8000, s13, s12, $0x38;
	[tilespmem:$0x1F600] =	vst v63  }
0x11: {  	s0 =	simm.s32 $0x8000;
	s24 =	simm.s32 $0x10040  }
0x12: {  	[tilespmem:s0], [sflag:$0x2] =	stream.strided.gather [hbm4b:s4+s12], $0x8000, s13, s12, $0x38;
	[tilespmem:$0x1F600] =	vst v63  }
0x13: {  	[tilespmem:s24+$0xFFFFFFC0] =	vst v1  }
0x14: {  	[tilespmem:s24+$0x30] =	vst v1  }
0x15: {  	[tilespmem:s24+$0x20] =	vst v1  }
0x16: {  	[tilespmem:s24+$0x10] =	vst v1  }
0x17: {  	[tilespmem:s24+$0x0] =	vst v1  }
0x18: {  	[tilespmem:s24+$0xFFFFFFF0] =	vst v1  }
0x19: {  	s0 =	simm.s32 $0x0;
	[tilespmem:s24+$0xFFFFFFE0] =	vst v1  }
.LBB2_2:
0x1a: {  	s0 =	sadd.s32 $0x80, s0;
	[tilespmem:s24+$0xFFFFFFD0] =	vst v1;
	s24 =	sadd.s32 $0x80, s24  }
0x1b: {  	[tilespmem:s24+$0xFFFFFFC0] =	vst v1;
	p0 =	slt.u32 s0, $0x3F80  }
0x1c: {  	[tilespmem:s24+$0x30] =	vst v1  }
.Ltmp0:
0x1d: {  	[tilespmem:s24+$0x20] =	vst v1;
	(pc) =	sbr.rel @p0 .LBB2_2-.Ltmp0, $4  }
0x1e: {  	[tilespmem:s24+$0x10] =	vst v1  }
0x1f: {  	[tilespmem:s24+$0x0] =	vst v1  }
0x20: {  	[tilespmem:s24+$0xFFFFFFF0] =	vst v1  }
0x21: {  	[tilespmem:s24+$0xFFFFFFE0] =	vst v1  }
0x22: {  	[tilespmem:s24+$0xFFFFFFD0] =	vst v1  }
0x23: {  	s24 =	simm.s32 $0x144C0;
	[tilespmem:$0x14000] =	vst v1  }
0x24: {  	[tilespmem:s24+$0xFFFFFFC0] =	vst v1  }
0x25: {  	[tilespmem:s24+$0x30] =	vst v1  }
0x26: {  	[tilespmem:s24+$0x20] =	vst v1  }
0x27: {  	[tilespmem:s24+$0x10] =	vst v1  }
0x28: {  	[tilespmem:s24+$0x0] =	vst v1  }
0x29: {  	[tilespmem:s24+$0xFFFFFFF0] =	vst v1  }
0x2a: {  	s0 =	simm.s32 $0x0;
	[tilespmem:s24+$0xFFFFFFE0] =	vst v1  }
.LBB2_4:
0x2b: {  	s0 =	sadd.s32 $0x80, s0;
	[tilespmem:s24+$0xFFFFFFD0] =	vst v1;
	s24 =	sadd.s32 $0x80, s24  }
0x2c: {  	[tilespmem:s24+$0xFFFFFFC0] =	vst v1;
	p0 =	slt.u32 s0, $0xF80  }
0x2d: {  	[tilespmem:s24+$0x30] =	vst v1  }
.Ltmp1:
0x2e: {  	[tilespmem:s24+$0x20] =	vst v1;
	(pc) =	sbr.rel @p0 .LBB2_4-.Ltmp1, $4  }
0x2f: {  	[tilespmem:s24+$0x10] =	vst v1  }
0x30: {  	[tilespmem:s24+$0x0] =	vst v1  }
0x31: {  	[tilespmem:s24+$0xFFFFFFF0] =	vst v1  }
0x32: {  	[tilespmem:s24+$0xFFFFFFE0] =	vst v1  }
0x33: {  	[tilespmem:s24+$0xFFFFFFD0] =	vst v1  }
0x34: {  	[tilespmem:$0x15480] =	vst v1  }
0x35: {  	_ =	swait.ge [sflag:s15], $0x8000  }
0x36: {  	[sflag:s15] =	ssyncset.done $0x0  }
0x37: {  	s0 =	simm.s32 $0x40;
	[sflag:s15] =	ssyncadd.s32 $0xFFFF8000  }
0x38: {  	v7 =	vld [tilespmem:s0+$0x30]  }
0x39: {  	v8 =	vld [tilespmem:s0+$0xFFFFFFD0]  }
0x3a: {  	v9 =	vld [tilespmem:s0+$0xFFFFFFE0]  }
0x3b: {  	v10 =	vld [tilespmem:s0+$0xFFFFFFF0]  }
0x3c: {  	v11 =	vld [tilespmem:s0+$0x0];
	_ =	sdelay $0x1  }
0x3d: {  	v12 =	vld [tilespmem:s0+$0x10]  }
0x3e: {  	v15 =	vld [tilespmem:s0+$0x20]  }
0x3f: {  	v16 =	vld [tilespmem:s0+$0xFFFFFFC0];
	v13 =	vshra.s32 v7, $0x1F;
	v14 =	vshra.s32 v8, $0x1F;
	v17 =	vshra.s32 v9, $0x1F  }
0x40: {  	v62 =	vshra.s32 v10, $0x1F;
	v18 =	vshra.s32 v11, $0x1F;
	v13 =	vor.u32 $0x80000000, v13  }
0x41: {  	v14 =	vor.u32 $0x80000000, v14;
	v7 =	vxor.u32 v7, v13;
	v13 =	vor.u32 $0x80000000, v17  }
0x42: {  	v17 =	vor.u32 $0x80000000, v62;
	v14 =	vxor.u32 v8, v14;
	v7 =	vshrl.u32 v7, $0x16  }
0x43: {  	v8 =	vshra.s32 v12, $0x1F;
	v63 =	vxor.u32 v9, v13;
	v19 =	vadd.s32 v2, v7  }
0x44: {  	v9 =	vor.u32 $0x80000000, v8;
	v8 =	vshra.s32 v15, $0x1F;
	v13 =	vshra.s32 v16, $0x1F  }
0x45: {  	v17 =	vxor.u32 v10, v17;
	v7 =	vor.u32 $0x80000000, v18;
	v10 =	vor.u32 $0x80000000, v8  }
0x46: {  	v13 =	vor.u32 $0x80000000, v13;
	v8 =	vxor.u32 v11, v7;
	v7 =	vxor.u32 v12, v9  }
0x47: {  	s26 =	simm.s32 $0x0;
	v11 =	vxor.u32 v16, v13;
	v9 =	vshrl.u32 v14, $0x16;
	v10 =	vxor.u32 v15, v10  }
0x48: {  	s24 =	simm.s32 $0x14080;
	s25 =	simm.s32 $0x12008;
	s28 =	simm.s32 $0xC0;
	v12 =	vshrl.u32 v63, $0x16;
	v13 =	vshrl.u32 v11, $0x16;
	v11 =	vshrl.u32 v17, $0x16;
	[tilespmem:v19+s16+$0x0] =	vst.idx.add.s32.msk $0xffff, v3  }
.LBB2_6:
0x49: {  	v14 =	vld [tilespmem:s28+$0x30];
	s26 =	sadd.s32 $0x80, s26;
	v8 =	vshrl.u32 v8, $0x16;
	v7 =	vshrl.u32 v7, $0x16;
	v10 =	vshrl.u32 v10, $0x16  }
0x4a: {  	v13 =	vadd.s32 v2, v13;
	v9 =	vadd.s32 v2, v9;
	v12 =	vadd.s32 v2, v12;
	v15 =	vld [tilespmem:s28+$0xFFFFFFD0];
	p0 =	slt.u32 s26, $0x7F80  }
0x4b: {  	v11 =	vadd.s32 v2, v11;
	v8 =	vadd.s32 v2, v8;
	v17 =	vadd.s32 v2, v7;
	v16 =	vld [tilespmem:s28+$0xFFFFFFE0]  }
0x4c: {  	v18 =	vadd.s32 v2, v10;
	v7 =	vld [tilespmem:s28+$0xFFFFFFF0]  }
0x4d: {  	v10 =	vld [tilespmem:s28+$0x0]  }
0x4e: {  	v19 =	vld [tilespmem:s28+$0x10];
	v20 =	vshra.s32 v14, $0x1F  }
0x4f: {  	v21 =	vshra.s32 v15, $0x1F;
	v22 =	vld [tilespmem:s28+$0x20];
	v20 =	vor.u32 $0x80000000, v20  }
0x50: {  	v23 =	vld [tilespmem:s28+$0xFFFFFFC0];
	v21 =	vor.u32 $0x80000000, v21;
	v24 =	vshra.s32 v16, $0x1F;
	v14 =	vxor.u32 v14, v20  }
0x51: {  	v20 =	vor.u32 $0x80000000, v24;
	v24 =	vshra.s32 v7, $0x1F;
	v14 =	vshrl.u32 v14, $0x16;
	[tilespmem:v13+s16+$0x0] =	vst.idx.add.s32.msk $0xffff, v3  }
0x52: {  	v13 =	vor.u32 $0x80000000, v24;
	v24 =	vshra.s32 v10, $0x1F;
	v14 =	vadd.s32 v2, v14;
	[tilespmem:v9+s16+$0x0] =	vst.idx.add.s32.msk $0xffff, v3  }
0x53: {  	v9 =	vxor.u32 v15, v21;
	v15 =	vor.u32 $0x80000000, v24;
	v21 =	vshra.s32 v19, $0x1F;
	[tilespmem:v12+s16+$0x0] =	vst.idx.add.s32.msk $0xffff, v3  }
.Ltmp2:
0x54: {  	v12 =	vxor.u32 v16, v20;
	v16 =	vor.u32 $0x80000000, v21;
	v20 =	vshra.s32 v22, $0x1F;
	[tilespmem:v11+s16+$0x0] =	vst.idx.add.s32.msk $0xffff, v3;
	(pc) =	sbr.rel @p0 .LBB2_6-.Ltmp2, $4  }
0x55: {  	v21 =	vxor.u32 v7, v13;
	v11 =	vshra.s32 v23, $0x1F;
	v13 =	vor.u32 $0x80000000, v20;
	[tilespmem:v8+s16+$0x0] =	vst.idx.add.s32.msk $0xffff, v3  }
0x56: {  	v8 =	vxor.u32 v10, v15;
	v7 =	vxor.u32 v19, v16;
	v11 =	vor.u32 $0x80000000, v11;
	[tilespmem:v17+s16+$0x0] =	vst.idx.add.s32.msk $0xffff, v3  }
0x57: {  	v9 =	vshrl.u32 v9, $0x16;
	v10 =	vxor.u32 v22, v13;
	v11 =	vxor.u32 v23, v11;
	[tilespmem:v14+s16+$0x0] =	vst.idx.add.s32.msk $0xffff, v3  }
0x58: {  	s28 =	sadd.s32 $0x80, s28;
	v12 =	vshrl.u32 v12, $0x16;
	v13 =	vshrl.u32 v11, $0x16;
	v11 =	vshrl.u32 v21, $0x16;
	[tilespmem:v18+s16+$0x0] =	vst.idx.add.s32.msk $0xffff, v3  }
0x59: {  	v13 =	vadd.s32 v2, v13  }
0x5a: {  	v9 =	vadd.s32 v2, v9  }
0x5b: {  	v12 =	vadd.s32 v2, v12  }
0x5c: {  	v8 =	vshrl.u32 v8, $0x16;
	v11 =	vadd.s32 v2, v11  }
0x5d: {  	v7 =	vshrl.u32 v7, $0x16;
	v8 =	vadd.s32 v2, v8  }
0x5e: {  	v10 =	vshrl.u32 v10, $0x16;
	v7 =	vadd.s32 v2, v7;
	[tilespmem:v13+s16+$0x0] =	vst.idx.add.s32.msk $0xffff, v3  }
0x5f: {  	v10 =	vadd.s32 v2, v10;
	[tilespmem:v9+s16+$0x0] =	vst.idx.add.s32.msk $0xffff, v3  }
0x60: {  	[tilespmem:v12+s16+$0x0] =	vst.idx.add.s32.msk $0xffff, v3  }
0x61: {  	[tilespmem:v11+s16+$0x0] =	vst.idx.add.s32.msk $0xffff, v3  }
0x62: {  	[tilespmem:v8+s16+$0x0] =	vst.idx.add.s32.msk $0xffff, v3  }
0x63: {  	[tilespmem:v7+s16+$0x0] =	vst.idx.add.s32.msk $0xffff, v3  }
0x64: {  	[tilespmem:v10+s16+$0x0] =	vst.idx.add.s32.msk $0xffff, v3  }
0x65: {  	v8 =	vld [tilespmem:s25+$0xFFFFDFF8]  }
0x66: {  	v9 =	vld [tilespmem:s25+$0xFFFFE3F9]  }
0x67: {  	v10 =	vld [tilespmem:s25+$0xFFFFE7FA]  }
0x68: {  	v11 =	vld [tilespmem:s25+$0xFFFFEBFB]  }
0x69: {  	v7 =	vimm.s32 $0x0;
	v12 =	vld [tilespmem:s25+$0xFFFFEFFC]  }
0x6a: {  	v13 =	vld [tilespmem:s25+$0xFFFFF3FD];
	[tilespmem:s25+$0xFFFFDFF8] =	vst v7  }
0x6b: {  	s26 =	simm.s32 $0x12018;
	v14 =	vld [tilespmem:s25+$0xFFFFF7FE];
	[tilespmem:s25+$0xFFFFF3FD] =	vst v7  }
0x6c: {  	v18 =	vld [tilespmem:s26+$0xFFFFDFF8];
	[tilespmem:s26+$0xFFFFDFF8] =	vst v7  }
0x6d: {  	v15 =	vld [tilespmem:s25+$0xFFFFFBFF];
	[tilespmem:s25+$0xFFFFF7FE] =	vst v7  }
0x6e: {  	v16 =	vld [tilespmem:s25+$0x0];
	[tilespmem:s25+$0xFFFFFBFF] =	vst v7  }
0x6f: {  	v17 =	vld [tilespmem:s25+$0x401];
	[tilespmem:s25+$0x0] =	vst v7  }
0x70: {  	v19 =	vld [tilespmem:s25+$0x802];
	[tilespmem:s25+$0x401] =	vst v7  }
0x71: {  	v20 =	vld [tilespmem:s26+$0xFFFFE3F9];
	[tilespmem:s25+$0x802] =	vst v7  }
0x72: {  	v24 =	vld [tilespmem:s26+$0xFFFFF3FD];
	[tilespmem:s26+$0xFFFFF3FD] =	vst v7  }
0x73: {  	v25 =	vld [tilespmem:s25+$0xC03];
	[tilespmem:s25+$0xC03] =	vst v7  }
0x74: {  	v26 =	vld [tilespmem:s26+$0xFFFFF7FE];
	[tilespmem:s26+$0xFFFFF7FE] =	vst v7  }
0x75: {  	v27 =	vld [tilespmem:s25+$0x1004];
	[tilespmem:s25+$0x1004] =	vst v7  }
0x76: {  	v28 =	vld [tilespmem:s26+$0xFFFFFBFF];
	[tilespmem:s26+$0xFFFFFBFF] =	vst v7  }
0x77: {  	v21 =	vld [tilespmem:s26+$0xFFFFE7FA];
	[tilespmem:s25+$0xFFFFEFFC] =	vst v7;
	v8 =	vadd.s32 v8, v9  }
0x78: {  	v29 =	vld [tilespmem:s26+$0x0];
	[tilespmem:s26+$0x0] =	vst v7;
	v8 =	vadd.s32 v10, v8  }
0x79: {  	v22 =	vld [tilespmem:s26+$0xFFFFEBFB];
	[tilespmem:s25+$0xFFFFEBFB] =	vst v7;
	v8 =	vadd.s32 v11, v8  }
0x7a: {  	v30 =	vld [tilespmem:s26+$0x401];
	[tilespmem:s26+$0x401] =	vst v7;
	v8 =	vadd.s32 v12, v8  }
0x7b: {  	v23 =	vld [tilespmem:s26+$0xFFFFEFFC];
	[tilespmem:s25+$0xFFFFE7FA] =	vst v7;
	v8 =	vadd.s32 v13, v8  }
0x7c: {  	[tilespmem:s25+$0xFFFFE3F9] =	vst v7;
	v8 =	vadd.s32 v14, v8  }
0x7d: {  	[tilespmem:s26+$0xFFFFEFFC] =	vst v7;
	v9 =	vld [tilespmem:s26+$0xC03];
	v10 =	vadd.s32 v18, v20;
	v8 =	vadd.s32 v15, v8  }
0x7e: {  	[tilespmem:s26+$0xFFFFEBFB] =	vst v7;
	v10 =	vadd.s32 v21, v10;
	v12 =	vld [tilespmem:s25+$0x1405];
	v8 =	vadd.s32 v16, v8  }
0x7f: {  	[tilespmem:s26+$0xFFFFE7FA] =	vst v7;
	v11 =	vadd.s32 v22, v10;
	v14 =	vld [tilespmem:s25+$0x1806];
	v8 =	vadd.s32 v17, v8  }
0x80: {  	[tilespmem:s26+$0xC03] =	vst v7;
	v11 =	vadd.s32 v23, v11;
	v15 =	vld [tilespmem:s25+$0x1C07];
	v8 =	vadd.s32 v19, v8  }
0x81: {  	[tilespmem:s25+$0x1405] =	vst v7;
	v13 =	vld [tilespmem:s26+$0x802];
	v11 =	vadd.s32 v24, v11;
	v8 =	vadd.s32 v25, v8  }
0x82: {  	v10 =	vld [tilespmem:s26+$0x1004];
	[tilespmem:s26+$0x1004] =	vst v7;
	v63 =	vadd.s32 v26, v11;
	v8 =	vadd.s32 v27, v8  }
0x83: {  	[tilespmem:s26+$0x802] =	vst v7;
	v8 =	vadd.s32 v12, v8;
	v12 =	vadd.s32 v28, v63  }
0x84: {  	[tilespmem:s25+$0x1806] =	vst v7;
	v11 =	vld [tilespmem:s26+$0x1405];
	v8 =	vadd.s32 v14, v8;
	v14 =	vadd.s32 v29, v12  }
0x85: {  	[tilespmem:s25+$0x1C07] =	vst v7;
	v12 =	vld [tilespmem:s26+$0x1806];
	v8 =	vadd.s32 v15, v8;
	v14 =	vadd.s32 v30, v14  }
0x86: {  	s28 =	simm.s32 $0x12018;
	s25 =	simm.s32 $0x10;
	[tilespmem:s24+$0x0] =	vst v8;
	v14 =	vadd.s32 v13, v14;
	v13 =	vld [tilespmem:s26+$0x1C07];
	v8 =	vimm.s32 $0x0  }
.LBB2_8:
0x87: {  	[tilespmem:s26+$0xFFFFE3F9] =	vst v8;
	v9 =	vadd.s32 v9, v14;
	s28 =	sadd.s32 $0x10, s28  }
0x88: {  	v14 =	vld [tilespmem:s28+$0xFFFFDFF8];
	[tilespmem:s28+$0xFFFFDFF8] =	vst v7;
	v9 =	vadd.s32 v10, v9  }
0x89: {  	s25 =	sadd.s32 $0x10, s25;
	v10 =	vld [tilespmem:s28+$0xFFFFE3F9];
	v9 =	vadd.s32 v11, v9;
	[tilespmem:s26+$0x1405] =	vst v8  }
0x8a: {  	p0 =	slt.u32 s25, $0x3F0;
	v11 =	vld [tilespmem:s28+$0xFFFFE7FA];
	v9 =	vadd.s32 v12, v9;
	[tilespmem:s26+$0x1806] =	vst v8  }
0x8b: {  	s24 =	sadd.s32 $0x10, s24;
	v12 =	vld [tilespmem:s28+$0xFFFFEBFB];
	v9 =	vadd.s32 v13, v9;
	[tilespmem:s26+$0x1C07] =	vst v8;
	v8 =	vmov v7;
	s26 =	smov.u32 s28  }
0x8c: {  	v13 =	vld [tilespmem:s28+$0xFFFFEFFC];
	[tilespmem:s24+$0x0] =	vst v9  }
0x8d: {  	v9 =	vld [tilespmem:s28+$0xFFFFF3FD];
	[tilespmem:s28+$0xFFFFF3FD] =	vst v8  }
0x8e: {  	v10 =	vadd.s32 v14, v10;
	v14 =	vld [tilespmem:s28+$0xFFFFF7FE];
	[tilespmem:s28+$0xFFFFF7FE] =	vst v8  }
0x8f: {  	v10 =	vadd.s32 v11, v10;
	v11 =	vld [tilespmem:s28+$0xFFFFFBFF];
	[tilespmem:s28+$0xFFFFFBFF] =	vst v8  }
0x90: {  	v10 =	vadd.s32 v12, v10;
	v12 =	vld [tilespmem:s28+$0x0];
	[tilespmem:s28+$0x0] =	vst v8  }
0x91: {  	v10 =	vadd.s32 v13, v10;
	v13 =	vld [tilespmem:s28+$0x401];
	[tilespmem:s28+$0x401] =	vst v8  }
0x92: {  	v9 =	vadd.s32 v9, v10;
	v15 =	vld [tilespmem:s28+$0x802];
	[tilespmem:s28+$0x802] =	vst v8  }
.Ltmp3:
0x93: {  	v10 =	vadd.s32 v14, v9;
	v9 =	vld [tilespmem:s28+$0xC03];
	[tilespmem:s28+$0xC03] =	vst v8;
	(pc) =	sbr.rel @p0 .LBB2_8-.Ltmp3, $4  }
0x94: {  	v11 =	vadd.s32 v11, v10;
	v10 =	vld [tilespmem:s28+$0x1004];
	[tilespmem:s28+$0x1004] =	vst v8  }
0x95: {  	[tilespmem:s28+$0xFFFFEFFC] =	vst v8;
	v12 =	vadd.s32 v12, v11;
	v11 =	vld [tilespmem:s28+$0x1405]  }
0x96: {  	[tilespmem:s28+$0xFFFFEBFB] =	vst v8;
	v13 =	vadd.s32 v13, v12;
	v12 =	vld [tilespmem:s28+$0x1806]  }
0x97: {  	[tilespmem:s28+$0xFFFFE7FA] =	vst v8;
	v14 =	vadd.s32 v15, v13;
	v13 =	vld [tilespmem:s28+$0x1C07]  }
0x98: {  	v9 =	vadd.s32 v9, v14  }
0x99: {  	[tilespmem:s26+$0xFFFFE3F9] =	vst v8;
	p2 =	por $0x1, $0x1;
	v9 =	vadd.s32 v10, v9  }
.Ltmp4:
0x9a: {  	[tilespmem:s26+$0x1405] =	vst v8;
	v9 =	vadd.s32 v11, v9;
	(pc) =	sbr.rel @!p2 .LBB2_10-.Ltmp4, $4  }
0x9b: {  	[tilespmem:s26+$0x1806] =	vst v8;
	v9 =	vadd.s32 v12, v9  }
0x9c: {  	[tilespmem:s26+$0x1C07] =	vst v8;
	s0 =	sadd.s32 $0x10, s24;
	v9 =	vadd.s32 v13, v9  }
0x9d: {  	s31 =	simm.s32 $0x3F0;
	[tilespmem:s0+$0x0] =	vst v9  }
0x9e: {  	p0 =	por $0x0, $0x0;
	p1 =	por $0x0, $0x0;
	v10 =	vld [tilespmem:s31+$0x14080]  }
0x9f: {  	_ = 	snop  }
0xa0: {  	p2 =	por $0x1, $0x1  }
.Ltmp5:
0xa1: {  	_ = 	snop;
	(pc) =	sbr.rel @!p2 .LBB2_12-.Ltmp5, $4  }
0xa2: {  	_ = 	snop  }
0xa3: {  	v8 =	vperm.xlane v10, v4  }
0xa4: {  	s0 =	simm.s32 $0x3E0  }
0xa5: {  	p0 =	por $0x1, $0x1;
	v10 =	vld [tilespmem:s0+$0x14080];
	(xrf0) =	vadd.scan.msk.s32 $0xffff, v8  }
0xa6: {  	_ =	sdelay $0x2  }
0xa7: {  	p2 =	por $0x1, $0x1  }
.Ltmp6:
0xa8: {  	s0 =	simm.s32 $0x3D0;
	v14 =	vperm.xlane v10, v4;
	(pc) =	sbr.rel @!p2 .LBB2_14-.Ltmp6, $4  }
0xa9: {  	v10 =	vld [tilespmem:s0+$0x14080]  }
0xaa: {  	v9, _, _ =	vpop (xrf0);
	(xrf0) =	vadd.scan.msk.s32 $0xffff, v14  }
0xab: {  	v11 =	vimm.s32 $0x0;
	v9 =	vadd.s32 v7, v9  }
0xac: {  	s24 =	simm.s32 $0xF00;
	p1 =	por $0x1, $0x1;
	vm0 =	vgt.s32 v9, $0xCCC;
	v13 =	vperm.xlane v9, v4;
	v9 =	vimm.s32 $0x0  }
.LBB2_15:
0xad: {  	p2 =	sne.s32 s24, $0x0;
	v16 =	vmpcnt.ones.xlane vm0;
	v15 =	vsel vm0, $0x0, v8;
	v8 =	vmov v14;
	s0 =	smov.u32 s24;
	s24 =	sadd.s32 $0xFFFFFFC0, s24  }
.Ltmp7:
0xae: {  	s0 =	sshra.s32 s0, $0x2;
	v14 =	vperm.xlane v10, v4;
	v9 =	vadd.s32 v9, v15;
	v13 =	vbroadcast v13, $0x0;
	(pc) =	sbr.rel @p2 .LBB2_15-.Ltmp7, $4  }
0xaf: {  	v10 =	vld [tilespmem:s0+$0x14080];
	v11 =	vadd.s32 v11, v16  }
0xb0: {  	(xrf0) =	vadd.scan.msk.s32 $0xffff, v14;
	v12, _, _ =	vpop (xrf0)  }
0xb1: {  	v12 =	vadd.s32 v13, v12  }
0xb2: {  	vm0 =	vgt.s32 v12, $0xCCC;
	v13 =	vperm.xlane v12, v4  }
0xb3: {  	v12 =	vmov v8;
	v8 =	vmov v14  }
.LBB2_17:
0xb4: {  	v13 =	vbroadcast @p1 v13, $0x0  }
0xb5: {  	v10 =	vperm.xlane v10, v4  }
0xb6: {  	v14, _, _ =	vpop @p0 (xrf0);
	v13 =	vpsel p1, v13, v7  }
0xb7: {  	(xrf0) =	vadd.scan.msk.s32 $0xffff, v10;
	v13 =	vadd.s32 @p0 v13, v14  }
0xb8: {  	v14 =	vperm.xlane @p0 v13, v4;
	_ =	sdelay $0x1  }
0xb9: {  	v14 =	vpsel p0, v14, v0  }
0xba: {  	v14 =	vbroadcast @p0 v14, $0x0  }
0xbb: {  	v15 =	vmpcnt.ones.xlane @p1 vm0;
	vm1 =	vgt.s32 @p0 v13, $0xCCC  }
0xbc: {  	vm1 =	vmmov @p0 vm1;
	v13, _, _ =	vpop (xrf0);
	v14 =	vpsel p0, v14, v7  }
0xbd: {  	v11 =	vadd.s32 @p1 v11, v15;
	v15 =	vmpcnt.ones.xlane @p0 vm1;
	v13 =	vadd.s32 v14, v13  }
0xbe: {  	v11 =	vpsel p1, v11, v7;
	vm2 =	vgt.s32 v13, $0xCCC  }
0xbf: {  	v11 =	vadd.s32 @p0 v11, v15;
	v13 =	vmpcnt.ones.xlane vm2  }
0xc0: {  	v11 =	vpsel p0, v11, v7  }
0xc1: {  	v11 =	vadd.s32 v11, v13  }
0xc2: {  	v11 =	vxor.u32 $0x80000000, v11  }
0xc3: {  	(xrf0) =	vmax.scan.msk.u32 $0xffff, v11;
	_ =	sdelay $0x2  }
0xc4: {  	s0 =	simm.s32 $0x40  }
0xc5: {  	v19 =	vld [tilespmem:s0+$0xFFFFFFE0]  }
0xc6: {  	v20 =	vld [tilespmem:s0+$0xFFFFFFD0]  }
0xc7: {  	v21 =	vld [tilespmem:s0+$0xFFFFFFC0];
	v11, _, _ =	vpop (xrf0)  }
0xc8: {  	v14 =	vld [tilespmem:s0+$0x10];
	(v2sf) =	vpush v11, $0xF;
	_ =	sdelay $0x1  }
0xc9: {  	v8 =	vpsel p0, v8, v0  }
0xca: {  	v22 =	vimm.s32 $0x0;
	v17 =	vld [tilespmem:s0+$0x0];
	v8 =	vsel @p0 vm1, $0x0, v8  }
0xcb: {  	v23 =	vshra.s32 v21, $0x1F;
	v24 =	vshra.s32 v20, $0x1F;
	v25 =	vshra.s32 v19, $0x1F;
	v13 =	vld [tilespmem:s0+$0x30]  }
0xcc: {  	v18 =	vld [tilespmem:s0+$0xFFFFFFF0];
	v25 =	vor.u32 $0x80000000, v25;
	v15 =	vshra.s32 v14, $0x1F;
	v11 =	vsel @p1 vm0, $0x0, v12  }
0xcd: {  	v23 =	vor.u32 $0x80000000, v23;
	v26 =	vor.u32 $0x80000000, v15;
	v9 =	vadd.s32 @p1 v9, v11  }
0xce: {  	v24 =	vor.u32 $0x80000000, v24;
	v14 =	vxor.u32 v14, v26;
	v9 =	vpsel p1, v9, v7  }
0xcf: {  	v16 =	vld [tilespmem:s0+$0x20];
	v30 =	vxor.u32 v21, v23;
	v28 =	vshrl.u32 v14, $0xE;
	v8 =	vadd.s32 @p0 v9, v8  }
0xd0: {  	v12 =	vshra.s32 v17, $0x1F;
	v9 =	vshra.s32 v13, $0x1F;
	v7 =	vpsel p0, v8, v7  }
0xd1: {  	v8 =	vsel vm2, $0x0, v10;
	v10 =	vshra.s32 v18, $0x1F;
	v9 =	vor.u32 $0x80000000, v9  }
0xd2: {  	v8 =	vadd.s32 v7, v8;
	v7 =	vshll.u32 v22, $0x4;
	v27 =	vor.u32 $0x80000000, v10  }
0xd3: {  	v10 =	vor.u32 $0x80000000, v12;
	v15 =	vxor.u32 v13, v9;
	v13 =	vxor.u32 v19, v25  }
0xd4: {  	v29 =	vor.u32 v0, v7;
	v7 =	vshra.s32 v16, $0x1F;
	v12 =	vxor.u32 v17, v10  }
0xd5: {  	v10 =	vxor.u32 v20, v24;
	v9 =	vxor.u32 v18, v27;
	v20 =	vshrl.u32 v15, $0x16  }
0xd6: {  	v17 =	vshrl.u32 v30, $0x16;
	v24 =	vshrl.u32 v14, $0x16;
	v23 =	vshrl.u32 v13, $0x16;
	s24 =	spop (v2sf)  }
0xd7: {  	v7 =	vor.u32 $0x80000000, v7;
	v21 =	vshrl.u32 v12, $0x16;
	v19 =	vshrl.u32 v9, $0x16;
	s24 =	sadd.s32 $0x7FFFFFFF, s24  }
0xd8: {  	v26 =	vshrl.u32 v12, $0xE;
	v16 =	vxor.u32 v16, v7;
	v11 =	vmov s24  }
0xd9: {  	v7 =	vshrl.u32 v16, $0x16;
	vm4 =	veq.s32 v17, v11;
	v17 =	vshrl.u32 v10, $0x16  }
0xda: {  	vm10 =	veq.s32 v23, v11;
	vm0 =	veq.s32 v19, v11;
	vm1 =	veq.s32 v21, v11  }
0xdb: {  	vm2 =	veq.s32 v24, v11;
	v18 =	vsel vm4, $0x1, v1;
	vm7 =	veq.s32 v17, v11  }
0xdc: {  	vm3 =	veq.s32 v7, v11;
	v17 =	vadd.s32 v18, v22;
	v18 =	vsel vm7, $0x1, v1  }
0xdd: {  	vm5 =	veq.s32 v20, v11;
	v22 =	vsel vm10, $0x1, v1;
	v18 =	vadd.s32 v18, v17  }
0xde: {  	v20 =	vshrl.u32 v30, $0xE;
	v19 =	vadd.s32 v22, v18;
	v22 =	vsel vm0, $0x1, v1  }
0xdf: {  	v24 =	vshrl.u32 v9, $0xE;
	v21 =	vsel vm1, $0x1, v1;
	v23 =	vadd.s32 v22, v19  }
0xe0: {  	v7 =	vsel vm3, $0x1, v1;
	v25 =	vadd.s32 v21, v23;
	v21 =	vsel vm2, $0x1, v1  }
0xe1: {  	v22 =	vshrl.u32 v13, $0xE;
	[tilespmem:v29+s17+$0x0] =	vst.idx.msk vm4, v30;
	v29 =	vshrl.u32 v16, $0xE;
	v27 =	vadd.s32 v21, v25  }
0xe2: {  	s28 =	simm.s32 $0x0;
	v21 =	vshrl.u32 v10, $0xE;
	v31 =	vadd.s32 v7, v27;
	v7 =	vsel vm5, $0x1, v1  }
0xe3: {  	s25 =	simm.s32 $0x15500;
	s26 =	simm.s32 $0x14C88;
	s29 =	simm.s32 $0xC0;
	v7 =	vadd.s32 v7, v31;
	v30 =	vshll.u32 v31, $0x4;
	v31 =	vshrl.u32 v15, $0xE  }
.LBB2_18:
0xe4: {  	v23 =	vshll.u32 v23, $0x4;
	v25 =	vshll.u32 v25, $0x4;
	v27 =	vshll.u32 v27, $0x4  }
0xe5: {  	v32 =	vld [tilespmem:s29+$0x30];
	vm6 =	vmmov vm4;
	vm8 =	vmmov vm7;
	vm9 =	vmmov vm10  }
0xe6: {  	v17 =	vshll.u32 v17, $0x4;
	v18 =	vshll.u32 v18, $0x4;
	v19 =	vshll.u32 v19, $0x4;
	v33 =	vld [tilespmem:s29+$0x20]  }
0xe7: {  	v20 =	vand.u32 $0xFF, v20;
	v21 =	vand.u32 $0xFF, v21;
	v22 =	vand.u32 $0xFF, v22;
	v34 =	vld [tilespmem:s29+$0x10]  }
0xe8: {  	v24 =	vand.u32 $0xFF, v24;
	v26 =	vand.u32 $0xFF, v26;
	v28 =	vand.u32 $0xFF, v28;
	v35 =	vld [tilespmem:s29+$0x0]  }
0xe9: {  	v36 =	vshll.u32 v7, $0x4;
	v29 =	vand.u32 $0xFF, v29;
	v31 =	vand.u32 $0xFF, v31;
	v37 =	vld [tilespmem:s29+$0xFFFFFFF0]  }
0xea: {  	s28 =	sadd.s32 $0x80, s28;
	v30 =	vor.u32 v0, v30;
	v25 =	vor.u32 v0, v25;
	v27 =	vor.u32 v0, v27;
	v38 =	vld [tilespmem:s29+$0xFFFFFFE0]  }
0xeb: {  	p0 =	slt.u32 s28, $0x7F80;
	v18 =	vor.u32 v0, v18;
	v19 =	vor.u32 v0, v19;
	v23 =	vor.u32 v0, v23;
	v39 =	vld [tilespmem:s29+$0xFFFFFFD0]  }
0xec: {  	v20 =	vadd.s32 v5, v20;
	v41 =	vor.u32 v0, v17;
	v21 =	vadd.s32 v5, v21;
	v40 =	vld [tilespmem:s29+$0xFFFFFFC0]  }
0xed: {  	v22 =	vadd.s32 v5, v22;
	v17 =	vadd.s32 v5, v24;
	v24 =	vadd.s32 v5, v26  }
0xee: {  	v26 =	vadd.s32 v5, v28;
	v28 =	vadd.s32 v5, v29;
	v29 =	vadd.s32 v5, v31  }
0xef: {  	v31 =	vor.u32 v0, v36;
	v42 =	vshra.s32 v32, $0x1F;
	v36 =	vshra.s32 v33, $0x1F;
	[tilespmem:v30+s17+$0x0] =	vst.idx.msk vm5, v15  }
0xf0: {  	v43 =	vshra.s32 v34, $0x1F;
	v15 =	vshra.s32 v37, $0x1F;
	v30 =	vshra.s32 v35, $0x1F;
	[tilespmem:v27+s17+$0x0] =	vst.idx.msk vm3, v16  }
0xf1: {  	v44 =	vshra.s32 v38, $0x1F;
	v27 =	vshra.s32 v39, $0x1F;
	v16 =	vshra.s32 v40, $0x1F;
	[tilespmem:v25+s17+$0x0] =	vst.idx.msk vm2, v14  }
0xf2: {  	v14 =	vor.u32 $0x80000000, v43;
	v25 =	vor.u32 $0x80000000, v36;
	v36 =	vor.u32 $0x80000000, v42;
	[tilespmem:v23+s17+$0x0] =	vst.idx.msk vm1, v12  }
0xf3: {  	v42 =	vor.u32 $0x80000000, v15;
	v23 =	vor.u32 $0x80000000, v44;
	v12 =	vor.u32 $0x80000000, v30;
	[tilespmem:v29+s18+$0x0] =	vst.idx.add.s32.msk vm5, v3  }
0xf4: {  	v27 =	vor.u32 $0x80000000, v27;
	v15 =	vxor.u32 v32, v36;
	v29 =	vor.u32 $0x80000000, v16;
	[tilespmem:v28+s18+$0x0] =	vst.idx.add.s32.msk vm3, v3  }
0xf5: {  	v14 =	vxor.u32 v34, v14;
	v12 =	vxor.u32 v35, v12;
	v16 =	vxor.u32 v33, v25  }
0xf6: {  	v30 =	vxor.u32 v38, v23;
	v23 =	vxor.u32 v37, v42;
	v28 =	vxor.u32 v39, v27  }
0xf7: {  	v32 =	vshrl.u32 v15, $0x16;
	v29 =	vxor.u32 v40, v29;
	v27 =	vshrl.u32 v16, $0x16;
	[tilespmem:v26+s18+$0x0] =	vst.idx.add.s32.msk vm2, v3  }
0xf8: {  	v33 =	vshrl.u32 v14, $0x16;
	v25 =	vshrl.u32 v29, $0x16;
	v26 =	vshrl.u32 v12, $0x16;
	[tilespmem:v24+s18+$0x0] =	vst.idx.add.s32.msk vm1, v3  }
0xf9: {  	vm4 =	veq.s32 v25, v11;
	v25 =	vshrl.u32 v23, $0x16;
	v24 =	vshrl.u32 v28, $0x16;
	[tilespmem:v19+s17+$0x0] =	vst.idx.msk vm0, v9;
	v9 =	vmovc v23  }
0xfa: {  	v19 =	vsel vm4, $0x1, v1;
	vm7 =	veq.s32 v24, v11;
	v23 =	vshrl.u32 v30, $0x16;
	[tilespmem:v17+s18+$0x0] =	vst.idx.add.s32.msk vm0, v3  }
0xfb: {  	v17 =	vadd.s32 v19, v7;
	v7 =	vsel vm7, $0x1, v1;
	vm10 =	veq.s32 v23, v11;
	[tilespmem:v18+s17+$0x0] =	vst.idx.msk vm9, v13  }
0xfc: {  	vm0 =	veq.s32 v25, v11;
	v18 =	vadd.s32 v7, v17;
	v7 =	vsel vm10, $0x1, v1;
	[tilespmem:v22+s18+$0x0] =	vst.idx.add.s32.msk vm9, v3  }
0xfd: {  	vm1 =	veq.s32 v26, v11;
	v19 =	vadd.s32 v7, v18;
	v7 =	vsel vm0, $0x1, v1;
	[tilespmem:v41+s17+$0x0] =	vst.idx.msk vm8, v10  }
0xfe: {  	vm2 =	veq.s32 v33, v11;
	v23 =	vadd.s32 v7, v19;
	v7 =	vsel vm1, $0x1, v1;
	[tilespmem:v21+s18+$0x0] =	vst.idx.add.s32.msk vm8, v3  }
0xff: {  	vm3 =	veq.s32 v27, v11;
	v25 =	vadd.s32 v7, v23;
	v7 =	vsel vm2, $0x1, v1;
	[tilespmem:v31+s17+$0x0] =	vst.idx.msk vm4, v29  }
.Ltmp8:
0x100: {  	vm5 =	veq.s32 v32, v11;
	v27 =	vadd.s32 v7, v25;
	v7 =	vsel vm3, $0x1, v1;
	[tilespmem:v20+s18+$0x0] =	vst.idx.add.s32.msk vm6, v3;
	(pc) =	sbr.rel @p0 .LBB2_18-.Ltmp8, $4  }
0x101: {  	v13 =	vmovc v30;
	v10 =	vmovc v28;
	v20 =	vshrl.u32 v29, $0xE;
	v31 =	vadd.s32 v7, v27;
	v7 =	vsel vm5, $0x1, v1  }
0x102: {  	v22 =	vshrl.u32 v13, $0xE;
	v21 =	vshrl.u32 v10, $0xE;
	v7 =	vadd.s32 v7, v31  }
0x103: {  	v26 =	vshrl.u32 v12, $0xE;
	v24 =	vshrl.u32 v9, $0xE;
	v28 =	vshrl.u32 v14, $0xE  }
0x104: {  	s29 =	sadd.s32 $0x80, s29;
	v29 =	vshrl.u32 v16, $0xE;
	v30 =	vshll.u32 v31, $0x4;
	v31 =	vshrl.u32 v15, $0xE  }
0x105: {  	v11 =	vshll.u32 v27, $0x4;
	v49 =	vor.u32 v0, v30  }
0x106: {  	v25 =	vshll.u32 v25, $0x4;
	v11 =	vor.u32 v0, v11  }
0x107: {  	v23 =	vshll.u32 v23, $0x4;
	v25 =	vor.u32 v0, v25  }
0x108: {  	v50 =	vand.u32 $0xFF, v31;
	v23 =	vor.u32 v0, v23  }
0x109: {  	v17 =	vshll.u32 v17, $0x4;
	v30 =	vadd.s32 v5, v50  }
0x10a: {  	v29 =	vand.u32 $0xFF, v29;
	v17 =	vor.u32 v0, v17;
	[tilespmem:v49+s17+$0x0] =	vst.idx.msk vm5, v15  }
0x10b: {  	v28 =	vand.u32 $0xFF, v28;
	v29 =	vadd.s32 v5, v29;
	[tilespmem:v11+s17+$0x0] =	vst.idx.msk vm3, v16  }
0x10c: {  	v51 =	vadd.s32 v5, v28;
	v15 =	vand.u32 $0xFF, v26;
	[tilespmem:v25+s17+$0x0] =	vst.idx.msk vm2, v14  }
0x10d: {  	v11 =	vshll.u32 v19, $0x4;
	v15 =	vadd.s32 v5, v15;
	[tilespmem:v23+s17+$0x0] =	vst.idx.msk vm1, v12  }
0x10e: {  	v53 =	vand.u32 $0xFF, v21;
	[tilespmem:v30+s18+$0x0] =	vst.idx.add.s32.msk vm5, v3;
	v11 =	vor.u32 v0, v11  }
0x10f: {  	v12 =	vshll.u32 v18, $0x4;
	v18 =	vadd.s32 v5, v53;
	[tilespmem:v17+s17+$0x0] =	vst.idx.msk vm7, v10  }
0x110: {  	v14 =	vand.u32 $0xFF, v24;
	v12 =	vor.u32 v0, v12;
	[tilespmem:v29+s18+$0x0] =	vst.idx.add.s32.msk vm3, v3  }
0x111: {  	v52 =	vand.u32 $0xFF, v22;
	v14 =	vadd.s32 v5, v14;
	[tilespmem:v51+s18+$0x0] =	vst.idx.add.s32.msk vm2, v3  }
0x112: {  	v16 =	vadd.s32 v5, v52;
	[tilespmem:v15+s18+$0x0] =	vst.idx.add.s32.msk vm1, v3;
	v15 =	vand.u32 $0xFF, v20  }
0x113: {  	[tilespmem:v11+s17+$0x0] =	vst.idx.msk vm0, v9;
	v9 =	vadd.s32 v5, v15  }
0x114: {  	[tilespmem:v18+s18+$0x0] =	vst.idx.add.s32.msk vm7, v3  }
0x115: {  	[tilespmem:v12+s17+$0x0] =	vst.idx.msk vm10, v13  }
0x116: {  	[tilespmem:v14+s18+$0x0] =	vst.idx.add.s32.msk vm0, v3  }
0x117: {  	[tilespmem:v16+s18+$0x0] =	vst.idx.add.s32.msk vm10, v3  }
0x118: {  	[tilespmem:v9+s18+$0x0] =	vst.idx.add.s32.msk vm4, v3  }
0x119: {  	v9 =	vld [tilespmem:s26+$0xFFFFF7F8]  }
0x11a: {  	v10 =	vld [tilespmem:s26+$0xFFFFF8F9]  }
0x11b: {  	v11 =	vld [tilespmem:s26+$0xFFFFF9FA]  }
0x11c: {  	v12 =	vld [tilespmem:s26+$0xFFFFFAFB]  }
0x11d: {  	v13 =	vld [tilespmem:s26+$0xFFFFFBFC];
	[tilespmem:s26+$0xFFFFF7F8] =	vst v1  }
0x11e: {  	s28 =	simm.s32 $0x14C98;
	v14 =	vld [tilespmem:s26+$0xFFFFFCFD];
	[tilespmem:s26+$0xFFFFFCFD] =	vst v1  }
0x11f: {  	v54 =	vld [tilespmem:s28+$0xFFFFF7F8];
	[tilespmem:s28+$0xFFFFF7F8] =	vst v1  }
0x120: {  	v15 =	vld [tilespmem:s26+$0xFFFFFDFE];
	[tilespmem:s26+$0xFFFFFDFE] =	vst v1  }
0x121: {  	v16 =	vld [tilespmem:s26+$0xFFFFFEFF];
	[tilespmem:s26+$0xFFFFFEFF] =	vst v1  }
0x122: {  	v17 =	vld [tilespmem:s26+$0x0];
	[tilespmem:s26+$0x0] =	vst v1  }
0x123: {  	v18 =	vld [tilespmem:s26+$0x101];
	[tilespmem:s26+$0x101] =	vst v1  }
0x124: {  	v55 =	vld [tilespmem:s26+$0x202];
	[tilespmem:s26+$0x202] =	vst v1  }
0x125: {  	v25 =	vld [tilespmem:s28+$0xFFFFFCFD];
	[tilespmem:s28+$0xFFFFFCFD] =	vst v1  }
0x126: {  	v26 =	vld [tilespmem:s26+$0x303];
	[tilespmem:s26+$0x303] =	vst v1  }
0x127: {  	v27 =	vld [tilespmem:s28+$0xFFFFFDFE];
	[tilespmem:s28+$0xFFFFFDFE] =	vst v1  }
0x128: {  	v59 =	vld [tilespmem:s26+$0x404];
	[tilespmem:s26+$0x404] =	vst v1  }
0x129: {  	v29 =	vld [tilespmem:s28+$0xFFFFFEFF];
	[tilespmem:s28+$0xFFFFFEFF] =	vst v1  }
0x12a: {  	v56 =	vld [tilespmem:s28+$0xFFFFF8F9];
	[tilespmem:s26+$0xFFFFFBFC] =	vst v1  }
0x12b: {  	v30 =	vld [tilespmem:s28+$0x0];
	[tilespmem:s28+$0x0] =	vst v1;
	v9 =	vadd.s32 v9, v10  }
0x12c: {  	v57 =	vld [tilespmem:s28+$0xFFFFF9FA];
	[tilespmem:s26+$0xFFFFFAFB] =	vst v1;
	v9 =	vadd.s32 v11, v9  }
0x12d: {  	v23 =	vld [tilespmem:s28+$0xFFFFFAFB];
	[tilespmem:s26+$0xFFFFF9FA] =	vst v1;
	v9 =	vadd.s32 v12, v9  }
0x12e: {  	v58 =	vld [tilespmem:s28+$0xFFFFFBFC];
	[tilespmem:s26+$0xFFFFF8F9] =	vst v1;
	v9 =	vadd.s32 v13, v9  }
0x12f: {  	[tilespmem:s28+$0xFFFFFBFC] =	vst v1;
	v9 =	vadd.s32 v14, v9  }
0x130: {  	v61 =	vld [tilespmem:s26+$0x707];
	[tilespmem:s28+$0xFFFFFAFB] =	vst v1;
	v10 =	vadd.s32 v54, v56;
	v9 =	vadd.s32 v15, v9  }
0x131: {  	[tilespmem:s26+$0x707] =	vst v1;
	v11 =	vld [tilespmem:s26+$0x505];
	v10 =	vadd.s32 v57, v10;
	v9 =	vadd.s32 v16, v9  }
0x132: {  	[tilespmem:s28+$0xFFFFF9FA] =	vst v1;
	v12 =	vld [tilespmem:s28+$0x101];
	v10 =	vadd.s32 v23, v10;
	v9 =	vadd.s32 v17, v9  }
0x133: {  	[tilespmem:s28+$0xFFFFF8F9] =	vst v1;
	v10 =	vadd.s32 v58, v10;
	v15 =	vld [tilespmem:s26+$0x606];
	v60 =	vadd.s32 v18, v9  }
0x134: {  	[tilespmem:s26+$0x505] =	vst v1;
	v13 =	vld [tilespmem:s28+$0x202];
	v10 =	vadd.s32 v25, v10;
	v16 =	vadd.s32 v55, v60  }
0x135: {  	[tilespmem:s28+$0x101] =	vst v1;
	v14 =	vld [tilespmem:s28+$0x303];
	v62 =	vadd.s32 v27, v10;
	v16 =	vadd.s32 v26, v16  }
0x136: {  	[tilespmem:s28+$0x202] =	vst v1;
	v63 =	vadd.s32 v29, v62;
	v9 =	vld [tilespmem:s28+$0x404];
	v16 =	vadd.s32 v59, v16  }
0x137: {  	[tilespmem:s28+$0x303] =	vst v1;
	v10 =	vld [tilespmem:s28+$0x505];
	v11 =	vadd.s32 v11, v16;
	v16 =	vadd.s32 v30, v63  }
0x138: {  	[tilespmem:s26+$0x606] =	vst v1;
	v15 =	vadd.s32 v15, v11;
	v11 =	vld [tilespmem:s28+$0x606];
	v12 =	vadd.s32 v12, v16  }
0x139: {  	vm6 =	vmmov vm10;
	[tilespmem:s28+$0x404] =	vst v1;
	v15 =	vadd.s32 v61, v15;
	v13 =	vadd.s32 v13, v12;
	v12 =	vld [tilespmem:s28+$0x707]  }
0x13a: {  	vm14 =	vmmov vm7;
	vm15 =	vmmov vm4;
	s29 =	simm.s32 $0x14CA8;
	s26 =	simm.s32 $0x10;
	[tilespmem:s25+$0x0] =	vst v15;
	v13 =	vadd.s32 v14, v13  }
.LBB2_20:
0x13b: {  	v14 =	vld [tilespmem:s29+$0xFFFFF7F8];
	[tilespmem:s29+$0xFFFFF7F8] =	vst v1;
	v9 =	vadd.s32 v9, v13  }
0x13c: {  	s26 =	sadd.s32 $0x10, s26;
	v13 =	vld [tilespmem:s29+$0xFFFFF8F9];
	v9 =	vadd.s32 v10, v9;
	[tilespmem:s28+$0x505] =	vst v1  }
0x13d: {  	p0 =	slt.u32 s26, $0xF0;
	v10 =	vld [tilespmem:s29+$0xFFFFF9FA];
	v9 =	vadd.s32 v11, v9;
	[tilespmem:s28+$0x606] =	vst v1  }
0x13e: {  	s25 =	sadd.s32 $0x10, s25;
	v11 =	vld [tilespmem:s29+$0xFFFFFAFB];
	v9 =	vadd.s32 v12, v9;
	[tilespmem:s28+$0x707] =	vst v1;
	s28 =	smov.u32 s29  }
0x13f: {  	v12 =	vld [tilespmem:s29+$0xFFFFFBFC];
	[tilespmem:s25+$0x0] =	vst v9  }
0x140: {  	v9 =	vld [tilespmem:s29+$0xFFFFFCFD];
	[tilespmem:s29+$0xFFFFFCFD] =	vst v1  }
0x141: {  	v13 =	vadd.s32 v14, v13;
	v14 =	vld [tilespmem:s29+$0xFFFFFDFE];
	[tilespmem:s29+$0xFFFFFDFE] =	vst v1  }
0x142: {  	v10 =	vadd.s32 v10, v13;
	v13 =	vld [tilespmem:s29+$0xFFFFFEFF];
	[tilespmem:s29+$0xFFFFFEFF] =	vst v1  }
0x143: {  	v10 =	vadd.s32 v11, v10;
	v11 =	vld [tilespmem:s29+$0x0];
	[tilespmem:s29+$0x0] =	vst v1  }
0x144: {  	v10 =	vadd.s32 v12, v10;
	v12 =	vld [tilespmem:s29+$0x101];
	[tilespmem:s29+$0x101] =	vst v1  }
0x145: {  	v9 =	vadd.s32 v9, v10;
	v15 =	vld [tilespmem:s29+$0x202];
	[tilespmem:s29+$0x202] =	vst v1  }
0x146: {  	v9 =	vadd.s32 v14, v9;
	v14 =	vld [tilespmem:s29+$0x303];
	[tilespmem:s29+$0x303] =	vst v1  }
.Ltmp9:
0x147: {  	v10 =	vadd.s32 v13, v9;
	v9 =	vld [tilespmem:s29+$0x404];
	[tilespmem:s29+$0x404] =	vst v1;
	(pc) =	sbr.rel @p0 .LBB2_20-.Ltmp9, $4  }
0x148: {  	[tilespmem:s29+$0xFFFFFBFC] =	vst v1;
	v11 =	vadd.s32 v11, v10;
	v10 =	vld [tilespmem:s29+$0x505]  }
0x149: {  	[tilespmem:s29+$0xFFFFFAFB] =	vst v1;
	v12 =	vadd.s32 v12, v11;
	v11 =	vld [tilespmem:s29+$0x606]  }
0x14a: {  	[tilespmem:s29+$0xFFFFF9FA] =	vst v1;
	v13 =	vadd.s32 v15, v12;
	v12 =	vld [tilespmem:s29+$0x707]  }
0x14b: {  	s29 =	sadd.s32 $0x10, s29;
	[tilespmem:s28+$0xFFFFF8F9] =	vst v1;
	v13 =	vadd.s32 v14, v13  }
0x14c: {  	v9 =	vadd.s32 v9, v13  }
0x14d: {  	[tilespmem:s28+$0x505] =	vst v1;
	v9 =	vadd.s32 v10, v9  }
0x14e: {  	[tilespmem:s28+$0x606] =	vst v1;
	v9 =	vadd.s32 v11, v9  }
0x14f: {  	[tilespmem:s28+$0x707] =	vst v1;
	s0 =	sadd.s32 $0x10, s25;
	v9 =	vadd.s32 v12, v9  }
0x150: {  	s29 =	simm.s32 $0xF0;
	[tilespmem:s0+$0x0] =	vst v9  }
0x151: {  	v9 =	vld [tilespmem:s29+$0x15500];
	_ =	sdelay $0x4  }
0x152: {  	(xrf0) =	vadd.scan.msk.s32 $0xffff, v8;
	s30 =	simm.s32 $0xE0;
	v9 =	vperm.xlane v9, v4  }
0x153: {  	v11 =	vld [tilespmem:s30+$0x15500]  }
0x154: {  	(xrf0) =	vadd.scan.msk.s32 $0xffff, v9;
	_ =	sdelay $0x3  }
0x155: {  	s31 =	simm.s32 $0xD0;
	v8, _, _ =	vpop (xrf0);
	v11 =	vperm.xlane v11, v4  }
0x156: {  	v14 =	vld [tilespmem:s31+$0x15500];
	v8 =	vsub.s32 $0xCCD, v8  }
0x157: {  	v10 =	vimm.s32 $0x0;
	v12 =	vbroadcast v8, $0xF;
	(xrf0) =	vadd.scan.msk.s32 $0xffff, v11;
	v13, _, _ =	vpop (xrf0)  }
0x158: {  	v13 =	vadd.s32 v10, v13  }
0x159: {  	s25 =	simm.s32 $0x300;
	vm0 =	vge.s32 v13, v12;
	v15 =	vperm.xlane v13, v4;
	v13 =	vimm.s32 $0x0  }
.LBB2_22:
0x15a: {  	p0 =	sne.s32 s25, $0x0;
	v18 =	vmpcnt.ones.xlane vm0;
	v17 =	vsel vm0, $0x0, v9;
	v9 =	vmov v11;
	s0 =	smov.u32 s25;
	s25 =	sadd.s32 $0xFFFFFFC0, s25  }
.Ltmp10:
0x15b: {  	s0 =	sshra.s32 s0, $0x2;
	v11 =	vperm.xlane v14, v4;
	v10 =	vadd.s32 v10, v17;
	v15 =	vbroadcast v15, $0x0;
	(pc) =	sbr.rel @p0 .LBB2_22-.Ltmp10, $4  }
0x15c: {  	v14 =	vld [tilespmem:s0+$0x15500];
	v13 =	vadd.s32 v13, v18  }
0x15d: {  	(xrf0) =	vadd.scan.msk.s32 $0xffff, v11;
	v16, _, _ =	vpop (xrf0)  }
0x15e: {  	v15 =	vadd.s32 v15, v16  }
0x15f: {  	vm0 =	vge.s32 v15, v12;
	v15 =	vperm.xlane v15, v4  }
0x160: {  	_ = 	snop  }
0x161: {  	v14 =	vperm.xlane v14, v4;
	_ =	sdelay $0x1  }
0x162: {  	v15 =	vbroadcast v15, $0x0;
	(xrf0) =	vadd.scan.msk.s32 $0xffff, v14  }
0x163: {  	v16, _, _ =	vpop (xrf0)  }
0x164: {  	v15 =	vadd.s32 v15, v16  }
0x165: {  	v16 =	vperm.xlane v15, v4  }
0x166: {  	v60 =	vxor.u32 $0x80000000, v7  }
0x167: {  	(xrf0) =	vmax.scan.msk.u32 $0xffff, v60;
	v16 =	vbroadcast v16, $0x0  }
0x168: {  	v17, _, _ =	vpop (xrf0)  }
0x169: {  	v58 =	vmpcnt.ones.xlane vm0;
	vm1 =	vge.s32 v15, v12;
	v57 =	vadd.s32 v16, v17  }
0x16a: {  	v59 =	vmpcnt.ones.xlane vm1;
	vm2 =	vge.s32 v57, v12  }
0x16b: {  	v13 =	vadd.s32 v13, v58;
	v61 =	vmpcnt.ones.xlane vm2  }
0x16c: {  	v12 =	vadd.s32 v13, v59  }
0x16d: {  	v62, _, _ =	vpop (xrf0);
	v12 =	vadd.s32 v12, v61  }
0x16e: {  	(v2sf) =	vpush v62, $0xF;
	v12 =	vxor.u32 $0x80000000, v12  }
0x16f: {  	(xrf0) =	vmax.scan.msk.u32 $0xffff, v12;
	_ =	sdelay $0x5  }
0x170: {  	v63, _, _ =	vpop (xrf0)  }
0x171: {  	(v2sf) =	vpush v63, $0xF;
	_ =	sdelay $0x6  }
0x172: {  	s28 =	spop (v2sf)  }
0x173: {  	v9 =	vsel vm0, $0x0, v9;
	s26 =	sxor.u32 $0x80000000, s28  }
0x174: {  	v9 =	vadd.s32 v10, v9;
	v11 =	vsel vm1, $0x0, v11;
	s0 =	sshra.s32 s26, $0x1F  }
0x175: {  	v9 =	vadd.s32 v9, v11;
	v10 =	vsel vm2, $0x0, v14;
	s0 =	sshrl.u32 s0, $0x1E  }
0x176: {  	v9 =	vadd.s32 v9, v10;
	s0 =	sadd.s32 s0, s26  }
0x177: {  	(xrf0) =	vadd.scan.msk.s32 $0xffff, v9;
	s29 =	sand.u32 $0xFFFFFFFC, s0  }
0x178: {  	p0 =	slt.s32 s29, $0x1  }
.Ltmp11:
0x179: {  	_ = 	snop;
	(pc) =	sbr.rel @p0 .LBB2_24-.Ltmp11, $4  }
0x17a: {  	s25 =	spop (v2sf)  }
0x17b: {  	s30 =	sshll.u32 s24, $0x8;
	s25 =	sadd.s32 $0x7FFFFFFF, s25  }
0x17c: {  	s31 =	sor.u32 s30, s25  }
0x17d: {  	v9, _, _ =	vpop (xrf0);
	v10 =	vmov s31  }
0x17e: {  	s0 =	simm.s32 $0x15620  }
0x17f: {  	v16 =	vimm.s32 $0x0;
	v11 =	vld [tilespmem:s0+$0x10]  }
0x180: {  	p1 =	sgt.s32 s29, $0x4;
	vm0 =	vlt.s32 v16, $0x1FF;
	v12 =	vld [tilespmem:s0+$0xFFFFFFE0]  }
.Ltmp12:
0x181: {  	v13 =	vnsel vm0, $0x1FF, v16;
	(pc) =	sbr.rel @!p1 .LBB2_43-.Ltmp12, $4  }
0x182: {  	v13 =	vshll.u32 v13, $0x4  }
0x183: {  	s30 =	simm.s32 $0x0;
	s31 =	simm.s32 $0x2;
	s1 =	simm.s32 $0x3;
	v15 =	vor.u32 v0, v13;
	v13 =	vld [tilespmem:s0+$0x0]  }
0x184: {  	s14 =	simm.s32 $0x1;
	vm5 =	vgt.s32 v7, s30;
	vm3 =	vgt.s32 v7, s31;
	vm2 =	vgt.s32 v7, s1;
	v14 =	vld [tilespmem:s0+$0xFFFFFFF0]  }
0x185: {  	p0 =	por $0x0, $0x0;
	s31 =	simm.s32 $0x4;
	vm6 =	vgt.s32 v7, s14;
	v25 =	vshrl.u32 v12, $0xE;
	v23 =	vshrl.u32 v11, $0xE  }
0x186: {  	_ =	sdelay $0x2  }
0x187: {  	vm0 =	veq.s32 v25, v10;
	vm1 =	veq.s32 v23, v10;
	v17 =	vshrl.u32 v14, $0xE  }
0x188: {  	vm5 =	vmand vm5, vm0;
	v18 =	vshrl.u32 v13, $0xE;
	vm0 =	veq.s32 v17, v10  }
0x189: {  	v17 =	vsel vm5, $0x1, v1;
	vm4 =	vmand vm6, vm0;
	vm0 =	veq.s32 v18, v10  }
0x18a: {  	v17 =	vadd.s32 v17, v16;
	v16 =	vsel vm4, $0x1, v1;
	vm0 =	vmand vm3, vm0  }
0x18b: {  	vm1 =	vmand vm2, vm1;
	v18 =	vadd.s32 v16, v17;
	v16 =	vsel vm0, $0x1, v1  }
0x18c: {  	vm3 =	vlt.s32 v17, $0x1FF;
	v19 =	vadd.s32 v16, v18;
	v16 =	vsel vm1, $0x1, v1  }
0x18d: {  	s30 =	simm.s32 $0x15660;
	v17 =	vnsel vm3, $0x1FF, v17;
	vm2 =	vlt.s32 v18, $0x1FF;
	v16 =	vadd.s32 v16, v19  }
0x18e: {  	v21 =	vld [tilespmem:s30+$0x10];
	v17 =	vshll.u32 v17, $0x4;
	vm6 =	vlt.s32 v19, $0x1FF;
	vm7 =	vlt.s32 v16, $0x1FF  }
0x18f: {  	[tilespmem:v15+s19+$0x0] =	vst.idx.msk vm5, v12;
	v12 =	vld [tilespmem:s30+$0xFFFFFFE0];
	v15 =	vnsel vm2, $0x1FF, v18;
	v18 =	vnsel vm6, $0x1FF, v19;
	v19 =	vnsel vm7, $0x1FF, v16  }
0x190: {  	p1 =	sgt.s32 s29, $0x8;
	v18 =	vshll.u32 v18, $0x4;
	v23 =	vshll.u32 v19, $0x4;
	v19 =	vor.u32 v0, v17;
	v17 =	vld [tilespmem:s30+$0x0]  }
.Ltmp13:
0x191: {  	v22 =	vor.u32 v0, v18;
	v18 =	vld [tilespmem:s30+$0xFFFFFFF0];
	(pc) =	sbr.rel @!p1 .LBB2_45-.Ltmp13, $4  }
0x192: {  	v15 =	vshll.u32 v15, $0x4  }
0x193: {  	s0 =	simm.s32 $0x6;
	s1 =	simm.s32 $0x7;
	s14 =	simm.s32 $0x5;
	vm4 =	vmmov vm4;
	vm5 =	vgt.s32 v7, s31;
	v20 =	vor.u32 v0, v15  }
0x194: {  	vm3 =	vgt.s32 v7, s0;
	vm2 =	vgt.s32 v7, s1;
	vm6 =	vgt.s32 v7, s14  }
0x195: {  	p0 =	por $0x1, $0x1;
	s31 =	simm.s32 $0x8;
	v25 =	vshrl.u32 v12, $0xE;
	v15 =	vor.u32 v0, v23;
	v23 =	vshrl.u32 v21, $0xE  }
.LBB2_46:
0x196: {  	vm7 =	veq.s32 v25, v10;
	v24 =	vshrl.u32 v18, $0xE;
	v25 =	vshrl.u32 v17, $0xE;
	s0 =	smov.u32 s31;
	s31 =	sadd.s32 $0x4, s31  }
0x197: {  	vm8 =	veq.s32 v23, v10;
	p1 =	slt.s32 s31, s29;
	vm7 =	vmand vm5, vm7;
	vm5 =	veq.s32 v24, v10;
	[tilespmem:v22+s19+$0x0] =	vst.idx.msk vm1, v11  }
0x198: {  	vm1 =	veq.s32 v25, v10;
	v11 =	vmovc v21;
	v22 =	vsel vm7, $0x1, v1;
	vm5 =	vmand vm6, vm5;
	[tilespmem:v20+s19+$0x0] =	vst.idx.msk vm0, v13  }
0x199: {  	vm0 =	vmand vm3, vm1;
	v13 =	vmovc v17;
	v20 =	vadd.s32 v22, v16;
	v16 =	vsel vm5, $0x1, v1;
	[tilespmem:v19+s19+$0x0] =	vst.idx.msk vm4, v14  }
0x19a: {  	vm1 =	vmand vm2, vm8;
	v14 =	vmovc v18;
	v19 =	vadd.s32 v16, v20;
	v16 =	vsel vm0, $0x1, v1  }
0x19b: {  	s30 =	sadd.s32 $0x40, s30;
	vm2 =	vlt.s32 v19, $0x1FF;
	v18 =	vadd.s32 v16, v19;
	v16 =	vsel vm1, $0x1, v1  }
0x19c: {  	vm3 =	vlt.s32 v20, $0x1FF;
	v21 =	vld [tilespmem:s30+$0x10];
	vm4 =	vlt.s32 v18, $0x1FF;
	v16 =	vadd.s32 v16, v18  }
0x19d: {  	vm6 =	vlt.s32 v16, $0x1FF;
	v17 =	vld [tilespmem:s30+$0x0];
	[tilespmem:v15+s19+$0x0] =	vst.idx.msk vm7, v12;
	v15 =	vnsel vm2, $0x1FF, v19;
	v18 =	vnsel vm4, $0x1FF, v18  }
0x19e: {  	v20 =	vnsel vm3, $0x1FF, v20;
	v12 =	vld [tilespmem:s30+$0xFFFFFFE0];
	v19 =	vnsel vm6, $0x1FF, v16;
	v22 =	vshll.u32 v18, $0x4  }
.Ltmp14:
0x19f: {  	v15 =	vshll.u32 v15, $0x4;
	v23 =	vshll.u32 v19, $0x4;
	v18 =	vld [tilespmem:s30+$0xFFFFFFF0];
	v19 =	vshll.u32 v20, $0x4;
	(pc) =	sbr.rel @p1 .LBB2_46-.Ltmp14, $4  }
0x1a0: {  	v20 =	vor.u32 v0, v15;
	v22 =	vor.u32 v0, v22;
	v19 =	vor.u32 v0, v19  }
0x1a1: {  	s1 =	sadd.s32 $0x2, s0;
	s14 =	sadd.s32 $0x3, s0;
	vm4 =	vmmov vm5;
	v15 =	vor.u32 v0, v23  }
0x1a2: {  	vm3 =	vgt.s32 v7, s1;
	vm5 =	vgt.s32 v7, s0;
	s0 =	sadd.s32 $0x1, s0;
	vm2 =	vgt.s32 v7, s14  }
0x1a3: {  	vm6 =	vgt.s32 v7, s0;
	v23 =	vshrl.u32 v21, $0xE;
	v25 =	vshrl.u32 v12, $0xE  }
0x1a4: {  	v24 =	vmov v11;
	v11 =	vmov v21  }
.LBB2_48:
0x1a5: {  	vm7 =	veq.s32 v25, v10;
	v21 =	vshrl.u32 v18, $0xE  }
0x1a6: {  	v58 =	vshrl.u32 v17, $0xE;
	vm5 =	vmand vm5, vm7;
	vm10 =	veq.s32 v21, v10  }
0x1a7: {  	vm11 =	veq.s32 v58, v10;
	v59 =	vsel vm5, $0x1, v1;
	vm6 =	vmand vm6, vm10  }
0x1a8: {  	vm3 =	vmand vm3, vm11;
	v16 =	vadd.s32 v59, v16;
	v60 =	vsel vm6, $0x1, v1  }
0x1a9: {  	v61 =	vsel vm3, $0x1, v1;
	v21 =	vadd.s32 v60, v16  }
0x1aa: {  	vm12 =	veq.s32 v23, v10;
	vm14 =	vlt.s32 v16, $0x1FF;
	v25 =	vadd.s32 v61, v21  }
0x1ab: {  	vm2 =	vmand vm2, vm12;
	v16 =	vnsel vm14, $0x1FF, v16;
	vm8 =	vlt.s32 v25, $0x1FF  }
0x1ac: {  	vm13 =	vlt.s32 v21, $0x1FF;
	v16 =	vshll.u32 v16, $0x4;
	v62 =	vnsel vm8, $0x1FF, v25  }
0x1ad: {  	v21 =	vnsel vm13, $0x1FF, v21;
	v63 =	vor.u32 v0, v16;
	v23 =	vshll.u32 v62, $0x4  }
0x1ae: {  	[tilespmem:v22+s19+$0x0] =	vst.idx.msk @p0 vm1, v24;
	v21 =	vshll.u32 v21, $0x4;
	v23 =	vor.u32 v0, v23  }
0x1af: {  	[tilespmem:v20+s19+$0x0] =	vst.idx.msk @p0 vm0, v13;
	v21 =	vor.u32 v0, v21  }
.Ltmp15:
0x1b0: {  	[tilespmem:v19+s19+$0x0] =	vst.idx.msk @p0 vm4, v14;
	(pc) =	sbr.rel .LBB2_25-.Ltmp15, $4  }
0x1b1: {  	[tilespmem:v15+s19+$0x0] =	vst.idx.msk vm5, v12  }
0x1b2: {  	[tilespmem:v63+s19+$0x0] =	vst.idx.msk vm6, v18  }
0x1b3: {  	[tilespmem:v23+s19+$0x0] =	vst.idx.msk vm2, v11;
	v11 =	vsel vm2, $0x1, v1  }
0x1b4: {  	vm15 =	vmmov vm6;
	[tilespmem:v21+s19+$0x0] =	vst.idx.msk vm3, v17;
	v11 =	vadd.s32 v11, v25  }
.LBB2_24:
0x1b5: {  	v11 =	vimm.s32 $0x0  }
.LBB2_25:
0x1b6: {  	p0 =	sge.s32 s29, s26  }
.Ltmp16:
0x1b7: {  	_ = 	snop;
	(pc) =	sbr.rel @p0 .LBB2_28-.Ltmp16, $1  }
0x1b8: {  	_ =	sdelay $0x3  }
0x1b9: {  	s0 =	ssub.s32 s26, s29  }
0x1ba: {  	s28 =	sshll.u32 s28, $0x6;
	s29 =	sshll.u32 s0, $0x6  }
0x1bb: {  	s28 =	ssub.s32 s28, s29  }
0x1bc: {  	s28 =	sshra.s32 s28, $0x2  }
0x1bd: {  	s0 =	ssub.s32 $0x0, s0;
	s28 =	sadd.s32 $0x15600, s28  }
.LBB2_27:
0x1be: {  	v12 =	vld [tilespmem:s28+$0x0];
	_ =	sdelay $0x4  }
0x1bf: {  	s1 =	sadd.s32 s0, s26;
	vm0 =	vlt.s32 v11, $0x1FF;
	v13 =	vshrl.u32 v12, $0xE  }
0x1c0: {  	vm1 =	vgt.s32 v7, s1;
	v14 =	vnsel vm0, $0x1FF, v11;
	vm15 =	veq.s32 v13, v10  }
0x1c1: {  	s0 =	sadd.s32 $0x1, s0;
	v62 =	vshll.u32 v14, $0x4;
	vm0 =	vmand vm1, vm15  }
0x1c2: {  	p0 =	seq.s32 s0, $0x0;
	v13 =	vor.u32 v0, v62  }
.Ltmp17:
0x1c3: {  	_ = 	snop;
	(pc) =	sbr.rel @!p0 .LBB2_27-.Ltmp17, $3  }
0x1c4: {  	_ =	sdelay $0x1  }
0x1c5: {  	v63 =	vsel vm0, $0x1, v1  }
0x1c6: {  	s28 =	sadd.s32 $0x10, s28;
	v11 =	vadd.s32 v63, v11;
	[tilespmem:v13+s19+$0x0] =	vst.idx.msk vm0, v12  }
.LBB2_28:
0x1c7: {  	v7 =	vxor.u32 $0x80000000, v11  }
0x1c8: {  	(xrf0) =	vmax.scan.msk.u32 $0xffff, v7;
	_ =	sdelay $0x5  }
0x1c9: {  	v7, _, _ =	vpop (xrf0)  }
0x1ca: {  	(v2sf) =	vpush v7, $0xF;
	_ =	sdelay $0xe  }
0x1cb: {  	s0 =	spop (v2sf)  }
0x1cc: {  	s26 =	sxor.u32 $0x80000000, s0  }
0x1cd: {  	p0 =	slt.s32 s26, $0x200  }
0x1ce: {  	s26 =	simm.s32 @!p0 $0x200  }
0x1cf: {  	s14 =	sshrl.u32 s26, $0x1F  }
0x1d0: {  	s0 =	sadd.s32 s14, s26  }
0x1d1: {  	s28 =	sand.u32 $0xFFFFFFFE, s0  }
.Ltmp18:
0x1d2: {  	s0 =	ssub.s32 s26, s28;
	(pc) =	sbr.rel .LBB2_29-.Ltmp18, $4  }
0x1d3: {  	s30 =	sshll.u32 s24, $0x16;
	s1 =	sshll.u32 s26, $0x6;
	s14 =	sshll.u32 s0, $0x6  }
0x1d4: {  	s31 =	sshll.u32 s25, $0xE;
	s29 =	simm.s32 $0x0;
	s1 =	ssub.s32 s1, s14  }
0x1d5: {  	v7 =	vsub.s32 v8, v9;
	p0 =	slt.s32 s28, $0x1;
	s14 =	sor.u32 s30, s31;
	s1 =	sshra.s32 s1, $0x2  }
0x1d6: {  	v8 =	vbroadcast v7, $0xF;
	p1 =	sge.s32 s28, s26;
	s24 =	ssub.s32 $0x0, s0;
	v7 =	vmov s14;
	s25 =	sadd.s32 $0x1D600, s1  }
.LBB2_33:
0x1d7: {  	s29 =	sadd.s32 $0x1, s29  }
0x1d8: {  	p2 =	sne.s32 s29, $0xE  }
.Ltmp19:
0x1d9: {  	_ = 	snop;
	(pc) =	sbr.rel @!p2 .LBB2_34-.Ltmp19, $3  }
0x1da: {  	_ =	sdelay $0x1  }
0x1db: {  	vm0 =	vlt.s32 v10, v8  }
0x1dc: {  	v7 =	vsel vm0, v7, v9  }
.LBB2_29:
.Ltmp20:
0x1dd: {  	(pc) =	sbr.rel @p0 .LBB2_30-.Ltmp20, $3  }
0x1de: {  	_ =	sdelay $0x1  }
0x1df: {  	s0 =	sshrl.u32 s20, s29  }
0x1e0: {  	v9 =	vor.u32 s0, v7  }
0x1e1: {  	p3 =	sgt.s32 s28, $0x2  }
.Ltmp21:
0x1e2: {  	_ = 	snop;
	(pc) =	sbr.rel @!p3 .LBB2_50-.Ltmp21, $4  }
0x1e3: {  	_ = 	snop  }
0x1e4: {  	s31 =	simm.s32 $0x1D610  }
0x1e5: {  	v13 =	vld [tilespmem:s31+$0xFFFFFFF0]  }
0x1e6: {  	s0 =	simm.s32 $0x0;
	v10 =	vimm.s32 $0x0;
	s30 =	simm.s32 $0x2;
	p2 =	por $0x0, $0x0;
	v12 =	vld [tilespmem:s31+$0x0]  }
0x1e7: {  	_ =	sdelay $0x1  }
0x1e8: {  	p3 =	sgt.s32 s28, $0x4  }
.Ltmp22:
0x1e9: {  	vm0 =	vgt.s32 v11, s0;
	vm1 =	vge.u32 v13, v9;
	(pc) =	sbr.rel @!p3 .LBB2_52-.Ltmp22, $4  }
0x1ea: {  	s14 =	simm.s32 $0x1;
	s31 =	simm.s32 $0x1D630;
	vm0 =	vmand vm0, vm1  }
0x1eb: {  	vm14 =	vgt.s32 v11, s14;
	v13 =	vld [tilespmem:s31+$0xFFFFFFF0];
	vm2 =	vge.u32 v12, v9;
	v15 =	vmpcnt.ones.xlane vm0  }
0x1ec: {  	v12 =	vld [tilespmem:s31+$0x0];
	vm15 =	vmand vm14, vm2  }
0x1ed: {  	s0 =	simm.s32 $0x4;
	p2 =	por $0x1, $0x1;
	v14 =	vmpcnt.ones.xlane vm15;
	v15 =	vadd.s32 v10, v15  }
.LBB2_53:
0x1ee: {  	s1 =	smov.u32 s0;
	s0 =	sadd.s32 $0x2, s0  }
0x1ef: {  	v15 =	vadd.s32 v14, v15;
	p3 =	slt.s32 s0, s28  }
.Ltmp23:
0x1f0: {  	vm0 =	vgt.s32 v11, s30;
	s14 =	sadd.s32 $0x1, s30;
	s31 =	sadd.s32 $0x20, s31;
	vm1 =	vge.u32 v13, v9;
	(pc) =	sbr.rel @p3 .LBB2_53-.Ltmp23, $4  }
0x1f1: {  	s30 =	smov.u32 s1;
	v13 =	vld [tilespmem:s31+$0xFFFFFFF0];
	vm0 =	vmand vm0, vm1;
	vm1 =	vgt.s32 v11, s14;
	vm2 =	vge.u32 v12, v9  }
0x1f2: {  	v12 =	vld [tilespmem:s31+$0x0];
	v16 =	vmpcnt.ones.xlane vm0;
	vm0 =	vmand vm1, vm2  }
0x1f3: {  	v14 =	vmpcnt.ones.xlane vm0  }
0x1f4: {  	v15 =	vadd.s32 v15, v16  }
0x1f5: {  	s0 =	smov.u32 s30  }
.LBB2_55:
0x1f6: {  	vm0 =	vgt.s32 v11, s0;
	vm1 =	vge.u32 v13, v9;
	s31 =	sadd.s32 $0x1, s0  }
.Ltmp24:
0x1f7: {  	vm0 =	vmand vm0, vm1;
	vm14 =	vgt.s32 v11, s31;
	vm2 =	vge.u32 v12, v9;
	(pc) =	sbr.rel .LBB2_31-.Ltmp24, $4  }
0x1f8: {  	v12 =	vadd.s32 @p2 v14, v15;
	v62 =	vmpcnt.ones.xlane vm0;
	vm15 =	vmand vm14, vm2  }
0x1f9: {  	v10 =	vpsel p2, v12, v10;
	v63 =	vmpcnt.ones.xlane vm15  }
0x1fa: {  	v10 =	vadd.s32 v10, v62  }
0x1fb: {  	v10 =	vadd.s32 v63, v10  }
.LBB2_30:
0x1fc: {  	v10 =	vimm.s32 $0x0  }
.LBB2_31:
.Ltmp25:
0x1fd: {  	(pc) =	sbr.rel @p1 .LBB2_33-.Ltmp25, $2  }
0x1fe: {  	_ =	sdelay $0x2  }
0x1ff: {  	s0 =	smov.u32 s25;
	s30 =	smov.u32 s24  }
.LBB2_32:
0x200: {  	v12 =	vld [tilespmem:s0+$0x0];
	_ =	sdelay $0x2  }
0x201: {  	s1 =	sadd.s32 s30, s26;
	s30 =	sadd.s32 $0x1, s30  }
0x202: {  	p2 =	seq.s32 s30, $0x0  }
.Ltmp26:
0x203: {  	vm0 =	vgt.s32 v11, s1;
	vm1 =	vge.u32 v12, v9;
	(pc) =	sbr.rel @!p2 .LBB2_32-.Ltmp26, $3  }
0x204: {  	vm0 =	vmand vm0, vm1  }
0x205: {  	v63 =	vmpcnt.ones.xlane vm0;
	_ =	sdelay $0x1  }
0x206: {  	s0 =	sadd.s32 $0x10, s0;
	v10 =	vadd.s32 v10, v63  }
.Ltmp27:
0x207: {  	_ = 	snop;
	(pc) =	sbr.rel .LBB2_33-.Ltmp27, $1  }
0x208: {  	_ =	sdelay $0x3  }
.LBB2_50:
.Ltmp28:
0x209: {  	(pc) =	sbr.rel .LBB2_55-.Ltmp28, $2  }
0x20a: {  	_ =	sdelay $0x2  }
0x20b: {  	_ = 	snop  }
.LBB2_52:
.Ltmp29:
0x20c: {  	(pc) =	sbr.rel .LBB2_55-.Ltmp29, $2  }
0x20d: {  	_ =	sdelay $0x2  }
0x20e: {  	s0 =	simm.s32 $0x2  }
.LBB2_34:
0x20f: {  	s0 =	simm.s32 $0x40  }
0x210: {  	v12 =	vld [tilespmem:s0+$0x30]  }
0x211: {  	v14 =	vld [tilespmem:s0+$0xFFFFFFD0]  }
0x212: {  	vm0 =	vgt.s32 v7, $0xFFFFFFFF;
	v13 =	vld [tilespmem:s0+$0xFFFFFFE0]  }
0x213: {  	v8 =	vsel vm0, $0xFFFFFFFF, v6;
	v11 =	vld [tilespmem:s0+$0xFFFFFFF0]  }
0x214: {  	v10 =	vld [tilespmem:s0+$0x0];
	v7 =	vxor.u32 v7, v8  }
0x215: {  	v8 =	vld [tilespmem:s0+$0x10];
	vm0 =	vge.f32 v12, v7  }
0x216: {  	s24 =	simm.s32 $0x15640;
	v9 =	vld [tilespmem:s0+$0x20];
	vm1 =	vge.f32 v14, v7;
	v15 =	vnsel vm0, $0x0, v12  }
0x217: {  	s25 =	simm.s32 $0x0;
	s26 =	simm.s32 $0xC0;
	v12 =	vld [tilespmem:s0+$0xFFFFFFC0];
	v14 =	vnsel vm1, $0x0, v14;
	vm0 =	vge.f32 v13, v7;
	[tilespmem:s24+$0x30] =	vst v15  }
.LBB2_35:
0x218: {  	v15 =	vld [tilespmem:s26+$0x30];
	s25 =	sadd.s32 $0x80, s25;
	[tilespmem:s24+$0xFFFFFFD0] =	vst v14;
	v13 =	vnsel vm0, $0x0, v13;
	vm0 =	vge.f32 v11, v7  }
0x219: {  	v14 =	vld [tilespmem:s26+$0xFFFFFFD0];
	p0 =	slt.u32 s25, $0x7F80;
	[tilespmem:s24+$0xFFFFFFE0] =	vst v13;
	v11 =	vnsel vm0, $0x0, v11;
	vm0 =	vge.f32 v10, v7  }
0x21a: {  	v13 =	vld [tilespmem:s26+$0xFFFFFFE0];
	[tilespmem:s24+$0xFFFFFFF0] =	vst v11;
	v10 =	vnsel vm0, $0x0, v10;
	vm0 =	vge.f32 v8, v7  }
.Ltmp30:
0x21b: {  	v11 =	vld [tilespmem:s26+$0xFFFFFFF0];
	[tilespmem:s24+$0x0] =	vst v10;
	v8 =	vnsel vm0, $0x0, v8;
	vm0 =	vge.f32 v9, v7;
	(pc) =	sbr.rel @p0 .LBB2_35-.Ltmp30, $4  }
0x21c: {  	v10 =	vld [tilespmem:s26+$0x0];
	vm1 =	vge.f32 v12, v7;
	[tilespmem:s24+$0x10] =	vst v8;
	v9 =	vnsel vm0, $0x0, v9  }
0x21d: {  	v8 =	vld [tilespmem:s26+$0x10];
	vm0 =	vge.f32 v15, v7;
	v12 =	vnsel vm1, $0x0, v12;
	[tilespmem:s24+$0x20] =	vst v9  }
0x21e: {  	vm1 =	vge.f32 v14, v7;
	v9 =	vld [tilespmem:s26+$0x20];
	v15 =	vnsel vm0, $0x0, v15;
	[tilespmem:s24+$0xFFFFFFC0] =	vst v12;
	s24 =	sadd.s32 $0x80, s24  }
0x21f: {  	v12 =	vld [tilespmem:s26+$0xFFFFFFC0];
	v14 =	vnsel vm1, $0x0, v14;
	vm0 =	vge.f32 v13, v7;
	[tilespmem:s24+$0x30] =	vst v15;
	s26 =	sadd.s32 $0x80, s26  }
0x220: {  	[tilespmem:s24+$0xFFFFFFD0] =	vst v14;
	v13 =	vnsel vm0, $0x0, v13;
	vm12 =	vge.f32 v11, v7  }
0x221: {  	[tilespmem:s24+$0xFFFFFFE0] =	vst v13;
	v11 =	vnsel vm12, $0x0, v11;
	vm13 =	vge.f32 v10, v7  }
0x222: {  	[tilespmem:s24+$0xFFFFFFF0] =	vst v11;
	v10 =	vnsel vm13, $0x0, v10;
	vm14 =	vge.f32 v8, v7  }
0x223: {  	[tilespmem:s24+$0x0] =	vst v10;
	v8 =	vnsel vm14, $0x0, v8;
	vm15 =	vge.f32 v9, v7  }
0x224: {  	vm1 =	vge.f32 v12, v7;
	[tilespmem:s24+$0x10] =	vst v8;
	v7 =	vnsel vm15, $0x0, v9  }
0x225: {  	v8 =	vnsel vm1, $0x0, v12;
	[tilespmem:s24+$0x20] =	vst v7  }
0x226: {  	[tilespmem:s24+$0xFFFFFFC0] =	vst v8  }
0x227: {  	[hbm4b:s5+s12] =	stream.strided.scatter [tilespmem:s17], [sflag:$0x3], $0x8000, s13, s12, $0x38;
	[tilespmem:$0x1F600] =	vst v63  }
0x228: {  	_ = 	snop  }
0x229: {  	[tilespmem:s2], [sflag:$0x1] =	stream.strided.gather [hbm4b:s6+s12], $0x8000, s13, s12, $0x38;
	[tilespmem:$0x1F600] =	vst v63  }
0x22a: {  	_ =	swait.ge [sflag:s21], $0x8000  }
0x22b: {  	[sflag:s21] =	ssyncset.done $0x0  }
0x22c: {  	s0 =	simm.s32 $0x8040;
	[sflag:s21] =	ssyncadd.s32 $0xFFFF8000  }
0x22d: {  	v7 =	vld [tilespmem:s0+$0x30]  }
0x22e: {  	v8 =	vld [tilespmem:s0+$0xFFFFFFD0]  }
0x22f: {  	v9 =	vld [tilespmem:s0+$0xFFFFFFE0]  }
0x230: {  	v10 =	vld [tilespmem:s0+$0xFFFFFFF0]  }
0x231: {  	v11 =	vld [tilespmem:s0+$0x0];
	_ =	sdelay $0x1  }
0x232: {  	v12 =	vld [tilespmem:s0+$0x10]  }
0x233: {  	v15 =	vld [tilespmem:s0+$0x20]  }
0x234: {  	v16 =	vld [tilespmem:s0+$0xFFFFFFC0];
	v13 =	vshra.s32 v7, $0x1F;
	v14 =	vshra.s32 v8, $0x1F;
	v17 =	vshra.s32 v9, $0x1F  }
0x235: {  	v62 =	vshra.s32 v10, $0x1F;
	v18 =	vshra.s32 v11, $0x1F;
	v13 =	vor.u32 $0x80000000, v13  }
0x236: {  	v14 =	vor.u32 $0x80000000, v14;
	v7 =	vxor.u32 v7, v13;
	v13 =	vor.u32 $0x80000000, v17  }
0x237: {  	v17 =	vor.u32 $0x80000000, v62;
	v14 =	vxor.u32 v8, v14;
	v7 =	vshrl.u32 v7, $0x16  }
0x238: {  	v8 =	vshra.s32 v12, $0x1F;
	v63 =	vxor.u32 v9, v13;
	v19 =	vadd.s32 v2, v7  }
0x239: {  	v9 =	vor.u32 $0x80000000, v8;
	v8 =	vshra.s32 v15, $0x1F;
	v13 =	vshra.s32 v16, $0x1F  }
0x23a: {  	v17 =	vxor.u32 v10, v17;
	v7 =	vor.u32 $0x80000000, v18;
	v10 =	vor.u32 $0x80000000, v8  }
0x23b: {  	v13 =	vor.u32 $0x80000000, v13;
	v8 =	vxor.u32 v11, v7;
	v7 =	vxor.u32 v12, v9  }
0x23c: {  	v11 =	vxor.u32 v16, v13;
	v9 =	vshrl.u32 v14, $0x16;
	v10 =	vxor.u32 v15, v10  }
0x23d: {  	s25 =	simm.s32 $0x0;
	s28 =	simm.s32 $0x80C0;
	v12 =	vshrl.u32 v63, $0x16;
	v13 =	vshrl.u32 v11, $0x16;
	v11 =	vshrl.u32 v17, $0x16;
	[tilespmem:v19+s16+$0x0] =	vst.idx.add.s32.msk $0xffff, v3  }
.LBB2_37:
0x23e: {  	v14 =	vld [tilespmem:s28+$0x30];
	s25 =	sadd.s32 $0x80, s25;
	v8 =	vshrl.u32 v8, $0x16;
	v7 =	vshrl.u32 v7, $0x16;
	v10 =	vshrl.u32 v10, $0x16  }
0x23f: {  	v13 =	vadd.s32 v2, v13;
	v9 =	vadd.s32 v2, v9;
	v12 =	vadd.s32 v2, v12;
	v15 =	vld [tilespmem:s28+$0xFFFFFFD0];
	p0 =	slt.u32 s25, $0x7F80  }
0x240: {  	v11 =	vadd.s32 v2, v11;
	v8 =	vadd.s32 v2, v8;
	v17 =	vadd.s32 v2, v7;
	v16 =	vld [tilespmem:s28+$0xFFFFFFE0]  }
0x241: {  	v18 =	vadd.s32 v2, v10;
	v7 =	vld [tilespmem:s28+$0xFFFFFFF0]  }
0x242: {  	v10 =	vld [tilespmem:s28+$0x0]  }
0x243: {  	v19 =	vld [tilespmem:s28+$0x10];
	v20 =	vshra.s32 v14, $0x1F  }
0x244: {  	v21 =	vshra.s32 v15, $0x1F;
	v22 =	vld [tilespmem:s28+$0x20];
	v20 =	vor.u32 $0x80000000, v20  }
0x245: {  	v23 =	vld [tilespmem:s28+$0xFFFFFFC0];
	v21 =	vor.u32 $0x80000000, v21;
	v24 =	vshra.s32 v16, $0x1F;
	v14 =	vxor.u32 v14, v20  }
0x246: {  	v20 =	vor.u32 $0x80000000, v24;
	v24 =	vshra.s32 v7, $0x1F;
	v14 =	vshrl.u32 v14, $0x16;
	[tilespmem:v13+s16+$0x0] =	vst.idx.add.s32.msk $0xffff, v3  }
0x247: {  	v13 =	vor.u32 $0x80000000, v24;
	v24 =	vshra.s32 v10, $0x1F;
	v14 =	vadd.s32 v2, v14;
	[tilespmem:v9+s16+$0x0] =	vst.idx.add.s32.msk $0xffff, v3  }
0x248: {  	v9 =	vxor.u32 v15, v21;
	v15 =	vor.u32 $0x80000000, v24;
	v21 =	vshra.s32 v19, $0x1F;
	[tilespmem:v12+s16+$0x0] =	vst.idx.add.s32.msk $0xffff, v3  }
.Ltmp31:
0x249: {  	v12 =	vxor.u32 v16, v20;
	v16 =	vor.u32 $0x80000000, v21;
	v20 =	vshra.s32 v22, $0x1F;
	[tilespmem:v11+s16+$0x0] =	vst.idx.add.s32.msk $0xffff, v3;
	(pc) =	sbr.rel @p0 .LBB2_37-.Ltmp31, $4  }
0x24a: {  	v21 =	vxor.u32 v7, v13;
	v11 =	vshra.s32 v23, $0x1F;
	v13 =	vor.u32 $0x80000000, v20;
	[tilespmem:v8+s16+$0x0] =	vst.idx.add.s32.msk $0xffff, v3  }
0x24b: {  	v8 =	vxor.u32 v10, v15;
	v7 =	vxor.u32 v19, v16;
	v11 =	vor.u32 $0x80000000, v11;
	[tilespmem:v17+s16+$0x0] =	vst.idx.add.s32.msk $0xffff, v3  }
0x24c: {  	s24 =	simm.s32 $0x14080;
	s26 =	simm.s32 $0x12008;
	v9 =	vshrl.u32 v9, $0x16;
	v10 =	vxor.u32 v22, v13;
	v11 =	vxor.u32 v23, v11;
	[tilespmem:v14+s16+$0x0] =	vst.idx.add.s32.msk $0xffff, v3  }
0x24d: {  	s28 =	sadd.s32 $0x80, s28;
	v12 =	vshrl.u32 v12, $0x16;
	v13 =	vshrl.u32 v11, $0x16;
	v11 =	vshrl.u32 v21, $0x16;
	[tilespmem:v18+s16+$0x0] =	vst.idx.add.s32.msk $0xffff, v3  }
0x24e: {  	v13 =	vadd.s32 v2, v13  }
0x24f: {  	v9 =	vadd.s32 v2, v9  }
0x250: {  	v12 =	vadd.s32 v2, v12  }
0x251: {  	v8 =	vshrl.u32 v8, $0x16;
	v11 =	vadd.s32 v2, v11  }
0x252: {  	v7 =	vshrl.u32 v7, $0x16;
	v8 =	vadd.s32 v2, v8  }
0x253: {  	v10 =	vshrl.u32 v10, $0x16;
	v7 =	vadd.s32 v2, v7;
	[tilespmem:v13+s16+$0x0] =	vst.idx.add.s32.msk $0xffff, v3  }
0x254: {  	v10 =	vadd.s32 v2, v10;
	[tilespmem:v9+s16+$0x0] =	vst.idx.add.s32.msk $0xffff, v3  }
0x255: {  	[tilespmem:v12+s16+$0x0] =	vst.idx.add.s32.msk $0xffff, v3  }
0x256: {  	[tilespmem:v11+s16+$0x0] =	vst.idx.add.s32.msk $0xffff, v3  }
0x257: {  	[tilespmem:v8+s16+$0x0] =	vst.idx.add.s32.msk $0xffff, v3  }
0x258: {  	[tilespmem:v7+s16+$0x0] =	vst.idx.add.s32.msk $0xffff, v3  }
0x259: {  	[tilespmem:v10+s16+$0x0] =	vst.idx.add.s32.msk $0xffff, v3  }
0x25a: {  	v8 =	vld [tilespmem:s26+$0xFFFFDFF8]  }
0x25b: {  	v9 =	vld [tilespmem:s26+$0xFFFFE3F9]  }
0x25c: {  	v10 =	vld [tilespmem:s26+$0xFFFFE7FA]  }
0x25d: {  	v11 =	vld [tilespmem:s26+$0xFFFFEBFB]  }
0x25e: {  	v7 =	vimm.s32 $0x0;
	v12 =	vld [tilespmem:s26+$0xFFFFEFFC]  }
0x25f: {  	v13 =	vld [tilespmem:s26+$0xFFFFF3FD];
	[tilespmem:s26+$0xFFFFDFF8] =	vst v7  }
0x260: {  	s25 =	simm.s32 $0x12018;
	v14 =	vld [tilespmem:s26+$0xFFFFF7FE];
	[tilespmem:s26+$0xFFFFF3FD] =	vst v7  }
0x261: {  	v18 =	vld [tilespmem:s25+$0xFFFFDFF8];
	[tilespmem:s25+$0xFFFFDFF8] =	vst v7  }
0x262: {  	v15 =	vld [tilespmem:s26+$0xFFFFFBFF];
	[tilespmem:s26+$0xFFFFF7FE] =	vst v7  }
0x263: {  	v16 =	vld [tilespmem:s26+$0x0];
	[tilespmem:s26+$0xFFFFFBFF] =	vst v7  }
0x264: {  	v17 =	vld [tilespmem:s26+$0x401];
	[tilespmem:s26+$0x0] =	vst v7  }
0x265: {  	v19 =	vld [tilespmem:s26+$0x802];
	[tilespmem:s26+$0x401] =	vst v7  }
0x266: {  	v20 =	vld [tilespmem:s25+$0xFFFFE3F9];
	[tilespmem:s26+$0x802] =	vst v7  }
0x267: {  	v24 =	vld [tilespmem:s25+$0xFFFFF3FD];
	[tilespmem:s25+$0xFFFFF3FD] =	vst v7  }
0x268: {  	v25 =	vld [tilespmem:s26+$0xC03];
	[tilespmem:s26+$0xC03] =	vst v7  }
0x269: {  	v26 =	vld [tilespmem:s25+$0xFFFFF7FE];
	[tilespmem:s25+$0xFFFFF7FE] =	vst v7  }
0x26a: {  	v27 =	vld [tilespmem:s26+$0x1004];
	[tilespmem:s26+$0x1004] =	vst v7  }
0x26b: {  	v28 =	vld [tilespmem:s25+$0xFFFFFBFF];
	[tilespmem:s25+$0xFFFFFBFF] =	vst v7  }
0x26c: {  	v21 =	vld [tilespmem:s25+$0xFFFFE7FA];
	[tilespmem:s26+$0xFFFFEFFC] =	vst v7;
	v8 =	vadd.s32 v8, v9  }
0x26d: {  	v29 =	vld [tilespmem:s25+$0x0];
	[tilespmem:s25+$0x0] =	vst v7;
	v8 =	vadd.s32 v10, v8  }
0x26e: {  	v22 =	vld [tilespmem:s25+$0xFFFFEBFB];
	[tilespmem:s26+$0xFFFFEBFB] =	vst v7;
	v8 =	vadd.s32 v11, v8  }
0x26f: {  	v30 =	vld [tilespmem:s25+$0x401];
	[tilespmem:s25+$0x401] =	vst v7;
	v8 =	vadd.s32 v12, v8  }
0x270: {  	v23 =	vld [tilespmem:s25+$0xFFFFEFFC];
	[tilespmem:s26+$0xFFFFE7FA] =	vst v7;
	v8 =	vadd.s32 v13, v8  }
0x271: {  	[tilespmem:s26+$0xFFFFE3F9] =	vst v7;
	v8 =	vadd.s32 v14, v8  }
0x272: {  	[tilespmem:s25+$0xFFFFEFFC] =	vst v7;
	v9 =	vld [tilespmem:s25+$0xC03];
	v10 =	vadd.s32 v18, v20;
	v8 =	vadd.s32 v15, v8  }
0x273: {  	[tilespmem:s25+$0xFFFFEBFB] =	vst v7;
	v10 =	vadd.s32 v21, v10;
	v12 =	vld [tilespmem:s26+$0x1405];
	v8 =	vadd.s32 v16, v8  }
0x274: {  	[tilespmem:s25+$0xFFFFE7FA] =	vst v7;
	v11 =	vadd.s32 v22, v10;
	v14 =	vld [tilespmem:s26+$0x1806];
	v8 =	vadd.s32 v17, v8  }
0x275: {  	[tilespmem:s25+$0xC03] =	vst v7;
	v11 =	vadd.s32 v23, v11;
	v15 =	vld [tilespmem:s26+$0x1C07];
	v8 =	vadd.s32 v19, v8  }
0x276: {  	[tilespmem:s26+$0x1405] =	vst v7;
	v13 =	vld [tilespmem:s25+$0x802];
	v11 =	vadd.s32 v24, v11;
	v8 =	vadd.s32 v25, v8  }
0x277: {  	v10 =	vld [tilespmem:s25+$0x1004];
	[tilespmem:s25+$0x1004] =	vst v7;
	v63 =	vadd.s32 v26, v11;
	v8 =	vadd.s32 v27, v8  }
0x278: {  	[tilespmem:s25+$0x802] =	vst v7;
	v8 =	vadd.s32 v12, v8;
	v12 =	vadd.s32 v28, v63  }
0x279: {  	[tilespmem:s26+$0x1806] =	vst v7;
	v11 =	vld [tilespmem:s25+$0x1405];
	v8 =	vadd.s32 v14, v8;
	v14 =	vadd.s32 v29, v12  }
0x27a: {  	[tilespmem:s26+$0x1C07] =	vst v7;
	v12 =	vld [tilespmem:s25+$0x1806];
	v8 =	vadd.s32 v15, v8;
	v14 =	vadd.s32 v30, v14  }
0x27b: {  	s28 =	simm.s32 $0x12018;
	s26 =	simm.s32 $0x10;
	[tilespmem:s24+$0x0] =	vst v8;
	v14 =	vadd.s32 v13, v14;
	v13 =	vld [tilespmem:s25+$0x1C07];
	v8 =	vimm.s32 $0x0  }
.LBB2_39:
0x27c: {  	[tilespmem:s25+$0xFFFFE3F9] =	vst v8;
	v9 =	vadd.s32 v9, v14;
	s28 =	sadd.s32 $0x10, s28  }
0x27d: {  	v14 =	vld [tilespmem:s28+$0xFFFFDFF8];
	[tilespmem:s28+$0xFFFFDFF8] =	vst v7;
	v9 =	vadd.s32 v10, v9  }
0x27e: {  	s26 =	sadd.s32 $0x10, s26;
	v10 =	vld [tilespmem:s28+$0xFFFFE3F9];
	v9 =	vadd.s32 v11, v9;
	[tilespmem:s25+$0x1405] =	vst v8  }
0x27f: {  	p0 =	slt.u32 s26, $0x3F0;
	v11 =	vld [tilespmem:s28+$0xFFFFE7FA];
	v9 =	vadd.s32 v12, v9;
	[tilespmem:s25+$0x1806] =	vst v8  }
0x280: {  	s24 =	sadd.s32 $0x10, s24;
	v12 =	vld [tilespmem:s28+$0xFFFFEBFB];
	v9 =	vadd.s32 v13, v9;
	[tilespmem:s25+$0x1C07] =	vst v8;
	v8 =	vmov v7;
	s25 =	smov.u32 s28  }
0x281: {  	v13 =	vld [tilespmem:s28+$0xFFFFEFFC];
	[tilespmem:s24+$0x0] =	vst v9  }
0x282: {  	v9 =	vld [tilespmem:s28+$0xFFFFF3FD];
	[tilespmem:s28+$0xFFFFF3FD] =	vst v8  }
0x283: {  	v10 =	vadd.s32 v14, v10;
	v14 =	vld [tilespmem:s28+$0xFFFFF7FE];
	[tilespmem:s28+$0xFFFFF7FE] =	vst v8  }
0x284: {  	v10 =	vadd.s32 v11, v10;
	v11 =	vld [tilespmem:s28+$0xFFFFFBFF];
	[tilespmem:s28+$0xFFFFFBFF] =	vst v8  }
0x285: {  	v10 =	vadd.s32 v12, v10;
	v12 =	vld [tilespmem:s28+$0x0];
	[tilespmem:s28+$0x0] =	vst v8  }
0x286: {  	v10 =	vadd.s32 v13, v10;
	v13 =	vld [tilespmem:s28+$0x401];
	[tilespmem:s28+$0x401] =	vst v8  }
0x287: {  	v9 =	vadd.s32 v9, v10;
	v15 =	vld [tilespmem:s28+$0x802];
	[tilespmem:s28+$0x802] =	vst v8  }
.Ltmp32:
0x288: {  	v10 =	vadd.s32 v14, v9;
	v9 =	vld [tilespmem:s28+$0xC03];
	[tilespmem:s28+$0xC03] =	vst v8;
	(pc) =	sbr.rel @p0 .LBB2_39-.Ltmp32, $4  }
0x289: {  	v11 =	vadd.s32 v11, v10;
	v10 =	vld [tilespmem:s28+$0x1004];
	[tilespmem:s28+$0x1004] =	vst v8  }
0x28a: {  	[tilespmem:s28+$0xFFFFEFFC] =	vst v8;
	v12 =	vadd.s32 v12, v11;
	v11 =	vld [tilespmem:s28+$0x1405]  }
0x28b: {  	[tilespmem:s28+$0xFFFFEBFB] =	vst v8;
	v13 =	vadd.s32 v13, v12;
	v12 =	vld [tilespmem:s28+$0x1806]  }
0x28c: {  	[tilespmem:s28+$0xFFFFE7FA] =	vst v8;
	v14 =	vadd.s32 v15, v13;
	v13 =	vld [tilespmem:s28+$0x1C07]  }
0x28d: {  	v9 =	vadd.s32 v9, v14  }
0x28e: {  	[tilespmem:s25+$0xFFFFE3F9] =	vst v8;
	p2 =	por $0x1, $0x1;
	v9 =	vadd.s32 v10, v9  }
.Ltmp33:
0x28f: {  	[tilespmem:s25+$0x1405] =	vst v8;
	v9 =	vadd.s32 v11, v9;
	(pc) =	sbr.rel @!p2 .LBB2_41-.Ltmp33, $4  }
0x290: {  	[tilespmem:s25+$0x1806] =	vst v8;
	v9 =	vadd.s32 v12, v9  }
0x291: {  	[tilespmem:s25+$0x1C07] =	vst v8;
	s0 =	sadd.s32 $0x10, s24;
	v9 =	vadd.s32 v13, v9  }
0x292: {  	s31 =	simm.s32 $0x3F0;
	[tilespmem:s0+$0x0] =	vst v9  }
0x293: {  	p0 =	por $0x0, $0x0;
	p1 =	por $0x0, $0x0;
	v10 =	vld [tilespmem:s31+$0x14080]  }
0x294: {  	_ = 	snop  }
0x295: {  	p2 =	por $0x1, $0x1  }
.Ltmp34:
0x296: {  	_ = 	snop;
	(pc) =	sbr.rel @!p2 .LBB2_57-.Ltmp34, $4  }
0x297: {  	_ = 	snop  }
0x298: {  	v8 =	vperm.xlane v10, v4  }
0x299: {  	s0 =	simm.s32 $0x3E0  }
0x29a: {  	p0 =	por $0x1, $0x1;
	v10 =	vld [tilespmem:s0+$0x14080];
	(xrf0) =	vadd.scan.msk.s32 $0xffff, v8  }
0x29b: {  	_ =	sdelay $0x2  }
0x29c: {  	p2 =	por $0x1, $0x1  }
.Ltmp35:
0x29d: {  	s0 =	simm.s32 $0x3D0;
	v14 =	vperm.xlane v10, v4;
	(pc) =	sbr.rel @!p2 .LBB2_59-.Ltmp35, $4  }
0x29e: {  	v10 =	vld [tilespmem:s0+$0x14080]  }
0x29f: {  	v9, _, _ =	vpop (xrf0);
	(xrf0) =	vadd.scan.msk.s32 $0xffff, v14  }
0x2a0: {  	v12 =	vimm.s32 $0x0;
	v9 =	vadd.s32 v7, v9  }
0x2a1: {  	s24 =	simm.s32 $0xF00;
	p1 =	por $0x1, $0x1;
	vm0 =	vgt.s32 v9, $0xCCC;
	v13 =	vperm.xlane v9, v4;
	v9 =	vimm.s32 $0x0  }
.LBB2_60:
0x2a2: {  	p2 =	sne.s32 s24, $0x0;
	v16 =	vmpcnt.ones.xlane vm0;
	v15 =	vsel vm0, $0x0, v8;
	v8 =	vmov v14;
	s0 =	smov.u32 s24;
	s24 =	sadd.s32 $0xFFFFFFC0, s24  }
.Ltmp36:
0x2a3: {  	s0 =	sshra.s32 s0, $0x2;
	v14 =	vperm.xlane v10, v4;
	v9 =	vadd.s32 v9, v15;
	v13 =	vbroadcast v13, $0x0;
	(pc) =	sbr.rel @p2 .LBB2_60-.Ltmp36, $4  }
0x2a4: {  	v10 =	vld [tilespmem:s0+$0x14080];
	v12 =	vadd.s32 v12, v16  }
0x2a5: {  	(xrf0) =	vadd.scan.msk.s32 $0xffff, v14;
	v11, _, _ =	vpop (xrf0)  }
0x2a6: {  	v11 =	vadd.s32 v13, v11  }
0x2a7: {  	vm0 =	vgt.s32 v11, $0xCCC;
	v13 =	vperm.xlane v11, v4  }
0x2a8: {  	v11 =	vmov v8;
	v8 =	vmov v14  }
.LBB2_62:
0x2a9: {  	v13 =	vbroadcast @p1 v13, $0x0  }
0x2aa: {  	v10 =	vperm.xlane v10, v4  }
0x2ab: {  	v14, _, _ =	vpop @p0 (xrf0);
	v13 =	vpsel p1, v13, v7  }
0x2ac: {  	(xrf0) =	vadd.scan.msk.s32 $0xffff, v10;
	v13 =	vadd.s32 @p0 v13, v14  }
0x2ad: {  	v14 =	vperm.xlane @p0 v13, v4;
	_ =	sdelay $0x1  }
0x2ae: {  	v14 =	vpsel p0, v14, v0  }
0x2af: {  	v14 =	vbroadcast @p0 v14, $0x0  }
0x2b0: {  	v15 =	vmpcnt.ones.xlane @p1 vm0;
	vm1 =	vgt.s32 @p0 v13, $0xCCC  }
0x2b1: {  	vm1 =	vmmov @p0 vm1;
	v13, _, _ =	vpop (xrf0);
	v14 =	vpsel p0, v14, v7  }
0x2b2: {  	v12 =	vadd.s32 @p1 v12, v15;
	v15 =	vmpcnt.ones.xlane @p0 vm1;
	v13 =	vadd.s32 v14, v13  }
0x2b3: {  	v12 =	vpsel p1, v12, v7;
	vm2 =	vgt.s32 v13, $0xCCC  }
0x2b4: {  	v12 =	vadd.s32 @p0 v12, v15;
	v13 =	vmpcnt.ones.xlane vm2  }
0x2b5: {  	v12 =	vpsel p0, v12, v7  }
0x2b6: {  	v12 =	vadd.s32 v12, v13  }
0x2b7: {  	v12 =	vxor.u32 $0x80000000, v12  }
0x2b8: {  	(xrf0) =	vmax.scan.msk.u32 $0xffff, v12;
	_ =	sdelay $0x5  }
0x2b9: {  	v12, _, _ =	vpop (xrf0)  }
0x2ba: {  	(v2sf) =	vpush v12, $0xF;
	_ =	sdelay $0xe  }
0x2bb: {  	s0 =	spop (v2sf)  }
0x2bc: {  	_ =	swait.ge [sflag:s22], $0x8000  }
0x2bd: {  	[sflag:s22] =	ssyncset.done $0x0  }
0x2be: {  	s1 =	simm.s32 $0x8040;
	[sflag:s22] =	ssyncadd.s32 $0xFFFF8000  }
0x2bf: {  	v12 =	vld [tilespmem:s1+$0x30]  }
0x2c0: {  	v13 =	vld [tilespmem:s1+$0x20]  }
0x2c1: {  	v14 =	vld [tilespmem:s1+$0x10]  }
0x2c2: {  	v11 =	vsel @p1 vm0, $0x0, v11;
	v16 =	vld [tilespmem:s1+$0x0]  }
0x2c3: {  	v8 =	vpsel p0, v8, v0;
	v9 =	vadd.s32 @p1 v9, v11;
	v17 =	vld [tilespmem:s1+$0xFFFFFFF0]  }
0x2c4: {  	v9 =	vpsel p1, v9, v7;
	v8 =	vsel @p0 vm1, $0x0, v8;
	v18 =	vld [tilespmem:s1+$0xFFFFFFE0]  }
0x2c5: {  	v8 =	vadd.s32 @p0 v9, v8;
	v19 =	vld [tilespmem:s1+$0xFFFFFFD0]  }
0x2c6: {  	v21 =	vimm.s32 $0x0;
	v7 =	vpsel p0, v8, v7;
	v8 =	vsel vm2, $0x0, v10;
	v20 =	vld [tilespmem:s1+$0xFFFFFFC0]  }
0x2c7: {  	v8 =	vadd.s32 v7, v8;
	v7 =	vshll.u32 v21, $0x4  }
0x2c8: {  	v29 =	vor.u32 v0, v7;
	s24 =	sadd.s32 $0x7FFFFFFF, s0  }
0x2c9: {  	v11 =	vmov s24;
	v7 =	vshra.s32 v13, $0x1F;
	v9 =	vshra.s32 v12, $0x1F  }
0x2ca: {  	v10 =	vshra.s32 v17, $0x1F;
	v15 =	vshra.s32 v16, $0x1F;
	v22 =	vshra.s32 v14, $0x1F  }
0x2cb: {  	v23 =	vshra.s32 v20, $0x1F;
	v24 =	vshra.s32 v19, $0x1F;
	v25 =	vshra.s32 v18, $0x1F  }
0x2cc: {  	v22 =	vor.u32 $0x80000000, v22;
	v7 =	vor.u32 $0x80000000, v7;
	v9 =	vor.u32 $0x80000000, v9  }
0x2cd: {  	v25 =	vor.u32 $0x80000000, v25;
	v26 =	vor.u32 $0x80000000, v10;
	v10 =	vor.u32 $0x80000000, v15  }
0x2ce: {  	v23 =	vor.u32 $0x80000000, v23;
	v24 =	vor.u32 $0x80000000, v24;
	v15 =	vxor.u32 v12, v9  }
0x2cf: {  	v12 =	vxor.u32 v16, v10;
	v14 =	vxor.u32 v14, v22;
	v16 =	vxor.u32 v13, v7  }
0x2d0: {  	v10 =	vxor.u32 v19, v24;
	v13 =	vxor.u32 v18, v25;
	v9 =	vxor.u32 v17, v26  }
0x2d1: {  	v30 =	vxor.u32 v20, v23;
	v7 =	vshrl.u32 v16, $0x16;
	v20 =	vshrl.u32 v15, $0x16  }
0x2d2: {  	v17 =	vshrl.u32 v30, $0x16;
	v22 =	vshrl.u32 v12, $0x16;
	v24 =	vshrl.u32 v14, $0x16  }
0x2d3: {  	v19 =	vshrl.u32 v9, $0x16;
	v23 =	vshrl.u32 v13, $0x16;
	v26 =	vshrl.u32 v12, $0xE  }
0x2d4: {  	v28 =	vshrl.u32 v14, $0xE;
	vm4 =	veq.s32 v17, v11;
	v17 =	vshrl.u32 v10, $0x16  }
0x2d5: {  	vm10 =	veq.s32 v23, v11;
	vm0 =	veq.s32 v19, v11;
	vm1 =	veq.s32 v22, v11  }
0x2d6: {  	vm2 =	veq.s32 v24, v11;
	v18 =	vsel vm4, $0x1, v1;
	vm7 =	veq.s32 v17, v11  }
0x2d7: {  	vm3 =	veq.s32 v7, v11;
	v17 =	vadd.s32 v18, v21;
	v18 =	vsel vm7, $0x1, v1  }
0x2d8: {  	vm5 =	veq.s32 v20, v11;
	v21 =	vsel vm10, $0x1, v1;
	v18 =	vadd.s32 v18, v17  }
0x2d9: {  	v20 =	vshrl.u32 v30, $0xE;
	v19 =	vadd.s32 v21, v18;
	v21 =	vsel vm0, $0x1, v1  }
0x2da: {  	v22 =	vshrl.u32 v13, $0xE;
	v23 =	vadd.s32 v21, v19;
	v21 =	vsel vm1, $0x1, v1  }
0x2db: {  	v24 =	vshrl.u32 v9, $0xE;
	v25 =	vadd.s32 v21, v23;
	v21 =	vsel vm2, $0x1, v1  }
0x2dc: {  	v7 =	vsel vm3, $0x1, v1;
	[tilespmem:v29+s17+$0x0] =	vst.idx.msk vm4, v30;
	v29 =	vshrl.u32 v16, $0xE;
	v27 =	vadd.s32 v21, v25  }
0x2dd: {  	v21 =	vshrl.u32 v10, $0xE;
	v31 =	vadd.s32 v7, v27;
	v7 =	vsel vm5, $0x1, v1  }
0x2de: {  	s26 =	simm.s32 $0x0;
	s28 =	simm.s32 $0x80C0;
	v7 =	vadd.s32 v7, v31;
	v30 =	vshll.u32 v31, $0x4;
	v31 =	vshrl.u32 v15, $0xE  }
.LBB2_63:
0x2df: {  	v23 =	vshll.u32 v23, $0x4;
	v25 =	vshll.u32 v25, $0x4;
	v27 =	vshll.u32 v27, $0x4  }
0x2e0: {  	v32 =	vld [tilespmem:s28+$0x30];
	vm6 =	vmmov vm4;
	vm8 =	vmmov vm7;
	vm9 =	vmmov vm10  }
0x2e1: {  	v17 =	vshll.u32 v17, $0x4;
	v18 =	vshll.u32 v18, $0x4;
	v19 =	vshll.u32 v19, $0x4;
	v33 =	vld [tilespmem:s28+$0x20]  }
0x2e2: {  	v20 =	vand.u32 $0xFF, v20;
	v21 =	vand.u32 $0xFF, v21;
	v22 =	vand.u32 $0xFF, v22;
	v34 =	vld [tilespmem:s28+$0x10]  }
0x2e3: {  	v24 =	vand.u32 $0xFF, v24;
	v26 =	vand.u32 $0xFF, v26;
	v28 =	vand.u32 $0xFF, v28;
	v35 =	vld [tilespmem:s28+$0x0]  }
0x2e4: {  	v36 =	vshll.u32 v7, $0x4;
	v29 =	vand.u32 $0xFF, v29;
	v31 =	vand.u32 $0xFF, v31;
	v37 =	vld [tilespmem:s28+$0xFFFFFFF0]  }
0x2e5: {  	s26 =	sadd.s32 $0x80, s26;
	v30 =	vor.u32 v0, v30;
	v25 =	vor.u32 v0, v25;
	v27 =	vor.u32 v0, v27;
	v38 =	vld [tilespmem:s28+$0xFFFFFFE0]  }
0x2e6: {  	p0 =	slt.u32 s26, $0x7F80;
	v18 =	vor.u32 v0, v18;
	v19 =	vor.u32 v0, v19;
	v23 =	vor.u32 v0, v23;
	v39 =	vld [tilespmem:s28+$0xFFFFFFD0]  }
0x2e7: {  	v20 =	vadd.s32 v5, v20;
	v41 =	vor.u32 v0, v17;
	v21 =	vadd.s32 v5, v21;
	v40 =	vld [tilespmem:s28+$0xFFFFFFC0]  }
0x2e8: {  	v22 =	vadd.s32 v5, v22;
	v17 =	vadd.s32 v5, v24;
	v24 =	vadd.s32 v5, v26  }
0x2e9: {  	v26 =	vadd.s32 v5, v28;
	v28 =	vadd.s32 v5, v29;
	v29 =	vadd.s32 v5, v31  }
0x2ea: {  	v31 =	vor.u32 v0, v36;
	v42 =	vshra.s32 v32, $0x1F;
	v36 =	vshra.s32 v33, $0x1F;
	[tilespmem:v30+s17+$0x0] =	vst.idx.msk vm5, v15  }
0x2eb: {  	v43 =	vshra.s32 v34, $0x1F;
	v15 =	vshra.s32 v37, $0x1F;
	v30 =	vshra.s32 v35, $0x1F;
	[tilespmem:v27+s17+$0x0] =	vst.idx.msk vm3, v16  }
0x2ec: {  	v44 =	vshra.s32 v38, $0x1F;
	v27 =	vshra.s32 v39, $0x1F;
	v16 =	vshra.s32 v40, $0x1F;
	[tilespmem:v25+s17+$0x0] =	vst.idx.msk vm2, v14  }
0x2ed: {  	v14 =	vor.u32 $0x80000000, v43;
	v25 =	vor.u32 $0x80000000, v36;
	v36 =	vor.u32 $0x80000000, v42;
	[tilespmem:v23+s17+$0x0] =	vst.idx.msk vm1, v12  }
0x2ee: {  	v42 =	vor.u32 $0x80000000, v15;
	v23 =	vor.u32 $0x80000000, v44;
	v12 =	vor.u32 $0x80000000, v30;
	[tilespmem:v29+s18+$0x0] =	vst.idx.add.s32.msk vm5, v3  }
0x2ef: {  	v27 =	vor.u32 $0x80000000, v27;
	v15 =	vxor.u32 v32, v36;
	v29 =	vor.u32 $0x80000000, v16;
	[tilespmem:v28+s18+$0x0] =	vst.idx.add.s32.msk vm3, v3  }
0x2f0: {  	v14 =	vxor.u32 v34, v14;
	v12 =	vxor.u32 v35, v12;
	v16 =	vxor.u32 v33, v25  }
0x2f1: {  	v30 =	vxor.u32 v38, v23;
	v23 =	vxor.u32 v37, v42;
	v28 =	vxor.u32 v39, v27  }
0x2f2: {  	v32 =	vshrl.u32 v15, $0x16;
	v29 =	vxor.u32 v40, v29;
	v27 =	vshrl.u32 v16, $0x16;
	[tilespmem:v26+s18+$0x0] =	vst.idx.add.s32.msk vm2, v3  }
0x2f3: {  	v33 =	vshrl.u32 v14, $0x16;
	v25 =	vshrl.u32 v29, $0x16;
	v26 =	vshrl.u32 v12, $0x16;
	[tilespmem:v24+s18+$0x0] =	vst.idx.add.s32.msk vm1, v3  }
0x2f4: {  	vm4 =	veq.s32 v25, v11;
	v25 =	vshrl.u32 v23, $0x16;
	v24 =	vshrl.u32 v28, $0x16;
	[tilespmem:v19+s17+$0x0] =	vst.idx.msk vm0, v9;
	v9 =	vmovc v23  }
0x2f5: {  	v19 =	vsel vm4, $0x1, v1;
	vm7 =	veq.s32 v24, v11;
	v23 =	vshrl.u32 v30, $0x16;
	[tilespmem:v17+s18+$0x0] =	vst.idx.add.s32.msk vm0, v3  }
0x2f6: {  	v17 =	vadd.s32 v19, v7;
	v7 =	vsel vm7, $0x1, v1;
	vm10 =	veq.s32 v23, v11;
	[tilespmem:v18+s17+$0x0] =	vst.idx.msk vm9, v13  }
0x2f7: {  	vm0 =	veq.s32 v25, v11;
	v18 =	vadd.s32 v7, v17;
	v7 =	vsel vm10, $0x1, v1;
	[tilespmem:v22+s18+$0x0] =	vst.idx.add.s32.msk vm9, v3  }
0x2f8: {  	vm1 =	veq.s32 v26, v11;
	v19 =	vadd.s32 v7, v18;
	v7 =	vsel vm0, $0x1, v1;
	[tilespmem:v41+s17+$0x0] =	vst.idx.msk vm8, v10  }
0x2f9: {  	vm2 =	veq.s32 v33, v11;
	v23 =	vadd.s32 v7, v19;
	v7 =	vsel vm1, $0x1, v1;
	[tilespmem:v21+s18+$0x0] =	vst.idx.add.s32.msk vm8, v3  }
0x2fa: {  	vm3 =	veq.s32 v27, v11;
	v25 =	vadd.s32 v7, v23;
	v7 =	vsel vm2, $0x1, v1;
	[tilespmem:v31+s17+$0x0] =	vst.idx.msk vm4, v29  }
.Ltmp37:
0x2fb: {  	vm5 =	veq.s32 v32, v11;
	v27 =	vadd.s32 v7, v25;
	v7 =	vsel vm3, $0x1, v1;
	[tilespmem:v20+s18+$0x0] =	vst.idx.add.s32.msk vm6, v3;
	(pc) =	sbr.rel @p0 .LBB2_63-.Ltmp37, $4  }
0x2fc: {  	v13 =	vmovc v30;
	v10 =	vmovc v28;
	v20 =	vshrl.u32 v29, $0xE;
	v31 =	vadd.s32 v7, v27;
	v7 =	vsel vm5, $0x1, v1  }
0x2fd: {  	s25 =	simm.s32 $0x15500;
	s29 =	simm.s32 $0x14C88;
	v22 =	vshrl.u32 v13, $0xE;
	v21 =	vshrl.u32 v10, $0xE;
	v7 =	vadd.s32 v7, v31  }
0x2fe: {  	v26 =	vshrl.u32 v12, $0xE;
	v24 =	vshrl.u32 v9, $0xE;
	v28 =	vshrl.u32 v14, $0xE  }
0x2ff: {  	s28 =	sadd.s32 $0x80, s28;
	v29 =	vshrl.u32 v16, $0xE;
	v30 =	vshll.u32 v31, $0x4;
	v31 =	vshrl.u32 v15, $0xE  }
0x300: {  	v11 =	vshll.u32 v27, $0x4;
	v49 =	vor.u32 v0, v30  }
0x301: {  	v25 =	vshll.u32 v25, $0x4;
	v11 =	vor.u32 v0, v11  }
0x302: {  	v23 =	vshll.u32 v23, $0x4;
	v25 =	vor.u32 v0, v25  }
0x303: {  	v50 =	vand.u32 $0xFF, v31;
	v23 =	vor.u32 v0, v23  }
0x304: {  	v17 =	vshll.u32 v17, $0x4;
	v30 =	vadd.s32 v5, v50  }
0x305: {  	v29 =	vand.u32 $0xFF, v29;
	v17 =	vor.u32 v0, v17;
	[tilespmem:v49+s17+$0x0] =	vst.idx.msk vm5, v15  }
0x306: {  	v28 =	vand.u32 $0xFF, v28;
	v29 =	vadd.s32 v5, v29;
	[tilespmem:v11+s17+$0x0] =	vst.idx.msk vm3, v16  }
0x307: {  	v51 =	vadd.s32 v5, v28;
	v15 =	vand.u32 $0xFF, v26;
	[tilespmem:v25+s17+$0x0] =	vst.idx.msk vm2, v14  }
0x308: {  	v11 =	vshll.u32 v19, $0x4;
	v15 =	vadd.s32 v5, v15;
	[tilespmem:v23+s17+$0x0] =	vst.idx.msk vm1, v12  }
0x309: {  	v53 =	vand.u32 $0xFF, v21;
	[tilespmem:v30+s18+$0x0] =	vst.idx.add.s32.msk vm5, v3;
	v11 =	vor.u32 v0, v11  }
0x30a: {  	v12 =	vshll.u32 v18, $0x4;
	v18 =	vadd.s32 v5, v53;
	[tilespmem:v17+s17+$0x0] =	vst.idx.msk vm7, v10  }
0x30b: {  	v14 =	vand.u32 $0xFF, v24;
	v12 =	vor.u32 v0, v12;
	[tilespmem:v29+s18+$0x0] =	vst.idx.add.s32.msk vm3, v3  }
0x30c: {  	v52 =	vand.u32 $0xFF, v22;
	v14 =	vadd.s32 v5, v14;
	[tilespmem:v51+s18+$0x0] =	vst.idx.add.s32.msk vm2, v3  }
0x30d: {  	v16 =	vadd.s32 v5, v52;
	[tilespmem:v15+s18+$0x0] =	vst.idx.add.s32.msk vm1, v3;
	v15 =	vand.u32 $0xFF, v20  }
0x30e: {  	[tilespmem:v11+s17+$0x0] =	vst.idx.msk vm0, v9;
	v9 =	vadd.s32 v5, v15  }
0x30f: {  	[tilespmem:v18+s18+$0x0] =	vst.idx.add.s32.msk vm7, v3  }
0x310: {  	[tilespmem:v12+s17+$0x0] =	vst.idx.msk vm10, v13  }
0x311: {  	[tilespmem:v14+s18+$0x0] =	vst.idx.add.s32.msk vm0, v3  }
0x312: {  	[tilespmem:v16+s18+$0x0] =	vst.idx.add.s32.msk vm10, v3  }
0x313: {  	[tilespmem:v9+s18+$0x0] =	vst.idx.add.s32.msk vm4, v3  }
0x314: {  	v9 =	vld [tilespmem:s29+$0xFFFFF7F8]  }
0x315: {  	v10 =	vld [tilespmem:s29+$0xFFFFF8F9]  }
0x316: {  	v11 =	vld [tilespmem:s29+$0xFFFFF9FA]  }
0x317: {  	v12 =	vld [tilespmem:s29+$0xFFFFFAFB]  }
0x318: {  	v13 =	vld [tilespmem:s29+$0xFFFFFBFC];
	[tilespmem:s29+$0xFFFFF7F8] =	vst v1  }
0x319: {  	s26 =	simm.s32 $0x14C98;
	v14 =	vld [tilespmem:s29+$0xFFFFFCFD];
	[tilespmem:s29+$0xFFFFFCFD] =	vst v1  }
0x31a: {  	v54 =	vld [tilespmem:s26+$0xFFFFF7F8];
	[tilespmem:s26+$0xFFFFF7F8] =	vst v1  }
0x31b: {  	v15 =	vld [tilespmem:s29+$0xFFFFFDFE];
	[tilespmem:s29+$0xFFFFFDFE] =	vst v1  }
0x31c: {  	v16 =	vld [tilespmem:s29+$0xFFFFFEFF];
	[tilespmem:s29+$0xFFFFFEFF] =	vst v1  }
0x31d: {  	v17 =	vld [tilespmem:s29+$0x0];
	[tilespmem:s29+$0x0] =	vst v1  }
0x31e: {  	v18 =	vld [tilespmem:s29+$0x101];
	[tilespmem:s29+$0x101] =	vst v1  }
0x31f: {  	v55 =	vld [tilespmem:s29+$0x202];
	[tilespmem:s29+$0x202] =	vst v1  }
0x320: {  	v25 =	vld [tilespmem:s26+$0xFFFFFCFD];
	[tilespmem:s26+$0xFFFFFCFD] =	vst v1  }
0x321: {  	v26 =	vld [tilespmem:s29+$0x303];
	[tilespmem:s29+$0x303] =	vst v1  }
0x322: {  	v27 =	vld [tilespmem:s26+$0xFFFFFDFE];
	[tilespmem:s26+$0xFFFFFDFE] =	vst v1  }
0x323: {  	v59 =	vld [tilespmem:s29+$0x404];
	[tilespmem:s29+$0x404] =	vst v1  }
0x324: {  	v29 =	vld [tilespmem:s26+$0xFFFFFEFF];
	[tilespmem:s26+$0xFFFFFEFF] =	vst v1  }
0x325: {  	v56 =	vld [tilespmem:s26+$0xFFFFF8F9];
	[tilespmem:s29+$0xFFFFFBFC] =	vst v1  }
0x326: {  	v30 =	vld [tilespmem:s26+$0x0];
	[tilespmem:s26+$0x0] =	vst v1;
	v9 =	vadd.s32 v9, v10  }
0x327: {  	v57 =	vld [tilespmem:s26+$0xFFFFF9FA];
	[tilespmem:s29+$0xFFFFFAFB] =	vst v1;
	v9 =	vadd.s32 v11, v9  }
0x328: {  	v23 =	vld [tilespmem:s26+$0xFFFFFAFB];
	[tilespmem:s29+$0xFFFFF9FA] =	vst v1;
	v9 =	vadd.s32 v12, v9  }
0x329: {  	v58 =	vld [tilespmem:s26+$0xFFFFFBFC];
	[tilespmem:s29+$0xFFFFF8F9] =	vst v1;
	v9 =	vadd.s32 v13, v9  }
0x32a: {  	[tilespmem:s26+$0xFFFFFBFC] =	vst v1;
	v9 =	vadd.s32 v14, v9  }
0x32b: {  	v61 =	vld [tilespmem:s29+$0x707];
	[tilespmem:s26+$0xFFFFFAFB] =	vst v1;
	v10 =	vadd.s32 v54, v56;
	v9 =	vadd.s32 v15, v9  }
0x32c: {  	[tilespmem:s29+$0x707] =	vst v1;
	v11 =	vld [tilespmem:s29+$0x505];
	v10 =	vadd.s32 v57, v10;
	v9 =	vadd.s32 v16, v9  }
0x32d: {  	[tilespmem:s26+$0xFFFFF9FA] =	vst v1;
	v12 =	vld [tilespmem:s26+$0x101];
	v10 =	vadd.s32 v23, v10;
	v9 =	vadd.s32 v17, v9  }
0x32e: {  	[tilespmem:s26+$0xFFFFF8F9] =	vst v1;
	v10 =	vadd.s32 v58, v10;
	v15 =	vld [tilespmem:s29+$0x606];
	v60 =	vadd.s32 v18, v9  }
0x32f: {  	[tilespmem:s29+$0x505] =	vst v1;
	v13 =	vld [tilespmem:s26+$0x202];
	v10 =	vadd.s32 v25, v10;
	v16 =	vadd.s32 v55, v60  }
0x330: {  	[tilespmem:s26+$0x101] =	vst v1;
	v14 =	vld [tilespmem:s26+$0x303];
	v62 =	vadd.s32 v27, v10;
	v16 =	vadd.s32 v26, v16  }
0x331: {  	[tilespmem:s26+$0x202] =	vst v1;
	v63 =	vadd.s32 v29, v62;
	v9 =	vld [tilespmem:s26+$0x404];
	v16 =	vadd.s32 v59, v16  }
0x332: {  	[tilespmem:s26+$0x303] =	vst v1;
	v10 =	vld [tilespmem:s26+$0x505];
	v11 =	vadd.s32 v11, v16;
	v16 =	vadd.s32 v30, v63  }
0x333: {  	[tilespmem:s29+$0x606] =	vst v1;
	v15 =	vadd.s32 v15, v11;
	v11 =	vld [tilespmem:s26+$0x606];
	v12 =	vadd.s32 v12, v16  }
0x334: {  	vm6 =	vmmov vm10;
	[tilespmem:s26+$0x404] =	vst v1;
	v15 =	vadd.s32 v61, v15;
	v13 =	vadd.s32 v13, v12;
	v12 =	vld [tilespmem:s26+$0x707]  }
0x335: {  	vm14 =	vmmov vm7;
	vm15 =	vmmov vm4;
	s28 =	simm.s32 $0x10;
	s29 =	simm.s32 $0x14CA8;
	[tilespmem:s25+$0x0] =	vst v15;
	v13 =	vadd.s32 v14, v13  }
.LBB2_65:
0x336: {  	v14 =	vld [tilespmem:s29+$0xFFFFF7F8];
	[tilespmem:s29+$0xFFFFF7F8] =	vst v1;
	v9 =	vadd.s32 v9, v13  }
0x337: {  	s28 =	sadd.s32 $0x10, s28;
	v13 =	vld [tilespmem:s29+$0xFFFFF8F9];
	v9 =	vadd.s32 v10, v9;
	[tilespmem:s26+$0x505] =	vst v1  }
0x338: {  	p0 =	slt.u32 s28, $0xF0;
	v10 =	vld [tilespmem:s29+$0xFFFFF9FA];
	v9 =	vadd.s32 v11, v9;
	[tilespmem:s26+$0x606] =	vst v1  }
0x339: {  	s25 =	sadd.s32 $0x10, s25;
	v11 =	vld [tilespmem:s29+$0xFFFFFAFB];
	v9 =	vadd.s32 v12, v9;
	[tilespmem:s26+$0x707] =	vst v1;
	s26 =	smov.u32 s29  }
0x33a: {  	v12 =	vld [tilespmem:s29+$0xFFFFFBFC];
	[tilespmem:s25+$0x0] =	vst v9  }
0x33b: {  	v9 =	vld [tilespmem:s29+$0xFFFFFCFD];
	[tilespmem:s29+$0xFFFFFCFD] =	vst v1  }
0x33c: {  	v13 =	vadd.s32 v14, v13;
	v14 =	vld [tilespmem:s29+$0xFFFFFDFE];
	[tilespmem:s29+$0xFFFFFDFE] =	vst v1  }
0x33d: {  	v10 =	vadd.s32 v10, v13;
	v13 =	vld [tilespmem:s29+$0xFFFFFEFF];
	[tilespmem:s29+$0xFFFFFEFF] =	vst v1  }
0x33e: {  	v10 =	vadd.s32 v11, v10;
	v11 =	vld [tilespmem:s29+$0x0];
	[tilespmem:s29+$0x0] =	vst v1  }
0x33f: {  	v10 =	vadd.s32 v12, v10;
	v12 =	vld [tilespmem:s29+$0x101];
	[tilespmem:s29+$0x101] =	vst v1  }
0x340: {  	v9 =	vadd.s32 v9, v10;
	v15 =	vld [tilespmem:s29+$0x202];
	[tilespmem:s29+$0x202] =	vst v1  }
0x341: {  	v9 =	vadd.s32 v14, v9;
	v14 =	vld [tilespmem:s29+$0x303];
	[tilespmem:s29+$0x303] =	vst v1  }
.Ltmp38:
0x342: {  	v10 =	vadd.s32 v13, v9;
	v9 =	vld [tilespmem:s29+$0x404];
	[tilespmem:s29+$0x404] =	vst v1;
	(pc) =	sbr.rel @p0 .LBB2_65-.Ltmp38, $4  }
0x343: {  	[tilespmem:s29+$0xFFFFFBFC] =	vst v1;
	v11 =	vadd.s32 v11, v10;
	v10 =	vld [tilespmem:s29+$0x505]  }
0x344: {  	[tilespmem:s29+$0xFFFFFAFB] =	vst v1;
	v12 =	vadd.s32 v12, v11;
	v11 =	vld [tilespmem:s29+$0x606]  }
0x345: {  	[tilespmem:s29+$0xFFFFF9FA] =	vst v1;
	v13 =	vadd.s32 v15, v12;
	v12 =	vld [tilespmem:s29+$0x707]  }
0x346: {  	s29 =	sadd.s32 $0x10, s29;
	[tilespmem:s26+$0xFFFFF8F9] =	vst v1;
	v13 =	vadd.s32 v14, v13  }
0x347: {  	v9 =	vadd.s32 v9, v13  }
0x348: {  	[tilespmem:s26+$0x505] =	vst v1;
	v9 =	vadd.s32 v10, v9  }
0x349: {  	[tilespmem:s26+$0x606] =	vst v1;
	v9 =	vadd.s32 v11, v9  }
0x34a: {  	[tilespmem:s26+$0x707] =	vst v1;
	s0 =	sadd.s32 $0x10, s25;
	v9 =	vadd.s32 v12, v9  }
0x34b: {  	s29 =	simm.s32 $0xF0;
	[tilespmem:s0+$0x0] =	vst v9  }
0x34c: {  	v9 =	vld [tilespmem:s29+$0x15500];
	_ =	sdelay $0x4  }
0x34d: {  	(xrf0) =	vadd.scan.msk.s32 $0xffff, v8;
	s30 =	simm.s32 $0xE0;
	v9 =	vperm.xlane v9, v4  }
0x34e: {  	v11 =	vld [tilespmem:s30+$0x15500]  }
0x34f: {  	(xrf0) =	vadd.scan.msk.s32 $0xffff, v9;
	_ =	sdelay $0x3  }
0x350: {  	s31 =	simm.s32 $0xD0;
	v8, _, _ =	vpop (xrf0);
	v11 =	vperm.xlane v11, v4  }
0x351: {  	v14 =	vld [tilespmem:s31+$0x15500];
	v8 =	vsub.s32 $0xCCD, v8  }
0x352: {  	v10 =	vimm.s32 $0x0;
	v12 =	vbroadcast v8, $0xF;
	(xrf0) =	vadd.scan.msk.s32 $0xffff, v11;
	v13, _, _ =	vpop (xrf0)  }
0x353: {  	v13 =	vadd.s32 v10, v13  }
0x354: {  	s25 =	simm.s32 $0x300;
	vm0 =	vge.s32 v13, v12;
	v15 =	vperm.xlane v13, v4;
	v13 =	vimm.s32 $0x0  }
.LBB2_67:
0x355: {  	p0 =	sne.s32 s25, $0x0;
	v18 =	vmpcnt.ones.xlane vm0;
	v17 =	vsel vm0, $0x0, v9;
	v9 =	vmov v11;
	s0 =	smov.u32 s25;
	s25 =	sadd.s32 $0xFFFFFFC0, s25  }
.Ltmp39:
0x356: {  	s0 =	sshra.s32 s0, $0x2;
	v11 =	vperm.xlane v14, v4;
	v10 =	vadd.s32 v10, v17;
	v15 =	vbroadcast v15, $0x0;
	(pc) =	sbr.rel @p0 .LBB2_67-.Ltmp39, $4  }
0x357: {  	v14 =	vld [tilespmem:s0+$0x15500];
	v13 =	vadd.s32 v13, v18  }
0x358: {  	(xrf0) =	vadd.scan.msk.s32 $0xffff, v11;
	v16, _, _ =	vpop (xrf0)  }
0x359: {  	v15 =	vadd.s32 v15, v16  }
0x35a: {  	vm0 =	vge.s32 v15, v12;
	v15 =	vperm.xlane v15, v4  }
0x35b: {  	_ = 	snop  }
0x35c: {  	v14 =	vperm.xlane v14, v4;
	_ =	sdelay $0x1  }
0x35d: {  	v15 =	vbroadcast v15, $0x0;
	(xrf0) =	vadd.scan.msk.s32 $0xffff, v14  }
0x35e: {  	v16, _, _ =	vpop (xrf0)  }
0x35f: {  	v15 =	vadd.s32 v15, v16  }
0x360: {  	v16 =	vperm.xlane v15, v4  }
0x361: {  	v60 =	vxor.u32 $0x80000000, v7  }
0x362: {  	(xrf0) =	vmax.scan.msk.u32 $0xffff, v60;
	v16 =	vbroadcast v16, $0x0  }
0x363: {  	v17, _, _ =	vpop (xrf0)  }
0x364: {  	v58 =	vmpcnt.ones.xlane vm0;
	vm1 =	vge.s32 v15, v12;
	v57 =	vadd.s32 v16, v17  }
0x365: {  	v59 =	vmpcnt.ones.xlane vm1;
	vm2 =	vge.s32 v57, v12  }
0x366: {  	v13 =	vadd.s32 v13, v58;
	v61 =	vmpcnt.ones.xlane vm2  }
0x367: {  	v12 =	vadd.s32 v13, v59  }
0x368: {  	v62, _, _ =	vpop (xrf0);
	v12 =	vadd.s32 v12, v61  }
0x369: {  	(v2sf) =	vpush v62, $0xF;
	v12 =	vxor.u32 $0x80000000, v12  }
0x36a: {  	(xrf0) =	vmax.scan.msk.u32 $0xffff, v12;
	_ =	sdelay $0x5  }
0x36b: {  	v63, _, _ =	vpop (xrf0)  }
0x36c: {  	(v2sf) =	vpush v63, $0xF;
	_ =	sdelay $0x6  }
0x36d: {  	s28 =	spop (v2sf)  }
0x36e: {  	v9 =	vsel vm0, $0x0, v9;
	s26 =	sxor.u32 $0x80000000, s28  }
0x36f: {  	v9 =	vadd.s32 v10, v9;
	v11 =	vsel vm1, $0x0, v11;
	s0 =	sshra.s32 s26, $0x1F  }
0x370: {  	v9 =	vadd.s32 v9, v11;
	v10 =	vsel vm2, $0x0, v14;
	s0 =	sshrl.u32 s0, $0x1E  }
0x371: {  	v9 =	vadd.s32 v9, v10;
	s0 =	sadd.s32 s0, s26  }
0x372: {  	(xrf0) =	vadd.scan.msk.s32 $0xffff, v9;
	s29 =	sand.u32 $0xFFFFFFFC, s0  }
0x373: {  	p0 =	slt.s32 s29, $0x1  }
.Ltmp40:
0x374: {  	_ = 	snop;
	(pc) =	sbr.rel @p0 .LBB2_69-.Ltmp40, $4  }
0x375: {  	s1 =	spop (v2sf)  }
0x376: {  	s30 =	sshll.u32 s24, $0x8;
	s25 =	sadd.s32 $0x7FFFFFFF, s1  }
0x377: {  	s31 =	sor.u32 s30, s25  }
0x378: {  	v9, _, _ =	vpop (xrf0);
	v10 =	vmov s31  }
0x379: {  	s0 =	simm.s32 $0x15620  }
0x37a: {  	v16 =	vimm.s32 $0x0;
	v11 =	vld [tilespmem:s0+$0x10]  }
0x37b: {  	p1 =	sgt.s32 s29, $0x4;
	vm0 =	vlt.s32 v16, $0x1FF;
	v12 =	vld [tilespmem:s0+$0xFFFFFFE0]  }
.Ltmp41:
0x37c: {  	v13 =	vnsel vm0, $0x1FF, v16;
	(pc) =	sbr.rel @!p1 .LBB2_88-.Ltmp41, $4  }
0x37d: {  	v13 =	vshll.u32 v13, $0x4  }
0x37e: {  	s30 =	simm.s32 $0x0;
	s1 =	simm.s32 $0x2;
	s14 =	simm.s32 $0x3;
	v15 =	vor.u32 v0, v13;
	v13 =	vld [tilespmem:s0+$0x0]  }
0x37f: {  	vm5 =	vgt.s32 v7, s30;
	s30 =	simm.s32 $0x1;
	vm3 =	vgt.s32 v7, s1;
	vm2 =	vgt.s32 v7, s14;
	v14 =	vld [tilespmem:s0+$0xFFFFFFF0]  }
0x380: {  	s31 =	simm.s32 $0x4;
	p0 =	por $0x0, $0x0;
	vm6 =	vgt.s32 v7, s30;
	v25 =	vshrl.u32 v12, $0xE;
	v23 =	vshrl.u32 v11, $0xE  }
0x381: {  	_ =	sdelay $0x2  }
0x382: {  	vm0 =	veq.s32 v25, v10;
	vm1 =	veq.s32 v23, v10;
	v17 =	vshrl.u32 v14, $0xE  }
0x383: {  	vm5 =	vmand vm5, vm0;
	v18 =	vshrl.u32 v13, $0xE;
	vm0 =	veq.s32 v17, v10  }
0x384: {  	v17 =	vsel vm5, $0x1, v1;
	vm4 =	vmand vm6, vm0;
	vm0 =	veq.s32 v18, v10  }
0x385: {  	v17 =	vadd.s32 v17, v16;
	v16 =	vsel vm4, $0x1, v1;
	vm0 =	vmand vm3, vm0  }
0x386: {  	vm1 =	vmand vm2, vm1;
	v18 =	vadd.s32 v16, v17;
	v16 =	vsel vm0, $0x1, v1  }
0x387: {  	vm3 =	vlt.s32 v17, $0x1FF;
	v19 =	vadd.s32 v16, v18;
	v16 =	vsel vm1, $0x1, v1  }
0x388: {  	s30 =	simm.s32 $0x15660;
	v17 =	vnsel vm3, $0x1FF, v17;
	vm2 =	vlt.s32 v18, $0x1FF;
	v16 =	vadd.s32 v16, v19  }
0x389: {  	v21 =	vld [tilespmem:s30+$0x10];
	v17 =	vshll.u32 v17, $0x4;
	vm6 =	vlt.s32 v19, $0x1FF;
	vm7 =	vlt.s32 v16, $0x1FF  }
0x38a: {  	[tilespmem:v15+s19+$0x0] =	vst.idx.msk vm5, v12;
	v12 =	vld [tilespmem:s30+$0xFFFFFFE0];
	v15 =	vnsel vm2, $0x1FF, v18;
	v18 =	vnsel vm6, $0x1FF, v19;
	v19 =	vnsel vm7, $0x1FF, v16  }
0x38b: {  	p1 =	sgt.s32 s29, $0x8;
	v18 =	vshll.u32 v18, $0x4;
	v23 =	vshll.u32 v19, $0x4;
	v19 =	vor.u32 v0, v17;
	v17 =	vld [tilespmem:s30+$0x0]  }
.Ltmp42:
0x38c: {  	v22 =	vor.u32 v0, v18;
	v18 =	vld [tilespmem:s30+$0xFFFFFFF0];
	(pc) =	sbr.rel @!p1 .LBB2_90-.Ltmp42, $4  }
0x38d: {  	v15 =	vshll.u32 v15, $0x4  }
0x38e: {  	s0 =	simm.s32 $0x6;
	s1 =	simm.s32 $0x7;
	s14 =	simm.s32 $0x5;
	vm4 =	vmmov vm4;
	vm5 =	vgt.s32 v7, s31;
	v20 =	vor.u32 v0, v15  }
0x38f: {  	vm3 =	vgt.s32 v7, s0;
	vm2 =	vgt.s32 v7, s1;
	vm6 =	vgt.s32 v7, s14  }
0x390: {  	p0 =	por $0x1, $0x1;
	s31 =	simm.s32 $0x8;
	v25 =	vshrl.u32 v12, $0xE;
	v15 =	vor.u32 v0, v23;
	v23 =	vshrl.u32 v21, $0xE  }
.LBB2_91:
0x391: {  	vm7 =	veq.s32 v25, v10;
	v24 =	vshrl.u32 v18, $0xE;
	v25 =	vshrl.u32 v17, $0xE;
	s0 =	smov.u32 s31;
	s31 =	sadd.s32 $0x4, s31  }
0x392: {  	vm8 =	veq.s32 v23, v10;
	p1 =	slt.s32 s31, s29;
	vm7 =	vmand vm5, vm7;
	vm5 =	veq.s32 v24, v10;
	[tilespmem:v22+s19+$0x0] =	vst.idx.msk vm1, v11  }
0x393: {  	vm1 =	veq.s32 v25, v10;
	v11 =	vmovc v21;
	v22 =	vsel vm7, $0x1, v1;
	vm5 =	vmand vm6, vm5;
	[tilespmem:v20+s19+$0x0] =	vst.idx.msk vm0, v13  }
0x394: {  	vm0 =	vmand vm3, vm1;
	v13 =	vmovc v17;
	v20 =	vadd.s32 v22, v16;
	v16 =	vsel vm5, $0x1, v1;
	[tilespmem:v19+s19+$0x0] =	vst.idx.msk vm4, v14  }
0x395: {  	vm1 =	vmand vm2, vm8;
	v14 =	vmovc v18;
	v19 =	vadd.s32 v16, v20;
	v16 =	vsel vm0, $0x1, v1  }
0x396: {  	s30 =	sadd.s32 $0x40, s30;
	vm2 =	vlt.s32 v19, $0x1FF;
	v18 =	vadd.s32 v16, v19;
	v16 =	vsel vm1, $0x1, v1  }
0x397: {  	vm3 =	vlt.s32 v20, $0x1FF;
	v21 =	vld [tilespmem:s30+$0x10];
	vm4 =	vlt.s32 v18, $0x1FF;
	v16 =	vadd.s32 v16, v18  }
0x398: {  	vm6 =	vlt.s32 v16, $0x1FF;
	v17 =	vld [tilespmem:s30+$0x0];
	[tilespmem:v15+s19+$0x0] =	vst.idx.msk vm7, v12;
	v15 =	vnsel vm2, $0x1FF, v19;
	v18 =	vnsel vm4, $0x1FF, v18  }
0x399: {  	v20 =	vnsel vm3, $0x1FF, v20;
	v12 =	vld [tilespmem:s30+$0xFFFFFFE0];
	v19 =	vnsel vm6, $0x1FF, v16;
	v22 =	vshll.u32 v18, $0x4  }
.Ltmp43:
0x39a: {  	v15 =	vshll.u32 v15, $0x4;
	v23 =	vshll.u32 v19, $0x4;
	v18 =	vld [tilespmem:s30+$0xFFFFFFF0];
	v19 =	vshll.u32 v20, $0x4;
	(pc) =	sbr.rel @p1 .LBB2_91-.Ltmp43, $4  }
0x39b: {  	v20 =	vor.u32 v0, v15;
	v22 =	vor.u32 v0, v22;
	v19 =	vor.u32 v0, v19  }
0x39c: {  	s1 =	sadd.s32 $0x2, s0;
	s14 =	sadd.s32 $0x3, s0;
	vm4 =	vmmov vm5;
	v15 =	vor.u32 v0, v23  }
0x39d: {  	vm3 =	vgt.s32 v7, s1;
	vm5 =	vgt.s32 v7, s0;
	s0 =	sadd.s32 $0x1, s0;
	vm2 =	vgt.s32 v7, s14  }
0x39e: {  	vm6 =	vgt.s32 v7, s0;
	v23 =	vshrl.u32 v21, $0xE;
	v25 =	vshrl.u32 v12, $0xE  }
0x39f: {  	v24 =	vmov v11;
	v11 =	vmov v21  }
.LBB2_93:
0x3a0: {  	vm7 =	veq.s32 v25, v10;
	v21 =	vshrl.u32 v18, $0xE  }
0x3a1: {  	v58 =	vshrl.u32 v17, $0xE;
	vm5 =	vmand vm5, vm7;
	vm10 =	veq.s32 v21, v10  }
0x3a2: {  	vm11 =	veq.s32 v58, v10;
	v59 =	vsel vm5, $0x1, v1;
	vm6 =	vmand vm6, vm10  }
0x3a3: {  	vm3 =	vmand vm3, vm11;
	v16 =	vadd.s32 v59, v16;
	v60 =	vsel vm6, $0x1, v1  }
0x3a4: {  	v61 =	vsel vm3, $0x1, v1;
	v21 =	vadd.s32 v60, v16  }
0x3a5: {  	vm12 =	veq.s32 v23, v10;
	vm14 =	vlt.s32 v16, $0x1FF;
	v25 =	vadd.s32 v61, v21  }
0x3a6: {  	vm2 =	vmand vm2, vm12;
	v16 =	vnsel vm14, $0x1FF, v16;
	vm8 =	vlt.s32 v25, $0x1FF  }
0x3a7: {  	vm13 =	vlt.s32 v21, $0x1FF;
	v16 =	vshll.u32 v16, $0x4;
	v62 =	vnsel vm8, $0x1FF, v25  }
0x3a8: {  	v21 =	vnsel vm13, $0x1FF, v21;
	v63 =	vor.u32 v0, v16;
	v23 =	vshll.u32 v62, $0x4  }
0x3a9: {  	[tilespmem:v22+s19+$0x0] =	vst.idx.msk @p0 vm1, v24;
	v21 =	vshll.u32 v21, $0x4;
	v23 =	vor.u32 v0, v23  }
0x3aa: {  	[tilespmem:v20+s19+$0x0] =	vst.idx.msk @p0 vm0, v13;
	v21 =	vor.u32 v0, v21  }
.Ltmp44:
0x3ab: {  	[tilespmem:v19+s19+$0x0] =	vst.idx.msk @p0 vm4, v14;
	(pc) =	sbr.rel .LBB2_70-.Ltmp44, $4  }
0x3ac: {  	[tilespmem:v15+s19+$0x0] =	vst.idx.msk vm5, v12  }
0x3ad: {  	[tilespmem:v63+s19+$0x0] =	vst.idx.msk vm6, v18  }
0x3ae: {  	[tilespmem:v23+s19+$0x0] =	vst.idx.msk vm2, v11;
	v11 =	vsel vm2, $0x1, v1  }
0x3af: {  	vm15 =	vmmov vm6;
	[tilespmem:v21+s19+$0x0] =	vst.idx.msk vm3, v17;
	v11 =	vadd.s32 v11, v25  }
.LBB2_69:
0x3b0: {  	v11 =	vimm.s32 $0x0  }
.LBB2_70:
0x3b1: {  	p0 =	sge.s32 s29, s26  }
.Ltmp45:
0x3b2: {  	_ = 	snop;
	(pc) =	sbr.rel @p0 .LBB2_73-.Ltmp45, $1  }
0x3b3: {  	_ =	sdelay $0x3  }
0x3b4: {  	s0 =	ssub.s32 s26, s29  }
0x3b5: {  	s1 =	sshll.u32 s28, $0x6;
	s14 =	sshll.u32 s0, $0x6  }
0x3b6: {  	s1 =	ssub.s32 s1, s14  }
0x3b7: {  	s1 =	sshra.s32 s1, $0x2  }
0x3b8: {  	s0 =	ssub.s32 $0x0, s0;
	s28 =	sadd.s32 $0x15600, s1  }
.LBB2_72:
0x3b9: {  	v12 =	vld [tilespmem:s28+$0x0];
	_ =	sdelay $0x4  }
0x3ba: {  	s1 =	sadd.s32 s0, s26;
	vm0 =	vlt.s32 v11, $0x1FF;
	v13 =	vshrl.u32 v12, $0xE  }
0x3bb: {  	vm1 =	vgt.s32 v7, s1;
	v14 =	vnsel vm0, $0x1FF, v11;
	vm15 =	veq.s32 v13, v10  }
0x3bc: {  	s0 =	sadd.s32 $0x1, s0;
	v62 =	vshll.u32 v14, $0x4;
	vm0 =	vmand vm1, vm15  }
0x3bd: {  	p0 =	seq.s32 s0, $0x0;
	v13 =	vor.u32 v0, v62  }
.Ltmp46:
0x3be: {  	_ = 	snop;
	(pc) =	sbr.rel @!p0 .LBB2_72-.Ltmp46, $3  }
0x3bf: {  	_ =	sdelay $0x1  }
0x3c0: {  	v63 =	vsel vm0, $0x1, v1  }
0x3c1: {  	s28 =	sadd.s32 $0x10, s28;
	v11 =	vadd.s32 v63, v11;
	[tilespmem:v13+s19+$0x0] =	vst.idx.msk vm0, v12  }
.LBB2_73:
0x3c2: {  	v7 =	vxor.u32 $0x80000000, v11  }
0x3c3: {  	(xrf0) =	vmax.scan.msk.u32 $0xffff, v7;
	_ =	sdelay $0x5  }
0x3c4: {  	v7, _, _ =	vpop (xrf0)  }
0x3c5: {  	(v2sf) =	vpush v7, $0xF;
	_ =	sdelay $0xe  }
0x3c6: {  	s0 =	spop (v2sf)  }
0x3c7: {  	s26 =	sxor.u32 $0x80000000, s0  }
0x3c8: {  	p0 =	slt.s32 s26, $0x200  }
0x3c9: {  	s26 =	simm.s32 @!p0 $0x200  }
0x3ca: {  	s14 =	sshrl.u32 s26, $0x1F  }
0x3cb: {  	s0 =	sadd.s32 s14, s26  }
0x3cc: {  	s28 =	sand.u32 $0xFFFFFFFE, s0  }
.Ltmp47:
0x3cd: {  	s0 =	ssub.s32 s26, s28;
	(pc) =	sbr.rel .LBB2_74-.Ltmp47, $4  }
0x3ce: {  	s30 =	sshll.u32 s24, $0x16;
	s1 =	sshll.u32 s26, $0x6;
	s14 =	sshll.u32 s0, $0x6  }
0x3cf: {  	s31 =	sshll.u32 s25, $0xE;
	s29 =	simm.s32 $0x0;
	s1 =	ssub.s32 s1, s14  }
0x3d0: {  	v7 =	vsub.s32 v8, v9;
	p0 =	slt.s32 s28, $0x1;
	s14 =	sor.u32 s30, s31;
	s1 =	sshra.s32 s1, $0x2  }
0x3d1: {  	v8 =	vbroadcast v7, $0xF;
	p1 =	sge.s32 s28, s26;
	s24 =	ssub.s32 $0x0, s0;
	v7 =	vmov s14;
	s25 =	sadd.s32 $0x1D600, s1  }
.LBB2_78:
0x3d2: {  	s29 =	sadd.s32 $0x1, s29  }
0x3d3: {  	p2 =	sne.s32 s29, $0xE  }
.Ltmp48:
0x3d4: {  	_ = 	snop;
	(pc) =	sbr.rel @!p2 .LBB2_79-.Ltmp48, $3  }
0x3d5: {  	_ =	sdelay $0x1  }
0x3d6: {  	vm0 =	vlt.s32 v10, v8  }
0x3d7: {  	v7 =	vsel vm0, v7, v9  }
.LBB2_74:
.Ltmp49:
0x3d8: {  	(pc) =	sbr.rel @p0 .LBB2_75-.Ltmp49, $3  }
0x3d9: {  	_ =	sdelay $0x1  }
0x3da: {  	s0 =	sshrl.u32 s20, s29  }
0x3db: {  	v9 =	vor.u32 s0, v7  }
0x3dc: {  	p3 =	sgt.s32 s28, $0x2  }
.Ltmp50:
0x3dd: {  	_ = 	snop;
	(pc) =	sbr.rel @!p3 .LBB2_95-.Ltmp50, $4  }
0x3de: {  	_ = 	snop  }
0x3df: {  	s31 =	simm.s32 $0x1D610  }
0x3e0: {  	v13 =	vld [tilespmem:s31+$0xFFFFFFF0]  }
0x3e1: {  	s0 =	simm.s32 $0x0;
	v10 =	vimm.s32 $0x0;
	s30 =	simm.s32 $0x2;
	p2 =	por $0x0, $0x0;
	v12 =	vld [tilespmem:s31+$0x0]  }
0x3e2: {  	_ =	sdelay $0x1  }
0x3e3: {  	p3 =	sgt.s32 s28, $0x4  }
.Ltmp51:
0x3e4: {  	vm0 =	vgt.s32 v11, s0;
	vm1 =	vge.u32 v13, v9;
	(pc) =	sbr.rel @!p3 .LBB2_97-.Ltmp51, $4  }
0x3e5: {  	s14 =	simm.s32 $0x1;
	s31 =	simm.s32 $0x1D630;
	vm0 =	vmand vm0, vm1  }
0x3e6: {  	vm14 =	vgt.s32 v11, s14;
	v13 =	vld [tilespmem:s31+$0xFFFFFFF0];
	vm2 =	vge.u32 v12, v9;
	v15 =	vmpcnt.ones.xlane vm0  }
0x3e7: {  	v12 =	vld [tilespmem:s31+$0x0];
	vm15 =	vmand vm14, vm2  }
0x3e8: {  	s0 =	simm.s32 $0x4;
	p2 =	por $0x1, $0x1;
	v14 =	vmpcnt.ones.xlane vm15;
	v15 =	vadd.s32 v10, v15  }
.LBB2_98:
0x3e9: {  	s1 =	smov.u32 s0;
	s0 =	sadd.s32 $0x2, s0  }
0x3ea: {  	v15 =	vadd.s32 v14, v15;
	p3 =	slt.s32 s0, s28  }
.Ltmp52:
0x3eb: {  	vm0 =	vgt.s32 v11, s30;
	s14 =	sadd.s32 $0x1, s30;
	s31 =	sadd.s32 $0x20, s31;
	vm1 =	vge.u32 v13, v9;
	(pc) =	sbr.rel @p3 .LBB2_98-.Ltmp52, $4  }
0x3ec: {  	s30 =	smov.u32 s1;
	v13 =	vld [tilespmem:s31+$0xFFFFFFF0];
	vm0 =	vmand vm0, vm1;
	vm1 =	vgt.s32 v11, s14;
	vm2 =	vge.u32 v12, v9  }
0x3ed: {  	v12 =	vld [tilespmem:s31+$0x0];
	v16 =	vmpcnt.ones.xlane vm0;
	vm0 =	vmand vm1, vm2  }
0x3ee: {  	v14 =	vmpcnt.ones.xlane vm0  }
0x3ef: {  	v15 =	vadd.s32 v15, v16  }
0x3f0: {  	s0 =	smov.u32 s30  }
.LBB2_100:
0x3f1: {  	vm0 =	vgt.s32 v11, s0;
	vm1 =	vge.u32 v13, v9;
	s31 =	sadd.s32 $0x1, s0  }
.Ltmp53:
0x3f2: {  	vm0 =	vmand vm0, vm1;
	vm14 =	vgt.s32 v11, s31;
	vm2 =	vge.u32 v12, v9;
	(pc) =	sbr.rel .LBB2_76-.Ltmp53, $4  }
0x3f3: {  	v12 =	vadd.s32 @p2 v14, v15;
	v62 =	vmpcnt.ones.xlane vm0;
	vm15 =	vmand vm14, vm2  }
0x3f4: {  	v10 =	vpsel p2, v12, v10;
	v63 =	vmpcnt.ones.xlane vm15  }
0x3f5: {  	v10 =	vadd.s32 v10, v62  }
0x3f6: {  	v10 =	vadd.s32 v63, v10  }
.LBB2_75:
0x3f7: {  	v10 =	vimm.s32 $0x0  }
.LBB2_76:
.Ltmp54:
0x3f8: {  	(pc) =	sbr.rel @p1 .LBB2_78-.Ltmp54, $2  }
0x3f9: {  	_ =	sdelay $0x2  }
0x3fa: {  	s0 =	smov.u32 s25;
	s30 =	smov.u32 s24  }
.LBB2_77:
0x3fb: {  	v12 =	vld [tilespmem:s0+$0x0];
	_ =	sdelay $0x2  }
0x3fc: {  	s1 =	sadd.s32 s30, s26;
	s30 =	sadd.s32 $0x1, s30  }
0x3fd: {  	p2 =	seq.s32 s30, $0x0  }
.Ltmp55:
0x3fe: {  	vm0 =	vgt.s32 v11, s1;
	vm1 =	vge.u32 v12, v9;
	(pc) =	sbr.rel @!p2 .LBB2_77-.Ltmp55, $3  }
0x3ff: {  	vm0 =	vmand vm0, vm1  }
0x400: {  	v63 =	vmpcnt.ones.xlane vm0;
	_ =	sdelay $0x1  }
0x401: {  	s0 =	sadd.s32 $0x10, s0;
	v10 =	vadd.s32 v10, v63  }
.Ltmp56:
0x402: {  	_ = 	snop;
	(pc) =	sbr.rel .LBB2_78-.Ltmp56, $1  }
0x403: {  	_ =	sdelay $0x3  }
.LBB2_95:
.Ltmp57:
0x404: {  	(pc) =	sbr.rel .LBB2_100-.Ltmp57, $2  }
0x405: {  	_ =	sdelay $0x2  }
0x406: {  	_ = 	snop  }
.LBB2_97:
.Ltmp58:
0x407: {  	(pc) =	sbr.rel .LBB2_100-.Ltmp58, $2  }
0x408: {  	_ =	sdelay $0x2  }
0x409: {  	s0 =	simm.s32 $0x2  }
.LBB2_79:
0x40a: {  	s0 =	simm.s32 $0x8040  }
0x40b: {  	v12 =	vld [tilespmem:s0+$0x30]  }
0x40c: {  	v14 =	vld [tilespmem:s0+$0xFFFFFFD0]  }
0x40d: {  	vm0 =	vgt.s32 v7, $0xFFFFFFFF;
	v13 =	vld [tilespmem:s0+$0xFFFFFFE0]  }
0x40e: {  	v8 =	vsel vm0, $0xFFFFFFFF, v6;
	v11 =	vld [tilespmem:s0+$0xFFFFFFF0]  }
0x40f: {  	v10 =	vld [tilespmem:s0+$0x0];
	v7 =	vxor.u32 v7, v8  }
0x410: {  	v8 =	vld [tilespmem:s0+$0x10];
	vm0 =	vge.f32 v12, v7  }
0x411: {  	s24 =	simm.s32 $0x15640;
	v9 =	vld [tilespmem:s0+$0x20];
	vm1 =	vge.f32 v14, v7;
	v15 =	vnsel vm0, $0x0, v12  }
0x412: {  	s25 =	simm.s32 $0x0;
	s26 =	simm.s32 $0x80C0;
	v12 =	vld [tilespmem:s0+$0xFFFFFFC0];
	v14 =	vnsel vm1, $0x0, v14;
	vm0 =	vge.f32 v13, v7;
	[tilespmem:s24+$0x30] =	vst v15  }
.LBB2_80:
0x413: {  	v15 =	vld [tilespmem:s26+$0x30];
	s25 =	sadd.s32 $0x80, s25;
	[tilespmem:s24+$0xFFFFFFD0] =	vst v14;
	v13 =	vnsel vm0, $0x0, v13;
	vm0 =	vge.f32 v11, v7  }
0x414: {  	v14 =	vld [tilespmem:s26+$0xFFFFFFD0];
	p0 =	slt.u32 s25, $0x7F80;
	[tilespmem:s24+$0xFFFFFFE0] =	vst v13;
	v11 =	vnsel vm0, $0x0, v11;
	vm0 =	vge.f32 v10, v7  }
0x415: {  	v13 =	vld [tilespmem:s26+$0xFFFFFFE0];
	[tilespmem:s24+$0xFFFFFFF0] =	vst v11;
	v10 =	vnsel vm0, $0x0, v10;
	vm0 =	vge.f32 v8, v7  }
.Ltmp59:
0x416: {  	v11 =	vld [tilespmem:s26+$0xFFFFFFF0];
	[tilespmem:s24+$0x0] =	vst v10;
	v8 =	vnsel vm0, $0x0, v8;
	vm0 =	vge.f32 v9, v7;
	(pc) =	sbr.rel @p0 .LBB2_80-.Ltmp59, $4  }
0x417: {  	v10 =	vld [tilespmem:s26+$0x0];
	vm1 =	vge.f32 v12, v7;
	[tilespmem:s24+$0x10] =	vst v8;
	v9 =	vnsel vm0, $0x0, v9  }
0x418: {  	v8 =	vld [tilespmem:s26+$0x10];
	vm0 =	vge.f32 v15, v7;
	v12 =	vnsel vm1, $0x0, v12;
	[tilespmem:s24+$0x20] =	vst v9  }
0x419: {  	vm1 =	vge.f32 v14, v7;
	v9 =	vld [tilespmem:s26+$0x20];
	v15 =	vnsel vm0, $0x0, v15;
	[tilespmem:s24+$0xFFFFFFC0] =	vst v12;
	s24 =	sadd.s32 $0x80, s24  }
0x41a: {  	v12 =	vld [tilespmem:s26+$0xFFFFFFC0];
	v14 =	vnsel vm1, $0x0, v14;
	vm0 =	vge.f32 v13, v7;
	[tilespmem:s24+$0x30] =	vst v15;
	s26 =	sadd.s32 $0x80, s26  }
0x41b: {  	[tilespmem:s24+$0xFFFFFFD0] =	vst v14;
	v13 =	vnsel vm0, $0x0, v13;
	vm12 =	vge.f32 v11, v7  }
0x41c: {  	[tilespmem:s24+$0xFFFFFFE0] =	vst v13;
	v11 =	vnsel vm12, $0x0, v11;
	vm13 =	vge.f32 v10, v7  }
0x41d: {  	[tilespmem:s24+$0xFFFFFFF0] =	vst v11;
	v10 =	vnsel vm13, $0x0, v10;
	vm14 =	vge.f32 v8, v7  }
0x41e: {  	[tilespmem:s24+$0x0] =	vst v10;
	v8 =	vnsel vm14, $0x0, v8;
	vm15 =	vge.f32 v9, v7  }
0x41f: {  	vm1 =	vge.f32 v12, v7;
	[tilespmem:s24+$0x10] =	vst v8;
	v7 =	vnsel vm15, $0x0, v9  }
0x420: {  	v8 =	vnsel vm1, $0x0, v12;
	[tilespmem:s24+$0x20] =	vst v7  }
0x421: {  	[tilespmem:s24+$0xFFFFFFC0] =	vst v8  }
0x422: {  	[hbm4b:s7+s12] =	stream.strided.scatter [tilespmem:s17], [sflag:$0x3], $0x8000, s13, s12, $0x38;
	[tilespmem:$0x1F600] =	vst v63  }
0x423: {  	s0 =	simm.s32 $0x8000  }
0x424: {  	[tilespmem:s0], [sflag:$0x2] =	stream.strided.gather [hbm4b:s8+s12], $0x8000, s13, s12, $0x38;
	[tilespmem:$0x1F600] =	vst v63  }
0x425: {  	_ =	swait.ge [sflag:s15], $0x8000  }
0x426: {  	[sflag:s15] =	ssyncset.done $0x0  }
0x427: {  	s31 =	simm.s32 $0x40;
	[sflag:s15] =	ssyncadd.s32 $0xFFFF8000  }
0x428: {  	v7 =	vld [tilespmem:s31+$0x30]  }
0x429: {  	v8 =	vld [tilespmem:s31+$0xFFFFFFD0]  }
0x42a: {  	v9 =	vld [tilespmem:s31+$0xFFFFFFE0]  }
0x42b: {  	v10 =	vld [tilespmem:s31+$0xFFFFFFF0]  }
0x42c: {  	v11 =	vld [tilespmem:s31+$0x0];
	_ =	sdelay $0x1  }
0x42d: {  	v12 =	vld [tilespmem:s31+$0x10]  }
0x42e: {  	v15 =	vld [tilespmem:s31+$0x20]  }
0x42f: {  	v16 =	vld [tilespmem:s31+$0xFFFFFFC0];
	v13 =	vshra.s32 v7, $0x1F;
	v14 =	vshra.s32 v8, $0x1F;
	v17 =	vshra.s32 v9, $0x1F  }
0x430: {  	v62 =	vshra.s32 v10, $0x1F;
	v18 =	vshra.s32 v11, $0x1F;
	v13 =	vor.u32 $0x80000000, v13  }
0x431: {  	v14 =	vor.u32 $0x80000000, v14;
	v7 =	vxor.u32 v7, v13;
	v13 =	vor.u32 $0x80000000, v17  }
0x432: {  	v17 =	vor.u32 $0x80000000, v62;
	v14 =	vxor.u32 v8, v14;
	v7 =	vshrl.u32 v7, $0x16  }
0x433: {  	v8 =	vshra.s32 v12, $0x1F;
	v63 =	vxor.u32 v9, v13;
	v19 =	vadd.s32 v2, v7  }
0x434: {  	v9 =	vor.u32 $0x80000000, v8;
	v8 =	vshra.s32 v15, $0x1F;
	v13 =	vshra.s32 v16, $0x1F  }
0x435: {  	v17 =	vxor.u32 v10, v17;
	v7 =	vor.u32 $0x80000000, v18;
	v10 =	vor.u32 $0x80000000, v8  }
0x436: {  	v13 =	vor.u32 $0x80000000, v13;
	v8 =	vxor.u32 v11, v7;
	v7 =	vxor.u32 v12, v9  }
0x437: {  	v11 =	vxor.u32 v16, v13;
	v9 =	vshrl.u32 v14, $0x16;
	v10 =	vxor.u32 v15, v10  }
0x438: {  	s25 =	simm.s32 $0x0;
	s28 =	simm.s32 $0xC0;
	v12 =	vshrl.u32 v63, $0x16;
	v13 =	vshrl.u32 v11, $0x16;
	v11 =	vshrl.u32 v17, $0x16;
	[tilespmem:v19+s16+$0x0] =	vst.idx.add.s32.msk $0xffff, v3  }
.LBB2_82:
0x439: {  	v14 =	vld [tilespmem:s28+$0x30];
	s25 =	sadd.s32 $0x80, s25;
	v8 =	vshrl.u32 v8, $0x16;
	v7 =	vshrl.u32 v7, $0x16;
	v10 =	vshrl.u32 v10, $0x16  }
0x43a: {  	v13 =	vadd.s32 v2, v13;
	v9 =	vadd.s32 v2, v9;
	v12 =	vadd.s32 v2, v12;
	v15 =	vld [tilespmem:s28+$0xFFFFFFD0];
	p0 =	slt.u32 s25, $0x7F80  }
0x43b: {  	v11 =	vadd.s32 v2, v11;
	v8 =	vadd.s32 v2, v8;
	v17 =	vadd.s32 v2, v7;
	v16 =	vld [tilespmem:s28+$0xFFFFFFE0]  }
0x43c: {  	v18 =	vadd.s32 v2, v10;
	v7 =	vld [tilespmem:s28+$0xFFFFFFF0]  }
0x43d: {  	v10 =	vld [tilespmem:s28+$0x0]  }
0x43e: {  	v19 =	vld [tilespmem:s28+$0x10];
	v20 =	vshra.s32 v14, $0x1F  }
0x43f: {  	v21 =	vshra.s32 v15, $0x1F;
	v22 =	vld [tilespmem:s28+$0x20];
	v20 =	vor.u32 $0x80000000, v20  }
0x440: {  	v23 =	vld [tilespmem:s28+$0xFFFFFFC0];
	v21 =	vor.u32 $0x80000000, v21;
	v24 =	vshra.s32 v16, $0x1F;
	v14 =	vxor.u32 v14, v20  }
0x441: {  	v20 =	vor.u32 $0x80000000, v24;
	v24 =	vshra.s32 v7, $0x1F;
	v14 =	vshrl.u32 v14, $0x16;
	[tilespmem:v13+s16+$0x0] =	vst.idx.add.s32.msk $0xffff, v3  }
0x442: {  	v13 =	vor.u32 $0x80000000, v24;
	v24 =	vshra.s32 v10, $0x1F;
	v14 =	vadd.s32 v2, v14;
	[tilespmem:v9+s16+$0x0] =	vst.idx.add.s32.msk $0xffff, v3  }
0x443: {  	v9 =	vxor.u32 v15, v21;
	v15 =	vor.u32 $0x80000000, v24;
	v21 =	vshra.s32 v19, $0x1F;
	[tilespmem:v12+s16+$0x0] =	vst.idx.add.s32.msk $0xffff, v3  }
.Ltmp60:
0x444: {  	v12 =	vxor.u32 v16, v20;
	v16 =	vor.u32 $0x80000000, v21;
	v20 =	vshra.s32 v22, $0x1F;
	[tilespmem:v11+s16+$0x0] =	vst.idx.add.s32.msk $0xffff, v3;
	(pc) =	sbr.rel @p0 .LBB2_82-.Ltmp60, $4  }
0x445: {  	v21 =	vxor.u32 v7, v13;
	v11 =	vshra.s32 v23, $0x1F;
	v13 =	vor.u32 $0x80000000, v20;
	[tilespmem:v8+s16+$0x0] =	vst.idx.add.s32.msk $0xffff, v3  }
0x446: {  	v8 =	vxor.u32 v10, v15;
	v7 =	vxor.u32 v19, v16;
	v11 =	vor.u32 $0x80000000, v11;
	[tilespmem:v17+s16+$0x0] =	vst.idx.add.s32.msk $0xffff, v3  }
0x447: {  	s24 =	simm.s32 $0x14080;
	s26 =	simm.s32 $0x12008;
	v9 =	vshrl.u32 v9, $0x16;
	v10 =	vxor.u32 v22, v13;
	v11 =	vxor.u32 v23, v11;
	[tilespmem:v14+s16+$0x0] =	vst.idx.add.s32.msk $0xffff, v3  }
0x448: {  	s28 =	sadd.s32 $0x80, s28;
	v12 =	vshrl.u32 v12, $0x16;
	v13 =	vshrl.u32 v11, $0x16;
	v11 =	vshrl.u32 v21, $0x16;
	[tilespmem:v18+s16+$0x0] =	vst.idx.add.s32.msk $0xffff, v3  }
0x449: {  	v13 =	vadd.s32 v2, v13  }
0x44a: {  	v9 =	vadd.s32 v2, v9  }
0x44b: {  	v12 =	vadd.s32 v2, v12  }
0x44c: {  	v8 =	vshrl.u32 v8, $0x16;
	v11 =	vadd.s32 v2, v11  }
0x44d: {  	v7 =	vshrl.u32 v7, $0x16;
	v8 =	vadd.s32 v2, v8  }
0x44e: {  	v10 =	vshrl.u32 v10, $0x16;
	v7 =	vadd.s32 v2, v7;
	[tilespmem:v13+s16+$0x0] =	vst.idx.add.s32.msk $0xffff, v3  }
0x44f: {  	v10 =	vadd.s32 v2, v10;
	[tilespmem:v9+s16+$0x0] =	vst.idx.add.s32.msk $0xffff, v3  }
0x450: {  	[tilespmem:v12+s16+$0x0] =	vst.idx.add.s32.msk $0xffff, v3  }
0x451: {  	[tilespmem:v11+s16+$0x0] =	vst.idx.add.s32.msk $0xffff, v3  }
0x452: {  	[tilespmem:v8+s16+$0x0] =	vst.idx.add.s32.msk $0xffff, v3  }
0x453: {  	[tilespmem:v7+s16+$0x0] =	vst.idx.add.s32.msk $0xffff, v3  }
0x454: {  	[tilespmem:v10+s16+$0x0] =	vst.idx.add.s32.msk $0xffff, v3  }
0x455: {  	v8 =	vld [tilespmem:s26+$0xFFFFDFF8]  }
0x456: {  	v9 =	vld [tilespmem:s26+$0xFFFFE3F9]  }
0x457: {  	v10 =	vld [tilespmem:s26+$0xFFFFE7FA]  }
0x458: {  	v11 =	vld [tilespmem:s26+$0xFFFFEBFB]  }
0x459: {  	v7 =	vimm.s32 $0x0;
	v12 =	vld [tilespmem:s26+$0xFFFFEFFC]  }
0x45a: {  	v13 =	vld [tilespmem:s26+$0xFFFFF3FD];
	[tilespmem:s26+$0xFFFFDFF8] =	vst v7  }
0x45b: {  	s25 =	simm.s32 $0x12018;
	v14 =	vld [tilespmem:s26+$0xFFFFF7FE];
	[tilespmem:s26+$0xFFFFF3FD] =	vst v7  }
0x45c: {  	v18 =	vld [tilespmem:s25+$0xFFFFDFF8];
	[tilespmem:s25+$0xFFFFDFF8] =	vst v7  }
0x45d: {  	v15 =	vld [tilespmem:s26+$0xFFFFFBFF];
	[tilespmem:s26+$0xFFFFF7FE] =	vst v7  }
0x45e: {  	v16 =	vld [tilespmem:s26+$0x0];
	[tilespmem:s26+$0xFFFFFBFF] =	vst v7  }
0x45f: {  	v17 =	vld [tilespmem:s26+$0x401];
	[tilespmem:s26+$0x0] =	vst v7  }
0x460: {  	v19 =	vld [tilespmem:s26+$0x802];
	[tilespmem:s26+$0x401] =	vst v7  }
0x461: {  	v20 =	vld [tilespmem:s25+$0xFFFFE3F9];
	[tilespmem:s26+$0x802] =	vst v7  }
0x462: {  	v24 =	vld [tilespmem:s25+$0xFFFFF3FD];
	[tilespmem:s25+$0xFFFFF3FD] =	vst v7  }
0x463: {  	v25 =	vld [tilespmem:s26+$0xC03];
	[tilespmem:s26+$0xC03] =	vst v7  }
0x464: {  	v26 =	vld [tilespmem:s25+$0xFFFFF7FE];
	[tilespmem:s25+$0xFFFFF7FE] =	vst v7  }
0x465: {  	v27 =	vld [tilespmem:s26+$0x1004];
	[tilespmem:s26+$0x1004] =	vst v7  }
0x466: {  	v28 =	vld [tilespmem:s25+$0xFFFFFBFF];
	[tilespmem:s25+$0xFFFFFBFF] =	vst v7  }
0x467: {  	v21 =	vld [tilespmem:s25+$0xFFFFE7FA];
	[tilespmem:s26+$0xFFFFEFFC] =	vst v7;
	v8 =	vadd.s32 v8, v9  }
0x468: {  	v29 =	vld [tilespmem:s25+$0x0];
	[tilespmem:s25+$0x0] =	vst v7;
	v8 =	vadd.s32 v10, v8  }
0x469: {  	v22 =	vld [tilespmem:s25+$0xFFFFEBFB];
	[tilespmem:s26+$0xFFFFEBFB] =	vst v7;
	v8 =	vadd.s32 v11, v8  }
0x46a: {  	v30 =	vld [tilespmem:s25+$0x401];
	[tilespmem:s25+$0x401] =	vst v7;
	v8 =	vadd.s32 v12, v8  }
0x46b: {  	v23 =	vld [tilespmem:s25+$0xFFFFEFFC];
	[tilespmem:s26+$0xFFFFE7FA] =	vst v7;
	v8 =	vadd.s32 v13, v8  }
0x46c: {  	[tilespmem:s26+$0xFFFFE3F9] =	vst v7;
	v8 =	vadd.s32 v14, v8  }
0x46d: {  	[tilespmem:s25+$0xFFFFEFFC] =	vst v7;
	v9 =	vld [tilespmem:s25+$0xC03];
	v10 =	vadd.s32 v18, v20;
	v8 =	vadd.s32 v15, v8  }
0x46e: {  	[tilespmem:s25+$0xFFFFEBFB] =	vst v7;
	v10 =	vadd.s32 v21, v10;
	v12 =	vld [tilespmem:s26+$0x1405];
	v8 =	vadd.s32 v16, v8  }
0x46f: {  	[tilespmem:s25+$0xFFFFE7FA] =	vst v7;
	v11 =	vadd.s32 v22, v10;
	v14 =	vld [tilespmem:s26+$0x1806];
	v8 =	vadd.s32 v17, v8  }
0x470: {  	[tilespmem:s25+$0xC03] =	vst v7;
	v11 =	vadd.s32 v23, v11;
	v15 =	vld [tilespmem:s26+$0x1C07];
	v8 =	vadd.s32 v19, v8  }
0x471: {  	[tilespmem:s26+$0x1405] =	vst v7;
	v13 =	vld [tilespmem:s25+$0x802];
	v11 =	vadd.s32 v24, v11;
	v8 =	vadd.s32 v25, v8  }
0x472: {  	v10 =	vld [tilespmem:s25+$0x1004];
	[tilespmem:s25+$0x1004] =	vst v7;
	v63 =	vadd.s32 v26, v11;
	v8 =	vadd.s32 v27, v8  }
0x473: {  	[tilespmem:s25+$0x802] =	vst v7;
	v8 =	vadd.s32 v12, v8;
	v12 =	vadd.s32 v28, v63  }
0x474: {  	[tilespmem:s26+$0x1806] =	vst v7;
	v11 =	vld [tilespmem:s25+$0x1405];
	v8 =	vadd.s32 v14, v8;
	v14 =	vadd.s32 v29, v12  }
0x475: {  	[tilespmem:s26+$0x1C07] =	vst v7;
	v12 =	vld [tilespmem:s25+$0x1806];
	v8 =	vadd.s32 v15, v8;
	v14 =	vadd.s32 v30, v14  }
0x476: {  	s28 =	simm.s32 $0x12018;
	s26 =	simm.s32 $0x10;
	[tilespmem:s24+$0x0] =	vst v8;
	v14 =	vadd.s32 v13, v14;
	v13 =	vld [tilespmem:s25+$0x1C07];
	v8 =	vimm.s32 $0x0  }
.LBB2_84:
0x477: {  	[tilespmem:s25+$0xFFFFE3F9] =	vst v8;
	v9 =	vadd.s32 v9, v14;
	s28 =	sadd.s32 $0x10, s28  }
0x478: {  	v14 =	vld [tilespmem:s28+$0xFFFFDFF8];
	[tilespmem:s28+$0xFFFFDFF8] =	vst v7;
	v9 =	vadd.s32 v10, v9  }
0x479: {  	s26 =	sadd.s32 $0x10, s26;
	v10 =	vld [tilespmem:s28+$0xFFFFE3F9];
	v9 =	vadd.s32 v11, v9;
	[tilespmem:s25+$0x1405] =	vst v8  }
0x47a: {  	p0 =	slt.u32 s26, $0x3F0;
	v11 =	vld [tilespmem:s28+$0xFFFFE7FA];
	v9 =	vadd.s32 v12, v9;
	[tilespmem:s25+$0x1806] =	vst v8  }
0x47b: {  	s24 =	sadd.s32 $0x10, s24;
	v12 =	vld [tilespmem:s28+$0xFFFFEBFB];
	v9 =	vadd.s32 v13, v9;
	[tilespmem:s25+$0x1C07] =	vst v8;
	v8 =	vmov v7;
	s25 =	smov.u32 s28  }
0x47c: {  	v13 =	vld [tilespmem:s28+$0xFFFFEFFC];
	[tilespmem:s24+$0x0] =	vst v9  }
0x47d: {  	v9 =	vld [tilespmem:s28+$0xFFFFF3FD];
	[tilespmem:s28+$0xFFFFF3FD] =	vst v8  }
0x47e: {  	v10 =	vadd.s32 v14, v10;
	v14 =	vld [tilespmem:s28+$0xFFFFF7FE];
	[tilespmem:s28+$0xFFFFF7FE] =	vst v8  }
0x47f: {  	v10 =	vadd.s32 v11, v10;
	v11 =	vld [tilespmem:s28+$0xFFFFFBFF];
	[tilespmem:s28+$0xFFFFFBFF] =	vst v8  }
0x480: {  	v10 =	vadd.s32 v12, v10;
	v12 =	vld [tilespmem:s28+$0x0];
	[tilespmem:s28+$0x0] =	vst v8  }
0x481: {  	v10 =	vadd.s32 v13, v10;
	v13 =	vld [tilespmem:s28+$0x401];
	[tilespmem:s28+$0x401] =	vst v8  }
0x482: {  	v9 =	vadd.s32 v9, v10;
	v15 =	vld [tilespmem:s28+$0x802];
	[tilespmem:s28+$0x802] =	vst v8  }
.Ltmp61:
0x483: {  	v10 =	vadd.s32 v14, v9;
	v9 =	vld [tilespmem:s28+$0xC03];
	[tilespmem:s28+$0xC03] =	vst v8;
	(pc) =	sbr.rel @p0 .LBB2_84-.Ltmp61, $4  }
0x484: {  	v11 =	vadd.s32 v11, v10;
	v10 =	vld [tilespmem:s28+$0x1004];
	[tilespmem:s28+$0x1004] =	vst v8  }
0x485: {  	[tilespmem:s28+$0xFFFFEFFC] =	vst v8;
	v12 =	vadd.s32 v12, v11;
	v11 =	vld [tilespmem:s28+$0x1405]  }
0x486: {  	[tilespmem:s28+$0xFFFFEBFB] =	vst v8;
	v13 =	vadd.s32 v13, v12;
	v12 =	vld [tilespmem:s28+$0x1806]  }
0x487: {  	[tilespmem:s28+$0xFFFFE7FA] =	vst v8;
	v14 =	vadd.s32 v15, v13;
	v13 =	vld [tilespmem:s28+$0x1C07]  }
0x488: {  	v9 =	vadd.s32 v9, v14  }
0x489: {  	[tilespmem:s25+$0xFFFFE3F9] =	vst v8;
	p2 =	por $0x1, $0x1;
	v9 =	vadd.s32 v10, v9  }
.Ltmp62:
0x48a: {  	[tilespmem:s25+$0x1405] =	vst v8;
	v9 =	vadd.s32 v11, v9;
	(pc) =	sbr.rel @!p2 .LBB2_86-.Ltmp62, $4  }
0x48b: {  	[tilespmem:s25+$0x1806] =	vst v8;
	v9 =	vadd.s32 v12, v9  }
0x48c: {  	[tilespmem:s25+$0x1C07] =	vst v8;
	s0 =	sadd.s32 $0x10, s24;
	v9 =	vadd.s32 v13, v9  }
0x48d: {  	s31 =	simm.s32 $0x3F0;
	[tilespmem:s0+$0x0] =	vst v9  }
0x48e: {  	p0 =	por $0x0, $0x0;
	p1 =	por $0x0, $0x0;
	v10 =	vld [tilespmem:s31+$0x14080]  }
0x48f: {  	_ = 	snop  }
0x490: {  	p2 =	por $0x1, $0x1  }
.Ltmp63:
0x491: {  	_ = 	snop;
	(pc) =	sbr.rel @!p2 .LBB2_102-.Ltmp63, $4  }
0x492: {  	_ = 	snop  }
0x493: {  	v8 =	vperm.xlane v10, v4  }
0x494: {  	s0 =	simm.s32 $0x3E0  }
0x495: {  	p0 =	por $0x1, $0x1;
	v10 =	vld [tilespmem:s0+$0x14080];
	(xrf0) =	vadd.scan.msk.s32 $0xffff, v8  }
0x496: {  	_ =	sdelay $0x2  }
0x497: {  	p2 =	por $0x1, $0x1  }
.Ltmp64:
0x498: {  	s0 =	simm.s32 $0x3D0;
	v14 =	vperm.xlane v10, v4;
	(pc) =	sbr.rel @!p2 .LBB2_104-.Ltmp64, $4  }
0x499: {  	v10 =	vld [tilespmem:s0+$0x14080]  }
0x49a: {  	v9, _, _ =	vpop (xrf0);
	(xrf0) =	vadd.scan.msk.s32 $0xffff, v14  }
0x49b: {  	v12 =	vimm.s32 $0x0;
	v9 =	vadd.s32 v7, v9  }
0x49c: {  	s24 =	simm.s32 $0xF00;
	p1 =	por $0x1, $0x1;
	vm0 =	vgt.s32 v9, $0xCCC;
	v13 =	vperm.xlane v9, v4;
	v9 =	vimm.s32 $0x0  }
.LBB2_105:
0x49d: {  	p2 =	sne.s32 s24, $0x0;
	v16 =	vmpcnt.ones.xlane vm0;
	v15 =	vsel vm0, $0x0, v8;
	v8 =	vmov v14;
	s0 =	smov.u32 s24;
	s24 =	sadd.s32 $0xFFFFFFC0, s24  }
.Ltmp65:
0x49e: {  	s0 =	sshra.s32 s0, $0x2;
	v14 =	vperm.xlane v10, v4;
	v9 =	vadd.s32 v9, v15;
	v13 =	vbroadcast v13, $0x0;
	(pc) =	sbr.rel @p2 .LBB2_105-.Ltmp65, $4  }
0x49f: {  	v10 =	vld [tilespmem:s0+$0x14080];
	v12 =	vadd.s32 v12, v16  }
0x4a0: {  	(xrf0) =	vadd.scan.msk.s32 $0xffff, v14;
	v11, _, _ =	vpop (xrf0)  }
0x4a1: {  	v11 =	vadd.s32 v13, v11  }
0x4a2: {  	vm0 =	vgt.s32 v11, $0xCCC;
	v13 =	vperm.xlane v11, v4  }
0x4a3: {  	v11 =	vmov v8;
	v8 =	vmov v14  }
.LBB2_107:
0x4a4: {  	v13 =	vbroadcast @p1 v13, $0x0  }
0x4a5: {  	v10 =	vperm.xlane v10, v4  }
0x4a6: {  	v14, _, _ =	vpop @p0 (xrf0);
	v13 =	vpsel p1, v13, v7  }
0x4a7: {  	(xrf0) =	vadd.scan.msk.s32 $0xffff, v10;
	v13 =	vadd.s32 @p0 v13, v14  }
0x4a8: {  	v14 =	vperm.xlane @p0 v13, v4;
	_ =	sdelay $0x1  }
0x4a9: {  	v14 =	vpsel p0, v14, v0  }
0x4aa: {  	v14 =	vbroadcast @p0 v14, $0x0  }
0x4ab: {  	v15 =	vmpcnt.ones.xlane @p1 vm0;
	vm1 =	vgt.s32 @p0 v13, $0xCCC  }
0x4ac: {  	vm1 =	vmmov @p0 vm1;
	v13, _, _ =	vpop (xrf0);
	v14 =	vpsel p0, v14, v7  }
0x4ad: {  	v12 =	vadd.s32 @p1 v12, v15;
	v15 =	vmpcnt.ones.xlane @p0 vm1;
	v13 =	vadd.s32 v14, v13  }
0x4ae: {  	v12 =	vpsel p1, v12, v7;
	vm2 =	vgt.s32 v13, $0xCCC  }
0x4af: {  	v12 =	vadd.s32 @p0 v12, v15;
	v13 =	vmpcnt.ones.xlane vm2  }
0x4b0: {  	v12 =	vpsel p0, v12, v7  }
0x4b1: {  	v12 =	vadd.s32 v12, v13  }
0x4b2: {  	v12 =	vxor.u32 $0x80000000, v12  }
0x4b3: {  	(xrf0) =	vmax.scan.msk.u32 $0xffff, v12;
	_ =	sdelay $0x5  }
0x4b4: {  	v12, _, _ =	vpop (xrf0)  }
0x4b5: {  	(v2sf) =	vpush v12, $0xF;
	_ =	sdelay $0xe  }
0x4b6: {  	s0 =	spop (v2sf)  }
0x4b7: {  	_ =	swait.ge [sflag:s22], $0x8000  }
0x4b8: {  	[sflag:s22] =	ssyncset.done $0x0  }
0x4b9: {  	s1 =	simm.s32 $0x40;
	[sflag:s22] =	ssyncadd.s32 $0xFFFF8000  }
0x4ba: {  	v12 =	vld [tilespmem:s1+$0x30]  }
0x4bb: {  	v13 =	vld [tilespmem:s1+$0x20]  }
0x4bc: {  	v14 =	vld [tilespmem:s1+$0x10]  }
0x4bd: {  	v11 =	vsel @p1 vm0, $0x0, v11;
	v16 =	vld [tilespmem:s1+$0x0]  }
0x4be: {  	v8 =	vpsel p0, v8, v0;
	v9 =	vadd.s32 @p1 v9, v11;
	v17 =	vld [tilespmem:s1+$0xFFFFFFF0]  }
0x4bf: {  	v9 =	vpsel p1, v9, v7;
	v8 =	vsel @p0 vm1, $0x0, v8;
	v18 =	vld [tilespmem:s1+$0xFFFFFFE0]  }
0x4c0: {  	v8 =	vadd.s32 @p0 v9, v8;
	v19 =	vld [tilespmem:s1+$0xFFFFFFD0]  }
0x4c1: {  	v21 =	vimm.s32 $0x0;
	v7 =	vpsel p0, v8, v7;
	v8 =	vsel vm2, $0x0, v10;
	v20 =	vld [tilespmem:s1+$0xFFFFFFC0]  }
0x4c2: {  	v8 =	vadd.s32 v7, v8;
	v7 =	vshll.u32 v21, $0x4  }
0x4c3: {  	v29 =	vor.u32 v0, v7;
	s24 =	sadd.s32 $0x7FFFFFFF, s0  }
0x4c4: {  	v11 =	vmov s24;
	v7 =	vshra.s32 v13, $0x1F;
	v9 =	vshra.s32 v12, $0x1F  }
0x4c5: {  	v10 =	vshra.s32 v17, $0x1F;
	v15 =	vshra.s32 v16, $0x1F;
	v22 =	vshra.s32 v14, $0x1F  }
0x4c6: {  	v23 =	vshra.s32 v20, $0x1F;
	v24 =	vshra.s32 v19, $0x1F;
	v25 =	vshra.s32 v18, $0x1F  }
0x4c7: {  	v22 =	vor.u32 $0x80000000, v22;
	v7 =	vor.u32 $0x80000000, v7;
	v9 =	vor.u32 $0x80000000, v9  }
0x4c8: {  	v25 =	vor.u32 $0x80000000, v25;
	v26 =	vor.u32 $0x80000000, v10;
	v10 =	vor.u32 $0x80000000, v15  }
0x4c9: {  	v23 =	vor.u32 $0x80000000, v23;
	v24 =	vor.u32 $0x80000000, v24;
	v15 =	vxor.u32 v12, v9  }
0x4ca: {  	v12 =	vxor.u32 v16, v10;
	v14 =	vxor.u32 v14, v22;
	v16 =	vxor.u32 v13, v7  }
0x4cb: {  	v10 =	vxor.u32 v19, v24;
	v13 =	vxor.u32 v18, v25;
	v9 =	vxor.u32 v17, v26  }
0x4cc: {  	v30 =	vxor.u32 v20, v23;
	v7 =	vshrl.u32 v16, $0x16;
	v20 =	vshrl.u32 v15, $0x16  }
0x4cd: {  	v17 =	vshrl.u32 v30, $0x16;
	v22 =	vshrl.u32 v12, $0x16;
	v24 =	vshrl.u32 v14, $0x16  }
0x4ce: {  	v19 =	vshrl.u32 v9, $0x16;
	v23 =	vshrl.u32 v13, $0x16;
	v26 =	vshrl.u32 v12, $0xE  }
0x4cf: {  	v28 =	vshrl.u32 v14, $0xE;
	vm4 =	veq.s32 v17, v11;
	v17 =	vshrl.u32 v10, $0x16  }
0x4d0: {  	vm10 =	veq.s32 v23, v11;
	vm0 =	veq.s32 v19, v11;
	vm1 =	veq.s32 v22, v11  }
0x4d1: {  	vm2 =	veq.s32 v24, v11;
	v18 =	vsel vm4, $0x1, v1;
	vm7 =	veq.s32 v17, v11  }
0x4d2: {  	vm3 =	veq.s32 v7, v11;
	v17 =	vadd.s32 v18, v21;
	v18 =	vsel vm7, $0x1, v1  }
0x4d3: {  	vm5 =	veq.s32 v20, v11;
	v21 =	vsel vm10, $0x1, v1;
	v18 =	vadd.s32 v18, v17  }
0x4d4: {  	v20 =	vshrl.u32 v30, $0xE;
	v19 =	vadd.s32 v21, v18;
	v21 =	vsel vm0, $0x1, v1  }
0x4d5: {  	v22 =	vshrl.u32 v13, $0xE;
	v23 =	vadd.s32 v21, v19;
	v21 =	vsel vm1, $0x1, v1  }
0x4d6: {  	v24 =	vshrl.u32 v9, $0xE;
	v25 =	vadd.s32 v21, v23;
	v21 =	vsel vm2, $0x1, v1  }
0x4d7: {  	v7 =	vsel vm3, $0x1, v1;
	[tilespmem:v29+s17+$0x0] =	vst.idx.msk vm4, v30;
	v29 =	vshrl.u32 v16, $0xE;
	v27 =	vadd.s32 v21, v25  }
0x4d8: {  	v21 =	vshrl.u32 v10, $0xE;
	v31 =	vadd.s32 v7, v27;
	v7 =	vsel vm5, $0x1, v1  }
0x4d9: {  	s26 =	simm.s32 $0x0;
	s28 =	simm.s32 $0xC0;
	v7 =	vadd.s32 v7, v31;
	v30 =	vshll.u32 v31, $0x4;
	v31 =	vshrl.u32 v15, $0xE  }
.LBB2_108:
0x4da: {  	v23 =	vshll.u32 v23, $0x4;
	v25 =	vshll.u32 v25, $0x4;
	v27 =	vshll.u32 v27, $0x4  }
0x4db: {  	v32 =	vld [tilespmem:s28+$0x30];
	vm6 =	vmmov vm4;
	vm8 =	vmmov vm7;
	vm9 =	vmmov vm10  }
0x4dc: {  	v17 =	vshll.u32 v17, $0x4;
	v18 =	vshll.u32 v18, $0x4;
	v19 =	vshll.u32 v19, $0x4;
	v33 =	vld [tilespmem:s28+$0x20]  }
0x4dd: {  	v20 =	vand.u32 $0xFF, v20;
	v21 =	vand.u32 $0xFF, v21;
	v22 =	vand.u32 $0xFF, v22;
	v34 =	vld [tilespmem:s28+$0x10]  }
0x4de: {  	v24 =	vand.u32 $0xFF, v24;
	v26 =	vand.u32 $0xFF, v26;
	v28 =	vand.u32 $0xFF, v28;
	v35 =	vld [tilespmem:s28+$0x0]  }
0x4df: {  	v36 =	vshll.u32 v7, $0x4;
	v29 =	vand.u32 $0xFF, v29;
	v31 =	vand.u32 $0xFF, v31;
	v37 =	vld [tilespmem:s28+$0xFFFFFFF0]  }
0x4e0: {  	s26 =	sadd.s32 $0x80, s26;
	v30 =	vor.u32 v0, v30;
	v25 =	vor.u32 v0, v25;
	v27 =	vor.u32 v0, v27;
	v38 =	vld [tilespmem:s28+$0xFFFFFFE0]  }
0x4e1: {  	p0 =	slt.u32 s26, $0x7F80;
	v18 =	vor.u32 v0, v18;
	v19 =	vor.u32 v0, v19;
	v23 =	vor.u32 v0, v23;
	v39 =	vld [tilespmem:s28+$0xFFFFFFD0]  }
0x4e2: {  	v20 =	vadd.s32 v5, v20;
	v41 =	vor.u32 v0, v17;
	v21 =	vadd.s32 v5, v21;
	v40 =	vld [tilespmem:s28+$0xFFFFFFC0]  }
0x4e3: {  	v22 =	vadd.s32 v5, v22;
	v17 =	vadd.s32 v5, v24;
	v24 =	vadd.s32 v5, v26  }
0x4e4: {  	v26 =	vadd.s32 v5, v28;
	v28 =	vadd.s32 v5, v29;
	v29 =	vadd.s32 v5, v31  }
0x4e5: {  	v31 =	vor.u32 v0, v36;
	v42 =	vshra.s32 v32, $0x1F;
	v36 =	vshra.s32 v33, $0x1F;
	[tilespmem:v30+s17+$0x0] =	vst.idx.msk vm5, v15  }
0x4e6: {  	v43 =	vshra.s32 v34, $0x1F;
	v15 =	vshra.s32 v37, $0x1F;
	v30 =	vshra.s32 v35, $0x1F;
	[tilespmem:v27+s17+$0x0] =	vst.idx.msk vm3, v16  }
0x4e7: {  	v44 =	vshra.s32 v38, $0x1F;
	v27 =	vshra.s32 v39, $0x1F;
	v16 =	vshra.s32 v40, $0x1F;
	[tilespmem:v25+s17+$0x0] =	vst.idx.msk vm2, v14  }
0x4e8: {  	v14 =	vor.u32 $0x80000000, v43;
	v25 =	vor.u32 $0x80000000, v36;
	v36 =	vor.u32 $0x80000000, v42;
	[tilespmem:v23+s17+$0x0] =	vst.idx.msk vm1, v12  }
0x4e9: {  	v42 =	vor.u32 $0x80000000, v15;
	v23 =	vor.u32 $0x80000000, v44;
	v12 =	vor.u32 $0x80000000, v30;
	[tilespmem:v29+s18+$0x0] =	vst.idx.add.s32.msk vm5, v3  }
0x4ea: {  	v27 =	vor.u32 $0x80000000, v27;
	v15 =	vxor.u32 v32, v36;
	v29 =	vor.u32 $0x80000000, v16;
	[tilespmem:v28+s18+$0x0] =	vst.idx.add.s32.msk vm3, v3  }
0x4eb: {  	v14 =	vxor.u32 v34, v14;
	v12 =	vxor.u32 v35, v12;
	v16 =	vxor.u32 v33, v25  }
0x4ec: {  	v30 =	vxor.u32 v38, v23;
	v23 =	vxor.u32 v37, v42;
	v28 =	vxor.u32 v39, v27  }
0x4ed: {  	v32 =	vshrl.u32 v15, $0x16;
	v29 =	vxor.u32 v40, v29;
	v27 =	vshrl.u32 v16, $0x16;
	[tilespmem:v26+s18+$0x0] =	vst.idx.add.s32.msk vm2, v3  }
0x4ee: {  	v33 =	vshrl.u32 v14, $0x16;
	v25 =	vshrl.u32 v29, $0x16;
	v26 =	vshrl.u32 v12, $0x16;
	[tilespmem:v24+s18+$0x0] =	vst.idx.add.s32.msk vm1, v3  }
0x4ef: {  	vm4 =	veq.s32 v25, v11;
	v25 =	vshrl.u32 v23, $0x16;
	v24 =	vshrl.u32 v28, $0x16;
	[tilespmem:v19+s17+$0x0] =	vst.idx.msk vm0, v9;
	v9 =	vmovc v23  }
0x4f0: {  	v19 =	vsel vm4, $0x1, v1;
	vm7 =	veq.s32 v24, v11;
	v23 =	vshrl.u32 v30, $0x16;
	[tilespmem:v17+s18+$0x0] =	vst.idx.add.s32.msk vm0, v3  }
0x4f1: {  	v17 =	vadd.s32 v19, v7;
	v7 =	vsel vm7, $0x1, v1;
	vm10 =	veq.s32 v23, v11;
	[tilespmem:v18+s17+$0x0] =	vst.idx.msk vm9, v13  }
0x4f2: {  	vm0 =	veq.s32 v25, v11;
	v18 =	vadd.s32 v7, v17;
	v7 =	vsel vm10, $0x1, v1;
	[tilespmem:v22+s18+$0x0] =	vst.idx.add.s32.msk vm9, v3  }
0x4f3: {  	vm1 =	veq.s32 v26, v11;
	v19 =	vadd.s32 v7, v18;
	v7 =	vsel vm0, $0x1, v1;
	[tilespmem:v41+s17+$0x0] =	vst.idx.msk vm8, v10  }
0x4f4: {  	vm2 =	veq.s32 v33, v11;
	v23 =	vadd.s32 v7, v19;
	v7 =	vsel vm1, $0x1, v1;
	[tilespmem:v21+s18+$0x0] =	vst.idx.add.s32.msk vm8, v3  }
0x4f5: {  	vm3 =	veq.s32 v27, v11;
	v25 =	vadd.s32 v7, v23;
	v7 =	vsel vm2, $0x1, v1;
	[tilespmem:v31+s17+$0x0] =	vst.idx.msk vm4, v29  }
.Ltmp66:
0x4f6: {  	vm5 =	veq.s32 v32, v11;
	v27 =	vadd.s32 v7, v25;
	v7 =	vsel vm3, $0x1, v1;
	[tilespmem:v20+s18+$0x0] =	vst.idx.add.s32.msk vm6, v3;
	(pc) =	sbr.rel @p0 .LBB2_108-.Ltmp66, $4  }
0x4f7: {  	v13 =	vmovc v30;
	v10 =	vmovc v28;
	v20 =	vshrl.u32 v29, $0xE;
	v31 =	vadd.s32 v7, v27;
	v7 =	vsel vm5, $0x1, v1  }
0x4f8: {  	s25 =	simm.s32 $0x15500;
	s29 =	simm.s32 $0x14C88;
	v22 =	vshrl.u32 v13, $0xE;
	v21 =	vshrl.u32 v10, $0xE;
	v7 =	vadd.s32 v7, v31  }
0x4f9: {  	v26 =	vshrl.u32 v12, $0xE;
	v24 =	vshrl.u32 v9, $0xE;
	v28 =	vshrl.u32 v14, $0xE  }
0x4fa: {  	s28 =	sadd.s32 $0x80, s28;
	v29 =	vshrl.u32 v16, $0xE;
	v30 =	vshll.u32 v31, $0x4;
	v31 =	vshrl.u32 v15, $0xE  }
0x4fb: {  	v11 =	vshll.u32 v27, $0x4;
	v49 =	vor.u32 v0, v30  }
0x4fc: {  	v25 =	vshll.u32 v25, $0x4;
	v11 =	vor.u32 v0, v11  }
0x4fd: {  	v23 =	vshll.u32 v23, $0x4;
	v25 =	vor.u32 v0, v25  }
0x4fe: {  	v50 =	vand.u32 $0xFF, v31;
	v23 =	vor.u32 v0, v23  }
0x4ff: {  	v17 =	vshll.u32 v17, $0x4;
	v30 =	vadd.s32 v5, v50  }
0x500: {  	v29 =	vand.u32 $0xFF, v29;
	v17 =	vor.u32 v0, v17;
	[tilespmem:v49+s17+$0x0] =	vst.idx.msk vm5, v15  }
0x501: {  	v28 =	vand.u32 $0xFF, v28;
	v29 =	vadd.s32 v5, v29;
	[tilespmem:v11+s17+$0x0] =	vst.idx.msk vm3, v16  }
0x502: {  	v51 =	vadd.s32 v5, v28;
	v15 =	vand.u32 $0xFF, v26;
	[tilespmem:v25+s17+$0x0] =	vst.idx.msk vm2, v14  }
0x503: {  	v11 =	vshll.u32 v19, $0x4;
	v15 =	vadd.s32 v5, v15;
	[tilespmem:v23+s17+$0x0] =	vst.idx.msk vm1, v12  }
0x504: {  	v53 =	vand.u32 $0xFF, v21;
	[tilespmem:v30+s18+$0x0] =	vst.idx.add.s32.msk vm5, v3;
	v11 =	vor.u32 v0, v11  }
0x505: {  	v12 =	vshll.u32 v18, $0x4;
	v18 =	vadd.s32 v5, v53;
	[tilespmem:v17+s17+$0x0] =	vst.idx.msk vm7, v10  }
0x506: {  	v14 =	vand.u32 $0xFF, v24;
	v12 =	vor.u32 v0, v12;
	[tilespmem:v29+s18+$0x0] =	vst.idx.add.s32.msk vm3, v3  }
0x507: {  	v52 =	vand.u32 $0xFF, v22;
	v14 =	vadd.s32 v5, v14;
	[tilespmem:v51+s18+$0x0] =	vst.idx.add.s32.msk vm2, v3  }
0x508: {  	v16 =	vadd.s32 v5, v52;
	[tilespmem:v15+s18+$0x0] =	vst.idx.add.s32.msk vm1, v3;
	v15 =	vand.u32 $0xFF, v20  }
0x509: {  	[tilespmem:v11+s17+$0x0] =	vst.idx.msk vm0, v9;
	v9 =	vadd.s32 v5, v15  }
0x50a: {  	[tilespmem:v18+s18+$0x0] =	vst.idx.add.s32.msk vm7, v3  }
0x50b: {  	[tilespmem:v12+s17+$0x0] =	vst.idx.msk vm10, v13  }
0x50c: {  	[tilespmem:v14+s18+$0x0] =	vst.idx.add.s32.msk vm0, v3  }
0x50d: {  	[tilespmem:v16+s18+$0x0] =	vst.idx.add.s32.msk vm10, v3  }
0x50e: {  	[tilespmem:v9+s18+$0x0] =	vst.idx.add.s32.msk vm4, v3  }
0x50f: {  	v9 =	vld [tilespmem:s29+$0xFFFFF7F8]  }
0x510: {  	v10 =	vld [tilespmem:s29+$0xFFFFF8F9]  }
0x511: {  	v11 =	vld [tilespmem:s29+$0xFFFFF9FA]  }
0x512: {  	v12 =	vld [tilespmem:s29+$0xFFFFFAFB]  }
0x513: {  	v13 =	vld [tilespmem:s29+$0xFFFFFBFC];
	[tilespmem:s29+$0xFFFFF7F8] =	vst v1  }
0x514: {  	s26 =	simm.s32 $0x14C98;
	v14 =	vld [tilespmem:s29+$0xFFFFFCFD];
	[tilespmem:s29+$0xFFFFFCFD] =	vst v1  }
0x515: {  	v54 =	vld [tilespmem:s26+$0xFFFFF7F8];
	[tilespmem:s26+$0xFFFFF7F8] =	vst v1  }
0x516: {  	v15 =	vld [tilespmem:s29+$0xFFFFFDFE];
	[tilespmem:s29+$0xFFFFFDFE] =	vst v1  }
0x517: {  	v16 =	vld [tilespmem:s29+$0xFFFFFEFF];
	[tilespmem:s29+$0xFFFFFEFF] =	vst v1  }
0x518: {  	v17 =	vld [tilespmem:s29+$0x0];
	[tilespmem:s29+$0x0] =	vst v1  }
0x519: {  	v18 =	vld [tilespmem:s29+$0x101];
	[tilespmem:s29+$0x101] =	vst v1  }
0x51a: {  	v55 =	vld [tilespmem:s29+$0x202];
	[tilespmem:s29+$0x202] =	vst v1  }
0x51b: {  	v25 =	vld [tilespmem:s26+$0xFFFFFCFD];
	[tilespmem:s26+$0xFFFFFCFD] =	vst v1  }
0x51c: {  	v26 =	vld [tilespmem:s29+$0x303];
	[tilespmem:s29+$0x303] =	vst v1  }
0x51d: {  	v27 =	vld [tilespmem:s26+$0xFFFFFDFE];
	[tilespmem:s26+$0xFFFFFDFE] =	vst v1  }
0x51e: {  	v59 =	vld [tilespmem:s29+$0x404];
	[tilespmem:s29+$0x404] =	vst v1  }
0x51f: {  	v29 =	vld [tilespmem:s26+$0xFFFFFEFF];
	[tilespmem:s26+$0xFFFFFEFF] =	vst v1  }
0x520: {  	v56 =	vld [tilespmem:s26+$0xFFFFF8F9];
	[tilespmem:s29+$0xFFFFFBFC] =	vst v1  }
0x521: {  	v30 =	vld [tilespmem:s26+$0x0];
	[tilespmem:s26+$0x0] =	vst v1;
	v9 =	vadd.s32 v9, v10  }
0x522: {  	v57 =	vld [tilespmem:s26+$0xFFFFF9FA];
	[tilespmem:s29+$0xFFFFFAFB] =	vst v1;
	v9 =	vadd.s32 v11, v9  }
0x523: {  	v23 =	vld [tilespmem:s26+$0xFFFFFAFB];
	[tilespmem:s29+$0xFFFFF9FA] =	vst v1;
	v9 =	vadd.s32 v12, v9  }
0x524: {  	v58 =	vld [tilespmem:s26+$0xFFFFFBFC];
	[tilespmem:s29+$0xFFFFF8F9] =	vst v1;
	v9 =	vadd.s32 v13, v9  }
0x525: {  	[tilespmem:s26+$0xFFFFFBFC] =	vst v1;
	v9 =	vadd.s32 v14, v9  }
0x526: {  	v61 =	vld [tilespmem:s29+$0x707];
	[tilespmem:s26+$0xFFFFFAFB] =	vst v1;
	v10 =	vadd.s32 v54, v56;
	v9 =	vadd.s32 v15, v9  }
0x527: {  	[tilespmem:s29+$0x707] =	vst v1;
	v11 =	vld [tilespmem:s29+$0x505];
	v10 =	vadd.s32 v57, v10;
	v9 =	vadd.s32 v16, v9  }
0x528: {  	[tilespmem:s26+$0xFFFFF9FA] =	vst v1;
	v12 =	vld [tilespmem:s26+$0x101];
	v10 =	vadd.s32 v23, v10;
	v9 =	vadd.s32 v17, v9  }
0x529: {  	[tilespmem:s26+$0xFFFFF8F9] =	vst v1;
	v10 =	vadd.s32 v58, v10;
	v15 =	vld [tilespmem:s29+$0x606];
	v60 =	vadd.s32 v18, v9  }
0x52a: {  	[tilespmem:s29+$0x505] =	vst v1;
	v13 =	vld [tilespmem:s26+$0x202];
	v10 =	vadd.s32 v25, v10;
	v16 =	vadd.s32 v55, v60  }
0x52b: {  	[tilespmem:s26+$0x101] =	vst v1;
	v14 =	vld [tilespmem:s26+$0x303];
	v62 =	vadd.s32 v27, v10;
	v16 =	vadd.s32 v26, v16  }
0x52c: {  	[tilespmem:s26+$0x202] =	vst v1;
	v63 =	vadd.s32 v29, v62;
	v9 =	vld [tilespmem:s26+$0x404];
	v16 =	vadd.s32 v59, v16  }
0x52d: {  	[tilespmem:s26+$0x303] =	vst v1;
	v10 =	vld [tilespmem:s26+$0x505];
	v11 =	vadd.s32 v11, v16;
	v16 =	vadd.s32 v30, v63  }
0x52e: {  	[tilespmem:s29+$0x606] =	vst v1;
	v15 =	vadd.s32 v15, v11;
	v11 =	vld [tilespmem:s26+$0x606];
	v12 =	vadd.s32 v12, v16  }
0x52f: {  	vm6 =	vmmov vm10;
	[tilespmem:s26+$0x404] =	vst v1;
	v15 =	vadd.s32 v61, v15;
	v13 =	vadd.s32 v13, v12;
	v12 =	vld [tilespmem:s26+$0x707]  }
0x530: {  	vm14 =	vmmov vm7;
	vm15 =	vmmov vm4;
	s28 =	simm.s32 $0x10;
	s29 =	simm.s32 $0x14CA8;
	[tilespmem:s25+$0x0] =	vst v15;
	v13 =	vadd.s32 v14, v13  }
.LBB2_110:
0x531: {  	v14 =	vld [tilespmem:s29+$0xFFFFF7F8];
	[tilespmem:s29+$0xFFFFF7F8] =	vst v1;
	v9 =	vadd.s32 v9, v13  }
0x532: {  	s28 =	sadd.s32 $0x10, s28;
	v13 =	vld [tilespmem:s29+$0xFFFFF8F9];
	v9 =	vadd.s32 v10, v9;
	[tilespmem:s26+$0x505] =	vst v1  }
0x533: {  	p0 =	slt.u32 s28, $0xF0;
	v10 =	vld [tilespmem:s29+$0xFFFFF9FA];
	v9 =	vadd.s32 v11, v9;
	[tilespmem:s26+$0x606] =	vst v1  }
0x534: {  	s25 =	sadd.s32 $0x10, s25;
	v11 =	vld [tilespmem:s29+$0xFFFFFAFB];
	v9 =	vadd.s32 v12, v9;
	[tilespmem:s26+$0x707] =	vst v1;
	s26 =	smov.u32 s29  }
0x535: {  	v12 =	vld [tilespmem:s29+$0xFFFFFBFC];
	[tilespmem:s25+$0x0] =	vst v9  }
0x536: {  	v9 =	vld [tilespmem:s29+$0xFFFFFCFD];
	[tilespmem:s29+$0xFFFFFCFD] =	vst v1  }
0x537: {  	v13 =	vadd.s32 v14, v13;
	v14 =	vld [tilespmem:s29+$0xFFFFFDFE];
	[tilespmem:s29+$0xFFFFFDFE] =	vst v1  }
0x538: {  	v10 =	vadd.s32 v10, v13;
	v13 =	vld [tilespmem:s29+$0xFFFFFEFF];
	[tilespmem:s29+$0xFFFFFEFF] =	vst v1  }
0x539: {  	v10 =	vadd.s32 v11, v10;
	v11 =	vld [tilespmem:s29+$0x0];
	[tilespmem:s29+$0x0] =	vst v1  }
0x53a: {  	v10 =	vadd.s32 v12, v10;
	v12 =	vld [tilespmem:s29+$0x101];
	[tilespmem:s29+$0x101] =	vst v1  }
0x53b: {  	v9 =	vadd.s32 v9, v10;
	v15 =	vld [tilespmem:s29+$0x202];
	[tilespmem:s29+$0x202] =	vst v1  }
0x53c: {  	v9 =	vadd.s32 v14, v9;
	v14 =	vld [tilespmem:s29+$0x303];
	[tilespmem:s29+$0x303] =	vst v1  }
.Ltmp67:
0x53d: {  	v10 =	vadd.s32 v13, v9;
	v9 =	vld [tilespmem:s29+$0x404];
	[tilespmem:s29+$0x404] =	vst v1;
	(pc) =	sbr.rel @p0 .LBB2_110-.Ltmp67, $4  }
0x53e: {  	[tilespmem:s29+$0xFFFFFBFC] =	vst v1;
	v11 =	vadd.s32 v11, v10;
	v10 =	vld [tilespmem:s29+$0x505]  }
0x53f: {  	[tilespmem:s29+$0xFFFFFAFB] =	vst v1;
	v12 =	vadd.s32 v12, v11;
	v11 =	vld [tilespmem:s29+$0x606]  }
0x540: {  	[tilespmem:s29+$0xFFFFF9FA] =	vst v1;
	v13 =	vadd.s32 v15, v12;
	v12 =	vld [tilespmem:s29+$0x707]  }
0x541: {  	s29 =	sadd.s32 $0x10, s29;
	[tilespmem:s26+$0xFFFFF8F9] =	vst v1;
	v13 =	vadd.s32 v14, v13  }
0x542: {  	v9 =	vadd.s32 v9, v13  }
0x543: {  	[tilespmem:s26+$0x505] =	vst v1;
	v9 =	vadd.s32 v10, v9  }
0x544: {  	[tilespmem:s26+$0x606] =	vst v1;
	v9 =	vadd.s32 v11, v9  }
0x545: {  	[tilespmem:s26+$0x707] =	vst v1;
	s0 =	sadd.s32 $0x10, s25;
	v9 =	vadd.s32 v12, v9  }
0x546: {  	s29 =	simm.s32 $0xF0;
	[tilespmem:s0+$0x0] =	vst v9  }
0x547: {  	v9 =	vld [tilespmem:s29+$0x15500];
	_ =	sdelay $0x4  }
0x548: {  	(xrf0) =	vadd.scan.msk.s32 $0xffff, v8;
	s30 =	simm.s32 $0xE0;
	v9 =	vperm.xlane v9, v4  }
0x549: {  	v11 =	vld [tilespmem:s30+$0x15500]  }
0x54a: {  	(xrf0) =	vadd.scan.msk.s32 $0xffff, v9;
	_ =	sdelay $0x3  }
0x54b: {  	s31 =	simm.s32 $0xD0;
	v8, _, _ =	vpop (xrf0);
	v11 =	vperm.xlane v11, v4  }
0x54c: {  	v14 =	vld [tilespmem:s31+$0x15500];
	v8 =	vsub.s32 $0xCCD, v8  }
0x54d: {  	v10 =	vimm.s32 $0x0;
	v12 =	vbroadcast v8, $0xF;
	(xrf0) =	vadd.scan.msk.s32 $0xffff, v11;
	v13, _, _ =	vpop (xrf0)  }
0x54e: {  	v13 =	vadd.s32 v10, v13  }
0x54f: {  	s25 =	simm.s32 $0x300;
	vm0 =	vge.s32 v13, v12;
	v15 =	vperm.xlane v13, v4;
	v13 =	vimm.s32 $0x0  }
.LBB2_112:
0x550: {  	p0 =	sne.s32 s25, $0x0;
	v18 =	vmpcnt.ones.xlane vm0;
	v17 =	vsel vm0, $0x0, v9;
	v9 =	vmov v11;
	s0 =	smov.u32 s25;
	s25 =	sadd.s32 $0xFFFFFFC0, s25  }
.Ltmp68:
0x551: {  	s0 =	sshra.s32 s0, $0x2;
	v11 =	vperm.xlane v14, v4;
	v10 =	vadd.s32 v10, v17;
	v15 =	vbroadcast v15, $0x0;
	(pc) =	sbr.rel @p0 .LBB2_112-.Ltmp68, $4  }
0x552: {  	v14 =	vld [tilespmem:s0+$0x15500];
	v13 =	vadd.s32 v13, v18  }
0x553: {  	(xrf0) =	vadd.scan.msk.s32 $0xffff, v11;
	v16, _, _ =	vpop (xrf0)  }
0x554: {  	v15 =	vadd.s32 v15, v16  }
0x555: {  	vm0 =	vge.s32 v15, v12;
	v15 =	vperm.xlane v15, v4  }
0x556: {  	_ = 	snop  }
0x557: {  	v14 =	vperm.xlane v14, v4;
	_ =	sdelay $0x1  }
0x558: {  	v15 =	vbroadcast v15, $0x0;
	(xrf0) =	vadd.scan.msk.s32 $0xffff, v14  }
0x559: {  	v16, _, _ =	vpop (xrf0)  }
0x55a: {  	v15 =	vadd.s32 v15, v16  }
0x55b: {  	v16 =	vperm.xlane v15, v4  }
0x55c: {  	v60 =	vxor.u32 $0x80000000, v7  }
0x55d: {  	(xrf0) =	vmax.scan.msk.u32 $0xffff, v60;
	v16 =	vbroadcast v16, $0x0  }
0x55e: {  	v17, _, _ =	vpop (xrf0)  }
0x55f: {  	v58 =	vmpcnt.ones.xlane vm0;
	vm1 =	vge.s32 v15, v12;
	v57 =	vadd.s32 v16, v17  }
0x560: {  	v59 =	vmpcnt.ones.xlane vm1;
	vm2 =	vge.s32 v57, v12  }
0x561: {  	v13 =	vadd.s32 v13, v58;
	v61 =	vmpcnt.ones.xlane vm2  }
0x562: {  	v12 =	vadd.s32 v13, v59  }
0x563: {  	v62, _, _ =	vpop (xrf0);
	v12 =	vadd.s32 v12, v61  }
0x564: {  	(v2sf) =	vpush v62, $0xF;
	v12 =	vxor.u32 $0x80000000, v12  }
0x565: {  	(xrf0) =	vmax.scan.msk.u32 $0xffff, v12;
	_ =	sdelay $0x5  }
0x566: {  	v63, _, _ =	vpop (xrf0)  }
0x567: {  	(v2sf) =	vpush v63, $0xF;
	_ =	sdelay $0x6  }
0x568: {  	s28 =	spop (v2sf)  }
0x569: {  	v9 =	vsel vm0, $0x0, v9;
	s26 =	sxor.u32 $0x80000000, s28  }
0x56a: {  	v9 =	vadd.s32 v10, v9;
	v11 =	vsel vm1, $0x0, v11;
	s0 =	sshra.s32 s26, $0x1F  }
0x56b: {  	v9 =	vadd.s32 v9, v11;
	v10 =	vsel vm2, $0x0, v14;
	s0 =	sshrl.u32 s0, $0x1E  }
0x56c: {  	v9 =	vadd.s32 v9, v10;
	s0 =	sadd.s32 s0, s26  }
0x56d: {  	(xrf0) =	vadd.scan.msk.s32 $0xffff, v9;
	s29 =	sand.u32 $0xFFFFFFFC, s0  }
0x56e: {  	p0 =	slt.s32 s29, $0x1  }
.Ltmp69:
0x56f: {  	_ = 	snop;
	(pc) =	sbr.rel @p0 .LBB2_114-.Ltmp69, $4  }
0x570: {  	s1 =	spop (v2sf)  }
0x571: {  	s30 =	sshll.u32 s24, $0x8;
	s25 =	sadd.s32 $0x7FFFFFFF, s1  }
0x572: {  	s31 =	sor.u32 s30, s25  }
0x573: {  	v9, _, _ =	vpop (xrf0);
	v10 =	vmov s31  }
0x574: {  	s0 =	simm.s32 $0x15620  }
0x575: {  	v16 =	vimm.s32 $0x0;
	v11 =	vld [tilespmem:s0+$0x10]  }
0x576: {  	p1 =	sgt.s32 s29, $0x4;
	vm0 =	vlt.s32 v16, $0x1FF;
	v12 =	vld [tilespmem:s0+$0xFFFFFFE0]  }
.Ltmp70:
0x577: {  	v13 =	vnsel vm0, $0x1FF, v16;
	(pc) =	sbr.rel @!p1 .LBB2_133-.Ltmp70, $4  }
0x578: {  	v13 =	vshll.u32 v13, $0x4  }
0x579: {  	s30 =	simm.s32 $0x0;
	s1 =	simm.s32 $0x2;
	s14 =	simm.s32 $0x3;
	v15 =	vor.u32 v0, v13;
	v13 =	vld [tilespmem:s0+$0x0]  }
0x57a: {  	vm5 =	vgt.s32 v7, s30;
	s30 =	simm.s32 $0x1;
	vm3 =	vgt.s32 v7, s1;
	vm2 =	vgt.s32 v7, s14;
	v14 =	vld [tilespmem:s0+$0xFFFFFFF0]  }
0x57b: {  	s31 =	simm.s32 $0x4;
	p0 =	por $0x0, $0x0;
	vm6 =	vgt.s32 v7, s30;
	v25 =	vshrl.u32 v12, $0xE;
	v23 =	vshrl.u32 v11, $0xE  }
0x57c: {  	_ =	sdelay $0x2  }
0x57d: {  	vm0 =	veq.s32 v25, v10;
	vm1 =	veq.s32 v23, v10;
	v17 =	vshrl.u32 v14, $0xE  }
0x57e: {  	vm5 =	vmand vm5, vm0;
	v18 =	vshrl.u32 v13, $0xE;
	vm0 =	veq.s32 v17, v10  }
0x57f: {  	v17 =	vsel vm5, $0x1, v1;
	vm4 =	vmand vm6, vm0;
	vm0 =	veq.s32 v18, v10  }
0x580: {  	v17 =	vadd.s32 v17, v16;
	v16 =	vsel vm4, $0x1, v1;
	vm0 =	vmand vm3, vm0  }
0x581: {  	vm1 =	vmand vm2, vm1;
	v18 =	vadd.s32 v16, v17;
	v16 =	vsel vm0, $0x1, v1  }
0x582: {  	vm3 =	vlt.s32 v17, $0x1FF;
	v19 =	vadd.s32 v16, v18;
	v16 =	vsel vm1, $0x1, v1  }
0x583: {  	s30 =	simm.s32 $0x15660;
	v17 =	vnsel vm3, $0x1FF, v17;
	vm2 =	vlt.s32 v18, $0x1FF;
	v16 =	vadd.s32 v16, v19  }
0x584: {  	v21 =	vld [tilespmem:s30+$0x10];
	v17 =	vshll.u32 v17, $0x4;
	vm6 =	vlt.s32 v19, $0x1FF;
	vm7 =	vlt.s32 v16, $0x1FF  }
0x585: {  	[tilespmem:v15+s19+$0x0] =	vst.idx.msk vm5, v12;
	v12 =	vld [tilespmem:s30+$0xFFFFFFE0];
	v15 =	vnsel vm2, $0x1FF, v18;
	v18 =	vnsel vm6, $0x1FF, v19;
	v19 =	vnsel vm7, $0x1FF, v16  }
0x586: {  	p1 =	sgt.s32 s29, $0x8;
	v18 =	vshll.u32 v18, $0x4;
	v23 =	vshll.u32 v19, $0x4;
	v19 =	vor.u32 v0, v17;
	v17 =	vld [tilespmem:s30+$0x0]  }
.Ltmp71:
0x587: {  	v22 =	vor.u32 v0, v18;
	v18 =	vld [tilespmem:s30+$0xFFFFFFF0];
	(pc) =	sbr.rel @!p1 .LBB2_135-.Ltmp71, $4  }
0x588: {  	v15 =	vshll.u32 v15, $0x4  }
0x589: {  	s0 =	simm.s32 $0x6;
	s1 =	simm.s32 $0x7;
	s14 =	simm.s32 $0x5;
	vm4 =	vmmov vm4;
	vm5 =	vgt.s32 v7, s31;
	v20 =	vor.u32 v0, v15  }
0x58a: {  	vm3 =	vgt.s32 v7, s0;
	vm2 =	vgt.s32 v7, s1;
	vm6 =	vgt.s32 v7, s14  }
0x58b: {  	p0 =	por $0x1, $0x1;
	s31 =	simm.s32 $0x8;
	v25 =	vshrl.u32 v12, $0xE;
	v15 =	vor.u32 v0, v23;
	v23 =	vshrl.u32 v21, $0xE  }
.LBB2_136:
0x58c: {  	vm7 =	veq.s32 v25, v10;
	v24 =	vshrl.u32 v18, $0xE;
	v25 =	vshrl.u32 v17, $0xE;
	s0 =	smov.u32 s31;
	s31 =	sadd.s32 $0x4, s31  }
0x58d: {  	vm8 =	veq.s32 v23, v10;
	p1 =	slt.s32 s31, s29;
	vm7 =	vmand vm5, vm7;
	vm5 =	veq.s32 v24, v10;
	[tilespmem:v22+s19+$0x0] =	vst.idx.msk vm1, v11  }
0x58e: {  	vm1 =	veq.s32 v25, v10;
	v11 =	vmovc v21;
	v22 =	vsel vm7, $0x1, v1;
	vm5 =	vmand vm6, vm5;
	[tilespmem:v20+s19+$0x0] =	vst.idx.msk vm0, v13  }
0x58f: {  	vm0 =	vmand vm3, vm1;
	v13 =	vmovc v17;
	v20 =	vadd.s32 v22, v16;
	v16 =	vsel vm5, $0x1, v1;
	[tilespmem:v19+s19+$0x0] =	vst.idx.msk vm4, v14  }
0x590: {  	vm1 =	vmand vm2, vm8;
	v14 =	vmovc v18;
	v19 =	vadd.s32 v16, v20;
	v16 =	vsel vm0, $0x1, v1  }
0x591: {  	s30 =	sadd.s32 $0x40, s30;
	vm2 =	vlt.s32 v19, $0x1FF;
	v18 =	vadd.s32 v16, v19;
	v16 =	vsel vm1, $0x1, v1  }
0x592: {  	vm3 =	vlt.s32 v20, $0x1FF;
	v21 =	vld [tilespmem:s30+$0x10];
	vm4 =	vlt.s32 v18, $0x1FF;
	v16 =	vadd.s32 v16, v18  }
0x593: {  	vm6 =	vlt.s32 v16, $0x1FF;
	v17 =	vld [tilespmem:s30+$0x0];
	[tilespmem:v15+s19+$0x0] =	vst.idx.msk vm7, v12;
	v15 =	vnsel vm2, $0x1FF, v19;
	v18 =	vnsel vm4, $0x1FF, v18  }
0x594: {  	v20 =	vnsel vm3, $0x1FF, v20;
	v12 =	vld [tilespmem:s30+$0xFFFFFFE0];
	v19 =	vnsel vm6, $0x1FF, v16;
	v22 =	vshll.u32 v18, $0x4  }
.Ltmp72:
0x595: {  	v15 =	vshll.u32 v15, $0x4;
	v23 =	vshll.u32 v19, $0x4;
	v18 =	vld [tilespmem:s30+$0xFFFFFFF0];
	v19 =	vshll.u32 v20, $0x4;
	(pc) =	sbr.rel @p1 .LBB2_136-.Ltmp72, $4  }
0x596: {  	v20 =	vor.u32 v0, v15;
	v22 =	vor.u32 v0, v22;
	v19 =	vor.u32 v0, v19  }
0x597: {  	s1 =	sadd.s32 $0x2, s0;
	s14 =	sadd.s32 $0x3, s0;
	vm4 =	vmmov vm5;
	v15 =	vor.u32 v0, v23  }
0x598: {  	vm3 =	vgt.s32 v7, s1;
	vm5 =	vgt.s32 v7, s0;
	s0 =	sadd.s32 $0x1, s0;
	vm2 =	vgt.s32 v7, s14  }
0x599: {  	vm6 =	vgt.s32 v7, s0;
	v23 =	vshrl.u32 v21, $0xE;
	v25 =	vshrl.u32 v12, $0xE  }
0x59a: {  	v24 =	vmov v11;
	v11 =	vmov v21  }
.LBB2_138:
0x59b: {  	vm7 =	veq.s32 v25, v10;
	v21 =	vshrl.u32 v18, $0xE  }
0x59c: {  	v58 =	vshrl.u32 v17, $0xE;
	vm5 =	vmand vm5, vm7;
	vm10 =	veq.s32 v21, v10  }
0x59d: {  	vm11 =	veq.s32 v58, v10;
	v59 =	vsel vm5, $0x1, v1;
	vm6 =	vmand vm6, vm10  }
0x59e: {  	vm3 =	vmand vm3, vm11;
	v16 =	vadd.s32 v59, v16;
	v60 =	vsel vm6, $0x1, v1  }
0x59f: {  	v61 =	vsel vm3, $0x1, v1;
	v21 =	vadd.s32 v60, v16  }
0x5a0: {  	vm12 =	veq.s32 v23, v10;
	vm14 =	vlt.s32 v16, $0x1FF;
	v25 =	vadd.s32 v61, v21  }
0x5a1: {  	vm2 =	vmand vm2, vm12;
	v16 =	vnsel vm14, $0x1FF, v16;
	vm8 =	vlt.s32 v25, $0x1FF  }
0x5a2: {  	vm13 =	vlt.s32 v21, $0x1FF;
	v16 =	vshll.u32 v16, $0x4;
	v62 =	vnsel vm8, $0x1FF, v25  }
0x5a3: {  	v21 =	vnsel vm13, $0x1FF, v21;
	v63 =	vor.u32 v0, v16;
	v23 =	vshll.u32 v62, $0x4  }
0x5a4: {  	[tilespmem:v22+s19+$0x0] =	vst.idx.msk @p0 vm1, v24;
	v21 =	vshll.u32 v21, $0x4;
	v23 =	vor.u32 v0, v23  }
0x5a5: {  	[tilespmem:v20+s19+$0x0] =	vst.idx.msk @p0 vm0, v13;
	v21 =	vor.u32 v0, v21  }
.Ltmp73:
0x5a6: {  	[tilespmem:v19+s19+$0x0] =	vst.idx.msk @p0 vm4, v14;
	(pc) =	sbr.rel .LBB2_115-.Ltmp73, $4  }
0x5a7: {  	[tilespmem:v15+s19+$0x0] =	vst.idx.msk vm5, v12  }
0x5a8: {  	[tilespmem:v63+s19+$0x0] =	vst.idx.msk vm6, v18  }
0x5a9: {  	[tilespmem:v23+s19+$0x0] =	vst.idx.msk vm2, v11;
	v11 =	vsel vm2, $0x1, v1  }
0x5aa: {  	vm15 =	vmmov vm6;
	[tilespmem:v21+s19+$0x0] =	vst.idx.msk vm3, v17;
	v11 =	vadd.s32 v11, v25  }
.LBB2_114:
0x5ab: {  	v11 =	vimm.s32 $0x0  }
.LBB2_115:
0x5ac: {  	p0 =	sge.s32 s29, s26  }
.Ltmp74:
0x5ad: {  	_ = 	snop;
	(pc) =	sbr.rel @p0 .LBB2_118-.Ltmp74, $1  }
0x5ae: {  	_ =	sdelay $0x3  }
0x5af: {  	s0 =	ssub.s32 s26, s29  }
0x5b0: {  	s1 =	sshll.u32 s28, $0x6;
	s14 =	sshll.u32 s0, $0x6  }
0x5b1: {  	s1 =	ssub.s32 s1, s14  }
0x5b2: {  	s1 =	sshra.s32 s1, $0x2  }
0x5b3: {  	s0 =	ssub.s32 $0x0, s0;
	s28 =	sadd.s32 $0x15600, s1  }
.LBB2_117:
0x5b4: {  	v12 =	vld [tilespmem:s28+$0x0];
	_ =	sdelay $0x4  }
0x5b5: {  	s1 =	sadd.s32 s0, s26;
	vm0 =	vlt.s32 v11, $0x1FF;
	v13 =	vshrl.u32 v12, $0xE  }
0x5b6: {  	vm1 =	vgt.s32 v7, s1;
	v14 =	vnsel vm0, $0x1FF, v11;
	vm15 =	veq.s32 v13, v10  }
0x5b7: {  	s0 =	sadd.s32 $0x1, s0;
	v62 =	vshll.u32 v14, $0x4;
	vm0 =	vmand vm1, vm15  }
0x5b8: {  	p0 =	seq.s32 s0, $0x0;
	v13 =	vor.u32 v0, v62  }
.Ltmp75:
0x5b9: {  	_ = 	snop;
	(pc) =	sbr.rel @!p0 .LBB2_117-.Ltmp75, $3  }
0x5ba: {  	_ =	sdelay $0x1  }
0x5bb: {  	v63 =	vsel vm0, $0x1, v1  }
0x5bc: {  	s28 =	sadd.s32 $0x10, s28;
	v11 =	vadd.s32 v63, v11;
	[tilespmem:v13+s19+$0x0] =	vst.idx.msk vm0, v12  }
.LBB2_118:
0x5bd: {  	v7 =	vxor.u32 $0x80000000, v11  }
0x5be: {  	(xrf0) =	vmax.scan.msk.u32 $0xffff, v7;
	_ =	sdelay $0x5  }
0x5bf: {  	v7, _, _ =	vpop (xrf0)  }
0x5c0: {  	(v2sf) =	vpush v7, $0xF;
	_ =	sdelay $0xe  }
0x5c1: {  	s0 =	spop (v2sf)  }
0x5c2: {  	s26 =	sxor.u32 $0x80000000, s0  }
0x5c3: {  	p0 =	slt.s32 s26, $0x200  }
0x5c4: {  	s26 =	simm.s32 @!p0 $0x200  }
0x5c5: {  	s14 =	sshrl.u32 s26, $0x1F  }
0x5c6: {  	s0 =	sadd.s32 s14, s26  }
0x5c7: {  	s28 =	sand.u32 $0xFFFFFFFE, s0  }
.Ltmp76:
0x5c8: {  	s0 =	ssub.s32 s26, s28;
	(pc) =	sbr.rel .LBB2_119-.Ltmp76, $4  }
0x5c9: {  	s30 =	sshll.u32 s24, $0x16;
	s1 =	sshll.u32 s26, $0x6;
	s14 =	sshll.u32 s0, $0x6  }
0x5ca: {  	s31 =	sshll.u32 s25, $0xE;
	s29 =	simm.s32 $0x0;
	s1 =	ssub.s32 s1, s14  }
0x5cb: {  	v7 =	vsub.s32 v8, v9;
	p0 =	slt.s32 s28, $0x1;
	s14 =	sor.u32 s30, s31;
	s1 =	sshra.s32 s1, $0x2  }
0x5cc: {  	v8 =	vbroadcast v7, $0xF;
	p1 =	sge.s32 s28, s26;
	s24 =	ssub.s32 $0x0, s0;
	v7 =	vmov s14;
	s25 =	sadd.s32 $0x1D600, s1  }
.LBB2_123:
0x5cd: {  	s29 =	sadd.s32 $0x1, s29  }
0x5ce: {  	p2 =	sne.s32 s29, $0xE  }
.Ltmp77:
0x5cf: {  	_ = 	snop;
	(pc) =	sbr.rel @!p2 .LBB2_124-.Ltmp77, $3  }
0x5d0: {  	_ =	sdelay $0x1  }
0x5d1: {  	vm0 =	vlt.s32 v10, v8  }
0x5d2: {  	v7 =	vsel vm0, v7, v9  }
.LBB2_119:
.Ltmp78:
0x5d3: {  	(pc) =	sbr.rel @p0 .LBB2_120-.Ltmp78, $3  }
0x5d4: {  	_ =	sdelay $0x1  }
0x5d5: {  	s0 =	sshrl.u32 s20, s29  }
0x5d6: {  	v9 =	vor.u32 s0, v7  }
0x5d7: {  	p3 =	sgt.s32 s28, $0x2  }
.Ltmp79:
0x5d8: {  	_ = 	snop;
	(pc) =	sbr.rel @!p3 .LBB2_140-.Ltmp79, $4  }
0x5d9: {  	_ = 	snop  }
0x5da: {  	s31 =	simm.s32 $0x1D610  }
0x5db: {  	v13 =	vld [tilespmem:s31+$0xFFFFFFF0]  }
0x5dc: {  	s0 =	simm.s32 $0x0;
	v10 =	vimm.s32 $0x0;
	s30 =	simm.s32 $0x2;
	p2 =	por $0x0, $0x0;
	v12 =	vld [tilespmem:s31+$0x0]  }
0x5dd: {  	_ =	sdelay $0x1  }
0x5de: {  	p3 =	sgt.s32 s28, $0x4  }
.Ltmp80:
0x5df: {  	vm0 =	vgt.s32 v11, s0;
	vm1 =	vge.u32 v13, v9;
	(pc) =	sbr.rel @!p3 .LBB2_142-.Ltmp80, $4  }
0x5e0: {  	s14 =	simm.s32 $0x1;
	s31 =	simm.s32 $0x1D630;
	vm0 =	vmand vm0, vm1  }
0x5e1: {  	vm14 =	vgt.s32 v11, s14;
	v13 =	vld [tilespmem:s31+$0xFFFFFFF0];
	vm2 =	vge.u32 v12, v9;
	v15 =	vmpcnt.ones.xlane vm0  }
0x5e2: {  	v12 =	vld [tilespmem:s31+$0x0];
	vm15 =	vmand vm14, vm2  }
0x5e3: {  	s0 =	simm.s32 $0x4;
	p2 =	por $0x1, $0x1;
	v14 =	vmpcnt.ones.xlane vm15;
	v15 =	vadd.s32 v10, v15  }
.LBB2_143:
0x5e4: {  	s1 =	smov.u32 s0;
	s0 =	sadd.s32 $0x2, s0  }
0x5e5: {  	v15 =	vadd.s32 v14, v15;
	p3 =	slt.s32 s0, s28  }
.Ltmp81:
0x5e6: {  	vm0 =	vgt.s32 v11, s30;
	s14 =	sadd.s32 $0x1, s30;
	s31 =	sadd.s32 $0x20, s31;
	vm1 =	vge.u32 v13, v9;
	(pc) =	sbr.rel @p3 .LBB2_143-.Ltmp81, $4  }
0x5e7: {  	s30 =	smov.u32 s1;
	v13 =	vld [tilespmem:s31+$0xFFFFFFF0];
	vm0 =	vmand vm0, vm1;
	vm1 =	vgt.s32 v11, s14;
	vm2 =	vge.u32 v12, v9  }
0x5e8: {  	v12 =	vld [tilespmem:s31+$0x0];
	v16 =	vmpcnt.ones.xlane vm0;
	vm0 =	vmand vm1, vm2  }
0x5e9: {  	v14 =	vmpcnt.ones.xlane vm0  }
0x5ea: {  	v15 =	vadd.s32 v15, v16  }
0x5eb: {  	s0 =	smov.u32 s30  }
.LBB2_145:
0x5ec: {  	vm0 =	vgt.s32 v11, s0;
	vm1 =	vge.u32 v13, v9;
	s31 =	sadd.s32 $0x1, s0  }
.Ltmp82:
0x5ed: {  	vm0 =	vmand vm0, vm1;
	vm14 =	vgt.s32 v11, s31;
	vm2 =	vge.u32 v12, v9;
	(pc) =	sbr.rel .LBB2_121-.Ltmp82, $4  }
0x5ee: {  	v12 =	vadd.s32 @p2 v14, v15;
	v62 =	vmpcnt.ones.xlane vm0;
	vm15 =	vmand vm14, vm2  }
0x5ef: {  	v10 =	vpsel p2, v12, v10;
	v63 =	vmpcnt.ones.xlane vm15  }
0x5f0: {  	v10 =	vadd.s32 v10, v62  }
0x5f1: {  	v10 =	vadd.s32 v63, v10  }
.LBB2_120:
0x5f2: {  	v10 =	vimm.s32 $0x0  }
.LBB2_121:
.Ltmp83:
0x5f3: {  	(pc) =	sbr.rel @p1 .LBB2_123-.Ltmp83, $2  }
0x5f4: {  	_ =	sdelay $0x2  }
0x5f5: {  	s0 =	smov.u32 s25;
	s30 =	smov.u32 s24  }
.LBB2_122:
0x5f6: {  	v12 =	vld [tilespmem:s0+$0x0];
	_ =	sdelay $0x2  }
0x5f7: {  	s1 =	sadd.s32 s30, s26;
	s30 =	sadd.s32 $0x1, s30  }
0x5f8: {  	p2 =	seq.s32 s30, $0x0  }
.Ltmp84:
0x5f9: {  	vm0 =	vgt.s32 v11, s1;
	vm1 =	vge.u32 v12, v9;
	(pc) =	sbr.rel @!p2 .LBB2_122-.Ltmp84, $3  }
0x5fa: {  	vm0 =	vmand vm0, vm1  }
0x5fb: {  	v63 =	vmpcnt.ones.xlane vm0;
	_ =	sdelay $0x1  }
0x5fc: {  	s0 =	sadd.s32 $0x10, s0;
	v10 =	vadd.s32 v10, v63  }
.Ltmp85:
0x5fd: {  	_ = 	snop;
	(pc) =	sbr.rel .LBB2_123-.Ltmp85, $1  }
0x5fe: {  	_ =	sdelay $0x3  }
.LBB2_140:
.Ltmp86:
0x5ff: {  	(pc) =	sbr.rel .LBB2_145-.Ltmp86, $2  }
0x600: {  	_ =	sdelay $0x2  }
0x601: {  	_ = 	snop  }
.LBB2_142:
.Ltmp87:
0x602: {  	(pc) =	sbr.rel .LBB2_145-.Ltmp87, $2  }
0x603: {  	_ =	sdelay $0x2  }
0x604: {  	s0 =	simm.s32 $0x2  }
.LBB2_124:
0x605: {  	s0 =	simm.s32 $0x40  }
0x606: {  	v12 =	vld [tilespmem:s0+$0x30]  }
0x607: {  	v14 =	vld [tilespmem:s0+$0xFFFFFFD0]  }
0x608: {  	vm0 =	vgt.s32 v7, $0xFFFFFFFF;
	v13 =	vld [tilespmem:s0+$0xFFFFFFE0]  }
0x609: {  	v8 =	vsel vm0, $0xFFFFFFFF, v6;
	v11 =	vld [tilespmem:s0+$0xFFFFFFF0]  }
0x60a: {  	v10 =	vld [tilespmem:s0+$0x0];
	v7 =	vxor.u32 v7, v8  }
0x60b: {  	v8 =	vld [tilespmem:s0+$0x10];
	vm0 =	vge.f32 v12, v7  }
0x60c: {  	s24 =	simm.s32 $0x15640;
	v9 =	vld [tilespmem:s0+$0x20];
	vm1 =	vge.f32 v14, v7;
	v15 =	vnsel vm0, $0x0, v12  }
0x60d: {  	s25 =	simm.s32 $0x0;
	s26 =	simm.s32 $0xC0;
	v12 =	vld [tilespmem:s0+$0xFFFFFFC0];
	v14 =	vnsel vm1, $0x0, v14;
	vm0 =	vge.f32 v13, v7;
	[tilespmem:s24+$0x30] =	vst v15  }
.LBB2_125:
0x60e: {  	v15 =	vld [tilespmem:s26+$0x30];
	s25 =	sadd.s32 $0x80, s25;
	[tilespmem:s24+$0xFFFFFFD0] =	vst v14;
	v13 =	vnsel vm0, $0x0, v13;
	vm0 =	vge.f32 v11, v7  }
0x60f: {  	v14 =	vld [tilespmem:s26+$0xFFFFFFD0];
	p0 =	slt.u32 s25, $0x7F80;
	[tilespmem:s24+$0xFFFFFFE0] =	vst v13;
	v11 =	vnsel vm0, $0x0, v11;
	vm0 =	vge.f32 v10, v7  }
0x610: {  	v13 =	vld [tilespmem:s26+$0xFFFFFFE0];
	[tilespmem:s24+$0xFFFFFFF0] =	vst v11;
	v10 =	vnsel vm0, $0x0, v10;
	vm0 =	vge.f32 v8, v7  }
.Ltmp88:
0x611: {  	v11 =	vld [tilespmem:s26+$0xFFFFFFF0];
	[tilespmem:s24+$0x0] =	vst v10;
	v8 =	vnsel vm0, $0x0, v8;
	vm0 =	vge.f32 v9, v7;
	(pc) =	sbr.rel @p0 .LBB2_125-.Ltmp88, $4  }
0x612: {  	v10 =	vld [tilespmem:s26+$0x0];
	vm1 =	vge.f32 v12, v7;
	[tilespmem:s24+$0x10] =	vst v8;
	v9 =	vnsel vm0, $0x0, v9  }
0x613: {  	v8 =	vld [tilespmem:s26+$0x10];
	vm0 =	vge.f32 v15, v7;
	v12 =	vnsel vm1, $0x0, v12;
	[tilespmem:s24+$0x20] =	vst v9  }
0x614: {  	vm1 =	vge.f32 v14, v7;
	v9 =	vld [tilespmem:s26+$0x20];
	v15 =	vnsel vm0, $0x0, v15;
	[tilespmem:s24+$0xFFFFFFC0] =	vst v12;
	s24 =	sadd.s32 $0x80, s24  }
0x615: {  	v12 =	vld [tilespmem:s26+$0xFFFFFFC0];
	v14 =	vnsel vm1, $0x0, v14;
	vm0 =	vge.f32 v13, v7;
	[tilespmem:s24+$0x30] =	vst v15;
	s26 =	sadd.s32 $0x80, s26  }
0x616: {  	[tilespmem:s24+$0xFFFFFFD0] =	vst v14;
	v13 =	vnsel vm0, $0x0, v13;
	vm12 =	vge.f32 v11, v7  }
0x617: {  	[tilespmem:s24+$0xFFFFFFE0] =	vst v13;
	v11 =	vnsel vm12, $0x0, v11;
	vm13 =	vge.f32 v10, v7  }
0x618: {  	[tilespmem:s24+$0xFFFFFFF0] =	vst v11;
	v10 =	vnsel vm13, $0x0, v10;
	vm14 =	vge.f32 v8, v7  }
0x619: {  	[tilespmem:s24+$0x0] =	vst v10;
	v8 =	vnsel vm14, $0x0, v8;
	vm15 =	vge.f32 v9, v7  }
0x61a: {  	vm1 =	vge.f32 v12, v7;
	[tilespmem:s24+$0x10] =	vst v8;
	v7 =	vnsel vm15, $0x0, v9  }
0x61b: {  	v8 =	vnsel vm1, $0x0, v12;
	[tilespmem:s24+$0x20] =	vst v7  }
0x61c: {  	[tilespmem:s24+$0xFFFFFFC0] =	vst v8  }
0x61d: {  	[hbm4b:s9+s12] =	stream.strided.scatter [tilespmem:s17], [sflag:$0x3], $0x8000, s13, s12, $0x38;
	[tilespmem:$0x1F600] =	vst v63  }
0x61e: {  	_ =	swait.ge [sflag:s21], $0x8000  }
0x61f: {  	[sflag:s21] =	ssyncset.done $0x0  }
0x620: {  	s0 =	simm.s32 $0x8040;
	[sflag:s21] =	ssyncadd.s32 $0xFFFF8000  }
0x621: {  	v7 =	vld [tilespmem:s0+$0x30]  }
0x622: {  	v8 =	vld [tilespmem:s0+$0xFFFFFFD0]  }
0x623: {  	v9 =	vld [tilespmem:s0+$0xFFFFFFE0]  }
0x624: {  	v10 =	vld [tilespmem:s0+$0xFFFFFFF0]  }
0x625: {  	v11 =	vld [tilespmem:s0+$0x0];
	_ =	sdelay $0x1  }
0x626: {  	v12 =	vld [tilespmem:s0+$0x10]  }
0x627: {  	v15 =	vld [tilespmem:s0+$0x20]  }
0x628: {  	v16 =	vld [tilespmem:s0+$0xFFFFFFC0];
	v13 =	vshra.s32 v7, $0x1F;
	v14 =	vshra.s32 v8, $0x1F;
	v17 =	vshra.s32 v9, $0x1F  }
0x629: {  	v62 =	vshra.s32 v10, $0x1F;
	v18 =	vshra.s32 v11, $0x1F;
	v13 =	vor.u32 $0x80000000, v13  }
0x62a: {  	v14 =	vor.u32 $0x80000000, v14;
	v7 =	vxor.u32 v7, v13;
	v13 =	vor.u32 $0x80000000, v17  }
0x62b: {  	v17 =	vor.u32 $0x80000000, v62;
	v14 =	vxor.u32 v8, v14;
	v7 =	vshrl.u32 v7, $0x16  }
0x62c: {  	v8 =	vshra.s32 v12, $0x1F;
	v63 =	vxor.u32 v9, v13;
	v19 =	vadd.s32 v2, v7  }
0x62d: {  	v9 =	vor.u32 $0x80000000, v8;
	v8 =	vshra.s32 v15, $0x1F;
	v13 =	vshra.s32 v16, $0x1F  }
0x62e: {  	v17 =	vxor.u32 v10, v17;
	v7 =	vor.u32 $0x80000000, v18;
	v10 =	vor.u32 $0x80000000, v8  }
0x62f: {  	v13 =	vor.u32 $0x80000000, v13;
	v8 =	vxor.u32 v11, v7;
	v7 =	vxor.u32 v12, v9  }
0x630: {  	v11 =	vxor.u32 v16, v13;
	v9 =	vshrl.u32 v14, $0x16;
	v10 =	vxor.u32 v15, v10  }
0x631: {  	s25 =	simm.s32 $0x0;
	s28 =	simm.s32 $0x80C0;
	v12 =	vshrl.u32 v63, $0x16;
	v13 =	vshrl.u32 v11, $0x16;
	v11 =	vshrl.u32 v17, $0x16;
	[tilespmem:v19+s16+$0x0] =	vst.idx.add.s32.msk $0xffff, v3  }
.LBB2_127:
0x632: {  	v14 =	vld [tilespmem:s28+$0x30];
	s25 =	sadd.s32 $0x80, s25;
	v8 =	vshrl.u32 v8, $0x16;
	v7 =	vshrl.u32 v7, $0x16;
	v10 =	vshrl.u32 v10, $0x16  }
0x633: {  	v13 =	vadd.s32 v2, v13;
	v9 =	vadd.s32 v2, v9;
	v12 =	vadd.s32 v2, v12;
	v15 =	vld [tilespmem:s28+$0xFFFFFFD0];
	p0 =	slt.u32 s25, $0x7F80  }
0x634: {  	v11 =	vadd.s32 v2, v11;
	v8 =	vadd.s32 v2, v8;
	v17 =	vadd.s32 v2, v7;
	v16 =	vld [tilespmem:s28+$0xFFFFFFE0]  }
0x635: {  	v18 =	vadd.s32 v2, v10;
	v7 =	vld [tilespmem:s28+$0xFFFFFFF0]  }
0x636: {  	v10 =	vld [tilespmem:s28+$0x0]  }
0x637: {  	v19 =	vld [tilespmem:s28+$0x10];
	v20 =	vshra.s32 v14, $0x1F  }
0x638: {  	v21 =	vshra.s32 v15, $0x1F;
	v22 =	vld [tilespmem:s28+$0x20];
	v20 =	vor.u32 $0x80000000, v20  }
0x639: {  	v23 =	vld [tilespmem:s28+$0xFFFFFFC0];
	v21 =	vor.u32 $0x80000000, v21;
	v24 =	vshra.s32 v16, $0x1F;
	v14 =	vxor.u32 v14, v20  }
0x63a: {  	v20 =	vor.u32 $0x80000000, v24;
	v24 =	vshra.s32 v7, $0x1F;
	v14 =	vshrl.u32 v14, $0x16;
	[tilespmem:v13+s16+$0x0] =	vst.idx.add.s32.msk $0xffff, v3  }
0x63b: {  	v13 =	vor.u32 $0x80000000, v24;
	v24 =	vshra.s32 v10, $0x1F;
	v14 =	vadd.s32 v2, v14;
	[tilespmem:v9+s16+$0x0] =	vst.idx.add.s32.msk $0xffff, v3  }
0x63c: {  	v9 =	vxor.u32 v15, v21;
	v15 =	vor.u32 $0x80000000, v24;
	v21 =	vshra.s32 v19, $0x1F;
	[tilespmem:v12+s16+$0x0] =	vst.idx.add.s32.msk $0xffff, v3  }
.Ltmp89:
0x63d: {  	v12 =	vxor.u32 v16, v20;
	v16 =	vor.u32 $0x80000000, v21;
	v20 =	vshra.s32 v22, $0x1F;
	[tilespmem:v11+s16+$0x0] =	vst.idx.add.s32.msk $0xffff, v3;
	(pc) =	sbr.rel @p0 .LBB2_127-.Ltmp89, $4  }
0x63e: {  	v21 =	vxor.u32 v7, v13;
	v11 =	vshra.s32 v23, $0x1F;
	v13 =	vor.u32 $0x80000000, v20;
	[tilespmem:v8+s16+$0x0] =	vst.idx.add.s32.msk $0xffff, v3  }
0x63f: {  	v8 =	vxor.u32 v10, v15;
	v7 =	vxor.u32 v19, v16;
	v11 =	vor.u32 $0x80000000, v11;
	[tilespmem:v17+s16+$0x0] =	vst.idx.add.s32.msk $0xffff, v3  }
0x640: {  	s24 =	simm.s32 $0x14080;
	s26 =	simm.s32 $0x12008;
	v9 =	vshrl.u32 v9, $0x16;
	v10 =	vxor.u32 v22, v13;
	v11 =	vxor.u32 v23, v11;
	[tilespmem:v14+s16+$0x0] =	vst.idx.add.s32.msk $0xffff, v3  }
0x641: {  	s28 =	sadd.s32 $0x80, s28;
	v12 =	vshrl.u32 v12, $0x16;
	v13 =	vshrl.u32 v11, $0x16;
	v11 =	vshrl.u32 v21, $0x16;
	[tilespmem:v18+s16+$0x0] =	vst.idx.add.s32.msk $0xffff, v3  }
0x642: {  	v13 =	vadd.s32 v2, v13  }
0x643: {  	v9 =	vadd.s32 v2, v9  }
0x644: {  	v12 =	vadd.s32 v2, v12  }
0x645: {  	v8 =	vshrl.u32 v8, $0x16;
	v11 =	vadd.s32 v2, v11  }
0x646: {  	v7 =	vshrl.u32 v7, $0x16;
	v8 =	vadd.s32 v2, v8  }
0x647: {  	v10 =	vshrl.u32 v10, $0x16;
	v7 =	vadd.s32 v2, v7;
	[tilespmem:v13+s16+$0x0] =	vst.idx.add.s32.msk $0xffff, v3  }
0x648: {  	v10 =	vadd.s32 v2, v10;
	[tilespmem:v9+s16+$0x0] =	vst.idx.add.s32.msk $0xffff, v3  }
0x649: {  	[tilespmem:v12+s16+$0x0] =	vst.idx.add.s32.msk $0xffff, v3  }
0x64a: {  	[tilespmem:v11+s16+$0x0] =	vst.idx.add.s32.msk $0xffff, v3  }
0x64b: {  	[tilespmem:v8+s16+$0x0] =	vst.idx.add.s32.msk $0xffff, v3  }
0x64c: {  	[tilespmem:v7+s16+$0x0] =	vst.idx.add.s32.msk $0xffff, v3  }
0x64d: {  	[tilespmem:v10+s16+$0x0] =	vst.idx.add.s32.msk $0xffff, v3  }
0x64e: {  	v8 =	vld [tilespmem:s26+$0xFFFFDFF8]  }
0x64f: {  	v9 =	vld [tilespmem:s26+$0xFFFFE3F9]  }
0x650: {  	v10 =	vld [tilespmem:s26+$0xFFFFE7FA]  }
0x651: {  	v11 =	vld [tilespmem:s26+$0xFFFFEBFB]  }
0x652: {  	v7 =	vimm.s32 $0x0;
	v12 =	vld [tilespmem:s26+$0xFFFFEFFC]  }
0x653: {  	v13 =	vld [tilespmem:s26+$0xFFFFF3FD];
	[tilespmem:s26+$0xFFFFDFF8] =	vst v7  }
0x654: {  	s25 =	simm.s32 $0x12018;
	v14 =	vld [tilespmem:s26+$0xFFFFF7FE];
	[tilespmem:s26+$0xFFFFF3FD] =	vst v7  }
0x655: {  	v18 =	vld [tilespmem:s25+$0xFFFFDFF8];
	[tilespmem:s25+$0xFFFFDFF8] =	vst v7  }
0x656: {  	v15 =	vld [tilespmem:s26+$0xFFFFFBFF];
	[tilespmem:s26+$0xFFFFF7FE] =	vst v7  }
0x657: {  	v16 =	vld [tilespmem:s26+$0x0];
	[tilespmem:s26+$0xFFFFFBFF] =	vst v7  }
0x658: {  	v17 =	vld [tilespmem:s26+$0x401];
	[tilespmem:s26+$0x0] =	vst v7  }
0x659: {  	v19 =	vld [tilespmem:s26+$0x802];
	[tilespmem:s26+$0x401] =	vst v7  }
0x65a: {  	v20 =	vld [tilespmem:s25+$0xFFFFE3F9];
	[tilespmem:s26+$0x802] =	vst v7  }
0x65b: {  	v24 =	vld [tilespmem:s25+$0xFFFFF3FD];
	[tilespmem:s25+$0xFFFFF3FD] =	vst v7  }
0x65c: {  	v25 =	vld [tilespmem:s26+$0xC03];
	[tilespmem:s26+$0xC03] =	vst v7  }
0x65d: {  	v26 =	vld [tilespmem:s25+$0xFFFFF7FE];
	[tilespmem:s25+$0xFFFFF7FE] =	vst v7  }
0x65e: {  	v27 =	vld [tilespmem:s26+$0x1004];
	[tilespmem:s26+$0x1004] =	vst v7  }
0x65f: {  	v28 =	vld [tilespmem:s25+$0xFFFFFBFF];
	[tilespmem:s25+$0xFFFFFBFF] =	vst v7  }
0x660: {  	v21 =	vld [tilespmem:s25+$0xFFFFE7FA];
	[tilespmem:s26+$0xFFFFEFFC] =	vst v7;
	v8 =	vadd.s32 v8, v9  }
0x661: {  	v29 =	vld [tilespmem:s25+$0x0];
	[tilespmem:s25+$0x0] =	vst v7;
	v8 =	vadd.s32 v10, v8  }
0x662: {  	v22 =	vld [tilespmem:s25+$0xFFFFEBFB];
	[tilespmem:s26+$0xFFFFEBFB] =	vst v7;
	v8 =	vadd.s32 v11, v8  }
0x663: {  	v30 =	vld [tilespmem:s25+$0x401];
	[tilespmem:s25+$0x401] =	vst v7;
	v8 =	vadd.s32 v12, v8  }
0x664: {  	v23 =	vld [tilespmem:s25+$0xFFFFEFFC];
	[tilespmem:s26+$0xFFFFE7FA] =	vst v7;
	v8 =	vadd.s32 v13, v8  }
0x665: {  	[tilespmem:s26+$0xFFFFE3F9] =	vst v7;
	v8 =	vadd.s32 v14, v8  }
0x666: {  	[tilespmem:s25+$0xFFFFEFFC] =	vst v7;
	v9 =	vld [tilespmem:s25+$0xC03];
	v10 =	vadd.s32 v18, v20;
	v8 =	vadd.s32 v15, v8  }
0x667: {  	[tilespmem:s25+$0xFFFFEBFB] =	vst v7;
	v10 =	vadd.s32 v21, v10;
	v12 =	vld [tilespmem:s26+$0x1405];
	v8 =	vadd.s32 v16, v8  }
0x668: {  	[tilespmem:s25+$0xFFFFE7FA] =	vst v7;
	v11 =	vadd.s32 v22, v10;
	v14 =	vld [tilespmem:s26+$0x1806];
	v8 =	vadd.s32 v17, v8  }
0x669: {  	[tilespmem:s25+$0xC03] =	vst v7;
	v11 =	vadd.s32 v23, v11;
	v15 =	vld [tilespmem:s26+$0x1C07];
	v8 =	vadd.s32 v19, v8  }
0x66a: {  	[tilespmem:s26+$0x1405] =	vst v7;
	v13 =	vld [tilespmem:s25+$0x802];
	v11 =	vadd.s32 v24, v11;
	v8 =	vadd.s32 v25, v8  }
0x66b: {  	v10 =	vld [tilespmem:s25+$0x1004];
	[tilespmem:s25+$0x1004] =	vst v7;
	v63 =	vadd.s32 v26, v11;
	v8 =	vadd.s32 v27, v8  }
0x66c: {  	[tilespmem:s25+$0x802] =	vst v7;
	v8 =	vadd.s32 v12, v8;
	v12 =	vadd.s32 v28, v63  }
0x66d: {  	[tilespmem:s26+$0x1806] =	vst v7;
	v11 =	vld [tilespmem:s25+$0x1405];
	v8 =	vadd.s32 v14, v8;
	v14 =	vadd.s32 v29, v12  }
0x66e: {  	[tilespmem:s26+$0x1C07] =	vst v7;
	v12 =	vld [tilespmem:s25+$0x1806];
	v8 =	vadd.s32 v15, v8;
	v14 =	vadd.s32 v30, v14  }
0x66f: {  	s28 =	simm.s32 $0x12018;
	s26 =	simm.s32 $0x10;
	[tilespmem:s24+$0x0] =	vst v8;
	v14 =	vadd.s32 v13, v14;
	v13 =	vld [tilespmem:s25+$0x1C07];
	v8 =	vimm.s32 $0x0  }
.LBB2_129:
0x670: {  	[tilespmem:s25+$0xFFFFE3F9] =	vst v8;
	v9 =	vadd.s32 v9, v14;
	s28 =	sadd.s32 $0x10, s28  }
0x671: {  	v14 =	vld [tilespmem:s28+$0xFFFFDFF8];
	[tilespmem:s28+$0xFFFFDFF8] =	vst v7;
	v9 =	vadd.s32 v10, v9  }
0x672: {  	s26 =	sadd.s32 $0x10, s26;
	v10 =	vld [tilespmem:s28+$0xFFFFE3F9];
	v9 =	vadd.s32 v11, v9;
	[tilespmem:s25+$0x1405] =	vst v8  }
0x673: {  	p0 =	slt.u32 s26, $0x3F0;
	v11 =	vld [tilespmem:s28+$0xFFFFE7FA];
	v9 =	vadd.s32 v12, v9;
	[tilespmem:s25+$0x1806] =	vst v8  }
0x674: {  	s24 =	sadd.s32 $0x10, s24;
	v12 =	vld [tilespmem:s28+$0xFFFFEBFB];
	v9 =	vadd.s32 v13, v9;
	[tilespmem:s25+$0x1C07] =	vst v8;
	v8 =	vmov v7;
	s25 =	smov.u32 s28  }
0x675: {  	v13 =	vld [tilespmem:s28+$0xFFFFEFFC];
	[tilespmem:s24+$0x0] =	vst v9  }
0x676: {  	v9 =	vld [tilespmem:s28+$0xFFFFF3FD];
	[tilespmem:s28+$0xFFFFF3FD] =	vst v8  }
0x677: {  	v10 =	vadd.s32 v14, v10;
	v14 =	vld [tilespmem:s28+$0xFFFFF7FE];
	[tilespmem:s28+$0xFFFFF7FE] =	vst v8  }
0x678: {  	v10 =	vadd.s32 v11, v10;
	v11 =	vld [tilespmem:s28+$0xFFFFFBFF];
	[tilespmem:s28+$0xFFFFFBFF] =	vst v8  }
0x679: {  	v10 =	vadd.s32 v12, v10;
	v12 =	vld [tilespmem:s28+$0x0];
	[tilespmem:s28+$0x0] =	vst v8  }
0x67a: {  	v10 =	vadd.s32 v13, v10;
	v13 =	vld [tilespmem:s28+$0x401];
	[tilespmem:s28+$0x401] =	vst v8  }
0x67b: {  	v9 =	vadd.s32 v9, v10;
	v15 =	vld [tilespmem:s28+$0x802];
	[tilespmem:s28+$0x802] =	vst v8  }
.Ltmp90:
0x67c: {  	v10 =	vadd.s32 v14, v9;
	v9 =	vld [tilespmem:s28+$0xC03];
	[tilespmem:s28+$0xC03] =	vst v8;
	(pc) =	sbr.rel @p0 .LBB2_129-.Ltmp90, $4  }
0x67d: {  	v11 =	vadd.s32 v11, v10;
	v10 =	vld [tilespmem:s28+$0x1004];
	[tilespmem:s28+$0x1004] =	vst v8  }
0x67e: {  	[tilespmem:s28+$0xFFFFEFFC] =	vst v8;
	v12 =	vadd.s32 v12, v11;
	v11 =	vld [tilespmem:s28+$0x1405]  }
0x67f: {  	[tilespmem:s28+$0xFFFFEBFB] =	vst v8;
	v13 =	vadd.s32 v13, v12;
	v12 =	vld [tilespmem:s28+$0x1806]  }
0x680: {  	[tilespmem:s28+$0xFFFFE7FA] =	vst v8;
	v14 =	vadd.s32 v15, v13;
	v13 =	vld [tilespmem:s28+$0x1C07]  }
0x681: {  	v9 =	vadd.s32 v9, v14  }
0x682: {  	[tilespmem:s25+$0xFFFFE3F9] =	vst v8;
	p2 =	por $0x1, $0x1;
	v9 =	vadd.s32 v10, v9  }
.Ltmp91:
0x683: {  	[tilespmem:s25+$0x1405] =	vst v8;
	v9 =	vadd.s32 v11, v9;
	(pc) =	sbr.rel @!p2 .LBB2_131-.Ltmp91, $4  }
0x684: {  	[tilespmem:s25+$0x1806] =	vst v8;
	v9 =	vadd.s32 v12, v9  }
0x685: {  	[tilespmem:s25+$0x1C07] =	vst v8;
	s0 =	sadd.s32 $0x10, s24;
	v9 =	vadd.s32 v13, v9  }
0x686: {  	s31 =	simm.s32 $0x3F0;
	[tilespmem:s0+$0x0] =	vst v9  }
0x687: {  	p0 =	por $0x0, $0x0;
	p1 =	por $0x0, $0x0;
	v10 =	vld [tilespmem:s31+$0x14080]  }
0x688: {  	_ = 	snop  }
0x689: {  	p2 =	por $0x1, $0x1  }
.Ltmp92:
0x68a: {  	_ = 	snop;
	(pc) =	sbr.rel @!p2 .LBB2_147-.Ltmp92, $4  }
0x68b: {  	_ = 	snop  }
0x68c: {  	v8 =	vperm.xlane v10, v4  }
0x68d: {  	s0 =	simm.s32 $0x3E0  }
0x68e: {  	p0 =	por $0x1, $0x1;
	v10 =	vld [tilespmem:s0+$0x14080];
	(xrf0) =	vadd.scan.msk.s32 $0xffff, v8  }
0x68f: {  	_ =	sdelay $0x2  }
0x690: {  	p2 =	por $0x1, $0x1  }
.Ltmp93:
0x691: {  	s0 =	simm.s32 $0x3D0;
	v14 =	vperm.xlane v10, v4;
	(pc) =	sbr.rel @!p2 .LBB2_149-.Ltmp93, $4  }
0x692: {  	v10 =	vld [tilespmem:s0+$0x14080]  }
0x693: {  	v9, _, _ =	vpop (xrf0);
	(xrf0) =	vadd.scan.msk.s32 $0xffff, v14  }
0x694: {  	v12 =	vimm.s32 $0x0;
	v9 =	vadd.s32 v7, v9  }
0x695: {  	s24 =	simm.s32 $0xF00;
	p1 =	por $0x1, $0x1;
	vm0 =	vgt.s32 v9, $0xCCC;
	v13 =	vperm.xlane v9, v4;
	v9 =	vimm.s32 $0x0  }
.LBB2_150:
0x696: {  	p2 =	sne.s32 s24, $0x0;
	v16 =	vmpcnt.ones.xlane vm0;
	v15 =	vsel vm0, $0x0, v8;
	v8 =	vmov v14;
	s0 =	smov.u32 s24;
	s24 =	sadd.s32 $0xFFFFFFC0, s24  }
.Ltmp94:
0x697: {  	s0 =	sshra.s32 s0, $0x2;
	v14 =	vperm.xlane v10, v4;
	v9 =	vadd.s32 v9, v15;
	v13 =	vbroadcast v13, $0x0;
	(pc) =	sbr.rel @p2 .LBB2_150-.Ltmp94, $4  }
0x698: {  	v10 =	vld [tilespmem:s0+$0x14080];
	v12 =	vadd.s32 v12, v16  }
0x699: {  	(xrf0) =	vadd.scan.msk.s32 $0xffff, v14;
	v11, _, _ =	vpop (xrf0)  }
0x69a: {  	v11 =	vadd.s32 v13, v11  }
0x69b: {  	vm0 =	vgt.s32 v11, $0xCCC;
	v13 =	vperm.xlane v11, v4  }
0x69c: {  	v11 =	vmov v8;
	v8 =	vmov v14  }
.LBB2_152:
0x69d: {  	v13 =	vbroadcast @p1 v13, $0x0  }
0x69e: {  	v10 =	vperm.xlane v10, v4  }
0x69f: {  	v14, _, _ =	vpop @p0 (xrf0);
	v13 =	vpsel p1, v13, v7  }
0x6a0: {  	(xrf0) =	vadd.scan.msk.s32 $0xffff, v10;
	v13 =	vadd.s32 @p0 v13, v14  }
0x6a1: {  	v14 =	vperm.xlane @p0 v13, v4;
	_ =	sdelay $0x1  }
0x6a2: {  	v14 =	vpsel p0, v14, v0  }
0x6a3: {  	v14 =	vbroadcast @p0 v14, $0x0  }
0x6a4: {  	v15 =	vmpcnt.ones.xlane @p1 vm0;
	vm1 =	vgt.s32 @p0 v13, $0xCCC  }
0x6a5: {  	vm1 =	vmmov @p0 vm1;
	v13, _, _ =	vpop (xrf0);
	v14 =	vpsel p0, v14, v7  }
0x6a6: {  	v12 =	vadd.s32 @p1 v12, v15;
	v15 =	vmpcnt.ones.xlane @p0 vm1;
	v13 =	vadd.s32 v14, v13  }
0x6a7: {  	v12 =	vpsel p1, v12, v7;
	vm2 =	vgt.s32 v13, $0xCCC  }
0x6a8: {  	v12 =	vadd.s32 @p0 v12, v15;
	v13 =	vmpcnt.ones.xlane vm2  }
0x6a9: {  	v12 =	vpsel p0, v12, v7  }
0x6aa: {  	v12 =	vadd.s32 v12, v13  }
0x6ab: {  	v12 =	vxor.u32 $0x80000000, v12  }
0x6ac: {  	(xrf0) =	vmax.scan.msk.u32 $0xffff, v12;
	_ =	sdelay $0x5  }
0x6ad: {  	v12, _, _ =	vpop (xrf0)  }
0x6ae: {  	(v2sf) =	vpush v12, $0xF;
	_ =	sdelay $0xe  }
0x6af: {  	s0 =	spop (v2sf)  }
0x6b0: {  	_ =	swait.ge [sflag:s22], $0x8000  }
0x6b1: {  	[sflag:s22] =	ssyncset.done $0x0  }
0x6b2: {  	s1 =	simm.s32 $0x8040;
	[sflag:s22] =	ssyncadd.s32 $0xFFFF8000  }
0x6b3: {  	v12 =	vld [tilespmem:s1+$0x30]  }
0x6b4: {  	v13 =	vld [tilespmem:s1+$0x20]  }
0x6b5: {  	v14 =	vld [tilespmem:s1+$0x10]  }
0x6b6: {  	v11 =	vsel @p1 vm0, $0x0, v11;
	v16 =	vld [tilespmem:s1+$0x0]  }
0x6b7: {  	v8 =	vpsel p0, v8, v0;
	v9 =	vadd.s32 @p1 v9, v11;
	v17 =	vld [tilespmem:s1+$0xFFFFFFF0]  }
0x6b8: {  	v9 =	vpsel p1, v9, v7;
	v8 =	vsel @p0 vm1, $0x0, v8;
	v18 =	vld [tilespmem:s1+$0xFFFFFFE0]  }
0x6b9: {  	v8 =	vadd.s32 @p0 v9, v8;
	v19 =	vld [tilespmem:s1+$0xFFFFFFD0]  }
0x6ba: {  	v21 =	vimm.s32 $0x0;
	v7 =	vpsel p0, v8, v7;
	v8 =	vsel vm2, $0x0, v10;
	v20 =	vld [tilespmem:s1+$0xFFFFFFC0]  }
0x6bb: {  	v8 =	vadd.s32 v7, v8;
	v7 =	vshll.u32 v21, $0x4  }
0x6bc: {  	v29 =	vor.u32 v0, v7;
	s24 =	sadd.s32 $0x7FFFFFFF, s0  }
0x6bd: {  	v11 =	vmov s24;
	v7 =	vshra.s32 v13, $0x1F;
	v9 =	vshra.s32 v12, $0x1F  }
0x6be: {  	v10 =	vshra.s32 v17, $0x1F;
	v15 =	vshra.s32 v16, $0x1F;
	v22 =	vshra.s32 v14, $0x1F  }
0x6bf: {  	v23 =	vshra.s32 v20, $0x1F;
	v24 =	vshra.s32 v19, $0x1F;
	v25 =	vshra.s32 v18, $0x1F  }
0x6c0: {  	v22 =	vor.u32 $0x80000000, v22;
	v7 =	vor.u32 $0x80000000, v7;
	v9 =	vor.u32 $0x80000000, v9  }
0x6c1: {  	v25 =	vor.u32 $0x80000000, v25;
	v26 =	vor.u32 $0x80000000, v10;
	v10 =	vor.u32 $0x80000000, v15  }
0x6c2: {  	v23 =	vor.u32 $0x80000000, v23;
	v24 =	vor.u32 $0x80000000, v24;
	v15 =	vxor.u32 v12, v9  }
0x6c3: {  	v12 =	vxor.u32 v16, v10;
	v14 =	vxor.u32 v14, v22;
	v16 =	vxor.u32 v13, v7  }
0x6c4: {  	v10 =	vxor.u32 v19, v24;
	v13 =	vxor.u32 v18, v25;
	v9 =	vxor.u32 v17, v26  }
0x6c5: {  	v30 =	vxor.u32 v20, v23;
	v7 =	vshrl.u32 v16, $0x16;
	v20 =	vshrl.u32 v15, $0x16  }
0x6c6: {  	v17 =	vshrl.u32 v30, $0x16;
	v22 =	vshrl.u32 v12, $0x16;
	v24 =	vshrl.u32 v14, $0x16  }
0x6c7: {  	v19 =	vshrl.u32 v9, $0x16;
	v23 =	vshrl.u32 v13, $0x16;
	v26 =	vshrl.u32 v12, $0xE  }
0x6c8: {  	v28 =	vshrl.u32 v14, $0xE;
	vm4 =	veq.s32 v17, v11;
	v17 =	vshrl.u32 v10, $0x16  }
0x6c9: {  	vm10 =	veq.s32 v23, v11;
	vm0 =	veq.s32 v19, v11;
	vm1 =	veq.s32 v22, v11  }
0x6ca: {  	vm2 =	veq.s32 v24, v11;
	v18 =	vsel vm4, $0x1, v1;
	vm7 =	veq.s32 v17, v11  }
0x6cb: {  	vm3 =	veq.s32 v7, v11;
	v17 =	vadd.s32 v18, v21;
	v18 =	vsel vm7, $0x1, v1  }
0x6cc: {  	vm5 =	veq.s32 v20, v11;
	v21 =	vsel vm10, $0x1, v1;
	v18 =	vadd.s32 v18, v17  }
0x6cd: {  	v20 =	vshrl.u32 v30, $0xE;
	v19 =	vadd.s32 v21, v18;
	v21 =	vsel vm0, $0x1, v1  }
0x6ce: {  	v22 =	vshrl.u32 v13, $0xE;
	v23 =	vadd.s32 v21, v19;
	v21 =	vsel vm1, $0x1, v1  }
0x6cf: {  	v24 =	vshrl.u32 v9, $0xE;
	v25 =	vadd.s32 v21, v23;
	v21 =	vsel vm2, $0x1, v1  }
0x6d0: {  	v7 =	vsel vm3, $0x1, v1;
	[tilespmem:v29+s17+$0x0] =	vst.idx.msk vm4, v30;
	v29 =	vshrl.u32 v16, $0xE;
	v27 =	vadd.s32 v21, v25  }
0x6d1: {  	v21 =	vshrl.u32 v10, $0xE;
	v31 =	vadd.s32 v7, v27;
	v7 =	vsel vm5, $0x1, v1  }
0x6d2: {  	s26 =	simm.s32 $0x0;
	s28 =	simm.s32 $0x80C0;
	v7 =	vadd.s32 v7, v31;
	v30 =	vshll.u32 v31, $0x4;
	v31 =	vshrl.u32 v15, $0xE  }
.LBB2_153:
0x6d3: {  	v23 =	vshll.u32 v23, $0x4;
	v25 =	vshll.u32 v25, $0x4;
	v27 =	vshll.u32 v27, $0x4  }
0x6d4: {  	v32 =	vld [tilespmem:s28+$0x30];
	vm6 =	vmmov vm4;
	vm8 =	vmmov vm7;
	vm9 =	vmmov vm10  }
0x6d5: {  	v17 =	vshll.u32 v17, $0x4;
	v18 =	vshll.u32 v18, $0x4;
	v19 =	vshll.u32 v19, $0x4;
	v33 =	vld [tilespmem:s28+$0x20]  }
0x6d6: {  	v20 =	vand.u32 $0xFF, v20;
	v21 =	vand.u32 $0xFF, v21;
	v22 =	vand.u32 $0xFF, v22;
	v34 =	vld [tilespmem:s28+$0x10]  }
0x6d7: {  	v24 =	vand.u32 $0xFF, v24;
	v26 =	vand.u32 $0xFF, v26;
	v28 =	vand.u32 $0xFF, v28;
	v35 =	vld [tilespmem:s28+$0x0]  }
0x6d8: {  	v36 =	vshll.u32 v7, $0x4;
	v29 =	vand.u32 $0xFF, v29;
	v31 =	vand.u32 $0xFF, v31;
	v37 =	vld [tilespmem:s28+$0xFFFFFFF0]  }
0x6d9: {  	s26 =	sadd.s32 $0x80, s26;
	v30 =	vor.u32 v0, v30;
	v25 =	vor.u32 v0, v25;
	v27 =	vor.u32 v0, v27;
	v38 =	vld [tilespmem:s28+$0xFFFFFFE0]  }
0x6da: {  	p0 =	slt.u32 s26, $0x7F80;
	v18 =	vor.u32 v0, v18;
	v19 =	vor.u32 v0, v19;
	v23 =	vor.u32 v0, v23;
	v39 =	vld [tilespmem:s28+$0xFFFFFFD0]  }
0x6db: {  	v20 =	vadd.s32 v5, v20;
	v41 =	vor.u32 v0, v17;
	v21 =	vadd.s32 v5, v21;
	v40 =	vld [tilespmem:s28+$0xFFFFFFC0]  }
0x6dc: {  	v22 =	vadd.s32 v5, v22;
	v17 =	vadd.s32 v5, v24;
	v24 =	vadd.s32 v5, v26  }
0x6dd: {  	v26 =	vadd.s32 v5, v28;
	v28 =	vadd.s32 v5, v29;
	v29 =	vadd.s32 v5, v31  }
0x6de: {  	v31 =	vor.u32 v0, v36;
	v42 =	vshra.s32 v32, $0x1F;
	v36 =	vshra.s32 v33, $0x1F;
	[tilespmem:v30+s17+$0x0] =	vst.idx.msk vm5, v15  }
0x6df: {  	v43 =	vshra.s32 v34, $0x1F;
	v15 =	vshra.s32 v37, $0x1F;
	v30 =	vshra.s32 v35, $0x1F;
	[tilespmem:v27+s17+$0x0] =	vst.idx.msk vm3, v16  }
0x6e0: {  	v44 =	vshra.s32 v38, $0x1F;
	v27 =	vshra.s32 v39, $0x1F;
	v16 =	vshra.s32 v40, $0x1F;
	[tilespmem:v25+s17+$0x0] =	vst.idx.msk vm2, v14  }
0x6e1: {  	v14 =	vor.u32 $0x80000000, v43;
	v25 =	vor.u32 $0x80000000, v36;
	v36 =	vor.u32 $0x80000000, v42;
	[tilespmem:v23+s17+$0x0] =	vst.idx.msk vm1, v12  }
0x6e2: {  	v42 =	vor.u32 $0x80000000, v15;
	v23 =	vor.u32 $0x80000000, v44;
	v12 =	vor.u32 $0x80000000, v30;
	[tilespmem:v29+s18+$0x0] =	vst.idx.add.s32.msk vm5, v3  }
0x6e3: {  	v27 =	vor.u32 $0x80000000, v27;
	v15 =	vxor.u32 v32, v36;
	v29 =	vor.u32 $0x80000000, v16;
	[tilespmem:v28+s18+$0x0] =	vst.idx.add.s32.msk vm3, v3  }
0x6e4: {  	v14 =	vxor.u32 v34, v14;
	v12 =	vxor.u32 v35, v12;
	v16 =	vxor.u32 v33, v25  }
0x6e5: {  	v30 =	vxor.u32 v38, v23;
	v23 =	vxor.u32 v37, v42;
	v28 =	vxor.u32 v39, v27  }
0x6e6: {  	v32 =	vshrl.u32 v15, $0x16;
	v29 =	vxor.u32 v40, v29;
	v27 =	vshrl.u32 v16, $0x16;
	[tilespmem:v26+s18+$0x0] =	vst.idx.add.s32.msk vm2, v3  }
0x6e7: {  	v33 =	vshrl.u32 v14, $0x16;
	v25 =	vshrl.u32 v29, $0x16;
	v26 =	vshrl.u32 v12, $0x16;
	[tilespmem:v24+s18+$0x0] =	vst.idx.add.s32.msk vm1, v3  }
0x6e8: {  	vm4 =	veq.s32 v25, v11;
	v25 =	vshrl.u32 v23, $0x16;
	v24 =	vshrl.u32 v28, $0x16;
	[tilespmem:v19+s17+$0x0] =	vst.idx.msk vm0, v9;
	v9 =	vmovc v23  }
0x6e9: {  	v19 =	vsel vm4, $0x1, v1;
	vm7 =	veq.s32 v24, v11;
	v23 =	vshrl.u32 v30, $0x16;
	[tilespmem:v17+s18+$0x0] =	vst.idx.add.s32.msk vm0, v3  }
0x6ea: {  	v17 =	vadd.s32 v19, v7;
	v7 =	vsel vm7, $0x1, v1;
	vm10 =	veq.s32 v23, v11;
	[tilespmem:v18+s17+$0x0] =	vst.idx.msk vm9, v13  }
0x6eb: {  	vm0 =	veq.s32 v25, v11;
	v18 =	vadd.s32 v7, v17;
	v7 =	vsel vm10, $0x1, v1;
	[tilespmem:v22+s18+$0x0] =	vst.idx.add.s32.msk vm9, v3  }
0x6ec: {  	vm1 =	veq.s32 v26, v11;
	v19 =	vadd.s32 v7, v18;
	v7 =	vsel vm0, $0x1, v1;
	[tilespmem:v41+s17+$0x0] =	vst.idx.msk vm8, v10  }
0x6ed: {  	vm2 =	veq.s32 v33, v11;
	v23 =	vadd.s32 v7, v19;
	v7 =	vsel vm1, $0x1, v1;
	[tilespmem:v21+s18+$0x0] =	vst.idx.add.s32.msk vm8, v3  }
0x6ee: {  	vm3 =	veq.s32 v27, v11;
	v25 =	vadd.s32 v7, v23;
	v7 =	vsel vm2, $0x1, v1;
	[tilespmem:v31+s17+$0x0] =	vst.idx.msk vm4, v29  }
.Ltmp95:
0x6ef: {  	vm5 =	veq.s32 v32, v11;
	v27 =	vadd.s32 v7, v25;
	v7 =	vsel vm3, $0x1, v1;
	[tilespmem:v20+s18+$0x0] =	vst.idx.add.s32.msk vm6, v3;
	(pc) =	sbr.rel @p0 .LBB2_153-.Ltmp95, $4  }
0x6f0: {  	v13 =	vmovc v30;
	v10 =	vmovc v28;
	v20 =	vshrl.u32 v29, $0xE;
	v31 =	vadd.s32 v7, v27;
	v7 =	vsel vm5, $0x1, v1  }
0x6f1: {  	s25 =	simm.s32 $0x15500;
	s29 =	simm.s32 $0x14C88;
	v22 =	vshrl.u32 v13, $0xE;
	v21 =	vshrl.u32 v10, $0xE;
	v7 =	vadd.s32 v7, v31  }
0x6f2: {  	v26 =	vshrl.u32 v12, $0xE;
	v24 =	vshrl.u32 v9, $0xE;
	v28 =	vshrl.u32 v14, $0xE  }
0x6f3: {  	s28 =	sadd.s32 $0x80, s28;
	v29 =	vshrl.u32 v16, $0xE;
	v30 =	vshll.u32 v31, $0x4;
	v31 =	vshrl.u32 v15, $0xE  }
0x6f4: {  	v11 =	vshll.u32 v27, $0x4;
	v49 =	vor.u32 v0, v30  }
0x6f5: {  	v25 =	vshll.u32 v25, $0x4;
	v11 =	vor.u32 v0, v11  }
0x6f6: {  	v23 =	vshll.u32 v23, $0x4;
	v25 =	vor.u32 v0, v25  }
0x6f7: {  	v50 =	vand.u32 $0xFF, v31;
	v23 =	vor.u32 v0, v23  }
0x6f8: {  	v17 =	vshll.u32 v17, $0x4;
	v30 =	vadd.s32 v5, v50  }
0x6f9: {  	v29 =	vand.u32 $0xFF, v29;
	v17 =	vor.u32 v0, v17;
	[tilespmem:v49+s17+$0x0] =	vst.idx.msk vm5, v15  }
0x6fa: {  	v28 =	vand.u32 $0xFF, v28;
	v29 =	vadd.s32 v5, v29;
	[tilespmem:v11+s17+$0x0] =	vst.idx.msk vm3, v16  }
0x6fb: {  	v51 =	vadd.s32 v5, v28;
	v15 =	vand.u32 $0xFF, v26;
	[tilespmem:v25+s17+$0x0] =	vst.idx.msk vm2, v14  }
0x6fc: {  	v11 =	vshll.u32 v19, $0x4;
	v15 =	vadd.s32 v5, v15;
	[tilespmem:v23+s17+$0x0] =	vst.idx.msk vm1, v12  }
0x6fd: {  	v53 =	vand.u32 $0xFF, v21;
	[tilespmem:v30+s18+$0x0] =	vst.idx.add.s32.msk vm5, v3;
	v11 =	vor.u32 v0, v11  }
0x6fe: {  	v12 =	vshll.u32 v18, $0x4;
	v18 =	vadd.s32 v5, v53;
	[tilespmem:v17+s17+$0x0] =	vst.idx.msk vm7, v10  }
0x6ff: {  	v14 =	vand.u32 $0xFF, v24;
	v12 =	vor.u32 v0, v12;
	[tilespmem:v29+s18+$0x0] =	vst.idx.add.s32.msk vm3, v3  }
0x700: {  	v52 =	vand.u32 $0xFF, v22;
	v14 =	vadd.s32 v5, v14;
	[tilespmem:v51+s18+$0x0] =	vst.idx.add.s32.msk vm2, v3  }
0x701: {  	v16 =	vadd.s32 v5, v52;
	[tilespmem:v15+s18+$0x0] =	vst.idx.add.s32.msk vm1, v3;
	v15 =	vand.u32 $0xFF, v20  }
0x702: {  	[tilespmem:v11+s17+$0x0] =	vst.idx.msk vm0, v9;
	v9 =	vadd.s32 v5, v15  }
0x703: {  	[tilespmem:v18+s18+$0x0] =	vst.idx.add.s32.msk vm7, v3  }
0x704: {  	[tilespmem:v12+s17+$0x0] =	vst.idx.msk vm10, v13  }
0x705: {  	[tilespmem:v14+s18+$0x0] =	vst.idx.add.s32.msk vm0, v3  }
0x706: {  	[tilespmem:v16+s18+$0x0] =	vst.idx.add.s32.msk vm10, v3  }
0x707: {  	[tilespmem:v9+s18+$0x0] =	vst.idx.add.s32.msk vm4, v3  }
0x708: {  	v9 =	vld [tilespmem:s29+$0xFFFFF7F8]  }
0x709: {  	v10 =	vld [tilespmem:s29+$0xFFFFF8F9]  }
0x70a: {  	v11 =	vld [tilespmem:s29+$0xFFFFF9FA]  }
0x70b: {  	v12 =	vld [tilespmem:s29+$0xFFFFFAFB]  }
0x70c: {  	v13 =	vld [tilespmem:s29+$0xFFFFFBFC];
	[tilespmem:s29+$0xFFFFF7F8] =	vst v1  }
0x70d: {  	s26 =	simm.s32 $0x14C98;
	v14 =	vld [tilespmem:s29+$0xFFFFFCFD];
	[tilespmem:s29+$0xFFFFFCFD] =	vst v1  }
0x70e: {  	v54 =	vld [tilespmem:s26+$0xFFFFF7F8];
	[tilespmem:s26+$0xFFFFF7F8] =	vst v1  }
0x70f: {  	v15 =	vld [tilespmem:s29+$0xFFFFFDFE];
	[tilespmem:s29+$0xFFFFFDFE] =	vst v1  }
0x710: {  	v16 =	vld [tilespmem:s29+$0xFFFFFEFF];
	[tilespmem:s29+$0xFFFFFEFF] =	vst v1  }
0x711: {  	v17 =	vld [tilespmem:s29+$0x0];
	[tilespmem:s29+$0x0] =	vst v1  }
0x712: {  	v18 =	vld [tilespmem:s29+$0x101];
	[tilespmem:s29+$0x101] =	vst v1  }
0x713: {  	v55 =	vld [tilespmem:s29+$0x202];
	[tilespmem:s29+$0x202] =	vst v1  }
0x714: {  	v25 =	vld [tilespmem:s26+$0xFFFFFCFD];
	[tilespmem:s26+$0xFFFFFCFD] =	vst v1  }
0x715: {  	v26 =	vld [tilespmem:s29+$0x303];
	[tilespmem:s29+$0x303] =	vst v1  }
0x716: {  	v27 =	vld [tilespmem:s26+$0xFFFFFDFE];
	[tilespmem:s26+$0xFFFFFDFE] =	vst v1  }
0x717: {  	v59 =	vld [tilespmem:s29+$0x404];
	[tilespmem:s29+$0x404] =	vst v1  }
0x718: {  	v29 =	vld [tilespmem:s26+$0xFFFFFEFF];
	[tilespmem:s26+$0xFFFFFEFF] =	vst v1  }
0x719: {  	v56 =	vld [tilespmem:s26+$0xFFFFF8F9];
	[tilespmem:s29+$0xFFFFFBFC] =	vst v1  }
0x71a: {  	v30 =	vld [tilespmem:s26+$0x0];
	[tilespmem:s26+$0x0] =	vst v1;
	v9 =	vadd.s32 v9, v10  }
0x71b: {  	v57 =	vld [tilespmem:s26+$0xFFFFF9FA];
	[tilespmem:s29+$0xFFFFFAFB] =	vst v1;
	v9 =	vadd.s32 v11, v9  }
0x71c: {  	v23 =	vld [tilespmem:s26+$0xFFFFFAFB];
	[tilespmem:s29+$0xFFFFF9FA] =	vst v1;
	v9 =	vadd.s32 v12, v9  }
0x71d: {  	v58 =	vld [tilespmem:s26+$0xFFFFFBFC];
	[tilespmem:s29+$0xFFFFF8F9] =	vst v1;
	v9 =	vadd.s32 v13, v9  }
0x71e: {  	[tilespmem:s26+$0xFFFFFBFC] =	vst v1;
	v9 =	vadd.s32 v14, v9  }
0x71f: {  	v61 =	vld [tilespmem:s29+$0x707];
	[tilespmem:s26+$0xFFFFFAFB] =	vst v1;
	v10 =	vadd.s32 v54, v56;
	v9 =	vadd.s32 v15, v9  }
0x720: {  	[tilespmem:s29+$0x707] =	vst v1;
	v11 =	vld [tilespmem:s29+$0x505];
	v10 =	vadd.s32 v57, v10;
	v9 =	vadd.s32 v16, v9  }
0x721: {  	[tilespmem:s26+$0xFFFFF9FA] =	vst v1;
	v12 =	vld [tilespmem:s26+$0x101];
	v10 =	vadd.s32 v23, v10;
	v9 =	vadd.s32 v17, v9  }
0x722: {  	[tilespmem:s26+$0xFFFFF8F9] =	vst v1;
	v10 =	vadd.s32 v58, v10;
	v15 =	vld [tilespmem:s29+$0x606];
	v60 =	vadd.s32 v18, v9  }
0x723: {  	[tilespmem:s29+$0x505] =	vst v1;
	v13 =	vld [tilespmem:s26+$0x202];
	v10 =	vadd.s32 v25, v10;
	v16 =	vadd.s32 v55, v60  }
0x724: {  	[tilespmem:s26+$0x101] =	vst v1;
	v14 =	vld [tilespmem:s26+$0x303];
	v62 =	vadd.s32 v27, v10;
	v16 =	vadd.s32 v26, v16  }
0x725: {  	[tilespmem:s26+$0x202] =	vst v1;
	v63 =	vadd.s32 v29, v62;
	v9 =	vld [tilespmem:s26+$0x404];
	v16 =	vadd.s32 v59, v16  }
0x726: {  	[tilespmem:s26+$0x303] =	vst v1;
	v10 =	vld [tilespmem:s26+$0x505];
	v11 =	vadd.s32 v11, v16;
	v16 =	vadd.s32 v30, v63  }
0x727: {  	[tilespmem:s29+$0x606] =	vst v1;
	v15 =	vadd.s32 v15, v11;
	v11 =	vld [tilespmem:s26+$0x606];
	v12 =	vadd.s32 v12, v16  }
0x728: {  	vm6 =	vmmov vm10;
	[tilespmem:s26+$0x404] =	vst v1;
	v15 =	vadd.s32 v61, v15;
	v13 =	vadd.s32 v13, v12;
	v12 =	vld [tilespmem:s26+$0x707]  }
0x729: {  	vm14 =	vmmov vm7;
	vm15 =	vmmov vm4;
	s28 =	simm.s32 $0x10;
	s29 =	simm.s32 $0x14CA8;
	[tilespmem:s25+$0x0] =	vst v15;
	v13 =	vadd.s32 v14, v13  }
.LBB2_155:
0x72a: {  	v14 =	vld [tilespmem:s29+$0xFFFFF7F8];
	[tilespmem:s29+$0xFFFFF7F8] =	vst v1;
	v9 =	vadd.s32 v9, v13  }
0x72b: {  	s28 =	sadd.s32 $0x10, s28;
	v13 =	vld [tilespmem:s29+$0xFFFFF8F9];
	v9 =	vadd.s32 v10, v9;
	[tilespmem:s26+$0x505] =	vst v1  }
0x72c: {  	p0 =	slt.u32 s28, $0xF0;
	v10 =	vld [tilespmem:s29+$0xFFFFF9FA];
	v9 =	vadd.s32 v11, v9;
	[tilespmem:s26+$0x606] =	vst v1  }
0x72d: {  	s25 =	sadd.s32 $0x10, s25;
	v11 =	vld [tilespmem:s29+$0xFFFFFAFB];
	v9 =	vadd.s32 v12, v9;
	[tilespmem:s26+$0x707] =	vst v1;
	s26 =	smov.u32 s29  }
0x72e: {  	v12 =	vld [tilespmem:s29+$0xFFFFFBFC];
	[tilespmem:s25+$0x0] =	vst v9  }
0x72f: {  	v9 =	vld [tilespmem:s29+$0xFFFFFCFD];
	[tilespmem:s29+$0xFFFFFCFD] =	vst v1  }
0x730: {  	v13 =	vadd.s32 v14, v13;
	v14 =	vld [tilespmem:s29+$0xFFFFFDFE];
	[tilespmem:s29+$0xFFFFFDFE] =	vst v1  }
0x731: {  	v10 =	vadd.s32 v10, v13;
	v13 =	vld [tilespmem:s29+$0xFFFFFEFF];
	[tilespmem:s29+$0xFFFFFEFF] =	vst v1  }
0x732: {  	v10 =	vadd.s32 v11, v10;
	v11 =	vld [tilespmem:s29+$0x0];
	[tilespmem:s29+$0x0] =	vst v1  }
0x733: {  	v10 =	vadd.s32 v12, v10;
	v12 =	vld [tilespmem:s29+$0x101];
	[tilespmem:s29+$0x101] =	vst v1  }
0x734: {  	v9 =	vadd.s32 v9, v10;
	v15 =	vld [tilespmem:s29+$0x202];
	[tilespmem:s29+$0x202] =	vst v1  }
0x735: {  	v9 =	vadd.s32 v14, v9;
	v14 =	vld [tilespmem:s29+$0x303];
	[tilespmem:s29+$0x303] =	vst v1  }
.Ltmp96:
0x736: {  	v10 =	vadd.s32 v13, v9;
	v9 =	vld [tilespmem:s29+$0x404];
	[tilespmem:s29+$0x404] =	vst v1;
	(pc) =	sbr.rel @p0 .LBB2_155-.Ltmp96, $4  }
0x737: {  	[tilespmem:s29+$0xFFFFFBFC] =	vst v1;
	v11 =	vadd.s32 v11, v10;
	v10 =	vld [tilespmem:s29+$0x505]  }
0x738: {  	[tilespmem:s29+$0xFFFFFAFB] =	vst v1;
	v12 =	vadd.s32 v12, v11;
	v11 =	vld [tilespmem:s29+$0x606]  }
0x739: {  	[tilespmem:s29+$0xFFFFF9FA] =	vst v1;
	v13 =	vadd.s32 v15, v12;
	v12 =	vld [tilespmem:s29+$0x707]  }
0x73a: {  	s29 =	sadd.s32 $0x10, s29;
	[tilespmem:s26+$0xFFFFF8F9] =	vst v1;
	v13 =	vadd.s32 v14, v13  }
0x73b: {  	v9 =	vadd.s32 v9, v13  }
0x73c: {  	[tilespmem:s26+$0x505] =	vst v1;
	v9 =	vadd.s32 v10, v9  }
0x73d: {  	[tilespmem:s26+$0x606] =	vst v1;
	v9 =	vadd.s32 v11, v9  }
0x73e: {  	[tilespmem:s26+$0x707] =	vst v1;
	s0 =	sadd.s32 $0x10, s25;
	v9 =	vadd.s32 v12, v9  }
0x73f: {  	s29 =	simm.s32 $0xF0;
	[tilespmem:s0+$0x0] =	vst v9  }
0x740: {  	v9 =	vld [tilespmem:s29+$0x15500];
	_ =	sdelay $0x4  }
0x741: {  	(xrf0) =	vadd.scan.msk.s32 $0xffff, v8;
	s30 =	simm.s32 $0xE0;
	v9 =	vperm.xlane v9, v4  }
0x742: {  	v11 =	vld [tilespmem:s30+$0x15500]  }
0x743: {  	(xrf0) =	vadd.scan.msk.s32 $0xffff, v9;
	_ =	sdelay $0x3  }
0x744: {  	s31 =	simm.s32 $0xD0;
	v8, _, _ =	vpop (xrf0);
	v11 =	vperm.xlane v11, v4  }
0x745: {  	v14 =	vld [tilespmem:s31+$0x15500];
	v8 =	vsub.s32 $0xCCD, v8  }
0x746: {  	v10 =	vimm.s32 $0x0;
	v12 =	vbroadcast v8, $0xF;
	(xrf0) =	vadd.scan.msk.s32 $0xffff, v11;
	v13, _, _ =	vpop (xrf0)  }
0x747: {  	v13 =	vadd.s32 v10, v13  }
0x748: {  	s25 =	simm.s32 $0x300;
	vm0 =	vge.s32 v13, v12;
	v15 =	vperm.xlane v13, v4;
	v13 =	vimm.s32 $0x0  }
.LBB2_157:
0x749: {  	p0 =	sne.s32 s25, $0x0;
	v18 =	vmpcnt.ones.xlane vm0;
	v17 =	vsel vm0, $0x0, v9;
	v9 =	vmov v11;
	s0 =	smov.u32 s25;
	s25 =	sadd.s32 $0xFFFFFFC0, s25  }
.Ltmp97:
0x74a: {  	s0 =	sshra.s32 s0, $0x2;
	v11 =	vperm.xlane v14, v4;
	v10 =	vadd.s32 v10, v17;
	v15 =	vbroadcast v15, $0x0;
	(pc) =	sbr.rel @p0 .LBB2_157-.Ltmp97, $4  }
0x74b: {  	v14 =	vld [tilespmem:s0+$0x15500];
	v13 =	vadd.s32 v13, v18  }
0x74c: {  	(xrf0) =	vadd.scan.msk.s32 $0xffff, v11;
	v16, _, _ =	vpop (xrf0)  }
0x74d: {  	v15 =	vadd.s32 v15, v16  }
0x74e: {  	vm0 =	vge.s32 v15, v12;
	v15 =	vperm.xlane v15, v4  }
0x74f: {  	_ = 	snop  }
0x750: {  	v14 =	vperm.xlane v14, v4;
	_ =	sdelay $0x1  }
0x751: {  	v15 =	vbroadcast v15, $0x0;
	(xrf0) =	vadd.scan.msk.s32 $0xffff, v14  }
0x752: {  	v16, _, _ =	vpop (xrf0)  }
0x753: {  	v15 =	vadd.s32 v15, v16  }
0x754: {  	v16 =	vperm.xlane v15, v4  }
0x755: {  	v60 =	vxor.u32 $0x80000000, v7  }
0x756: {  	(xrf0) =	vmax.scan.msk.u32 $0xffff, v60;
	v16 =	vbroadcast v16, $0x0  }
0x757: {  	v17, _, _ =	vpop (xrf0)  }
0x758: {  	v58 =	vmpcnt.ones.xlane vm0;
	vm1 =	vge.s32 v15, v12;
	v57 =	vadd.s32 v16, v17  }
0x759: {  	v59 =	vmpcnt.ones.xlane vm1;
	vm2 =	vge.s32 v57, v12  }
0x75a: {  	v13 =	vadd.s32 v13, v58;
	v61 =	vmpcnt.ones.xlane vm2  }
0x75b: {  	v12 =	vadd.s32 v13, v59  }
0x75c: {  	v62, _, _ =	vpop (xrf0);
	v12 =	vadd.s32 v12, v61  }
0x75d: {  	(v2sf) =	vpush v62, $0xF;
	v12 =	vxor.u32 $0x80000000, v12  }
0x75e: {  	(xrf0) =	vmax.scan.msk.u32 $0xffff, v12;
	_ =	sdelay $0x5  }
0x75f: {  	v63, _, _ =	vpop (xrf0)  }
0x760: {  	(v2sf) =	vpush v63, $0xF;
	_ =	sdelay $0x6  }
0x761: {  	s28 =	spop (v2sf)  }
0x762: {  	v9 =	vsel vm0, $0x0, v9;
	s26 =	sxor.u32 $0x80000000, s28  }
0x763: {  	v9 =	vadd.s32 v10, v9;
	v11 =	vsel vm1, $0x0, v11;
	s0 =	sshra.s32 s26, $0x1F  }
0x764: {  	v9 =	vadd.s32 v9, v11;
	v10 =	vsel vm2, $0x0, v14;
	s0 =	sshrl.u32 s0, $0x1E  }
0x765: {  	v9 =	vadd.s32 v9, v10;
	s0 =	sadd.s32 s0, s26  }
0x766: {  	(xrf0) =	vadd.scan.msk.s32 $0xffff, v9;
	s29 =	sand.u32 $0xFFFFFFFC, s0  }
0x767: {  	p0 =	slt.s32 s29, $0x1  }
.Ltmp98:
0x768: {  	_ = 	snop;
	(pc) =	sbr.rel @p0 .LBB2_159-.Ltmp98, $4  }
0x769: {  	s1 =	spop (v2sf)  }
0x76a: {  	s30 =	sshll.u32 s24, $0x8;
	s25 =	sadd.s32 $0x7FFFFFFF, s1  }
0x76b: {  	s31 =	sor.u32 s30, s25  }
0x76c: {  	v9, _, _ =	vpop (xrf0);
	v10 =	vmov s31  }
0x76d: {  	s0 =	simm.s32 $0x15620  }
0x76e: {  	v16 =	vimm.s32 $0x0;
	v11 =	vld [tilespmem:s0+$0x10]  }
0x76f: {  	p1 =	sgt.s32 s29, $0x4;
	vm0 =	vlt.s32 v16, $0x1FF;
	v12 =	vld [tilespmem:s0+$0xFFFFFFE0]  }
.Ltmp99:
0x770: {  	v13 =	vnsel vm0, $0x1FF, v16;
	(pc) =	sbr.rel @!p1 .LBB2_174-.Ltmp99, $4  }
0x771: {  	v13 =	vshll.u32 v13, $0x4  }
0x772: {  	s30 =	simm.s32 $0x0;
	s1 =	simm.s32 $0x2;
	s14 =	simm.s32 $0x3;
	v15 =	vor.u32 v0, v13;
	v13 =	vld [tilespmem:s0+$0x0]  }
0x773: {  	vm5 =	vgt.s32 v7, s30;
	s30 =	simm.s32 $0x1;
	vm3 =	vgt.s32 v7, s1;
	vm2 =	vgt.s32 v7, s14;
	v14 =	vld [tilespmem:s0+$0xFFFFFFF0]  }
0x774: {  	s31 =	simm.s32 $0x4;
	p0 =	por $0x0, $0x0;
	vm6 =	vgt.s32 v7, s30;
	v25 =	vshrl.u32 v12, $0xE;
	v23 =	vshrl.u32 v11, $0xE  }
0x775: {  	_ =	sdelay $0x2  }
0x776: {  	vm0 =	veq.s32 v25, v10;
	vm1 =	veq.s32 v23, v10;
	v17 =	vshrl.u32 v14, $0xE  }
0x777: {  	vm5 =	vmand vm5, vm0;
	v18 =	vshrl.u32 v13, $0xE;
	vm0 =	veq.s32 v17, v10  }
0x778: {  	v17 =	vsel vm5, $0x1, v1;
	vm4 =	vmand vm6, vm0;
	vm0 =	veq.s32 v18, v10  }
0x779: {  	v17 =	vadd.s32 v17, v16;
	v16 =	vsel vm4, $0x1, v1;
	vm0 =	vmand vm3, vm0  }
0x77a: {  	vm1 =	vmand vm2, vm1;
	v18 =	vadd.s32 v16, v17;
	v16 =	vsel vm0, $0x1, v1  }
0x77b: {  	vm3 =	vlt.s32 v17, $0x1FF;
	v19 =	vadd.s32 v16, v18;
	v16 =	vsel vm1, $0x1, v1  }
0x77c: {  	s30 =	simm.s32 $0x15660;
	v17 =	vnsel vm3, $0x1FF, v17;
	vm2 =	vlt.s32 v18, $0x1FF;
	v16 =	vadd.s32 v16, v19  }
0x77d: {  	v21 =	vld [tilespmem:s30+$0x10];
	v17 =	vshll.u32 v17, $0x4;
	vm6 =	vlt.s32 v19, $0x1FF;
	vm7 =	vlt.s32 v16, $0x1FF  }
0x77e: {  	[tilespmem:v15+s19+$0x0] =	vst.idx.msk vm5, v12;
	v12 =	vld [tilespmem:s30+$0xFFFFFFE0];
	v15 =	vnsel vm2, $0x1FF, v18;
	v18 =	vnsel vm6, $0x1FF, v19;
	v19 =	vnsel vm7, $0x1FF, v16  }
0x77f: {  	p1 =	sgt.s32 s29, $0x8;
	v18 =	vshll.u32 v18, $0x4;
	v23 =	vshll.u32 v19, $0x4;
	v19 =	vor.u32 v0, v17;
	v17 =	vld [tilespmem:s30+$0x0]  }
.Ltmp100:
0x780: {  	v22 =	vor.u32 v0, v18;
	v18 =	vld [tilespmem:s30+$0xFFFFFFF0];
	(pc) =	sbr.rel @!p1 .LBB2_176-.Ltmp100, $4  }
0x781: {  	v15 =	vshll.u32 v15, $0x4  }
0x782: {  	s0 =	simm.s32 $0x6;
	s1 =	simm.s32 $0x7;
	s14 =	simm.s32 $0x5;
	vm4 =	vmmov vm4;
	vm5 =	vgt.s32 v7, s31;
	v20 =	vor.u32 v0, v15  }
0x783: {  	vm3 =	vgt.s32 v7, s0;
	vm2 =	vgt.s32 v7, s1;
	vm6 =	vgt.s32 v7, s14  }
0x784: {  	p0 =	por $0x1, $0x1;
	s31 =	simm.s32 $0x8;
	v25 =	vshrl.u32 v12, $0xE;
	v15 =	vor.u32 v0, v23;
	v23 =	vshrl.u32 v21, $0xE  }
.LBB2_177:
0x785: {  	vm7 =	veq.s32 v25, v10;
	v24 =	vshrl.u32 v18, $0xE;
	v25 =	vshrl.u32 v17, $0xE;
	s0 =	smov.u32 s31;
	s31 =	sadd.s32 $0x4, s31  }
0x786: {  	vm8 =	veq.s32 v23, v10;
	p1 =	slt.s32 s31, s29;
	vm7 =	vmand vm5, vm7;
	vm5 =	veq.s32 v24, v10;
	[tilespmem:v22+s19+$0x0] =	vst.idx.msk vm1, v11  }
0x787: {  	vm1 =	veq.s32 v25, v10;
	v11 =	vmovc v21;
	v22 =	vsel vm7, $0x1, v1;
	vm5 =	vmand vm6, vm5;
	[tilespmem:v20+s19+$0x0] =	vst.idx.msk vm0, v13  }
0x788: {  	vm0 =	vmand vm3, vm1;
	v13 =	vmovc v17;
	v20 =	vadd.s32 v22, v16;
	v16 =	vsel vm5, $0x1, v1;
	[tilespmem:v19+s19+$0x0] =	vst.idx.msk vm4, v14  }
0x789: {  	vm1 =	vmand vm2, vm8;
	v14 =	vmovc v18;
	v19 =	vadd.s32 v16, v20;
	v16 =	vsel vm0, $0x1, v1  }
0x78a: {  	s30 =	sadd.s32 $0x40, s30;
	vm2 =	vlt.s32 v19, $0x1FF;
	v18 =	vadd.s32 v16, v19;
	v16 =	vsel vm1, $0x1, v1  }
0x78b: {  	vm3 =	vlt.s32 v20, $0x1FF;
	v21 =	vld [tilespmem:s30+$0x10];
	vm4 =	vlt.s32 v18, $0x1FF;
	v16 =	vadd.s32 v16, v18  }
0x78c: {  	vm6 =	vlt.s32 v16, $0x1FF;
	v17 =	vld [tilespmem:s30+$0x0];
	[tilespmem:v15+s19+$0x0] =	vst.idx.msk vm7, v12;
	v15 =	vnsel vm2, $0x1FF, v19;
	v18 =	vnsel vm4, $0x1FF, v18  }
0x78d: {  	v20 =	vnsel vm3, $0x1FF, v20;
	v12 =	vld [tilespmem:s30+$0xFFFFFFE0];
	v19 =	vnsel vm6, $0x1FF, v16;
	v22 =	vshll.u32 v18, $0x4  }
.Ltmp101:
0x78e: {  	v15 =	vshll.u32 v15, $0x4;
	v23 =	vshll.u32 v19, $0x4;
	v18 =	vld [tilespmem:s30+$0xFFFFFFF0];
	v19 =	vshll.u32 v20, $0x4;
	(pc) =	sbr.rel @p1 .LBB2_177-.Ltmp101, $4  }
0x78f: {  	v20 =	vor.u32 v0, v15;
	v22 =	vor.u32 v0, v22;
	v19 =	vor.u32 v0, v19  }
0x790: {  	s1 =	sadd.s32 $0x2, s0;
	s14 =	sadd.s32 $0x3, s0;
	vm4 =	vmmov vm5;
	v15 =	vor.u32 v0, v23  }
0x791: {  	vm3 =	vgt.s32 v7, s1;
	vm5 =	vgt.s32 v7, s0;
	s0 =	sadd.s32 $0x1, s0;
	vm2 =	vgt.s32 v7, s14  }
0x792: {  	vm6 =	vgt.s32 v7, s0;
	v23 =	vshrl.u32 v21, $0xE;
	v25 =	vshrl.u32 v12, $0xE  }
0x793: {  	v24 =	vmov v11;
	v11 =	vmov v21  }
.LBB2_179:
0x794: {  	vm7 =	veq.s32 v25, v10;
	v21 =	vshrl.u32 v18, $0xE  }
0x795: {  	v58 =	vshrl.u32 v17, $0xE;
	vm5 =	vmand vm5, vm7;
	vm10 =	veq.s32 v21, v10  }
0x796: {  	vm11 =	veq.s32 v58, v10;
	v59 =	vsel vm5, $0x1, v1;
	vm6 =	vmand vm6, vm10  }
0x797: {  	vm3 =	vmand vm3, vm11;
	v16 =	vadd.s32 v59, v16;
	v60 =	vsel vm6, $0x1, v1  }
0x798: {  	v61 =	vsel vm3, $0x1, v1;
	v21 =	vadd.s32 v60, v16  }
0x799: {  	vm12 =	veq.s32 v23, v10;
	vm14 =	vlt.s32 v16, $0x1FF;
	v25 =	vadd.s32 v61, v21  }
0x79a: {  	vm2 =	vmand vm2, vm12;
	v16 =	vnsel vm14, $0x1FF, v16;
	vm8 =	vlt.s32 v25, $0x1FF  }
0x79b: {  	vm13 =	vlt.s32 v21, $0x1FF;
	v16 =	vshll.u32 v16, $0x4;
	v62 =	vnsel vm8, $0x1FF, v25  }
0x79c: {  	v21 =	vnsel vm13, $0x1FF, v21;
	v63 =	vor.u32 v0, v16;
	v23 =	vshll.u32 v62, $0x4  }
0x79d: {  	[tilespmem:v22+s19+$0x0] =	vst.idx.msk @p0 vm1, v24;
	v21 =	vshll.u32 v21, $0x4;
	v23 =	vor.u32 v0, v23  }
0x79e: {  	[tilespmem:v20+s19+$0x0] =	vst.idx.msk @p0 vm0, v13;
	v21 =	vor.u32 v0, v21  }
.Ltmp102:
0x79f: {  	[tilespmem:v19+s19+$0x0] =	vst.idx.msk @p0 vm4, v14;
	(pc) =	sbr.rel .LBB2_160-.Ltmp102, $4  }
0x7a0: {  	[tilespmem:v15+s19+$0x0] =	vst.idx.msk vm5, v12  }
0x7a1: {  	[tilespmem:v63+s19+$0x0] =	vst.idx.msk vm6, v18  }
0x7a2: {  	[tilespmem:v23+s19+$0x0] =	vst.idx.msk vm2, v11;
	v11 =	vsel vm2, $0x1, v1  }
0x7a3: {  	vm15 =	vmmov vm6;
	[tilespmem:v21+s19+$0x0] =	vst.idx.msk vm3, v17;
	v11 =	vadd.s32 v11, v25  }
.LBB2_159:
0x7a4: {  	v11 =	vimm.s32 $0x0  }
.LBB2_160:
0x7a5: {  	p0 =	sge.s32 s29, s26  }
.Ltmp103:
0x7a6: {  	_ = 	snop;
	(pc) =	sbr.rel @p0 .LBB2_163-.Ltmp103, $1  }
0x7a7: {  	_ =	sdelay $0x3  }
0x7a8: {  	s0 =	ssub.s32 s26, s29  }
0x7a9: {  	s1 =	sshll.u32 s28, $0x6;
	s14 =	sshll.u32 s0, $0x6  }
0x7aa: {  	s1 =	ssub.s32 s1, s14  }
0x7ab: {  	s1 =	sshra.s32 s1, $0x2  }
0x7ac: {  	s0 =	ssub.s32 $0x0, s0;
	s28 =	sadd.s32 $0x15600, s1  }
.LBB2_162:
0x7ad: {  	v12 =	vld [tilespmem:s28+$0x0];
	_ =	sdelay $0x4  }
0x7ae: {  	s1 =	sadd.s32 s0, s26;
	vm0 =	vlt.s32 v11, $0x1FF;
	v13 =	vshrl.u32 v12, $0xE  }
0x7af: {  	vm1 =	vgt.s32 v7, s1;
	v14 =	vnsel vm0, $0x1FF, v11;
	vm15 =	veq.s32 v13, v10  }
0x7b0: {  	s0 =	sadd.s32 $0x1, s0;
	v62 =	vshll.u32 v14, $0x4;
	vm0 =	vmand vm1, vm15  }
0x7b1: {  	p0 =	seq.s32 s0, $0x0;
	v13 =	vor.u32 v0, v62  }
.Ltmp104:
0x7b2: {  	_ = 	snop;
	(pc) =	sbr.rel @!p0 .LBB2_162-.Ltmp104, $3  }
0x7b3: {  	_ =	sdelay $0x1  }
0x7b4: {  	v63 =	vsel vm0, $0x1, v1  }
0x7b5: {  	s28 =	sadd.s32 $0x10, s28;
	v11 =	vadd.s32 v63, v11;
	[tilespmem:v13+s19+$0x0] =	vst.idx.msk vm0, v12  }
.LBB2_163:
0x7b6: {  	v7 =	vxor.u32 $0x80000000, v11  }
0x7b7: {  	(xrf0) =	vmax.scan.msk.u32 $0xffff, v7;
	_ =	sdelay $0x5  }
0x7b8: {  	v7, _, _ =	vpop (xrf0)  }
0x7b9: {  	(v2sf) =	vpush v7, $0xF;
	_ =	sdelay $0xe  }
0x7ba: {  	s0 =	spop (v2sf)  }
0x7bb: {  	s26 =	sxor.u32 $0x80000000, s0  }
0x7bc: {  	p0 =	slt.s32 s26, $0x200  }
0x7bd: {  	s26 =	simm.s32 @!p0 $0x200  }
0x7be: {  	s14 =	sshrl.u32 s26, $0x1F  }
0x7bf: {  	s0 =	sadd.s32 s14, s26  }
0x7c0: {  	s28 =	sand.u32 $0xFFFFFFFE, s0  }
.Ltmp105:
0x7c1: {  	s0 =	ssub.s32 s26, s28;
	(pc) =	sbr.rel .LBB2_164-.Ltmp105, $4  }
0x7c2: {  	s30 =	sshll.u32 s24, $0x16;
	s1 =	sshll.u32 s26, $0x6;
	s14 =	sshll.u32 s0, $0x6  }
0x7c3: {  	s31 =	sshll.u32 s25, $0xE;
	s29 =	simm.s32 $0x0;
	s1 =	ssub.s32 s1, s14  }
0x7c4: {  	v7 =	vsub.s32 v8, v9;
	p0 =	slt.s32 s28, $0x1;
	s14 =	sor.u32 s30, s31;
	s1 =	sshra.s32 s1, $0x2  }
0x7c5: {  	v8 =	vbroadcast v7, $0xF;
	p1 =	sge.s32 s28, s26;
	s24 =	ssub.s32 $0x0, s0;
	v7 =	vmov s14;
	s25 =	sadd.s32 $0x1D600, s1  }
.LBB2_168:
0x7c6: {  	s29 =	sadd.s32 $0x1, s29  }
0x7c7: {  	p2 =	sne.s32 s29, $0xE  }
.Ltmp106:
0x7c8: {  	_ = 	snop;
	(pc) =	sbr.rel @!p2 .LBB2_169-.Ltmp106, $3  }
0x7c9: {  	_ =	sdelay $0x1  }
0x7ca: {  	vm0 =	vlt.s32 v10, v8  }
0x7cb: {  	v7 =	vsel vm0, v7, v9  }
.LBB2_164:
.Ltmp107:
0x7cc: {  	(pc) =	sbr.rel @p0 .LBB2_165-.Ltmp107, $3  }
0x7cd: {  	_ =	sdelay $0x1  }
0x7ce: {  	s0 =	sshrl.u32 s20, s29  }
0x7cf: {  	v9 =	vor.u32 s0, v7  }
0x7d0: {  	p3 =	sgt.s32 s28, $0x2  }
.Ltmp108:
0x7d1: {  	_ = 	snop;
	(pc) =	sbr.rel @!p3 .LBB2_181-.Ltmp108, $4  }
0x7d2: {  	_ = 	snop  }
0x7d3: {  	s31 =	simm.s32 $0x1D610  }
0x7d4: {  	v13 =	vld [tilespmem:s31+$0xFFFFFFF0]  }
0x7d5: {  	s0 =	simm.s32 $0x0;
	v10 =	vimm.s32 $0x0;
	s30 =	simm.s32 $0x2;
	p2 =	por $0x0, $0x0;
	v12 =	vld [tilespmem:s31+$0x0]  }
0x7d6: {  	_ =	sdelay $0x1  }
0x7d7: {  	p3 =	sgt.s32 s28, $0x4  }
.Ltmp109:
0x7d8: {  	vm0 =	vgt.s32 v11, s0;
	vm1 =	vge.u32 v13, v9;
	(pc) =	sbr.rel @!p3 .LBB2_183-.Ltmp109, $4  }
0x7d9: {  	s14 =	simm.s32 $0x1;
	s31 =	simm.s32 $0x1D630;
	vm0 =	vmand vm0, vm1  }
0x7da: {  	vm14 =	vgt.s32 v11, s14;
	v13 =	vld [tilespmem:s31+$0xFFFFFFF0];
	vm2 =	vge.u32 v12, v9;
	v15 =	vmpcnt.ones.xlane vm0  }
0x7db: {  	v12 =	vld [tilespmem:s31+$0x0];
	vm15 =	vmand vm14, vm2  }
0x7dc: {  	s0 =	simm.s32 $0x4;
	p2 =	por $0x1, $0x1;
	v14 =	vmpcnt.ones.xlane vm15;
	v15 =	vadd.s32 v10, v15  }
.LBB2_184:
0x7dd: {  	s1 =	smov.u32 s0;
	s0 =	sadd.s32 $0x2, s0  }
0x7de: {  	v15 =	vadd.s32 v14, v15;
	p3 =	slt.s32 s0, s28  }
.Ltmp110:
0x7df: {  	vm0 =	vgt.s32 v11, s30;
	s14 =	sadd.s32 $0x1, s30;
	s31 =	sadd.s32 $0x20, s31;
	vm1 =	vge.u32 v13, v9;
	(pc) =	sbr.rel @p3 .LBB2_184-.Ltmp110, $4  }
0x7e0: {  	s30 =	smov.u32 s1;
	v13 =	vld [tilespmem:s31+$0xFFFFFFF0];
	vm0 =	vmand vm0, vm1;
	vm1 =	vgt.s32 v11, s14;
	vm2 =	vge.u32 v12, v9  }
0x7e1: {  	v12 =	vld [tilespmem:s31+$0x0];
	v16 =	vmpcnt.ones.xlane vm0;
	vm0 =	vmand vm1, vm2  }
0x7e2: {  	v14 =	vmpcnt.ones.xlane vm0  }
0x7e3: {  	v15 =	vadd.s32 v15, v16  }
0x7e4: {  	s0 =	smov.u32 s30  }
.LBB2_186:
0x7e5: {  	vm0 =	vgt.s32 v11, s0;
	vm1 =	vge.u32 v13, v9;
	s31 =	sadd.s32 $0x1, s0  }
.Ltmp111:
0x7e6: {  	vm0 =	vmand vm0, vm1;
	vm14 =	vgt.s32 v11, s31;
	vm2 =	vge.u32 v12, v9;
	(pc) =	sbr.rel .LBB2_166-.Ltmp111, $4  }
0x7e7: {  	v12 =	vadd.s32 @p2 v14, v15;
	v62 =	vmpcnt.ones.xlane vm0;
	vm15 =	vmand vm14, vm2  }
0x7e8: {  	v10 =	vpsel p2, v12, v10;
	v63 =	vmpcnt.ones.xlane vm15  }
0x7e9: {  	v10 =	vadd.s32 v10, v62  }
0x7ea: {  	v10 =	vadd.s32 v63, v10  }
.LBB2_165:
0x7eb: {  	v10 =	vimm.s32 $0x0  }
.LBB2_166:
.Ltmp112:
0x7ec: {  	(pc) =	sbr.rel @p1 .LBB2_168-.Ltmp112, $2  }
0x7ed: {  	_ =	sdelay $0x2  }
0x7ee: {  	s0 =	smov.u32 s25;
	s30 =	smov.u32 s24  }
.LBB2_167:
0x7ef: {  	v12 =	vld [tilespmem:s0+$0x0];
	_ =	sdelay $0x2  }
0x7f0: {  	s1 =	sadd.s32 s30, s26;
	s30 =	sadd.s32 $0x1, s30  }
0x7f1: {  	p2 =	seq.s32 s30, $0x0  }
.Ltmp113:
0x7f2: {  	vm0 =	vgt.s32 v11, s1;
	vm1 =	vge.u32 v12, v9;
	(pc) =	sbr.rel @!p2 .LBB2_167-.Ltmp113, $3  }
0x7f3: {  	vm0 =	vmand vm0, vm1  }
0x7f4: {  	v63 =	vmpcnt.ones.xlane vm0;
	_ =	sdelay $0x1  }
0x7f5: {  	s0 =	sadd.s32 $0x10, s0;
	v10 =	vadd.s32 v10, v63  }
.Ltmp114:
0x7f6: {  	_ = 	snop;
	(pc) =	sbr.rel .LBB2_168-.Ltmp114, $1  }
0x7f7: {  	_ =	sdelay $0x3  }
.LBB2_181:
.Ltmp115:
0x7f8: {  	(pc) =	sbr.rel .LBB2_186-.Ltmp115, $2  }
0x7f9: {  	_ =	sdelay $0x2  }
0x7fa: {  	_ = 	snop  }
.LBB2_183:
.Ltmp116:
0x7fb: {  	(pc) =	sbr.rel .LBB2_186-.Ltmp116, $2  }
0x7fc: {  	_ =	sdelay $0x2  }
0x7fd: {  	s0 =	simm.s32 $0x2  }
.LBB2_169:
0x7fe: {  	s0 =	simm.s32 $0x8040  }
0x7ff: {  	v12 =	vld [tilespmem:s0+$0x30]  }
0x800: {  	v14 =	vld [tilespmem:s0+$0xFFFFFFD0]  }
0x801: {  	vm0 =	vgt.s32 v7, $0xFFFFFFFF;
	v13 =	vld [tilespmem:s0+$0xFFFFFFE0]  }
0x802: {  	v8 =	vsel vm0, $0xFFFFFFFF, v6;
	v11 =	vld [tilespmem:s0+$0xFFFFFFF0]  }
0x803: {  	v10 =	vld [tilespmem:s0+$0x0];
	v7 =	vxor.u32 v7, v8  }
0x804: {  	v8 =	vld [tilespmem:s0+$0x10];
	vm0 =	vge.f32 v12, v7  }
0x805: {  	s24 =	simm.s32 $0x15640;
	v9 =	vld [tilespmem:s0+$0x20];
	vm1 =	vge.f32 v14, v7;
	v15 =	vnsel vm0, $0x0, v12  }
0x806: {  	s25 =	simm.s32 $0x0;
	s26 =	simm.s32 $0x80C0;
	v12 =	vld [tilespmem:s0+$0xFFFFFFC0];
	v14 =	vnsel vm1, $0x0, v14;
	vm0 =	vge.f32 v13, v7;
	[tilespmem:s24+$0x30] =	vst v15  }
.LBB2_170:
0x807: {  	v15 =	vld [tilespmem:s26+$0x30];
	s25 =	sadd.s32 $0x80, s25;
	[tilespmem:s24+$0xFFFFFFD0] =	vst v14;
	v13 =	vnsel vm0, $0x0, v13;
	vm0 =	vge.f32 v11, v7  }
0x808: {  	v14 =	vld [tilespmem:s26+$0xFFFFFFD0];
	p0 =	slt.u32 s25, $0x7F80;
	[tilespmem:s24+$0xFFFFFFE0] =	vst v13;
	v11 =	vnsel vm0, $0x0, v11;
	vm0 =	vge.f32 v10, v7  }
0x809: {  	v13 =	vld [tilespmem:s26+$0xFFFFFFE0];
	[tilespmem:s24+$0xFFFFFFF0] =	vst v11;
	v10 =	vnsel vm0, $0x0, v10;
	vm0 =	vge.f32 v8, v7  }
.Ltmp117:
0x80a: {  	v11 =	vld [tilespmem:s26+$0xFFFFFFF0];
	[tilespmem:s24+$0x0] =	vst v10;
	v8 =	vnsel vm0, $0x0, v8;
	vm0 =	vge.f32 v9, v7;
	(pc) =	sbr.rel @p0 .LBB2_170-.Ltmp117, $4  }
0x80b: {  	v10 =	vld [tilespmem:s26+$0x0];
	vm1 =	vge.f32 v12, v7;
	[tilespmem:s24+$0x10] =	vst v8;
	v9 =	vnsel vm0, $0x0, v9  }
0x80c: {  	v8 =	vld [tilespmem:s26+$0x10];
	vm0 =	vge.f32 v15, v7;
	v12 =	vnsel vm1, $0x0, v12;
	[tilespmem:s24+$0x20] =	vst v9  }
0x80d: {  	vm1 =	vge.f32 v14, v7;
	v9 =	vld [tilespmem:s26+$0x20];
	v15 =	vnsel vm0, $0x0, v15;
	[tilespmem:s24+$0xFFFFFFC0] =	vst v12;
	s24 =	sadd.s32 $0x80, s24  }
0x80e: {  	v12 =	vld [tilespmem:s26+$0xFFFFFFC0];
	v14 =	vnsel vm1, $0x0, v14;
	vm0 =	vge.f32 v13, v7;
	[tilespmem:s24+$0x30] =	vst v15;
	s26 =	sadd.s32 $0x80, s26  }
0x80f: {  	[tilespmem:s24+$0xFFFFFFD0] =	vst v14;
	v13 =	vnsel vm0, $0x0, v13;
	vm12 =	vge.f32 v11, v7  }
0x810: {  	[tilespmem:s24+$0xFFFFFFE0] =	vst v13;
	v11 =	vnsel vm12, $0x0, v11;
	vm13 =	vge.f32 v10, v7  }
0x811: {  	[tilespmem:s24+$0xFFFFFFF0] =	vst v11;
	v10 =	vnsel vm13, $0x0, v10;
	vm14 =	vge.f32 v8, v7  }
0x812: {  	[tilespmem:s24+$0x0] =	vst v10;
	v8 =	vnsel vm14, $0x0, v8;
	vm15 =	vge.f32 v9, v7  }
0x813: {  	vm1 =	vge.f32 v12, v7;
	[tilespmem:s24+$0x10] =	vst v8;
	v7 =	vnsel vm15, $0x0, v9  }
0x814: {  	s23 =	sadd.s32 $0x1, s23;
	v8 =	vnsel vm1, $0x0, v12;
	[tilespmem:s24+$0x20] =	vst v7  }
0x815: {  	p0 =	sne.s32 s23, s11;
	[tilespmem:s24+$0xFFFFFFC0] =	vst v8  }
0x816: {  	[hbm4b:s10+s12] =	stream.strided.scatter [tilespmem:s17], [sflag:$0x3], $0x8000, s13, s12, $0x38;
	[tilespmem:$0x1F600] =	vst v63  }
.Ltmp118:
0x817: {  	_ = 	snop;
	(pc) =	sbr.rel @p0 .LBB2_1-.Ltmp118, $4  }
.Ltmp119:
0x818: {  	_ = 	snop;
	(pc) =	sbr.rel @!p0 .LBB2_172-.Ltmp119, $4  }
0x819: {  	_ =	swait.ge [sflag:s22], $0x8000  }
0x81a: {  	[sflag:s22] =	ssyncset.done $0x0  }
0x81b: {  	[sflag:s22] =	ssyncadd.s32 $0xFFFF8000  }
0x81c: {  	_ = 	snop  }
.LBB2_10:
.Ltmp120:
0x81d: {  	(pc) =	sbr.rel .LBB2_17-.Ltmp120, $2  }
0x81e: {  	_ =	sdelay $0x2  }
0x81f: {  	v9 =	vimm.s32 $0x0;
	v11 =	vimm.s32 $0x0  }
.LBB2_41:
.Ltmp121:
0x820: {  	(pc) =	sbr.rel .LBB2_62-.Ltmp121, $2  }
0x821: {  	_ =	sdelay $0x2  }
0x822: {  	v9 =	vimm.s32 $0x0;
	v12 =	vimm.s32 $0x0  }
.LBB2_86:
.Ltmp122:
0x823: {  	(pc) =	sbr.rel .LBB2_107-.Ltmp122, $2  }
0x824: {  	_ =	sdelay $0x2  }
0x825: {  	v9 =	vimm.s32 $0x0;
	v12 =	vimm.s32 $0x0  }
.LBB2_131:
.Ltmp123:
0x826: {  	(pc) =	sbr.rel .LBB2_152-.Ltmp123, $2  }
0x827: {  	_ =	sdelay $0x2  }
0x828: {  	v9 =	vimm.s32 $0x0;
	v12 =	vimm.s32 $0x0  }
.LBB2_12:
.Ltmp124:
0x829: {  	(pc) =	sbr.rel .LBB2_17-.Ltmp124, $2  }
0x82a: {  	_ =	sdelay $0x2  }
0x82b: {  	v9 =	vimm.s32 $0x0;
	v11 =	vimm.s32 $0x0  }
.LBB2_57:
.Ltmp125:
0x82c: {  	(pc) =	sbr.rel .LBB2_62-.Ltmp125, $2  }
0x82d: {  	_ =	sdelay $0x2  }
0x82e: {  	v9 =	vimm.s32 $0x0;
	v12 =	vimm.s32 $0x0  }
.LBB2_102:
.Ltmp126:
0x82f: {  	(pc) =	sbr.rel .LBB2_107-.Ltmp126, $2  }
0x830: {  	_ =	sdelay $0x2  }
0x831: {  	v9 =	vimm.s32 $0x0;
	v12 =	vimm.s32 $0x0  }
.LBB2_147:
.Ltmp127:
0x832: {  	(pc) =	sbr.rel .LBB2_152-.Ltmp127, $2  }
0x833: {  	_ =	sdelay $0x2  }
0x834: {  	v9 =	vimm.s32 $0x0;
	v12 =	vimm.s32 $0x0  }
.LBB2_14:
.Ltmp128:
0x835: {  	(pc) =	sbr.rel .LBB2_17-.Ltmp128, $2  }
0x836: {  	_ =	sdelay $0x2  }
0x837: {  	v12 =	vmovc v8;
	v8 =	vmov v14;
	v9 =	vimm.s32 $0x0;
	v11 =	vimm.s32 $0x0  }
.LBB2_59:
.Ltmp129:
0x838: {  	(pc) =	sbr.rel .LBB2_62-.Ltmp129, $2  }
0x839: {  	_ =	sdelay $0x2  }
0x83a: {  	v11 =	vmovc v8;
	v8 =	vmov v14;
	v9 =	vimm.s32 $0x0;
	v12 =	vimm.s32 $0x0  }
.LBB2_104:
.Ltmp130:
0x83b: {  	(pc) =	sbr.rel .LBB2_107-.Ltmp130, $2  }
0x83c: {  	_ =	sdelay $0x2  }
0x83d: {  	v11 =	vmovc v8;
	v8 =	vmov v14;
	v9 =	vimm.s32 $0x0;
	v12 =	vimm.s32 $0x0  }
.LBB2_149:
.Ltmp131:
0x83e: {  	(pc) =	sbr.rel .LBB2_152-.Ltmp131, $2  }
0x83f: {  	_ =	sdelay $0x2  }
0x840: {  	v11 =	vmovc v8;
	v8 =	vmov v14;
	v9 =	vimm.s32 $0x0;
	v12 =	vimm.s32 $0x0  }
.LBB2_43:
.Ltmp132:
0x841: {  	(pc) =	sbr.rel .LBB2_48-.Ltmp132, $2  }
0x842: {  	_ =	sdelay $0x2  }
0x843: {  	v17 =	vmov v13;
	v18 =	vmov v14  }
.LBB2_88:
.Ltmp133:
0x844: {  	(pc) =	sbr.rel .LBB2_93-.Ltmp133, $2  }
0x845: {  	_ =	sdelay $0x2  }
0x846: {  	v17 =	vmov v13;
	v18 =	vmov v14  }
.LBB2_133:
.Ltmp134:
0x847: {  	(pc) =	sbr.rel .LBB2_138-.Ltmp134, $2  }
0x848: {  	_ =	sdelay $0x2  }
0x849: {  	v17 =	vmov v13;
	v18 =	vmov v14  }
.LBB2_174:
.Ltmp135:
0x84a: {  	(pc) =	sbr.rel .LBB2_179-.Ltmp135, $2  }
0x84b: {  	_ =	sdelay $0x2  }
0x84c: {  	v17 =	vmov v13;
	v18 =	vmov v14  }
.LBB2_45:
.Ltmp136:
0x84d: {  	(pc) =	sbr.rel .LBB2_48-.Ltmp136, $2  }
0x84e: {  	_ =	sdelay $0x2  }
0x84f: {  	v24 =	vmov v11;
	v11 =	vmov v21  }
.LBB2_90:
.Ltmp137:
0x850: {  	(pc) =	sbr.rel .LBB2_93-.Ltmp137, $2  }
0x851: {  	_ =	sdelay $0x2  }
0x852: {  	v24 =	vmov v11;
	v11 =	vmov v21  }
.LBB2_135:
.Ltmp138:
0x853: {  	(pc) =	sbr.rel .LBB2_138-.Ltmp138, $2  }
0x854: {  	_ =	sdelay $0x2  }
0x855: {  	v24 =	vmov v11;
	v11 =	vmov v21  }
.LBB2_176:
.Ltmp139:
0x856: {  	(pc) =	sbr.rel .LBB2_179-.Ltmp139, $2  }
0x857: {  	_ =	sdelay $0x2  }
0x858: {  	v24 =	vmov v11;
	v11 =	vmov v21  }
.LBB2_172:
0x859: {  	_ =	sfence.sel $0x180000  }
0x85a: {  	[bflag:$0x0] =	sbarrier.arrive $0xFFFF  }
0x85b: {  	_ =	strace $0x90000047  }
0x85c: {  	s0 =	stileid.u32;
	[bflag:$0x2] =	sbarrier.arrive $0xFFFF  }
0x85d: {  	p0 =	sne.s32 s0, $0x0;
	s0 =	rddreg [dreg:$0x2]  }
0x85e: {  	s0 =	sadd.s32 @!p0 $0x100000, s0  }
0x85f: {  	[sflag:s0] =	ssyncadd.tile.s32 @!p0 $0x1;
	_ =	shalt  }
.Lfunc_end2:
_tile_overlayer_lowered:
.L_overlay_start_2:
0x860: {  	(tag) =	ssettag $0x2  }
0x861: {  	s0 =	rddreg [dreg:$0x0];
	s2 =	stileid.u32  }
0x862: {  	s1 =	rddreg [dreg:$0x1];
	p0 =	sne.s32 s2, $0x0  }
0x863: {  	s3 =	rddreg [dreg:$0x2];
	[bflag:$0x3] =	sbarrier.arrive $0xFFFF;
	s2 =	simm.s32 @!p0 $0x1C04  }
0x864: {  	[timem:s3], [sflag:s2] =	dma.local @!p0 [hbm:s0], s1  }
0x865: {  	s0 =	simm.s32 @!p0 $0x4  }
0x866: {  	_ =	swait.ge @!p0 [sflag:s0], s1  }
0x867: {  	s1 =	ssub.s32 @!p0 $0x0, s1;
	[sflag:s0] =	ssyncset.done @!p0 $0x0  }
0x868: {  	[sflag:s0] =	ssyncadd.s32 @!p0 s1  }
0x869: {  	[bflag:$0x3] =	sbarrier.arrive $0xFFFF  }
0x86a: {  	_ =	shalt  }

</sc_bundles>
